<compile_context>
chip_gen: v7x
topology: tpu7x:2x2x1
jax: 0.10.2.dev20260603
libtpu: 0.0.44.dev20260713+nightly
codegen_flags: <defaults>
</compile_context>

<pallas_src>
import functools

import jax
import jax.numpy as jnp
from jax import lax
from jax.experimental import pallas as pl
from jax.experimental.pallas import tpu as pltpu
from jax.experimental.pallas import tpu_sc as plsc

ROWS = 128
COLS = 32768
Q_IDX = int(COLS * (1 - 0.1))
TARGET = COLS - Q_IDX
NB1 = 256
NB2 = 2048
NB3 = 4096
L = 16


def _zero_cnt(cnt_ref, nwords):
    zi = jnp.zeros((L,), jnp.int32)

    @plsc.parallel_loop(0, (nwords + L - 1) // L, unroll=4)
    def _(j):
        cnt_ref[pl.ds(j * L, L)] = zi


def _walk_lanes(cnt_ref, start_b, t):

    def cond(c):
        return (c[1] == 0) & (c[0] >= 0)

    def body(c):
        b, found, b_sel, ab_cnt, sel_cnt, acc_cnt = c
        cnt = jnp.sum(cnt_ref[pl.ds(b * L, L)])
        hit = jnp.where(acc_cnt + cnt >= t, jnp.int32(1), jnp.int32(0))
        b_sel = jnp.where(hit == 1, b, b_sel)
        ab_cnt = jnp.where(hit == 1, acc_cnt, ab_cnt)
        sel_cnt = jnp.where(hit == 1, cnt, sel_cnt)
        acc_cnt = jnp.where(hit == 1, acc_cnt, acc_cnt + cnt)
        return (b - jnp.int32(1), found | hit, b_sel, ab_cnt, sel_cnt,
                acc_cnt)

    init = (start_b, jnp.int32(0), jnp.int32(0), jnp.int32(0), jnp.int32(0),
            jnp.int32(0))
    out = lax.while_loop(cond, body, init)
    return out[2], out[3], out[4]


def _walk(cnt_ref, start_blk, t):
    iota = lax.iota(jnp.int32, L)

    def cond(carry):
        return (carry[1] == 0) & (carry[0] >= 0)

    def body(carry):
        k, found, b_sel, ab_cnt, sel_cnt, acc_cnt = carry
        base = k * L
        rc = lax.rev(cnt_ref[pl.ds(base, L)], (0,))
        c = lax.cumsum(rc, axis=0)
        blk_cnt = jnp.max(c)
        hit = jnp.where(acc_cnt + blk_cnt >= t, jnp.int32(1), jnp.int32(0))
        ge = (acc_cnt + c) >= t
        i_star = jnp.min(jnp.where(ge, iota, jnp.int32(L)))
        within_cnt = jnp.sum(jnp.where(iota < i_star, rc, jnp.int32(0)))
        here_cnt = jnp.sum(jnp.where(iota == i_star, rc, jnp.int32(0)))
        b_new = base + jnp.int32(L - 1) - i_star
        b_sel = jnp.where(hit == 1, b_new, b_sel)
        ab_cnt = jnp.where(hit == 1, acc_cnt + within_cnt, ab_cnt)
        sel_cnt = jnp.where(hit == 1, here_cnt, sel_cnt)
        acc_cnt = jnp.where(hit == 1, acc_cnt, acc_cnt + blk_cnt)
        return (k - jnp.int32(1), found | hit, b_sel, ab_cnt, sel_cnt,
                acc_cnt)

    init = (start_blk, jnp.int32(0), jnp.int32(0), jnp.int32(0),
            jnp.int32(0), jnp.int32(0))
    out = lax.while_loop(cond, body, init)
    return out[2], out[3], out[4]


def _walk_coarse(cnt_ref, start_sb, t):

    def cond(c):
        return (c[1] == 0) & (c[0] >= 0)

    def body(c):
        k, found, sb_sel, ab_cnt, acc = c
        base = k * 4 * L
        tot = jnp.sum(cnt_ref[pl.ds(base, L)]
                      + cnt_ref[pl.ds(base + L, L)]
                      + cnt_ref[pl.ds(base + 2 * L, L)]
                      + cnt_ref[pl.ds(base + 3 * L, L)])
        hit = jnp.where(acc + tot >= t, jnp.int32(1), jnp.int32(0))
        sb_sel = jnp.where(hit == 1, k, sb_sel)
        ab_cnt = jnp.where(hit == 1, acc, ab_cnt)
        acc = jnp.where(hit == 1, acc, acc + tot)
        return (k - jnp.int32(1), found | hit, sb_sel, ab_cnt, acc)

    init = (start_sb, jnp.int32(0), jnp.int32(0), jnp.int32(0), jnp.int32(0))
    out = lax.while_loop(cond, body, init)
    return out[2], out[3]


def _walk2phase(cnt_ref, nb, t):
    sb, ab = _walk_coarse(cnt_ref, jnp.int32(nb // (4 * L) - 1), t)
    b, ab2, sel = _walk(cnt_ref, sb * 4 + 3, t - ab)
    return b, ab + ab2, sel


def _pass1(row_ref, cnt_ref):
    ones = jnp.full((L,), 1, jnp.int32)
    iota = lax.iota(jnp.int32, L)

    @plsc.parallel_loop(0, COLS // L, unroll=16,
                        carry=jnp.zeros((L,), jnp.int32))
    def kmax(j, km):
        v = row_ref[pl.ds(j * L, L)]
        bits = lax.bitcast_convert_type(v, jnp.int32) & jnp.int32(0x7FFFFFFF)
        idx = (lax.shift_right_logical(bits, 19) & jnp.int32(0xFF0)) | iota
        plsc.addupdate_scatter(cnt_ref, [idx], ones)
        return jnp.maximum(km, bits)

    return jnp.max(kmax)


def _pass2(row_ref, cnt_ref, b1):
    ones = jnp.full((L,), 1, jnp.int32)

    @plsc.parallel_loop(0, COLS // L, unroll=16)
    def _(j):
        v = row_ref[pl.ds(j * L, L)]
        bits = lax.bitcast_convert_type(v, jnp.int32) & jnp.int32(0x7FFFFFFF)
        m = lax.shift_right_logical(bits, 23) == b1
        key = lax.shift_right_logical(bits, 12) & jnp.int32(NB2 - 1)
        plsc.addupdate_scatter(cnt_ref, [key], ones, mask=m)


def _pass3(row_ref, cnt_ref, pre3):
    ones = jnp.full((L,), 1, jnp.int32)

    @plsc.parallel_loop(0, COLS // L, unroll=8)
    def _(j):
        v = row_ref[pl.ds(j * L, L)]
        bits = lax.bitcast_convert_type(v, jnp.int32) & jnp.int32(0x7FFFFFFF)
        m = lax.shift_right_logical(bits, 12) == pre3
        key = bits & jnp.int32(NB3 - 1)
        plsc.addupdate_scatter(cnt_ref, [key], ones, mask=m)


def _pass_sum(row_ref, thr_bits):
    zf = jnp.zeros((L,), jnp.float32)

    @plsc.parallel_loop(0, COLS // L, unroll=16, carry=zf)
    def acc(j, a):
        v = row_ref[pl.ds(j * L, L)]
        bits = lax.bitcast_convert_type(v, jnp.int32) & jnp.int32(0x7FFFFFFF)
        av = lax.bitcast_convert_type(bits, jnp.float32)
        return a + jnp.where(bits > thr_bits, av, zf)

    return jnp.sum(acc)


def _select_row(row_ref, h1c, h2c, h3c):
    bmax = _pass1(row_ref, h1c)
    kmax1 = lax.shift_right_logical(bmax, 23)
    b1, ac1, m1 = _walk_lanes(h1c, kmax1, jnp.int32(TARGET))
    t2 = jnp.int32(TARGET) - ac1
    _pass2(row_ref, h2c, b1)
    b2, ac2, m2 = _walk2phase(h2c, NB2, t2)
    t3 = t2 - ac2
    pre3 = lax.shift_left(b1, 11) | b2
    need3 = jnp.logical_not((m2 == 1) & (t3 == 1))

    @pl.when(need3)
    def _():
        _pass3(row_ref, h3c, pre3)

    start3 = jnp.where(need3, jnp.int32(NB3 // L - 1), jnp.int32(-1))
    b3, _, _ = _walk(h3c, start3, t3)
    low = jnp.where(need3, b3, jnp.int32(NB3 - 1))
    thr_bits = lax.shift_left(pre3, 12) | low
    ans = _pass_sum(row_ref, thr_bits)
    _zero_cnt(h1c, (kmax1 + 1) * L)
    _zero_cnt(h2c, jnp.int32(NB2))
    _zero_cnt(h3c, jnp.where(need3, jnp.int32(NB3), jnp.int32(0)))
    return ans


def _make_selector():
    info = plsc.get_sparse_core_info()
    nw = info.num_cores * info.num_subcores
    rows_per_w = ROWS // nw
    mesh = plsc.VectorSubcoreMesh(core_axis_name="c", subcore_axis_name="s")

    @functools.partial(
        pl.kernel,
        mesh=mesh,
        compiler_params=pltpu.CompilerParams(needs_layout_passes=False),
        out_type=jax.ShapeDtypeStruct((nw, L), jnp.float32),
        scratch_types=[
            pltpu.VMEM((COLS,), jnp.float32),
            pltpu.VMEM((COLS,), jnp.float32),
            pltpu.VMEM((NB1 * L,), jnp.int32),
            pltpu.VMEM((NB2,), jnp.int32),
            pltpu.VMEM((NB3,), jnp.int32),
            pltpu.VMEM((L,), jnp.float32),
            pltpu.SemaphoreType.DMA,
            pltpu.SemaphoreType.DMA,
        ],
    )
    def sel(masks_hbm, out_hbm, row_a, row_b, h1c, h2c, h3c, stage,
            sem_a, sem_b):
        wid = lax.axis_index("s") * info.num_cores + lax.axis_index("c")
        row0 = wid * rows_per_w
        iota = lax.iota(jnp.int32, L)
        bufs = (row_a, row_b)
        sems = (sem_a, sem_b)

        handles = {}
        for r in range(2):
            handles[r] = pltpu.async_copy(masks_hbm.at[row0 + r], bufs[r],
                                          sems[r])
        _zero_cnt(h1c, NB1 * L)
        _zero_cnt(h2c, NB2)
        _zero_cnt(h3c, NB3)
        acc = jnp.zeros((L,), jnp.float32)
        for r in range(rows_per_w):
            handles[r].wait()
            ans = _select_row(bufs[r % 2], h1c, h2c, h3c)
            acc = jnp.where(iota == r, ans, acc)
            if r + 2 < rows_per_w:
                handles[r + 2] = pltpu.async_copy(
                    masks_hbm.at[row0 + r + 2], bufs[r % 2], sems[r % 2])
        stage[...] = acc
        pltpu.sync_copy(stage, out_hbm.at[wid])

    return sel


_selector = _make_selector()


def kernel(outputs_support, outputs_delete, targets, masks):
    parts = _selector(masks)
    return outputs_support[0] + 0.01 * jnp.sum(parts)

# --- scband reference (transcript-rebuilt; emitter-appended) ---
"""Pipeline reference for scband-control-loss-31550829756871 (READ-ONLY COPY).

The authoritative reference and input builder live on the scoring server;
editing this copy changes nothing except your own understanding.
"""

import jax, jax.numpy as jnp
import numpy as np

K = 0.1
CONTROL_NORM_COEF = 0.01

def setup_inputs(seed: int = 0) -> dict:
    key = jax.random.key(seed)
    k1, k2, k3, k4 = jax.random.split(key, 4)
    outputs_support = jax.random.uniform(k1, (1,), dtype=jnp.float32)
    outputs_delete = jax.random.normal(k2, (128, 2), dtype=jnp.float32)
    targets = jax.random.randint(k3, (128,), 0, 2)
    masks = jax.random.normal(k4, (128, 32768), dtype=jnp.float32)
    return {"outputs_support": outputs_support, "outputs_delete": outputs_delete, "targets": targets, "masks": masks}

def reference(outputs_support, outputs_delete, targets, masks):
    # support loss is the first element of outputs_support
    support_loss = outputs_support[0]
    # control_norm: per-row, keep |mask| values strictly above the (1-k) quantile threshold, sum all kept values.
    # Original torch code detaches mask before building the attention mask (numpy), so no grad flows through it.
    absm = jnp.abs(masks)
    sorted_abs = jnp.sort(absm, axis=-1)  # ascending, matches torch.sort default
    idx = int(masks.shape[-1] * (1 - K))
    thresholds = sorted_abs[:, idx]  # [B]
    attention_mask = jnp.where(absm > thresholds[:, None], absm, 0.0)
    control_loss = jnp.sum(jax.lax.stop_gradient(attention_mask))
    total_loss = support_loss + CONTROL_NORM_COEF * control_loss
    return total_loss

if __name__ == "__main__":
    import jax
    _d = setup_inputs()
    print(jax.jit(kernel)(*tuple(_d.values())))

</pallas_src>

<mosaic_0001>
#map = affine_map<(d0, d1) -> (0, 0)>
module attributes {stable_mosaic.version = 14 : i64} {
  func.func @sel(%arg0: i32, %arg1: i32, %arg2: memref<128x32768xf32, #tpu.memory_space<hbm>>, %arg3: memref<32x16xf32, #tpu.memory_space<hbm>>, %arg4: memref<32768xf32, #tpu.memory_space<vmem>>, %arg5: memref<32768xf32, #tpu.memory_space<vmem>>, %arg6: memref<4096xi32, #tpu.memory_space<vmem>>, %arg7: memref<2048xi32, #tpu.memory_space<vmem>>, %arg8: memref<4096xi32, #tpu.memory_space<vmem>>, %arg9: memref<16xf32, #tpu.memory_space<vmem>>, %arg10: memref<!tpu.dma_semaphore, #tpu.memory_space<semaphore_mem>>, %arg11: memref<!tpu.dma_semaphore, #tpu.memory_space<semaphore_mem>>) attributes {dimension_semantics = [#tpu.dimension_semantics<core_parallel>, #tpu.dimension_semantics<subcore_parallel>], iteration_bounds = array<i64: 2, 16>, scalar_prefetch = 0 : i64, scratch_operands = 8 : i64, tpu.core_type = #tpu.core_type<sc_vector_subcore>, window_params = [{transform_indices = #map}, {transform_indices = #map}]} {
    %mul3A = arith.constant 2 : i32
    %mul3A_0 = arith.muli %arg1, %mul3A : i32
    %add3A = arith.addi %mul3A_0, %arg0 : i32
    %mul3A_1 = arith.constant 4 : i32
    %mul3A_2 = arith.muli %add3A, %mul3A_1 : i32
    %iota3A = tpu.iota {dimensions = array<i32: 0>} : vector<16xi32>
    %add3A_3 = arith.constant 0 : i32
    %add3A_4 = arith.addi %mul3A_2, %add3A_3 : i32
    %dma_start3A = arith.constant 0 : i32
    %dma_start3A_5 = tpu.memref_slice %arg2[%add3A_4, %dma_start3A] : memref<128x32768xf32, #tpu.memory_space<hbm>> -> memref<1x32768xf32, #tpu.memory_space<hbm>>
    %dma_start3A_6 = tpu.memref_squeeze %dma_start3A_5 : memref<1x32768xf32, #tpu.memory_space<hbm>> -> memref<32768xf32, #tpu.memory_space<hbm>>
    %dma_start3A_7 = arith.constant 0 : i32
    %dma_start3A_8 = tpu.memref_slice %arg2[%add3A_4, %dma_start3A_7] : memref<128x32768xf32, #tpu.memory_space<hbm>> -> memref<1x32768xf32, #tpu.memory_space<hbm>>
    %dma_start3A_9 = tpu.memref_squeeze %dma_start3A_8 : memref<1x32768xf32, #tpu.memory_space<hbm>> -> memref<32768xf32, #tpu.memory_space<hbm>>
    tpu.enqueue_dma source(%dma_start3A_9 : memref<32768xf32, #tpu.memory_space<hbm>>) target(%arg4 : memref<32768xf32, #tpu.memory_space<vmem>>) target_semaphore(%arg10 : memref<!tpu.dma_semaphore, #tpu.memory_space<semaphore_mem>>)
    %add3A_10 = arith.constant 1 : i32
    %add3A_11 = arith.addi %mul3A_2, %add3A_10 : i32
    %dma_start3A_12 = arith.constant 0 : i32
    %dma_start3A_13 = tpu.memref_slice %arg2[%add3A_11, %dma_start3A_12] : memref<128x32768xf32, #tpu.memory_space<hbm>> -> memref<1x32768xf32, #tpu.memory_space<hbm>>
    %dma_start3A_14 = tpu.memref_squeeze %dma_start3A_13 : memref<1x32768xf32, #tpu.memory_space<hbm>> -> memref<32768xf32, #tpu.memory_space<hbm>>
    %dma_start3A_15 = arith.constant 0 : i32
    %dma_start3A_16 = tpu.memref_slice %arg2[%add3A_11, %dma_start3A_15] : memref<128x32768xf32, #tpu.memory_space<hbm>> -> memref<1x32768xf32, #tpu.memory_space<hbm>>
    %dma_start3A_17 = tpu.memref_squeeze %dma_start3A_16 : memref<1x32768xf32, #tpu.memory_space<hbm>> -> memref<32768xf32, #tpu.memory_space<hbm>>
    tpu.enqueue_dma source(%dma_start3A_17 : memref<32768xf32, #tpu.memory_space<hbm>>) target(%arg5 : memref<32768xf32, #tpu.memory_space<vmem>>) target_semaphore(%arg11 : memref<!tpu.dma_semaphore, #tpu.memory_space<semaphore_mem>>)
    %broadcast_in_dim3A = arith.constant 0 : i32
    %broadcast_in_dim3A_18 = vector.broadcast %broadcast_in_dim3A : i32 to vector<16xi32>
    %parallel_loop3A = arith.constant 0 : i32
    %parallel_loop3A_19 = arith.constant 256 : i32
    %parallel_loop3A_20 = arith.constant 1 : i32
    scf.for %parallel_loop3A_859 = %parallel_loop3A to %parallel_loop3A_19 step %parallel_loop3A_20  : i32 {
      %parallel_loop3A_860 = arith.constant 16 : i32
      %parallel_loop3A_861 = arith.muli %parallel_loop3A_859, %parallel_loop3A_860 : i32
      %parallel_loop3A_862 = arith.index_cast %parallel_loop3A_861 : i32 to index
      %parallel_loop3A_863 = tpu.vector_load %arg6[%parallel_loop3A_862] {strides = array<i32>} : memref<4096xi32, #tpu.memory_space<vmem>>, vector<16xi32>,
      tpu.vector_store %arg6[%parallel_loop3A_862], %broadcast_in_dim3A_18 {strides = array<i32>} : memref<4096xi32, #tpu.memory_space<vmem>>, vector<16xi32>,
    } {sc.loop_unroll_factor = 4 : i64, sc.parallel_access}
    %broadcast_in_dim3A_21 = arith.constant 0 : i32
    %broadcast_in_dim3A_22 = vector.broadcast %broadcast_in_dim3A_21 : i32 to vector<16xi32>
    %parallel_loop3A_23 = arith.constant 0 : i32
    %parallel_loop3A_24 = arith.constant 128 : i32
    %parallel_loop3A_25 = arith.constant 1 : i32
    scf.for %parallel_loop3A_859 = %parallel_loop3A_23 to %parallel_loop3A_24 step %parallel_loop3A_25  : i32 {
      %parallel_loop3A_860 = arith.constant 16 : i32
      %parallel_loop3A_861 = arith.muli %parallel_loop3A_859, %parallel_loop3A_860 : i32
      %parallel_loop3A_862 = arith.index_cast %parallel_loop3A_861 : i32 to index
      %parallel_loop3A_863 = tpu.vector_load %arg7[%parallel_loop3A_862] {strides = array<i32>} : memref<2048xi32, #tpu.memory_space<vmem>>, vector<16xi32>,
      tpu.vector_store %arg7[%parallel_loop3A_862], %broadcast_in_dim3A_22 {strides = array<i32>} : memref<2048xi32, #tpu.memory_space<vmem>>, vector<16xi32>,
    } {sc.loop_unroll_factor = 4 : i64, sc.parallel_access}
    %broadcast_in_dim3A_26 = arith.constant 0 : i32
    %broadcast_in_dim3A_27 = vector.broadcast %broadcast_in_dim3A_26 : i32 to vector<16xi32>
    %parallel_loop3A_28 = arith.constant 0 : i32
    %parallel_loop3A_29 = arith.constant 256 : i32
    %parallel_loop3A_30 = arith.constant 1 : i32
    scf.for %parallel_loop3A_859 = %parallel_loop3A_28 to %parallel_loop3A_29 step %parallel_loop3A_30  : i32 {
      %parallel_loop3A_860 = arith.constant 16 : i32
      %parallel_loop3A_861 = arith.muli %parallel_loop3A_859, %parallel_loop3A_860 : i32
      %parallel_loop3A_862 = arith.index_cast %parallel_loop3A_861 : i32 to index
      %parallel_loop3A_863 = tpu.vector_load %arg8[%parallel_loop3A_862] {strides = array<i32>} : memref<4096xi32, #tpu.memory_space<vmem>>, vector<16xi32>,
      tpu.vector_store %arg8[%parallel_loop3A_862], %broadcast_in_dim3A_27 {strides = array<i32>} : memref<4096xi32, #tpu.memory_space<vmem>>, vector<16xi32>,
    } {sc.loop_unroll_factor = 4 : i64, sc.parallel_access}
    %broadcast_in_dim3A_31 = arith.constant 0.000000e+00 : f32
    %broadcast_in_dim3A_32 = vector.broadcast %broadcast_in_dim3A_31 : f32 to vector<16xf32>
    %dma_wait3A = arith.constant 0 : i32
    %dma_wait3A_33 = tpu.memref_slice %arg2[%add3A_4, %dma_wait3A] : memref<128x32768xf32, #tpu.memory_space<hbm>> -> memref<1x32768xf32, #tpu.memory_space<hbm>>
    %dma_wait3A_34 = tpu.memref_squeeze %dma_wait3A_33 : memref<1x32768xf32, #tpu.memory_space<hbm>> -> memref<32768xf32, #tpu.memory_space<hbm>>
    %dma_wait3A_35 = arith.constant 0 : i32
    %dma_wait3A_36 = tpu.memref_slice %arg2[%add3A_4, %dma_wait3A_35] : memref<128x32768xf32, #tpu.memory_space<hbm>> -> memref<1x32768xf32, #tpu.memory_space<hbm>>
    %dma_wait3A_37 = tpu.memref_squeeze %dma_wait3A_36 : memref<1x32768xf32, #tpu.memory_space<hbm>> -> memref<32768xf32, #tpu.memory_space<hbm>>
    tpu.wait_dma2 semaphore(%arg10 : memref<!tpu.dma_semaphore, #tpu.memory_space<semaphore_mem>>) src(%dma_wait3A_37 : memref<32768xf32, #tpu.memory_space<hbm>>) dst(%arg4 : memref<32768xf32, #tpu.memory_space<vmem>>)
    %broadcast_in_dim3A_38 = arith.constant 1 : i32
    %broadcast_in_dim3A_39 = vector.broadcast %broadcast_in_dim3A_38 : i32 to vector<16xi32>
    %iota3A_40 = tpu.iota {dimensions = array<i32: 0>} : vector<16xi32>
    %broadcast_in_dim3A_41 = arith.constant 0 : i32
    %broadcast_in_dim3A_42 = vector.broadcast %broadcast_in_dim3A_41 : i32 to vector<16xi32>
    %parallel_loop3A_43 = arith.constant 0 : i32
    %parallel_loop3A_44 = arith.constant 2048 : i32
    %parallel_loop3A_45 = arith.constant 1 : i32
    %parallel_loop3A_46 = scf.for %parallel_loop3A_859 = %parallel_loop3A_43 to %parallel_loop3A_44 step %parallel_loop3A_45 iter_args(%parallel_loop3A_860 = %broadcast_in_dim3A_42) -> (vector<16xi32>)  : i32 {
      %parallel_loop3A_861 = arith.constant 16 : i32
      %parallel_loop3A_862 = arith.muli %parallel_loop3A_859, %parallel_loop3A_861 : i32
      %parallel_loop3A_863 = arith.index_cast %parallel_loop3A_862 : i32 to index
      %parallel_loop3A_864 = tpu.vector_load %arg4[%parallel_loop3A_863] {strides = array<i32>} : memref<32768xf32, #tpu.memory_space<vmem>>, vector<16xf32>,
      %parallel_loop3A_865 = tpu.bitcast %parallel_loop3A_864 : vector<16xf32> -> vector<16xi32>
      %parallel_loop3A_866 = arith.constant 2147483647 : i32
      %parallel_loop3A_867 = vector.broadcast %parallel_loop3A_866 : i32 to vector<16xi32>
      %parallel_loop3A_868 = arith.andi %parallel_loop3A_865, %parallel_loop3A_867 : vector<16xi32>
      %parallel_loop3A_869 = arith.constant 19 : i32
      %parallel_loop3A_870 = vector.broadcast %parallel_loop3A_869 : i32 to vector<16xi32>
      %parallel_loop3A_871 = arith.shrui %parallel_loop3A_868, %parallel_loop3A_870 : vector<16xi32>
      %parallel_loop3A_872 = arith.constant 4080 : i32
      %parallel_loop3A_873 = vector.broadcast %parallel_loop3A_872 : i32 to vector<16xi32>
      %parallel_loop3A_874 = arith.andi %parallel_loop3A_871, %parallel_loop3A_873 : vector<16xi32>
      %parallel_loop3A_875 = arith.ori %parallel_loop3A_874, %iota3A_40 : vector<16xi32>
      tpu.vector_store_idx %arg6[%parallel_loop3A_875], %broadcast_in_dim3A_39 {add = true} : memref<4096xi32, #tpu.memory_space<vmem>>[vector<16xi32>], vector<16xi32>,
      %parallel_loop3A_876 = arith.maxsi %parallel_loop3A_860, %parallel_loop3A_868 : vector<16xi32>
      scf.yield %parallel_loop3A_876 : vector<16xi32>
    } {sc.loop_unroll_factor = 16 : i64, sc.parallel_access}
    %reduce_max3A = arith.constant true
    %reduce_max3A_47 = vector.broadcast %reduce_max3A : i1 to vector<16xi1>
    %reduce_max3A_48 = arith.constant -2147483648 : i32
    %reduce_max3A_49 = vector.broadcast %reduce_max3A_48 : i32 to vector<16xi32>
    %reduce_max3A_50 = arith.xori %parallel_loop3A_46, %reduce_max3A_49 : vector<16xi32>
    %reduce_max3A_51 = tpu.scan <max>, %reduce_max3A_50 masked %reduce_max3A_47 : vector<16xi32>, vector<16xi1> -> vector<16xi32>
    %reduce_max3A_52 = arith.xori %reduce_max3A_51, %reduce_max3A_49 : vector<16xi32>
    %reduce_max3A_53 = vector.extract %reduce_max3A_52[15] : i32 from vector<16xi32>
    %shift_right_logical3A = arith.constant 23 : i32
    %shift_right_logical3A_54 = arith.shrui %reduce_max3A_53, %shift_right_logical3A : i32
    %while3A = arith.constant 3277 : i32
    %while3A_55 = arith.constant 0 : i32
    %while3A_56 = arith.constant 0 : i32
    %while3A_57 = arith.constant 0 : i32
    %while3A_58 = arith.constant 0 : i32
    %while3A_59 = arith.constant 0 : i32
    %while3A_60:6 = scf.while (%while3A_859 = %shift_right_logical3A_54, %while3A_860 = %while3A_55, %while3A_861 = %while3A_56, %while3A_862 = %while3A_57, %while3A_863 = %while3A_58, %while3A_864 = %while3A_59) : (i32, i32, i32, i32, i32, i32) -> (i32, i32, i32, i32, i32, i32) {
      %eq3A_865 = arith.constant 0 : i32
      %eq3A_866 = arith.cmpi eq, %while3A_860, %eq3A_865 : i32
      %ge3A = arith.constant 0 : i32
      %ge3A_867 = arith.cmpi sge, %while3A_859, %ge3A : i32
      %and3A_868 = arith.andi %eq3A_866, %ge3A_867 : i1
      scf.condition(%and3A_868) %while3A_859, %while3A_860, %while3A_861, %while3A_862, %while3A_863, %while3A_864 : i32, i32, i32, i32, i32, i32
    } do {
    ^bb0(%while3A_859: i32, %while3A_860: i32, %while3A_861: i32, %while3A_862: i32, %while3A_863: i32, %while3A_864: i32):
      %mul3A_865 = arith.constant 16 : i32
      %mul3A_866 = arith.muli %while3A_859, %mul3A_865 : i32
      %get3A = arith.index_cast %mul3A_866 : i32 to index
      %get3A_867 = tpu.vector_load %arg6[%get3A] {strides = array<i32>} : memref<4096xi32, #tpu.memory_space<vmem>>, vector<16xi32>,
      %reduce_sum3A_868 = arith.constant true
      %reduce_sum3A_869 = vector.broadcast %reduce_sum3A_868 : i1 to vector<16xi1>
      %reduce_sum3A_870 = tpu.scan <sum>, %get3A_867 masked %reduce_sum3A_869 : vector<16xi32>, vector<16xi1> -> vector<16xi32>
      %reduce_sum3A_871 = vector.extract %reduce_sum3A_870[15] : i32 from vector<16xi32>
      %add3A_872 = arith.addi %while3A_864, %reduce_sum3A_871 : i32
      %ge3A = arith.cmpi sge, %add3A_872, %while3A : i32
      %jit3A_873 = arith.constant 1 : i32
      %jit3A_874 = arith.constant 0 : i32
      %select_n3A_875 = arith.select %ge3A, %jit3A_873, %jit3A_874 : i32
      %eq3A_876 = arith.constant 1 : i32
      %eq3A_877 = arith.cmpi eq, %select_n3A_875, %eq3A_876 : i32
      %select_n3A_878 = arith.select %eq3A_877, %while3A_859, %while3A_861 : i32
      %eq3A_879 = arith.constant 1 : i32
      %eq3A_880 = arith.cmpi eq, %select_n3A_875, %eq3A_879 : i32
      %select_n3A_881 = arith.select %eq3A_880, %while3A_864, %while3A_862 : i32
      %eq3A_882 = arith.constant 1 : i32
      %eq3A_883 = arith.cmpi eq, %select_n3A_875, %eq3A_882 : i32
      %select_n3A_884 = arith.select %eq3A_883, %reduce_sum3A_871, %while3A_863 : i32
      %eq3A_885 = arith.constant 1 : i32
      %eq3A_886 = arith.cmpi eq, %select_n3A_875, %eq3A_885 : i32
      %add3A_887 = arith.addi %while3A_864, %reduce_sum3A_871 : i32
      %select_n3A_888 = arith.select %eq3A_886, %while3A_864, %add3A_887 : i32
      %sub3A_889 = arith.constant 1 : i32
      %sub3A_890 = arith.subi %while3A_859, %sub3A_889 : i32
      %or3A_891 = arith.ori %while3A_860, %select_n3A_875 : i32
      scf.yield %sub3A_890, %or3A_891, %select_n3A_878, %select_n3A_881, %select_n3A_884, %select_n3A_888 : i32, i32, i32, i32, i32, i32
    }
    %sub3A = arith.constant 3277 : i32
    %sub3A_61 = arith.subi %sub3A, %while3A_60#3 : i32
    %broadcast_in_dim3A_62 = arith.constant 1 : i32
    %broadcast_in_dim3A_63 = vector.broadcast %broadcast_in_dim3A_62 : i32 to vector<16xi32>
    %parallel_loop3A_64 = arith.constant 0 : i32
    %parallel_loop3A_65 = arith.constant 2048 : i32
    %parallel_loop3A_66 = arith.constant 1 : i32
    scf.for %parallel_loop3A_859 = %parallel_loop3A_64 to %parallel_loop3A_65 step %parallel_loop3A_66  : i32 {
      %parallel_loop3A_860 = arith.constant 16 : i32
      %parallel_loop3A_861 = arith.muli %parallel_loop3A_859, %parallel_loop3A_860 : i32
      %parallel_loop3A_862 = arith.index_cast %parallel_loop3A_861 : i32 to index
      %parallel_loop3A_863 = tpu.vector_load %arg4[%parallel_loop3A_862] {strides = array<i32>} : memref<32768xf32, #tpu.memory_space<vmem>>, vector<16xf32>,
      %parallel_loop3A_864 = tpu.bitcast %parallel_loop3A_863 : vector<16xf32> -> vector<16xi32>
      %parallel_loop3A_865 = arith.constant 2147483647 : i32
      %parallel_loop3A_866 = vector.broadcast %parallel_loop3A_865 : i32 to vector<16xi32>
      %parallel_loop3A_867 = arith.andi %parallel_loop3A_864, %parallel_loop3A_866 : vector<16xi32>
      %parallel_loop3A_868 = arith.constant 23 : i32
      %parallel_loop3A_869 = vector.broadcast %parallel_loop3A_868 : i32 to vector<16xi32>
      %parallel_loop3A_870 = arith.shrui %parallel_loop3A_867, %parallel_loop3A_869 : vector<16xi32>
      %parallel_loop3A_871 = vector.broadcast %while3A_60#2 : i32 to vector<16xi32>
      %parallel_loop3A_872 = arith.cmpi eq, %parallel_loop3A_870, %parallel_loop3A_871 : vector<16xi32>
      %parallel_loop3A_873 = arith.constant 12 : i32
      %parallel_loop3A_874 = vector.broadcast %parallel_loop3A_873 : i32 to vector<16xi32>
      %parallel_loop3A_875 = arith.shrui %parallel_loop3A_867, %parallel_loop3A_874 : vector<16xi32>
      %parallel_loop3A_876 = arith.constant 2047 : i32
      %parallel_loop3A_877 = vector.broadcast %parallel_loop3A_876 : i32 to vector<16xi32>
      %parallel_loop3A_878 = arith.andi %parallel_loop3A_875, %parallel_loop3A_877 : vector<16xi32>
      tpu.vector_store_idx %arg7[%parallel_loop3A_878], %broadcast_in_dim3A_63 masked %parallel_loop3A_872 {add = true} : memref<2048xi32, #tpu.memory_space<vmem>>[vector<16xi32>], vector<16xi32>, vector<16xi1>
    } {sc.loop_unroll_factor = 16 : i64, sc.parallel_access}
    %while3A_67 = arith.constant 31 : i32
    %while3A_68 = arith.constant 0 : i32
    %while3A_69 = arith.constant 0 : i32
    %while3A_70 = arith.constant 0 : i32
    %while3A_71 = arith.constant 0 : i32
    %while3A_72:5 = scf.while (%while3A_859 = %while3A_67, %while3A_860 = %while3A_68, %while3A_861 = %while3A_69, %while3A_862 = %while3A_70, %while3A_863 = %while3A_71) : (i32, i32, i32, i32, i32) -> (i32, i32, i32, i32, i32) {
      %eq3A_864 = arith.constant 0 : i32
      %eq3A_865 = arith.cmpi eq, %while3A_860, %eq3A_864 : i32
      %ge3A = arith.constant 0 : i32
      %ge3A_866 = arith.cmpi sge, %while3A_859, %ge3A : i32
      %and3A_867 = arith.andi %eq3A_865, %ge3A_866 : i1
      scf.condition(%and3A_867) %while3A_859, %while3A_860, %while3A_861, %while3A_862, %while3A_863 : i32, i32, i32, i32, i32
    } do {
    ^bb0(%while3A_859: i32, %while3A_860: i32, %while3A_861: i32, %while3A_862: i32, %while3A_863: i32):
      %mul3A_864 = arith.constant 4 : i32
      %mul3A_865 = arith.muli %while3A_859, %mul3A_864 : i32
      %mul3A_866 = arith.constant 16 : i32
      %mul3A_867 = arith.muli %mul3A_865, %mul3A_866 : i32
      %get3A = arith.index_cast %mul3A_867 : i32 to index
      %get3A_868 = tpu.vector_load %arg7[%get3A] {strides = array<i32>} : memref<2048xi32, #tpu.memory_space<vmem>>, vector<16xi32>,
      %add3A_869 = arith.constant 16 : i32
      %add3A_870 = arith.addi %mul3A_867, %add3A_869 : i32
      %get3A_871 = arith.index_cast %add3A_870 : i32 to index
      %get3A_872 = tpu.vector_load %arg7[%get3A_871] {strides = array<i32>} : memref<2048xi32, #tpu.memory_space<vmem>>, vector<16xi32>,
      %add3A_873 = arith.addi %get3A_868, %get3A_872 : vector<16xi32>
      %add3A_874 = arith.constant 32 : i32
      %add3A_875 = arith.addi %mul3A_867, %add3A_874 : i32
      %get3A_876 = arith.index_cast %add3A_875 : i32 to index
      %get3A_877 = tpu.vector_load %arg7[%get3A_876] {strides = array<i32>} : memref<2048xi32, #tpu.memory_space<vmem>>, vector<16xi32>,
      %add3A_878 = arith.addi %add3A_873, %get3A_877 : vector<16xi32>
      %add3A_879 = arith.constant 48 : i32
      %add3A_880 = arith.addi %mul3A_867, %add3A_879 : i32
      %get3A_881 = arith.index_cast %add3A_880 : i32 to index
      %get3A_882 = tpu.vector_load %arg7[%get3A_881] {strides = array<i32>} : memref<2048xi32, #tpu.memory_space<vmem>>, vector<16xi32>,
      %add3A_883 = arith.addi %add3A_878, %get3A_882 : vector<16xi32>
      %reduce_sum3A_884 = arith.constant true
      %reduce_sum3A_885 = vector.broadcast %reduce_sum3A_884 : i1 to vector<16xi1>
      %reduce_sum3A_886 = tpu.scan <sum>, %add3A_883 masked %reduce_sum3A_885 : vector<16xi32>, vector<16xi1> -> vector<16xi32>
      %reduce_sum3A_887 = vector.extract %reduce_sum3A_886[15] : i32 from vector<16xi32>
      %add3A_888 = arith.addi %while3A_863, %reduce_sum3A_887 : i32
      %ge3A = arith.cmpi sge, %add3A_888, %sub3A_61 : i32
      %jit3A_889 = arith.constant 1 : i32
      %jit3A_890 = arith.constant 0 : i32
      %select_n3A_891 = arith.select %ge3A, %jit3A_889, %jit3A_890 : i32
      %eq3A_892 = arith.constant 1 : i32
      %eq3A_893 = arith.cmpi eq, %select_n3A_891, %eq3A_892 : i32
      %select_n3A_894 = arith.select %eq3A_893, %while3A_859, %while3A_861 : i32
      %eq3A_895 = arith.constant 1 : i32
      %eq3A_896 = arith.cmpi eq, %select_n3A_891, %eq3A_895 : i32
      %select_n3A_897 = arith.select %eq3A_896, %while3A_863, %while3A_862 : i32
      %eq3A_898 = arith.constant 1 : i32
      %eq3A_899 = arith.cmpi eq, %select_n3A_891, %eq3A_898 : i32
      %add3A_900 = arith.addi %while3A_863, %reduce_sum3A_887 : i32
      %select_n3A_901 = arith.select %eq3A_899, %while3A_863, %add3A_900 : i32
      %sub3A_902 = arith.constant 1 : i32
      %sub3A_903 = arith.subi %while3A_859, %sub3A_902 : i32
      %or3A_904 = arith.ori %while3A_860, %select_n3A_891 : i32
      scf.yield %sub3A_903, %or3A_904, %select_n3A_894, %select_n3A_897, %select_n3A_901 : i32, i32, i32, i32, i32
    }
    %mul3A_73 = arith.constant 4 : i32
    %mul3A_74 = arith.muli %while3A_72#2, %mul3A_73 : i32
    %add3A_75 = arith.constant 3 : i32
    %add3A_76 = arith.addi %mul3A_74, %add3A_75 : i32
    %sub3A_77 = arith.subi %sub3A_61, %while3A_72#3 : i32
    %iota3A_78 = tpu.iota {dimensions = array<i32: 0>} : vector<16xi32>
    %while3A_79 = arith.constant 0 : i32
    %while3A_80 = arith.constant 0 : i32
    %while3A_81 = arith.constant 0 : i32
    %while3A_82 = arith.constant 0 : i32
    %while3A_83 = arith.constant 0 : i32
    %while3A_84:6 = scf.while (%while3A_859 = %add3A_76, %while3A_860 = %while3A_79, %while3A_861 = %while3A_80, %while3A_862 = %while3A_81, %while3A_863 = %while3A_82, %while3A_864 = %while3A_83) : (i32, i32, i32, i32, i32, i32) -> (i32, i32, i32, i32, i32, i32) {
      %eq3A_865 = arith.constant 0 : i32
      %eq3A_866 = arith.cmpi eq, %while3A_860, %eq3A_865 : i32
      %ge3A = arith.constant 0 : i32
      %ge3A_867 = arith.cmpi sge, %while3A_859, %ge3A : i32
      %and3A_868 = arith.andi %eq3A_866, %ge3A_867 : i1
      scf.condition(%and3A_868) %while3A_859, %while3A_860, %while3A_861, %while3A_862, %while3A_863, %while3A_864 : i32, i32, i32, i32, i32, i32
    } do {
    ^bb0(%while3A_859: i32, %while3A_860: i32, %while3A_861: i32, %while3A_862: i32, %while3A_863: i32, %while3A_864: i32):
      %mul3A_865 = arith.constant 16 : i32
      %mul3A_866 = arith.muli %while3A_859, %mul3A_865 : i32
      %get3A = arith.index_cast %mul3A_866 : i32 to index
      %get3A_867 = tpu.vector_load %arg7[%get3A] {strides = array<i32>} : memref<2048xi32, #tpu.memory_space<vmem>>, vector<16xi32>,
      %rev3A = arith.constant 15 : i32
      %rev3A_868 = vector.broadcast %rev3A : i32 to vector<16xi32>
      %rev3A_869 = tpu.iota {dimensions = array<i32: 0>} : vector<16xi32>
      %rev3A_870 = arith.subi %rev3A_868, %rev3A_869 : vector<16xi32>
      %rev3A_871 = tpu.dynamic_gather %get3A_867[%rev3A_870] in [0] : vector<16xi32>, vector<16xi32> -> vector<16xi32>
      %cumsum3A = arith.constant true
      %cumsum3A_872 = vector.broadcast %cumsum3A : i1 to vector<16xi1>
      %cumsum3A_873 = tpu.scan <sum>, %rev3A_871 masked %cumsum3A_872 : vector<16xi32>, vector<16xi1> -> vector<16xi32>
      %reduce_max3A_874 = arith.constant true
      %reduce_max3A_875 = vector.broadcast %reduce_max3A_874 : i1 to vector<16xi1>
      %reduce_max3A_876 = arith.constant -2147483648 : i32
      %reduce_max3A_877 = vector.broadcast %reduce_max3A_876 : i32 to vector<16xi32>
      %reduce_max3A_878 = arith.xori %cumsum3A_873, %reduce_max3A_877 : vector<16xi32>
      %reduce_max3A_879 = tpu.scan <max>, %reduce_max3A_878 masked %reduce_max3A_875 : vector<16xi32>, vector<16xi1> -> vector<16xi32>
      %reduce_max3A_880 = arith.xori %reduce_max3A_879, %reduce_max3A_877 : vector<16xi32>
      %reduce_max3A_881 = vector.extract %reduce_max3A_880[15] : i32 from vector<16xi32>
      %add3A_882 = arith.addi %while3A_864, %reduce_max3A_881 : i32
      %ge3A = arith.cmpi sge, %add3A_882, %sub3A_77 : i32
      %jit3A_883 = arith.constant 1 : i32
      %jit3A_884 = arith.constant 0 : i32
      %select_n3A_885 = arith.select %ge3A, %jit3A_883, %jit3A_884 : i32
      %add3A_886 = vector.broadcast %while3A_864 : i32 to vector<16xi32>
      %add3A_887 = arith.addi %add3A_886, %cumsum3A_873 : vector<16xi32>
      %ge3A_888 = vector.broadcast %sub3A_77 : i32 to vector<16xi32>
      %ge3A_889 = arith.cmpi sge, %add3A_887, %ge3A_888 : vector<16xi32>
      %jit3A_890 = arith.constant 16 : i32
      %broadcast_in_dim3A_891 = vector.broadcast %jit3A_890 : i32 to vector<16xi32>
      %select_n3A_892 = arith.select %ge3A_889, %iota3A_78, %broadcast_in_dim3A_891 : vector<16xi1>, vector<16xi32>
      %reduce_min3A = arith.constant true
      %reduce_min3A_893 = vector.broadcast %reduce_min3A : i1 to vector<16xi1>
      %reduce_min3A_894 = arith.constant -2147483648 : i32
      %reduce_min3A_895 = vector.broadcast %reduce_min3A_894 : i32 to vector<16xi32>
      %reduce_min3A_896 = arith.xori %select_n3A_892, %reduce_min3A_895 : vector<16xi32>
      %reduce_min3A_897 = tpu.scan <min>, %reduce_min3A_896 masked %reduce_min3A_893 : vector<16xi32>, vector<16xi1> -> vector<16xi32>
      %reduce_min3A_898 = arith.xori %reduce_min3A_897, %reduce_min3A_895 : vector<16xi32>
      %reduce_min3A_899 = vector.extract %reduce_min3A_898[15] : i32 from vector<16xi32>
      %lt3A = vector.broadcast %reduce_min3A_899 : i32 to vector<16xi32>
      %lt3A_900 = arith.cmpi slt, %iota3A_78, %lt3A : vector<16xi32>
      %jit3A_901 = arith.constant 0 : i32
      %broadcast_in_dim3A_902 = vector.broadcast %jit3A_901 : i32 to vector<16xi32>
      %select_n3A_903 = arith.select %lt3A_900, %rev3A_871, %broadcast_in_dim3A_902 : vector<16xi1>, vector<16xi32>
      %reduce_sum3A_904 = arith.constant true
      %reduce_sum3A_905 = vector.broadcast %reduce_sum3A_904 : i1 to vector<16xi1>
      %reduce_sum3A_906 = tpu.scan <sum>, %select_n3A_903 masked %reduce_sum3A_905 : vector<16xi32>, vector<16xi1> -> vector<16xi32>
      %reduce_sum3A_907 = vector.extract %reduce_sum3A_906[15] : i32 from vector<16xi32>
      %eq3A_908 = vector.broadcast %reduce_min3A_899 : i32 to vector<16xi32>
      %eq3A_909 = arith.cmpi eq, %iota3A_78, %eq3A_908 : vector<16xi32>
      %jit3A_910 = arith.constant 0 : i32
      %broadcast_in_dim3A_911 = vector.broadcast %jit3A_910 : i32 to vector<16xi32>
      %select_n3A_912 = arith.select %eq3A_909, %rev3A_871, %broadcast_in_dim3A_911 : vector<16xi1>, vector<16xi32>
      %reduce_sum3A_913 = arith.constant true
      %reduce_sum3A_914 = vector.broadcast %reduce_sum3A_913 : i1 to vector<16xi1>
      %reduce_sum3A_915 = tpu.scan <sum>, %select_n3A_912 masked %reduce_sum3A_914 : vector<16xi32>, vector<16xi1> -> vector<16xi32>
      %reduce_sum3A_916 = vector.extract %reduce_sum3A_915[15] : i32 from vector<16xi32>
      %add3A_917 = arith.constant 15 : i32
      %add3A_918 = arith.addi %mul3A_866, %add3A_917 : i32
      %sub3A_919 = arith.subi %add3A_918, %reduce_min3A_899 : i32
      %eq3A_920 = arith.constant 1 : i32
      %eq3A_921 = arith.cmpi eq, %select_n3A_885, %eq3A_920 : i32
      %select_n3A_922 = arith.select %eq3A_921, %sub3A_919, %while3A_861 : i32
      %eq3A_923 = arith.constant 1 : i32
      %eq3A_924 = arith.cmpi eq, %select_n3A_885, %eq3A_923 : i32
      %add3A_925 = arith.addi %while3A_864, %reduce_sum3A_907 : i32
      %select_n3A_926 = arith.select %eq3A_924, %add3A_925, %while3A_862 : i32
      %eq3A_927 = arith.constant 1 : i32
      %eq3A_928 = arith.cmpi eq, %select_n3A_885, %eq3A_927 : i32
      %select_n3A_929 = arith.select %eq3A_928, %reduce_sum3A_916, %while3A_863 : i32
      %eq3A_930 = arith.constant 1 : i32
      %eq3A_931 = arith.cmpi eq, %select_n3A_885, %eq3A_930 : i32
      %add3A_932 = arith.addi %while3A_864, %reduce_max3A_881 : i32
      %select_n3A_933 = arith.select %eq3A_931, %while3A_864, %add3A_932 : i32
      %sub3A_934 = arith.constant 1 : i32
      %sub3A_935 = arith.subi %while3A_859, %sub3A_934 : i32
      %or3A_936 = arith.ori %while3A_860, %select_n3A_885 : i32
      scf.yield %sub3A_935, %or3A_936, %select_n3A_922, %select_n3A_926, %select_n3A_929, %select_n3A_933 : i32, i32, i32, i32, i32, i32
    }
    %add3A_85 = arith.addi %while3A_72#3, %while3A_84#3 : i32
    %sub3A_86 = arith.subi %sub3A_61, %add3A_85 : i32
    %shift_left3A = arith.constant 11 : i32
    %shift_left3A_87 = arith.shli %while3A_60#2, %shift_left3A : i32
    %or3A = arith.ori %shift_left3A_87, %while3A_84#2 : i32
    %eq3A = arith.constant 1 : i32
    %eq3A_88 = arith.cmpi eq, %while3A_84#4, %eq3A : i32
    %eq3A_89 = arith.constant 1 : i32
    %eq3A_90 = arith.cmpi eq, %sub3A_86, %eq3A_89 : i32
    %and3A = arith.andi %eq3A_88, %eq3A_90 : i1
    %not3A = arith.constant true
    %not3A_91 = arith.xori %and3A, %not3A : i1
    %convert_element_type3A = arith.extui %not3A_91 : i1 to i32
    %cond3A = arith.constant 0 : i32
    %cond3A_92 = arith.cmpi ne, %convert_element_type3A, %cond3A : i32
    scf.if %cond3A_92 {
      %broadcast_in_dim3A_859 = arith.constant 1 : i32
      %broadcast_in_dim3A_860 = vector.broadcast %broadcast_in_dim3A_859 : i32 to vector<16xi32>
      %parallel_loop3A_861 = arith.constant 0 : i32
      %parallel_loop3A_862 = arith.constant 2048 : i32
      %parallel_loop3A_863 = arith.constant 1 : i32
      scf.for %parallel_loop3A_864 = %parallel_loop3A_861 to %parallel_loop3A_862 step %parallel_loop3A_863  : i32 {
        %parallel_loop3A_865 = arith.constant 16 : i32
        %parallel_loop3A_866 = arith.muli %parallel_loop3A_864, %parallel_loop3A_865 : i32
        %parallel_loop3A_867 = arith.index_cast %parallel_loop3A_866 : i32 to index
        %parallel_loop3A_868 = tpu.vector_load %arg4[%parallel_loop3A_867] {strides = array<i32>} : memref<32768xf32, #tpu.memory_space<vmem>>, vector<16xf32>,
        %parallel_loop3A_869 = tpu.bitcast %parallel_loop3A_868 : vector<16xf32> -> vector<16xi32>
        %parallel_loop3A_870 = arith.constant 2147483647 : i32
        %parallel_loop3A_871 = vector.broadcast %parallel_loop3A_870 : i32 to vector<16xi32>
        %parallel_loop3A_872 = arith.andi %parallel_loop3A_869, %parallel_loop3A_871 : vector<16xi32>
        %parallel_loop3A_873 = arith.constant 12 : i32
        %parallel_loop3A_874 = vector.broadcast %parallel_loop3A_873 : i32 to vector<16xi32>
        %parallel_loop3A_875 = arith.shrui %parallel_loop3A_872, %parallel_loop3A_874 : vector<16xi32>
        %parallel_loop3A_876 = vector.broadcast %or3A : i32 to vector<16xi32>
        %parallel_loop3A_877 = arith.cmpi eq, %parallel_loop3A_875, %parallel_loop3A_876 : vector<16xi32>
        %parallel_loop3A_878 = arith.constant 4095 : i32
        %parallel_loop3A_879 = vector.broadcast %parallel_loop3A_878 : i32 to vector<16xi32>
        %parallel_loop3A_880 = arith.andi %parallel_loop3A_872, %parallel_loop3A_879 : vector<16xi32>
        tpu.vector_store_idx %arg8[%parallel_loop3A_880], %broadcast_in_dim3A_860 masked %parallel_loop3A_877 {add = true} : memref<4096xi32, #tpu.memory_space<vmem>>[vector<16xi32>], vector<16xi32>, vector<16xi1>
      } {sc.loop_unroll_factor = 8 : i64, sc.parallel_access}
    } else {
    }
    %jit3A = arith.constant 255 : i32
    %jit3A_93 = arith.constant -1 : i32
    %select_n3A = arith.select %not3A_91, %jit3A, %jit3A_93 : i32
    %iota3A_94 = tpu.iota {dimensions = array<i32: 0>} : vector<16xi32>
    %while3A_95 = arith.constant 0 : i32
    %while3A_96 = arith.constant 0 : i32
    %while3A_97 = arith.constant 0 : i32
    %while3A_98 = arith.constant 0 : i32
    %while3A_99 = arith.constant 0 : i32
    %while3A_100:6 = scf.while (%while3A_859 = %select_n3A, %while3A_860 = %while3A_95, %while3A_861 = %while3A_96, %while3A_862 = %while3A_97, %while3A_863 = %while3A_98, %while3A_864 = %while3A_99) : (i32, i32, i32, i32, i32, i32) -> (i32, i32, i32, i32, i32, i32) {
      %eq3A_865 = arith.constant 0 : i32
      %eq3A_866 = arith.cmpi eq, %while3A_860, %eq3A_865 : i32
      %ge3A = arith.constant 0 : i32
      %ge3A_867 = arith.cmpi sge, %while3A_859, %ge3A : i32
      %and3A_868 = arith.andi %eq3A_866, %ge3A_867 : i1
      scf.condition(%and3A_868) %while3A_859, %while3A_860, %while3A_861, %while3A_862, %while3A_863, %while3A_864 : i32, i32, i32, i32, i32, i32
    } do {
    ^bb0(%while3A_859: i32, %while3A_860: i32, %while3A_861: i32, %while3A_862: i32, %while3A_863: i32, %while3A_864: i32):
      %mul3A_865 = arith.constant 16 : i32
      %mul3A_866 = arith.muli %while3A_859, %mul3A_865 : i32
      %get3A = arith.index_cast %mul3A_866 : i32 to index
      %get3A_867 = tpu.vector_load %arg8[%get3A] {strides = array<i32>} : memref<4096xi32, #tpu.memory_space<vmem>>, vector<16xi32>,
      %rev3A = arith.constant 15 : i32
      %rev3A_868 = vector.broadcast %rev3A : i32 to vector<16xi32>
      %rev3A_869 = tpu.iota {dimensions = array<i32: 0>} : vector<16xi32>
      %rev3A_870 = arith.subi %rev3A_868, %rev3A_869 : vector<16xi32>
      %rev3A_871 = tpu.dynamic_gather %get3A_867[%rev3A_870] in [0] : vector<16xi32>, vector<16xi32> -> vector<16xi32>
      %cumsum3A = arith.constant true
      %cumsum3A_872 = vector.broadcast %cumsum3A : i1 to vector<16xi1>
      %cumsum3A_873 = tpu.scan <sum>, %rev3A_871 masked %cumsum3A_872 : vector<16xi32>, vector<16xi1> -> vector<16xi32>
      %reduce_max3A_874 = arith.constant true
      %reduce_max3A_875 = vector.broadcast %reduce_max3A_874 : i1 to vector<16xi1>
      %reduce_max3A_876 = arith.constant -2147483648 : i32
      %reduce_max3A_877 = vector.broadcast %reduce_max3A_876 : i32 to vector<16xi32>
      %reduce_max3A_878 = arith.xori %cumsum3A_873, %reduce_max3A_877 : vector<16xi32>
      %reduce_max3A_879 = tpu.scan <max>, %reduce_max3A_878 masked %reduce_max3A_875 : vector<16xi32>, vector<16xi1> -> vector<16xi32>
      %reduce_max3A_880 = arith.xori %reduce_max3A_879, %reduce_max3A_877 : vector<16xi32>
      %reduce_max3A_881 = vector.extract %reduce_max3A_880[15] : i32 from vector<16xi32>
      %add3A_882 = arith.addi %while3A_864, %reduce_max3A_881 : i32
      %ge3A = arith.cmpi sge, %add3A_882, %sub3A_86 : i32
      %jit3A_883 = arith.constant 1 : i32
      %jit3A_884 = arith.constant 0 : i32
      %select_n3A_885 = arith.select %ge3A, %jit3A_883, %jit3A_884 : i32
      %add3A_886 = vector.broadcast %while3A_864 : i32 to vector<16xi32>
      %add3A_887 = arith.addi %add3A_886, %cumsum3A_873 : vector<16xi32>
      %ge3A_888 = vector.broadcast %sub3A_86 : i32 to vector<16xi32>
      %ge3A_889 = arith.cmpi sge, %add3A_887, %ge3A_888 : vector<16xi32>
      %jit3A_890 = arith.constant 16 : i32
      %broadcast_in_dim3A_891 = vector.broadcast %jit3A_890 : i32 to vector<16xi32>
      %select_n3A_892 = arith.select %ge3A_889, %iota3A_94, %broadcast_in_dim3A_891 : vector<16xi1>, vector<16xi32>
      %reduce_min3A = arith.constant true
      %reduce_min3A_893 = vector.broadcast %reduce_min3A : i1 to vector<16xi1>
      %reduce_min3A_894 = arith.constant -2147483648 : i32
      %reduce_min3A_895 = vector.broadcast %reduce_min3A_894 : i32 to vector<16xi32>
      %reduce_min3A_896 = arith.xori %select_n3A_892, %reduce_min3A_895 : vector<16xi32>
      %reduce_min3A_897 = tpu.scan <min>, %reduce_min3A_896 masked %reduce_min3A_893 : vector<16xi32>, vector<16xi1> -> vector<16xi32>
      %reduce_min3A_898 = arith.xori %reduce_min3A_897, %reduce_min3A_895 : vector<16xi32>
      %reduce_min3A_899 = vector.extract %reduce_min3A_898[15] : i32 from vector<16xi32>
      %lt3A = vector.broadcast %reduce_min3A_899 : i32 to vector<16xi32>
      %lt3A_900 = arith.cmpi slt, %iota3A_94, %lt3A : vector<16xi32>
      %jit3A_901 = arith.constant 0 : i32
      %broadcast_in_dim3A_902 = vector.broadcast %jit3A_901 : i32 to vector<16xi32>
      %select_n3A_903 = arith.select %lt3A_900, %rev3A_871, %broadcast_in_dim3A_902 : vector<16xi1>, vector<16xi32>
      %reduce_sum3A_904 = arith.constant true
      %reduce_sum3A_905 = vector.broadcast %reduce_sum3A_904 : i1 to vector<16xi1>
      %reduce_sum3A_906 = tpu.scan <sum>, %select_n3A_903 masked %reduce_sum3A_905 : vector<16xi32>, vector<16xi1> -> vector<16xi32>
      %reduce_sum3A_907 = vector.extract %reduce_sum3A_906[15] : i32 from vector<16xi32>
      %eq3A_908 = vector.broadcast %reduce_min3A_899 : i32 to vector<16xi32>
      %eq3A_909 = arith.cmpi eq, %iota3A_94, %eq3A_908 : vector<16xi32>
      %jit3A_910 = arith.constant 0 : i32
      %broadcast_in_dim3A_911 = vector.broadcast %jit3A_910 : i32 to vector<16xi32>
      %select_n3A_912 = arith.select %eq3A_909, %rev3A_871, %broadcast_in_dim3A_911 : vector<16xi1>, vector<16xi32>
      %reduce_sum3A_913 = arith.constant true
      %reduce_sum3A_914 = vector.broadcast %reduce_sum3A_913 : i1 to vector<16xi1>
      %reduce_sum3A_915 = tpu.scan <sum>, %select_n3A_912 masked %reduce_sum3A_914 : vector<16xi32>, vector<16xi1> -> vector<16xi32>
      %reduce_sum3A_916 = vector.extract %reduce_sum3A_915[15] : i32 from vector<16xi32>
      %add3A_917 = arith.constant 15 : i32
      %add3A_918 = arith.addi %mul3A_866, %add3A_917 : i32
      %sub3A_919 = arith.subi %add3A_918, %reduce_min3A_899 : i32
      %eq3A_920 = arith.constant 1 : i32
      %eq3A_921 = arith.cmpi eq, %select_n3A_885, %eq3A_920 : i32
      %select_n3A_922 = arith.select %eq3A_921, %sub3A_919, %while3A_861 : i32
      %eq3A_923 = arith.constant 1 : i32
      %eq3A_924 = arith.cmpi eq, %select_n3A_885, %eq3A_923 : i32
      %add3A_925 = arith.addi %while3A_864, %reduce_sum3A_907 : i32
      %select_n3A_926 = arith.select %eq3A_924, %add3A_925, %while3A_862 : i32
      %eq3A_927 = arith.constant 1 : i32
      %eq3A_928 = arith.cmpi eq, %select_n3A_885, %eq3A_927 : i32
      %select_n3A_929 = arith.select %eq3A_928, %reduce_sum3A_916, %while3A_863 : i32
      %eq3A_930 = arith.constant 1 : i32
      %eq3A_931 = arith.cmpi eq, %select_n3A_885, %eq3A_930 : i32
      %add3A_932 = arith.addi %while3A_864, %reduce_max3A_881 : i32
      %select_n3A_933 = arith.select %eq3A_931, %while3A_864, %add3A_932 : i32
      %sub3A_934 = arith.constant 1 : i32
      %sub3A_935 = arith.subi %while3A_859, %sub3A_934 : i32
      %or3A_936 = arith.ori %while3A_860, %select_n3A_885 : i32
      scf.yield %sub3A_935, %or3A_936, %select_n3A_922, %select_n3A_926, %select_n3A_929, %select_n3A_933 : i32, i32, i32, i32, i32, i32
    }
    %jit3A_101 = arith.constant 4095 : i32
    %select_n3A_102 = arith.select %not3A_91, %while3A_100#2, %jit3A_101 : i32
    %shift_left3A_103 = arith.constant 12 : i32
    %shift_left3A_104 = arith.shli %or3A, %shift_left3A_103 : i32
    %or3A_105 = arith.ori %shift_left3A_104, %select_n3A_102 : i32
    %broadcast_in_dim3A_106 = arith.constant 0.000000e+00 : f32
    %broadcast_in_dim3A_107 = vector.broadcast %broadcast_in_dim3A_106 : f32 to vector<16xf32>
    %parallel_loop3A_108 = arith.constant 0 : i32
    %parallel_loop3A_109 = arith.constant 2048 : i32
    %parallel_loop3A_110 = arith.constant 1 : i32
    %parallel_loop3A_111 = scf.for %parallel_loop3A_859 = %parallel_loop3A_108 to %parallel_loop3A_109 step %parallel_loop3A_110 iter_args(%parallel_loop3A_860 = %broadcast_in_dim3A_107) -> (vector<16xf32>)  : i32 {
      %parallel_loop3A_861 = arith.constant 16 : i32
      %parallel_loop3A_862 = arith.muli %parallel_loop3A_859, %parallel_loop3A_861 : i32
      %parallel_loop3A_863 = arith.index_cast %parallel_loop3A_862 : i32 to index
      %parallel_loop3A_864 = tpu.vector_load %arg4[%parallel_loop3A_863] {strides = array<i32>} : memref<32768xf32, #tpu.memory_space<vmem>>, vector<16xf32>,
      %parallel_loop3A_865 = tpu.bitcast %parallel_loop3A_864 : vector<16xf32> -> vector<16xi32>
      %parallel_loop3A_866 = arith.constant 2147483647 : i32
      %parallel_loop3A_867 = vector.broadcast %parallel_loop3A_866 : i32 to vector<16xi32>
      %parallel_loop3A_868 = arith.andi %parallel_loop3A_865, %parallel_loop3A_867 : vector<16xi32>
      %parallel_loop3A_869 = tpu.bitcast %parallel_loop3A_868 : vector<16xi32> -> vector<16xf32>
      %parallel_loop3A_870 = vector.broadcast %or3A_105 : i32 to vector<16xi32>
      %parallel_loop3A_871 = arith.cmpi sgt, %parallel_loop3A_868, %parallel_loop3A_870 : vector<16xi32>
      %parallel_loop3A_872 = arith.select %parallel_loop3A_871, %parallel_loop3A_869, %broadcast_in_dim3A_107 : vector<16xi1>, vector<16xf32>
      %parallel_loop3A_873 = arith.addf %parallel_loop3A_860, %parallel_loop3A_872 : vector<16xf32>
      scf.yield %parallel_loop3A_873 : vector<16xf32>
    } {sc.loop_unroll_factor = 16 : i64, sc.parallel_access}
    %reduce_sum3A = arith.constant true
    %reduce_sum3A_112 = vector.broadcast %reduce_sum3A : i1 to vector<16xi1>
    %reduce_sum3A_113 = tpu.scan <sum>, %parallel_loop3A_111 masked %reduce_sum3A_112 : vector<16xf32>, vector<16xi1> -> vector<16xf32>
    %reduce_sum3A_114 = vector.extract %reduce_sum3A_113[15] : f32 from vector<16xf32>
    %add3A_115 = arith.constant 1 : i32
    %add3A_116 = arith.addi %shift_right_logical3A_54, %add3A_115 : i32
    %mul3A_117 = arith.constant 16 : i32
    %mul3A_118 = arith.muli %add3A_116, %mul3A_117 : i32
    %broadcast_in_dim3A_119 = arith.constant 0 : i32
    %broadcast_in_dim3A_120 = vector.broadcast %broadcast_in_dim3A_119 : i32 to vector<16xi32>
    %add3A_121 = arith.constant 16 : i32
    %add3A_122 = arith.addi %mul3A_118, %add3A_121 : i32
    %sub3A_123 = arith.constant 1 : i32
    %sub3A_124 = arith.subi %add3A_122, %sub3A_123 : i32
    %jit3A_125 = arith.constant 16 : i32
    %div3A = arith.divsi %sub3A_124, %jit3A_125 : i32
    %sign3A = arith.constant 0 : i32
    %sign3A_126 = arith.cmpi sgt, %sub3A_124, %sign3A : i32
    %sign3A_127 = arith.extui %sign3A_126 : i1 to i32
    %sign3A_128 = arith.constant 0 : i32
    %sign3A_129 = arith.cmpi slt, %sub3A_124, %sign3A_128 : i32
    %sign3A_130 = arith.extui %sign3A_129 : i1 to i32
    %sign3A_131 = arith.subi %sign3A_127, %sign3A_130 : i32
    %sign3A_132 = arith.constant 0 : i32
    %sign3A_133 = arith.cmpi sgt, %jit3A_125, %sign3A_132 : i32
    %sign3A_134 = arith.extui %sign3A_133 : i1 to i32
    %sign3A_135 = arith.constant 0 : i32
    %sign3A_136 = arith.cmpi slt, %jit3A_125, %sign3A_135 : i32
    %sign3A_137 = arith.extui %sign3A_136 : i1 to i32
    %sign3A_138 = arith.subi %sign3A_134, %sign3A_137 : i32
    %ne3A = arith.cmpi ne, %sign3A_131, %sign3A_138 : i32
    %rem3A = arith.remsi %sub3A_124, %jit3A_125 : i32
    %ne3A_139 = arith.constant 0 : i32
    %ne3A_140 = arith.cmpi ne, %rem3A, %ne3A_139 : i32
    %and3A_141 = arith.andi %ne3A, %ne3A_140 : i1
    %sub3A_142 = arith.constant 1 : i32
    %sub3A_143 = arith.subi %div3A, %sub3A_142 : i32
    %select_n3A_144 = arith.select %and3A_141, %sub3A_143, %div3A : i32
    %parallel_loop3A_145 = arith.constant 0 : i32
    %parallel_loop3A_146 = arith.constant 1 : i32
    scf.for %parallel_loop3A_859 = %parallel_loop3A_145 to %select_n3A_144 step %parallel_loop3A_146  : i32 {
      %parallel_loop3A_860 = arith.constant 16 : i32
      %parallel_loop3A_861 = arith.muli %parallel_loop3A_859, %parallel_loop3A_860 : i32
      %parallel_loop3A_862 = arith.index_cast %parallel_loop3A_861 : i32 to index
      %parallel_loop3A_863 = tpu.vector_load %arg6[%parallel_loop3A_862] {strides = array<i32>} : memref<4096xi32, #tpu.memory_space<vmem>>, vector<16xi32>,
      tpu.vector_store %arg6[%parallel_loop3A_862], %broadcast_in_dim3A_120 {strides = array<i32>} : memref<4096xi32, #tpu.memory_space<vmem>>, vector<16xi32>,
    } {sc.loop_unroll_factor = 4 : i64, sc.parallel_access}
    %broadcast_in_dim3A_147 = arith.constant 0 : i32
    %broadcast_in_dim3A_148 = vector.broadcast %broadcast_in_dim3A_147 : i32 to vector<16xi32>
    %add3A_149 = arith.constant 2048 : i32
    %add3A_150 = arith.constant 16 : i32
    %add3A_151 = arith.addi %add3A_149, %add3A_150 : i32
    %sub3A_152 = arith.constant 1 : i32
    %sub3A_153 = arith.subi %add3A_151, %sub3A_152 : i32
    %jit3A_154 = arith.constant 16 : i32
    %div3A_155 = arith.divsi %sub3A_153, %jit3A_154 : i32
    %sign3A_156 = arith.constant 0 : i32
    %sign3A_157 = arith.cmpi sgt, %sub3A_153, %sign3A_156 : i32
    %sign3A_158 = arith.extui %sign3A_157 : i1 to i32
    %sign3A_159 = arith.constant 0 : i32
    %sign3A_160 = arith.cmpi slt, %sub3A_153, %sign3A_159 : i32
    %sign3A_161 = arith.extui %sign3A_160 : i1 to i32
    %sign3A_162 = arith.subi %sign3A_158, %sign3A_161 : i32
    %sign3A_163 = arith.constant 0 : i32
    %sign3A_164 = arith.cmpi sgt, %jit3A_154, %sign3A_163 : i32
    %sign3A_165 = arith.extui %sign3A_164 : i1 to i32
    %sign3A_166 = arith.constant 0 : i32
    %sign3A_167 = arith.cmpi slt, %jit3A_154, %sign3A_166 : i32
    %sign3A_168 = arith.extui %sign3A_167 : i1 to i32
    %sign3A_169 = arith.subi %sign3A_165, %sign3A_168 : i32
    %ne3A_170 = arith.cmpi ne, %sign3A_162, %sign3A_169 : i32
    %rem3A_171 = arith.remsi %sub3A_153, %jit3A_154 : i32
    %ne3A_172 = arith.constant 0 : i32
    %ne3A_173 = arith.cmpi ne, %rem3A_171, %ne3A_172 : i32
    %and3A_174 = arith.andi %ne3A_170, %ne3A_173 : i1
    %sub3A_175 = arith.constant 1 : i32
    %sub3A_176 = arith.subi %div3A_155, %sub3A_175 : i32
    %select_n3A_177 = arith.select %and3A_174, %sub3A_176, %div3A_155 : i32
    %parallel_loop3A_178 = arith.constant 0 : i32
    %parallel_loop3A_179 = arith.constant 1 : i32
    scf.for %parallel_loop3A_859 = %parallel_loop3A_178 to %select_n3A_177 step %parallel_loop3A_179  : i32 {
      %parallel_loop3A_860 = arith.constant 16 : i32
      %parallel_loop3A_861 = arith.muli %parallel_loop3A_859, %parallel_loop3A_860 : i32
      %parallel_loop3A_862 = arith.index_cast %parallel_loop3A_861 : i32 to index
      %parallel_loop3A_863 = tpu.vector_load %arg7[%parallel_loop3A_862] {strides = array<i32>} : memref<2048xi32, #tpu.memory_space<vmem>>, vector<16xi32>,
      tpu.vector_store %arg7[%parallel_loop3A_862], %broadcast_in_dim3A_148 {strides = array<i32>} : memref<2048xi32, #tpu.memory_space<vmem>>, vector<16xi32>,
    } {sc.loop_unroll_factor = 4 : i64, sc.parallel_access}
    %jit3A_180 = arith.constant 4096 : i32
    %jit3A_181 = arith.constant 0 : i32
    %select_n3A_182 = arith.select %not3A_91, %jit3A_180, %jit3A_181 : i32
    %broadcast_in_dim3A_183 = arith.constant 0 : i32
    %broadcast_in_dim3A_184 = vector.broadcast %broadcast_in_dim3A_183 : i32 to vector<16xi32>
    %add3A_185 = arith.constant 16 : i32
    %add3A_186 = arith.addi %select_n3A_182, %add3A_185 : i32
    %sub3A_187 = arith.constant 1 : i32
    %sub3A_188 = arith.subi %add3A_186, %sub3A_187 : i32
    %jit3A_189 = arith.constant 16 : i32
    %div3A_190 = arith.divsi %sub3A_188, %jit3A_189 : i32
    %sign3A_191 = arith.constant 0 : i32
    %sign3A_192 = arith.cmpi sgt, %sub3A_188, %sign3A_191 : i32
    %sign3A_193 = arith.extui %sign3A_192 : i1 to i32
    %sign3A_194 = arith.constant 0 : i32
    %sign3A_195 = arith.cmpi slt, %sub3A_188, %sign3A_194 : i32
    %sign3A_196 = arith.extui %sign3A_195 : i1 to i32
    %sign3A_197 = arith.subi %sign3A_193, %sign3A_196 : i32
    %sign3A_198 = arith.constant 0 : i32
    %sign3A_199 = arith.cmpi sgt, %jit3A_189, %sign3A_198 : i32
    %sign3A_200 = arith.extui %sign3A_199 : i1 to i32
    %sign3A_201 = arith.constant 0 : i32
    %sign3A_202 = arith.cmpi slt, %jit3A_189, %sign3A_201 : i32
    %sign3A_203 = arith.extui %sign3A_202 : i1 to i32
    %sign3A_204 = arith.subi %sign3A_200, %sign3A_203 : i32
    %ne3A_205 = arith.cmpi ne, %sign3A_197, %sign3A_204 : i32
    %rem3A_206 = arith.remsi %sub3A_188, %jit3A_189 : i32
    %ne3A_207 = arith.constant 0 : i32
    %ne3A_208 = arith.cmpi ne, %rem3A_206, %ne3A_207 : i32
    %and3A_209 = arith.andi %ne3A_205, %ne3A_208 : i1
    %sub3A_210 = arith.constant 1 : i32
    %sub3A_211 = arith.subi %div3A_190, %sub3A_210 : i32
    %select_n3A_212 = arith.select %and3A_209, %sub3A_211, %div3A_190 : i32
    %parallel_loop3A_213 = arith.constant 0 : i32
    %parallel_loop3A_214 = arith.constant 1 : i32
    scf.for %parallel_loop3A_859 = %parallel_loop3A_213 to %select_n3A_212 step %parallel_loop3A_214  : i32 {
      %parallel_loop3A_860 = arith.constant 16 : i32
      %parallel_loop3A_861 = arith.muli %parallel_loop3A_859, %parallel_loop3A_860 : i32
      %parallel_loop3A_862 = arith.index_cast %parallel_loop3A_861 : i32 to index
      %parallel_loop3A_863 = tpu.vector_load %arg8[%parallel_loop3A_862] {strides = array<i32>} : memref<4096xi32, #tpu.memory_space<vmem>>, vector<16xi32>,
      tpu.vector_store %arg8[%parallel_loop3A_862], %broadcast_in_dim3A_184 {strides = array<i32>} : memref<4096xi32, #tpu.memory_space<vmem>>, vector<16xi32>,
    } {sc.loop_unroll_factor = 4 : i64, sc.parallel_access}
    %eq3A_215 = arith.constant 0 : i32
    %eq3A_216 = vector.broadcast %eq3A_215 : i32 to vector<16xi32>
    %eq3A_217 = arith.cmpi eq, %iota3A, %eq3A_216 : vector<16xi32>
    %broadcast_in_dim3A_218 = vector.broadcast %reduce_sum3A_114 : f32 to vector<16xf32>
    %select_n3A_219 = arith.select %eq3A_217, %broadcast_in_dim3A_218, %broadcast_in_dim3A_32 : vector<16xi1>, vector<16xf32>
    %add3A_220 = arith.constant 0 : i32
    %add3A_221 = arith.addi %mul3A_2, %add3A_220 : i32
    %add3A_222 = arith.constant 2 : i32
    %add3A_223 = arith.addi %add3A_221, %add3A_222 : i32
    %dma_start3A_224 = arith.constant 0 : i32
    %dma_start3A_225 = tpu.memref_slice %arg2[%add3A_223, %dma_start3A_224] : memref<128x32768xf32, #tpu.memory_space<hbm>> -> memref<1x32768xf32, #tpu.memory_space<hbm>>
    %dma_start3A_226 = tpu.memref_squeeze %dma_start3A_225 : memref<1x32768xf32, #tpu.memory_space<hbm>> -> memref<32768xf32, #tpu.memory_space<hbm>>
    %dma_start3A_227 = arith.constant 0 : i32
    %dma_start3A_228 = tpu.memref_slice %arg2[%add3A_223, %dma_start3A_227] : memref<128x32768xf32, #tpu.memory_space<hbm>> -> memref<1x32768xf32, #tpu.memory_space<hbm>>
    %dma_start3A_229 = tpu.memref_squeeze %dma_start3A_228 : memref<1x32768xf32, #tpu.memory_space<hbm>> -> memref<32768xf32, #tpu.memory_space<hbm>>
    tpu.enqueue_dma source(%dma_start3A_229 : memref<32768xf32, #tpu.memory_space<hbm>>) target(%arg4 : memref<32768xf32, #tpu.memory_space<vmem>>) target_semaphore(%arg10 : memref<!tpu.dma_semaphore, #tpu.memory_space<semaphore_mem>>)
    %dma_wait3A_230 = arith.constant 0 : i32
    %dma_wait3A_231 = tpu.memref_slice %arg2[%add3A_11, %dma_wait3A_230] : memref<128x32768xf32, #tpu.memory_space<hbm>> -> memref<1x32768xf32, #tpu.memory_space<hbm>>
    %dma_wait3A_232 = tpu.memref_squeeze %dma_wait3A_231 : memref<1x32768xf32, #tpu.memory_space<hbm>> -> memref<32768xf32, #tpu.memory_space<hbm>>
    %dma_wait3A_233 = arith.constant 0 : i32
    %dma_wait3A_234 = tpu.memref_slice %arg2[%add3A_11, %dma_wait3A_233] : memref<128x32768xf32, #tpu.memory_space<hbm>> -> memref<1x32768xf32, #tpu.memory_space<hbm>>
    %dma_wait3A_235 = tpu.memref_squeeze %dma_wait3A_234 : memref<1x32768xf32, #tpu.memory_space<hbm>> -> memref<32768xf32, #tpu.memory_space<hbm>>
    tpu.wait_dma2 semaphore(%arg11 : memref<!tpu.dma_semaphore, #tpu.memory_space<semaphore_mem>>) src(%dma_wait3A_235 : memref<32768xf32, #tpu.memory_space<hbm>>) dst(%arg5 : memref<32768xf32, #tpu.memory_space<vmem>>)
    %broadcast_in_dim3A_236 = arith.constant 1 : i32
    %broadcast_in_dim3A_237 = vector.broadcast %broadcast_in_dim3A_236 : i32 to vector<16xi32>
    %iota3A_238 = tpu.iota {dimensions = array<i32: 0>} : vector<16xi32>
    %broadcast_in_dim3A_239 = arith.constant 0 : i32
    %broadcast_in_dim3A_240 = vector.broadcast %broadcast_in_dim3A_239 : i32 to vector<16xi32>
    %parallel_loop3A_241 = arith.constant 0 : i32
    %parallel_loop3A_242 = arith.constant 2048 : i32
    %parallel_loop3A_243 = arith.constant 1 : i32
    %parallel_loop3A_244 = scf.for %parallel_loop3A_859 = %parallel_loop3A_241 to %parallel_loop3A_242 step %parallel_loop3A_243 iter_args(%parallel_loop3A_860 = %broadcast_in_dim3A_240) -> (vector<16xi32>)  : i32 {
      %parallel_loop3A_861 = arith.constant 16 : i32
      %parallel_loop3A_862 = arith.muli %parallel_loop3A_859, %parallel_loop3A_861 : i32
      %parallel_loop3A_863 = arith.index_cast %parallel_loop3A_862 : i32 to index
      %parallel_loop3A_864 = tpu.vector_load %arg5[%parallel_loop3A_863] {strides = array<i32>} : memref<32768xf32, #tpu.memory_space<vmem>>, vector<16xf32>,
      %parallel_loop3A_865 = tpu.bitcast %parallel_loop3A_864 : vector<16xf32> -> vector<16xi32>
      %parallel_loop3A_866 = arith.constant 2147483647 : i32
      %parallel_loop3A_867 = vector.broadcast %parallel_loop3A_866 : i32 to vector<16xi32>
      %parallel_loop3A_868 = arith.andi %parallel_loop3A_865, %parallel_loop3A_867 : vector<16xi32>
      %parallel_loop3A_869 = arith.constant 19 : i32
      %parallel_loop3A_870 = vector.broadcast %parallel_loop3A_869 : i32 to vector<16xi32>
      %parallel_loop3A_871 = arith.shrui %parallel_loop3A_868, %parallel_loop3A_870 : vector<16xi32>
      %parallel_loop3A_872 = arith.constant 4080 : i32
      %parallel_loop3A_873 = vector.broadcast %parallel_loop3A_872 : i32 to vector<16xi32>
      %parallel_loop3A_874 = arith.andi %parallel_loop3A_871, %parallel_loop3A_873 : vector<16xi32>
      %parallel_loop3A_875 = arith.ori %parallel_loop3A_874, %iota3A_238 : vector<16xi32>
      tpu.vector_store_idx %arg6[%parallel_loop3A_875], %broadcast_in_dim3A_237 {add = true} : memref<4096xi32, #tpu.memory_space<vmem>>[vector<16xi32>], vector<16xi32>,
      %parallel_loop3A_876 = arith.maxsi %parallel_loop3A_860, %parallel_loop3A_868 : vector<16xi32>
      scf.yield %parallel_loop3A_876 : vector<16xi32>
    } {sc.loop_unroll_factor = 16 : i64, sc.parallel_access}
    %reduce_max3A_245 = arith.constant true
    %reduce_max3A_246 = vector.broadcast %reduce_max3A_245 : i1 to vector<16xi1>
    %reduce_max3A_247 = arith.constant -2147483648 : i32
    %reduce_max3A_248 = vector.broadcast %reduce_max3A_247 : i32 to vector<16xi32>
    %reduce_max3A_249 = arith.xori %parallel_loop3A_244, %reduce_max3A_248 : vector<16xi32>
    %reduce_max3A_250 = tpu.scan <max>, %reduce_max3A_249 masked %reduce_max3A_246 : vector<16xi32>, vector<16xi1> -> vector<16xi32>
    %reduce_max3A_251 = arith.xori %reduce_max3A_250, %reduce_max3A_248 : vector<16xi32>
    %reduce_max3A_252 = vector.extract %reduce_max3A_251[15] : i32 from vector<16xi32>
    %shift_right_logical3A_253 = arith.constant 23 : i32
    %shift_right_logical3A_254 = arith.shrui %reduce_max3A_252, %shift_right_logical3A_253 : i32
    %while3A_255 = arith.constant 3277 : i32
    %while3A_256 = arith.constant 0 : i32
    %while3A_257 = arith.constant 0 : i32
    %while3A_258 = arith.constant 0 : i32
    %while3A_259 = arith.constant 0 : i32
    %while3A_260 = arith.constant 0 : i32
    %while3A_261:6 = scf.while (%while3A_859 = %shift_right_logical3A_254, %while3A_860 = %while3A_256, %while3A_861 = %while3A_257, %while3A_862 = %while3A_258, %while3A_863 = %while3A_259, %while3A_864 = %while3A_260) : (i32, i32, i32, i32, i32, i32) -> (i32, i32, i32, i32, i32, i32) {
      %eq3A_865 = arith.constant 0 : i32
      %eq3A_866 = arith.cmpi eq, %while3A_860, %eq3A_865 : i32
      %ge3A = arith.constant 0 : i32
      %ge3A_867 = arith.cmpi sge, %while3A_859, %ge3A : i32
      %and3A_868 = arith.andi %eq3A_866, %ge3A_867 : i1
      scf.condition(%and3A_868) %while3A_859, %while3A_860, %while3A_861, %while3A_862, %while3A_863, %while3A_864 : i32, i32, i32, i32, i32, i32
    } do {
    ^bb0(%while3A_859: i32, %while3A_860: i32, %while3A_861: i32, %while3A_862: i32, %while3A_863: i32, %while3A_864: i32):
      %mul3A_865 = arith.constant 16 : i32
      %mul3A_866 = arith.muli %while3A_859, %mul3A_865 : i32
      %get3A = arith.index_cast %mul3A_866 : i32 to index
      %get3A_867 = tpu.vector_load %arg6[%get3A] {strides = array<i32>} : memref<4096xi32, #tpu.memory_space<vmem>>, vector<16xi32>,
      %reduce_sum3A_868 = arith.constant true
      %reduce_sum3A_869 = vector.broadcast %reduce_sum3A_868 : i1 to vector<16xi1>
      %reduce_sum3A_870 = tpu.scan <sum>, %get3A_867 masked %reduce_sum3A_869 : vector<16xi32>, vector<16xi1> -> vector<16xi32>
      %reduce_sum3A_871 = vector.extract %reduce_sum3A_870[15] : i32 from vector<16xi32>
      %add3A_872 = arith.addi %while3A_864, %reduce_sum3A_871 : i32
      %ge3A = arith.cmpi sge, %add3A_872, %while3A_255 : i32
      %jit3A_873 = arith.constant 1 : i32
      %jit3A_874 = arith.constant 0 : i32
      %select_n3A_875 = arith.select %ge3A, %jit3A_873, %jit3A_874 : i32
      %eq3A_876 = arith.constant 1 : i32
      %eq3A_877 = arith.cmpi eq, %select_n3A_875, %eq3A_876 : i32
      %select_n3A_878 = arith.select %eq3A_877, %while3A_859, %while3A_861 : i32
      %eq3A_879 = arith.constant 1 : i32
      %eq3A_880 = arith.cmpi eq, %select_n3A_875, %eq3A_879 : i32
      %select_n3A_881 = arith.select %eq3A_880, %while3A_864, %while3A_862 : i32
      %eq3A_882 = arith.constant 1 : i32
      %eq3A_883 = arith.cmpi eq, %select_n3A_875, %eq3A_882 : i32
      %select_n3A_884 = arith.select %eq3A_883, %reduce_sum3A_871, %while3A_863 : i32
      %eq3A_885 = arith.constant 1 : i32
      %eq3A_886 = arith.cmpi eq, %select_n3A_875, %eq3A_885 : i32
      %add3A_887 = arith.addi %while3A_864, %reduce_sum3A_871 : i32
      %select_n3A_888 = arith.select %eq3A_886, %while3A_864, %add3A_887 : i32
      %sub3A_889 = arith.constant 1 : i32
      %sub3A_890 = arith.subi %while3A_859, %sub3A_889 : i32
      %or3A_891 = arith.ori %while3A_860, %select_n3A_875 : i32
      scf.yield %sub3A_890, %or3A_891, %select_n3A_878, %select_n3A_881, %select_n3A_884, %select_n3A_888 : i32, i32, i32, i32, i32, i32
    }
    %sub3A_262 = arith.constant 3277 : i32
    %sub3A_263 = arith.subi %sub3A_262, %while3A_261#3 : i32
    %broadcast_in_dim3A_264 = arith.constant 1 : i32
    %broadcast_in_dim3A_265 = vector.broadcast %broadcast_in_dim3A_264 : i32 to vector<16xi32>
    %parallel_loop3A_266 = arith.constant 0 : i32
    %parallel_loop3A_267 = arith.constant 2048 : i32
    %parallel_loop3A_268 = arith.constant 1 : i32
    scf.for %parallel_loop3A_859 = %parallel_loop3A_266 to %parallel_loop3A_267 step %parallel_loop3A_268  : i32 {
      %parallel_loop3A_860 = arith.constant 16 : i32
      %parallel_loop3A_861 = arith.muli %parallel_loop3A_859, %parallel_loop3A_860 : i32
      %parallel_loop3A_862 = arith.index_cast %parallel_loop3A_861 : i32 to index
      %parallel_loop3A_863 = tpu.vector_load %arg5[%parallel_loop3A_862] {strides = array<i32>} : memref<32768xf32, #tpu.memory_space<vmem>>, vector<16xf32>,
      %parallel_loop3A_864 = tpu.bitcast %parallel_loop3A_863 : vector<16xf32> -> vector<16xi32>
      %parallel_loop3A_865 = arith.constant 2147483647 : i32
      %parallel_loop3A_866 = vector.broadcast %parallel_loop3A_865 : i32 to vector<16xi32>
      %parallel_loop3A_867 = arith.andi %parallel_loop3A_864, %parallel_loop3A_866 : vector<16xi32>
      %parallel_loop3A_868 = arith.constant 23 : i32
      %parallel_loop3A_869 = vector.broadcast %parallel_loop3A_868 : i32 to vector<16xi32>
      %parallel_loop3A_870 = arith.shrui %parallel_loop3A_867, %parallel_loop3A_869 : vector<16xi32>
      %parallel_loop3A_871 = vector.broadcast %while3A_261#2 : i32 to vector<16xi32>
      %parallel_loop3A_872 = arith.cmpi eq, %parallel_loop3A_870, %parallel_loop3A_871 : vector<16xi32>
      %parallel_loop3A_873 = arith.constant 12 : i32
      %parallel_loop3A_874 = vector.broadcast %parallel_loop3A_873 : i32 to vector<16xi32>
      %parallel_loop3A_875 = arith.shrui %parallel_loop3A_867, %parallel_loop3A_874 : vector<16xi32>
      %parallel_loop3A_876 = arith.constant 2047 : i32
      %parallel_loop3A_877 = vector.broadcast %parallel_loop3A_876 : i32 to vector<16xi32>
      %parallel_loop3A_878 = arith.andi %parallel_loop3A_875, %parallel_loop3A_877 : vector<16xi32>
      tpu.vector_store_idx %arg7[%parallel_loop3A_878], %broadcast_in_dim3A_265 masked %parallel_loop3A_872 {add = true} : memref<2048xi32, #tpu.memory_space<vmem>>[vector<16xi32>], vector<16xi32>, vector<16xi1>
    } {sc.loop_unroll_factor = 16 : i64, sc.parallel_access}
    %while3A_269 = arith.constant 31 : i32
    %while3A_270 = arith.constant 0 : i32
    %while3A_271 = arith.constant 0 : i32
    %while3A_272 = arith.constant 0 : i32
    %while3A_273 = arith.constant 0 : i32
    %while3A_274:5 = scf.while (%while3A_859 = %while3A_269, %while3A_860 = %while3A_270, %while3A_861 = %while3A_271, %while3A_862 = %while3A_272, %while3A_863 = %while3A_273) : (i32, i32, i32, i32, i32) -> (i32, i32, i32, i32, i32) {
      %eq3A_864 = arith.constant 0 : i32
      %eq3A_865 = arith.cmpi eq, %while3A_860, %eq3A_864 : i32
      %ge3A = arith.constant 0 : i32
      %ge3A_866 = arith.cmpi sge, %while3A_859, %ge3A : i32
      %and3A_867 = arith.andi %eq3A_865, %ge3A_866 : i1
      scf.condition(%and3A_867) %while3A_859, %while3A_860, %while3A_861, %while3A_862, %while3A_863 : i32, i32, i32, i32, i32
    } do {
    ^bb0(%while3A_859: i32, %while3A_860: i32, %while3A_861: i32, %while3A_862: i32, %while3A_863: i32):
      %mul3A_864 = arith.constant 4 : i32
      %mul3A_865 = arith.muli %while3A_859, %mul3A_864 : i32
      %mul3A_866 = arith.constant 16 : i32
      %mul3A_867 = arith.muli %mul3A_865, %mul3A_866 : i32
      %get3A = arith.index_cast %mul3A_867 : i32 to index
      %get3A_868 = tpu.vector_load %arg7[%get3A] {strides = array<i32>} : memref<2048xi32, #tpu.memory_space<vmem>>, vector<16xi32>,
      %add3A_869 = arith.constant 16 : i32
      %add3A_870 = arith.addi %mul3A_867, %add3A_869 : i32
      %get3A_871 = arith.index_cast %add3A_870 : i32 to index
      %get3A_872 = tpu.vector_load %arg7[%get3A_871] {strides = array<i32>} : memref<2048xi32, #tpu.memory_space<vmem>>, vector<16xi32>,
      %add3A_873 = arith.addi %get3A_868, %get3A_872 : vector<16xi32>
      %add3A_874 = arith.constant 32 : i32
      %add3A_875 = arith.addi %mul3A_867, %add3A_874 : i32
      %get3A_876 = arith.index_cast %add3A_875 : i32 to index
      %get3A_877 = tpu.vector_load %arg7[%get3A_876] {strides = array<i32>} : memref<2048xi32, #tpu.memory_space<vmem>>, vector<16xi32>,
      %add3A_878 = arith.addi %add3A_873, %get3A_877 : vector<16xi32>
      %add3A_879 = arith.constant 48 : i32
      %add3A_880 = arith.addi %mul3A_867, %add3A_879 : i32
      %get3A_881 = arith.index_cast %add3A_880 : i32 to index
      %get3A_882 = tpu.vector_load %arg7[%get3A_881] {strides = array<i32>} : memref<2048xi32, #tpu.memory_space<vmem>>, vector<16xi32>,
      %add3A_883 = arith.addi %add3A_878, %get3A_882 : vector<16xi32>
      %reduce_sum3A_884 = arith.constant true
      %reduce_sum3A_885 = vector.broadcast %reduce_sum3A_884 : i1 to vector<16xi1>
      %reduce_sum3A_886 = tpu.scan <sum>, %add3A_883 masked %reduce_sum3A_885 : vector<16xi32>, vector<16xi1> -> vector<16xi32>
      %reduce_sum3A_887 = vector.extract %reduce_sum3A_886[15] : i32 from vector<16xi32>
      %add3A_888 = arith.addi %while3A_863, %reduce_sum3A_887 : i32
      %ge3A = arith.cmpi sge, %add3A_888, %sub3A_263 : i32
      %jit3A_889 = arith.constant 1 : i32
      %jit3A_890 = arith.constant 0 : i32
      %select_n3A_891 = arith.select %ge3A, %jit3A_889, %jit3A_890 : i32
      %eq3A_892 = arith.constant 1 : i32
      %eq3A_893 = arith.cmpi eq, %select_n3A_891, %eq3A_892 : i32
      %select_n3A_894 = arith.select %eq3A_893, %while3A_859, %while3A_861 : i32
      %eq3A_895 = arith.constant 1 : i32
      %eq3A_896 = arith.cmpi eq, %select_n3A_891, %eq3A_895 : i32
      %select_n3A_897 = arith.select %eq3A_896, %while3A_863, %while3A_862 : i32
      %eq3A_898 = arith.constant 1 : i32
      %eq3A_899 = arith.cmpi eq, %select_n3A_891, %eq3A_898 : i32
      %add3A_900 = arith.addi %while3A_863, %reduce_sum3A_887 : i32
      %select_n3A_901 = arith.select %eq3A_899, %while3A_863, %add3A_900 : i32
      %sub3A_902 = arith.constant 1 : i32
      %sub3A_903 = arith.subi %while3A_859, %sub3A_902 : i32
      %or3A_904 = arith.ori %while3A_860, %select_n3A_891 : i32
      scf.yield %sub3A_903, %or3A_904, %select_n3A_894, %select_n3A_897, %select_n3A_901 : i32, i32, i32, i32, i32
    }
    %mul3A_275 = arith.constant 4 : i32
    %mul3A_276 = arith.muli %while3A_274#2, %mul3A_275 : i32
    %add3A_277 = arith.constant 3 : i32
    %add3A_278 = arith.addi %mul3A_276, %add3A_277 : i32
    %sub3A_279 = arith.subi %sub3A_263, %while3A_274#3 : i32
    %iota3A_280 = tpu.iota {dimensions = array<i32: 0>} : vector<16xi32>
    %while3A_281 = arith.constant 0 : i32
    %while3A_282 = arith.constant 0 : i32
    %while3A_283 = arith.constant 0 : i32
    %while3A_284 = arith.constant 0 : i32
    %while3A_285 = arith.constant 0 : i32
    %while3A_286:6 = scf.while (%while3A_859 = %add3A_278, %while3A_860 = %while3A_281, %while3A_861 = %while3A_282, %while3A_862 = %while3A_283, %while3A_863 = %while3A_284, %while3A_864 = %while3A_285) : (i32, i32, i32, i32, i32, i32) -> (i32, i32, i32, i32, i32, i32) {
      %eq3A_865 = arith.constant 0 : i32
      %eq3A_866 = arith.cmpi eq, %while3A_860, %eq3A_865 : i32
      %ge3A = arith.constant 0 : i32
      %ge3A_867 = arith.cmpi sge, %while3A_859, %ge3A : i32
      %and3A_868 = arith.andi %eq3A_866, %ge3A_867 : i1
      scf.condition(%and3A_868) %while3A_859, %while3A_860, %while3A_861, %while3A_862, %while3A_863, %while3A_864 : i32, i32, i32, i32, i32, i32
    } do {
    ^bb0(%while3A_859: i32, %while3A_860: i32, %while3A_861: i32, %while3A_862: i32, %while3A_863: i32, %while3A_864: i32):
      %mul3A_865 = arith.constant 16 : i32
      %mul3A_866 = arith.muli %while3A_859, %mul3A_865 : i32
      %get3A = arith.index_cast %mul3A_866 : i32 to index
      %get3A_867 = tpu.vector_load %arg7[%get3A] {strides = array<i32>} : memref<2048xi32, #tpu.memory_space<vmem>>, vector<16xi32>,
      %rev3A = arith.constant 15 : i32
      %rev3A_868 = vector.broadcast %rev3A : i32 to vector<16xi32>
      %rev3A_869 = tpu.iota {dimensions = array<i32: 0>} : vector<16xi32>
      %rev3A_870 = arith.subi %rev3A_868, %rev3A_869 : vector<16xi32>
      %rev3A_871 = tpu.dynamic_gather %get3A_867[%rev3A_870] in [0] : vector<16xi32>, vector<16xi32> -> vector<16xi32>
      %cumsum3A = arith.constant true
      %cumsum3A_872 = vector.broadcast %cumsum3A : i1 to vector<16xi1>
      %cumsum3A_873 = tpu.scan <sum>, %rev3A_871 masked %cumsum3A_872 : vector<16xi32>, vector<16xi1> -> vector<16xi32>
      %reduce_max3A_874 = arith.constant true
      %reduce_max3A_875 = vector.broadcast %reduce_max3A_874 : i1 to vector<16xi1>
      %reduce_max3A_876 = arith.constant -2147483648 : i32
      %reduce_max3A_877 = vector.broadcast %reduce_max3A_876 : i32 to vector<16xi32>
      %reduce_max3A_878 = arith.xori %cumsum3A_873, %reduce_max3A_877 : vector<16xi32>
      %reduce_max3A_879 = tpu.scan <max>, %reduce_max3A_878 masked %reduce_max3A_875 : vector<16xi32>, vector<16xi1> -> vector<16xi32>
      %reduce_max3A_880 = arith.xori %reduce_max3A_879, %reduce_max3A_877 : vector<16xi32>
      %reduce_max3A_881 = vector.extract %reduce_max3A_880[15] : i32 from vector<16xi32>
      %add3A_882 = arith.addi %while3A_864, %reduce_max3A_881 : i32
      %ge3A = arith.cmpi sge, %add3A_882, %sub3A_279 : i32
      %jit3A_883 = arith.constant 1 : i32
      %jit3A_884 = arith.constant 0 : i32
      %select_n3A_885 = arith.select %ge3A, %jit3A_883, %jit3A_884 : i32
      %add3A_886 = vector.broadcast %while3A_864 : i32 to vector<16xi32>
      %add3A_887 = arith.addi %add3A_886, %cumsum3A_873 : vector<16xi32>
      %ge3A_888 = vector.broadcast %sub3A_279 : i32 to vector<16xi32>
      %ge3A_889 = arith.cmpi sge, %add3A_887, %ge3A_888 : vector<16xi32>
      %jit3A_890 = arith.constant 16 : i32
      %broadcast_in_dim3A_891 = vector.broadcast %jit3A_890 : i32 to vector<16xi32>
      %select_n3A_892 = arith.select %ge3A_889, %iota3A_280, %broadcast_in_dim3A_891 : vector<16xi1>, vector<16xi32>
      %reduce_min3A = arith.constant true
      %reduce_min3A_893 = vector.broadcast %reduce_min3A : i1 to vector<16xi1>
      %reduce_min3A_894 = arith.constant -2147483648 : i32
      %reduce_min3A_895 = vector.broadcast %reduce_min3A_894 : i32 to vector<16xi32>
      %reduce_min3A_896 = arith.xori %select_n3A_892, %reduce_min3A_895 : vector<16xi32>
      %reduce_min3A_897 = tpu.scan <min>, %reduce_min3A_896 masked %reduce_min3A_893 : vector<16xi32>, vector<16xi1> -> vector<16xi32>
      %reduce_min3A_898 = arith.xori %reduce_min3A_897, %reduce_min3A_895 : vector<16xi32>
      %reduce_min3A_899 = vector.extract %reduce_min3A_898[15] : i32 from vector<16xi32>
      %lt3A = vector.broadcast %reduce_min3A_899 : i32 to vector<16xi32>
      %lt3A_900 = arith.cmpi slt, %iota3A_280, %lt3A : vector<16xi32>
      %jit3A_901 = arith.constant 0 : i32
      %broadcast_in_dim3A_902 = vector.broadcast %jit3A_901 : i32 to vector<16xi32>
      %select_n3A_903 = arith.select %lt3A_900, %rev3A_871, %broadcast_in_dim3A_902 : vector<16xi1>, vector<16xi32>
      %reduce_sum3A_904 = arith.constant true
      %reduce_sum3A_905 = vector.broadcast %reduce_sum3A_904 : i1 to vector<16xi1>
      %reduce_sum3A_906 = tpu.scan <sum>, %select_n3A_903 masked %reduce_sum3A_905 : vector<16xi32>, vector<16xi1> -> vector<16xi32>
      %reduce_sum3A_907 = vector.extract %reduce_sum3A_906[15] : i32 from vector<16xi32>
      %eq3A_908 = vector.broadcast %reduce_min3A_899 : i32 to vector<16xi32>
      %eq3A_909 = arith.cmpi eq, %iota3A_280, %eq3A_908 : vector<16xi32>
      %jit3A_910 = arith.constant 0 : i32
      %broadcast_in_dim3A_911 = vector.broadcast %jit3A_910 : i32 to vector<16xi32>
      %select_n3A_912 = arith.select %eq3A_909, %rev3A_871, %broadcast_in_dim3A_911 : vector<16xi1>, vector<16xi32>
      %reduce_sum3A_913 = arith.constant true
      %reduce_sum3A_914 = vector.broadcast %reduce_sum3A_913 : i1 to vector<16xi1>
      %reduce_sum3A_915 = tpu.scan <sum>, %select_n3A_912 masked %reduce_sum3A_914 : vector<16xi32>, vector<16xi1> -> vector<16xi32>
      %reduce_sum3A_916 = vector.extract %reduce_sum3A_915[15] : i32 from vector<16xi32>
      %add3A_917 = arith.constant 15 : i32
      %add3A_918 = arith.addi %mul3A_866, %add3A_917 : i32
      %sub3A_919 = arith.subi %add3A_918, %reduce_min3A_899 : i32
      %eq3A_920 = arith.constant 1 : i32
      %eq3A_921 = arith.cmpi eq, %select_n3A_885, %eq3A_920 : i32
      %select_n3A_922 = arith.select %eq3A_921, %sub3A_919, %while3A_861 : i32
      %eq3A_923 = arith.constant 1 : i32
      %eq3A_924 = arith.cmpi eq, %select_n3A_885, %eq3A_923 : i32
      %add3A_925 = arith.addi %while3A_864, %reduce_sum3A_907 : i32
      %select_n3A_926 = arith.select %eq3A_924, %add3A_925, %while3A_862 : i32
      %eq3A_927 = arith.constant 1 : i32
      %eq3A_928 = arith.cmpi eq, %select_n3A_885, %eq3A_927 : i32
      %select_n3A_929 = arith.select %eq3A_928, %reduce_sum3A_916, %while3A_863 : i32
      %eq3A_930 = arith.constant 1 : i32
      %eq3A_931 = arith.cmpi eq, %select_n3A_885, %eq3A_930 : i32
      %add3A_932 = arith.addi %while3A_864, %reduce_max3A_881 : i32
      %select_n3A_933 = arith.select %eq3A_931, %while3A_864, %add3A_932 : i32
      %sub3A_934 = arith.constant 1 : i32
      %sub3A_935 = arith.subi %while3A_859, %sub3A_934 : i32
      %or3A_936 = arith.ori %while3A_860, %select_n3A_885 : i32
      scf.yield %sub3A_935, %or3A_936, %select_n3A_922, %select_n3A_926, %select_n3A_929, %select_n3A_933 : i32, i32, i32, i32, i32, i32
    }
    %add3A_287 = arith.addi %while3A_274#3, %while3A_286#3 : i32
    %sub3A_288 = arith.subi %sub3A_263, %add3A_287 : i32
    %shift_left3A_289 = arith.constant 11 : i32
    %shift_left3A_290 = arith.shli %while3A_261#2, %shift_left3A_289 : i32
    %or3A_291 = arith.ori %shift_left3A_290, %while3A_286#2 : i32
    %eq3A_292 = arith.constant 1 : i32
    %eq3A_293 = arith.cmpi eq, %while3A_286#4, %eq3A_292 : i32
    %eq3A_294 = arith.constant 1 : i32
    %eq3A_295 = arith.cmpi eq, %sub3A_288, %eq3A_294 : i32
    %and3A_296 = arith.andi %eq3A_293, %eq3A_295 : i1
    %not3A_297 = arith.constant true
    %not3A_298 = arith.xori %and3A_296, %not3A_297 : i1
    %convert_element_type3A_299 = arith.extui %not3A_298 : i1 to i32
    %cond3A_300 = arith.constant 0 : i32
    %cond3A_301 = arith.cmpi ne, %convert_element_type3A_299, %cond3A_300 : i32
    scf.if %cond3A_301 {
      %broadcast_in_dim3A_859 = arith.constant 1 : i32
      %broadcast_in_dim3A_860 = vector.broadcast %broadcast_in_dim3A_859 : i32 to vector<16xi32>
      %parallel_loop3A_861 = arith.constant 0 : i32
      %parallel_loop3A_862 = arith.constant 2048 : i32
      %parallel_loop3A_863 = arith.constant 1 : i32
      scf.for %parallel_loop3A_864 = %parallel_loop3A_861 to %parallel_loop3A_862 step %parallel_loop3A_863  : i32 {
        %parallel_loop3A_865 = arith.constant 16 : i32
        %parallel_loop3A_866 = arith.muli %parallel_loop3A_864, %parallel_loop3A_865 : i32
        %parallel_loop3A_867 = arith.index_cast %parallel_loop3A_866 : i32 to index
        %parallel_loop3A_868 = tpu.vector_load %arg5[%parallel_loop3A_867] {strides = array<i32>} : memref<32768xf32, #tpu.memory_space<vmem>>, vector<16xf32>,
        %parallel_loop3A_869 = tpu.bitcast %parallel_loop3A_868 : vector<16xf32> -> vector<16xi32>
        %parallel_loop3A_870 = arith.constant 2147483647 : i32
        %parallel_loop3A_871 = vector.broadcast %parallel_loop3A_870 : i32 to vector<16xi32>
        %parallel_loop3A_872 = arith.andi %parallel_loop3A_869, %parallel_loop3A_871 : vector<16xi32>
        %parallel_loop3A_873 = arith.constant 12 : i32
        %parallel_loop3A_874 = vector.broadcast %parallel_loop3A_873 : i32 to vector<16xi32>
        %parallel_loop3A_875 = arith.shrui %parallel_loop3A_872, %parallel_loop3A_874 : vector<16xi32>
        %parallel_loop3A_876 = vector.broadcast %or3A_291 : i32 to vector<16xi32>
        %parallel_loop3A_877 = arith.cmpi eq, %parallel_loop3A_875, %parallel_loop3A_876 : vector<16xi32>
        %parallel_loop3A_878 = arith.constant 4095 : i32
        %parallel_loop3A_879 = vector.broadcast %parallel_loop3A_878 : i32 to vector<16xi32>
        %parallel_loop3A_880 = arith.andi %parallel_loop3A_872, %parallel_loop3A_879 : vector<16xi32>
        tpu.vector_store_idx %arg8[%parallel_loop3A_880], %broadcast_in_dim3A_860 masked %parallel_loop3A_877 {add = true} : memref<4096xi32, #tpu.memory_space<vmem>>[vector<16xi32>], vector<16xi32>, vector<16xi1>
      } {sc.loop_unroll_factor = 8 : i64, sc.parallel_access}
    } else {
    }
    %jit3A_302 = arith.constant 255 : i32
    %jit3A_303 = arith.constant -1 : i32
    %select_n3A_304 = arith.select %not3A_298, %jit3A_302, %jit3A_303 : i32
    %iota3A_305 = tpu.iota {dimensions = array<i32: 0>} : vector<16xi32>
    %while3A_306 = arith.constant 0 : i32
    %while3A_307 = arith.constant 0 : i32
    %while3A_308 = arith.constant 0 : i32
    %while3A_309 = arith.constant 0 : i32
    %while3A_310 = arith.constant 0 : i32
    %while3A_311:6 = scf.while (%while3A_859 = %select_n3A_304, %while3A_860 = %while3A_306, %while3A_861 = %while3A_307, %while3A_862 = %while3A_308, %while3A_863 = %while3A_309, %while3A_864 = %while3A_310) : (i32, i32, i32, i32, i32, i32) -> (i32, i32, i32, i32, i32, i32) {
      %eq3A_865 = arith.constant 0 : i32
      %eq3A_866 = arith.cmpi eq, %while3A_860, %eq3A_865 : i32
      %ge3A = arith.constant 0 : i32
      %ge3A_867 = arith.cmpi sge, %while3A_859, %ge3A : i32
      %and3A_868 = arith.andi %eq3A_866, %ge3A_867 : i1
      scf.condition(%and3A_868) %while3A_859, %while3A_860, %while3A_861, %while3A_862, %while3A_863, %while3A_864 : i32, i32, i32, i32, i32, i32
    } do {
    ^bb0(%while3A_859: i32, %while3A_860: i32, %while3A_861: i32, %while3A_862: i32, %while3A_863: i32, %while3A_864: i32):
      %mul3A_865 = arith.constant 16 : i32
      %mul3A_866 = arith.muli %while3A_859, %mul3A_865 : i32
      %get3A = arith.index_cast %mul3A_866 : i32 to index
      %get3A_867 = tpu.vector_load %arg8[%get3A] {strides = array<i32>} : memref<4096xi32, #tpu.memory_space<vmem>>, vector<16xi32>,
      %rev3A = arith.constant 15 : i32
      %rev3A_868 = vector.broadcast %rev3A : i32 to vector<16xi32>
      %rev3A_869 = tpu.iota {dimensions = array<i32: 0>} : vector<16xi32>
      %rev3A_870 = arith.subi %rev3A_868, %rev3A_869 : vector<16xi32>
      %rev3A_871 = tpu.dynamic_gather %get3A_867[%rev3A_870] in [0] : vector<16xi32>, vector<16xi32> -> vector<16xi32>
      %cumsum3A = arith.constant true
      %cumsum3A_872 = vector.broadcast %cumsum3A : i1 to vector<16xi1>
      %cumsum3A_873 = tpu.scan <sum>, %rev3A_871 masked %cumsum3A_872 : vector<16xi32>, vector<16xi1> -> vector<16xi32>
      %reduce_max3A_874 = arith.constant true
      %reduce_max3A_875 = vector.broadcast %reduce_max3A_874 : i1 to vector<16xi1>
      %reduce_max3A_876 = arith.constant -2147483648 : i32
      %reduce_max3A_877 = vector.broadcast %reduce_max3A_876 : i32 to vector<16xi32>
      %reduce_max3A_878 = arith.xori %cumsum3A_873, %reduce_max3A_877 : vector<16xi32>
      %reduce_max3A_879 = tpu.scan <max>, %reduce_max3A_878 masked %reduce_max3A_875 : vector<16xi32>, vector<16xi1> -> vector<16xi32>
      %reduce_max3A_880 = arith.xori %reduce_max3A_879, %reduce_max3A_877 : vector<16xi32>
      %reduce_max3A_881 = vector.extract %reduce_max3A_880[15] : i32 from vector<16xi32>
      %add3A_882 = arith.addi %while3A_864, %reduce_max3A_881 : i32
      %ge3A = arith.cmpi sge, %add3A_882, %sub3A_288 : i32
      %jit3A_883 = arith.constant 1 : i32
      %jit3A_884 = arith.constant 0 : i32
      %select_n3A_885 = arith.select %ge3A, %jit3A_883, %jit3A_884 : i32
      %add3A_886 = vector.broadcast %while3A_864 : i32 to vector<16xi32>
      %add3A_887 = arith.addi %add3A_886, %cumsum3A_873 : vector<16xi32>
      %ge3A_888 = vector.broadcast %sub3A_288 : i32 to vector<16xi32>
      %ge3A_889 = arith.cmpi sge, %add3A_887, %ge3A_888 : vector<16xi32>
      %jit3A_890 = arith.constant 16 : i32
      %broadcast_in_dim3A_891 = vector.broadcast %jit3A_890 : i32 to vector<16xi32>
      %select_n3A_892 = arith.select %ge3A_889, %iota3A_305, %broadcast_in_dim3A_891 : vector<16xi1>, vector<16xi32>
      %reduce_min3A = arith.constant true
      %reduce_min3A_893 = vector.broadcast %reduce_min3A : i1 to vector<16xi1>
      %reduce_min3A_894 = arith.constant -2147483648 : i32
      %reduce_min3A_895 = vector.broadcast %reduce_min3A_894 : i32 to vector<16xi32>
      %reduce_min3A_896 = arith.xori %select_n3A_892, %reduce_min3A_895 : vector<16xi32>
      %reduce_min3A_897 = tpu.scan <min>, %reduce_min3A_896 masked %reduce_min3A_893 : vector<16xi32>, vector<16xi1> -> vector<16xi32>
      %reduce_min3A_898 = arith.xori %reduce_min3A_897, %reduce_min3A_895 : vector<16xi32>
      %reduce_min3A_899 = vector.extract %reduce_min3A_898[15] : i32 from vector<16xi32>
      %lt3A = vector.broadcast %reduce_min3A_899 : i32 to vector<16xi32>
      %lt3A_900 = arith.cmpi slt, %iota3A_305, %lt3A : vector<16xi32>
      %jit3A_901 = arith.constant 0 : i32
      %broadcast_in_dim3A_902 = vector.broadcast %jit3A_901 : i32 to vector<16xi32>
      %select_n3A_903 = arith.select %lt3A_900, %rev3A_871, %broadcast_in_dim3A_902 : vector<16xi1>, vector<16xi32>
      %reduce_sum3A_904 = arith.constant true
      %reduce_sum3A_905 = vector.broadcast %reduce_sum3A_904 : i1 to vector<16xi1>
      %reduce_sum3A_906 = tpu.scan <sum>, %select_n3A_903 masked %reduce_sum3A_905 : vector<16xi32>, vector<16xi1> -> vector<16xi32>
      %reduce_sum3A_907 = vector.extract %reduce_sum3A_906[15] : i32 from vector<16xi32>
      %eq3A_908 = vector.broadcast %reduce_min3A_899 : i32 to vector<16xi32>
      %eq3A_909 = arith.cmpi eq, %iota3A_305, %eq3A_908 : vector<16xi32>
      %jit3A_910 = arith.constant 0 : i32
      %broadcast_in_dim3A_911 = vector.broadcast %jit3A_910 : i32 to vector<16xi32>
      %select_n3A_912 = arith.select %eq3A_909, %rev3A_871, %broadcast_in_dim3A_911 : vector<16xi1>, vector<16xi32>
      %reduce_sum3A_913 = arith.constant true
      %reduce_sum3A_914 = vector.broadcast %reduce_sum3A_913 : i1 to vector<16xi1>
      %reduce_sum3A_915 = tpu.scan <sum>, %select_n3A_912 masked %reduce_sum3A_914 : vector<16xi32>, vector<16xi1> -> vector<16xi32>
      %reduce_sum3A_916 = vector.extract %reduce_sum3A_915[15] : i32 from vector<16xi32>
      %add3A_917 = arith.constant 15 : i32
      %add3A_918 = arith.addi %mul3A_866, %add3A_917 : i32
      %sub3A_919 = arith.subi %add3A_918, %reduce_min3A_899 : i32
      %eq3A_920 = arith.constant 1 : i32
      %eq3A_921 = arith.cmpi eq, %select_n3A_885, %eq3A_920 : i32
      %select_n3A_922 = arith.select %eq3A_921, %sub3A_919, %while3A_861 : i32
      %eq3A_923 = arith.constant 1 : i32
      %eq3A_924 = arith.cmpi eq, %select_n3A_885, %eq3A_923 : i32
      %add3A_925 = arith.addi %while3A_864, %reduce_sum3A_907 : i32
      %select_n3A_926 = arith.select %eq3A_924, %add3A_925, %while3A_862 : i32
      %eq3A_927 = arith.constant 1 : i32
      %eq3A_928 = arith.cmpi eq, %select_n3A_885, %eq3A_927 : i32
      %select_n3A_929 = arith.select %eq3A_928, %reduce_sum3A_916, %while3A_863 : i32
      %eq3A_930 = arith.constant 1 : i32
      %eq3A_931 = arith.cmpi eq, %select_n3A_885, %eq3A_930 : i32
      %add3A_932 = arith.addi %while3A_864, %reduce_max3A_881 : i32
      %select_n3A_933 = arith.select %eq3A_931, %while3A_864, %add3A_932 : i32
      %sub3A_934 = arith.constant 1 : i32
      %sub3A_935 = arith.subi %while3A_859, %sub3A_934 : i32
      %or3A_936 = arith.ori %while3A_860, %select_n3A_885 : i32
      scf.yield %sub3A_935, %or3A_936, %select_n3A_922, %select_n3A_926, %select_n3A_929, %select_n3A_933 : i32, i32, i32, i32, i32, i32
    }
    %jit3A_312 = arith.constant 4095 : i32
    %select_n3A_313 = arith.select %not3A_298, %while3A_311#2, %jit3A_312 : i32
    %shift_left3A_314 = arith.constant 12 : i32
    %shift_left3A_315 = arith.shli %or3A_291, %shift_left3A_314 : i32
    %or3A_316 = arith.ori %shift_left3A_315, %select_n3A_313 : i32
    %broadcast_in_dim3A_317 = arith.constant 0.000000e+00 : f32
    %broadcast_in_dim3A_318 = vector.broadcast %broadcast_in_dim3A_317 : f32 to vector<16xf32>
    %parallel_loop3A_319 = arith.constant 0 : i32
    %parallel_loop3A_320 = arith.constant 2048 : i32
    %parallel_loop3A_321 = arith.constant 1 : i32
    %parallel_loop3A_322 = scf.for %parallel_loop3A_859 = %parallel_loop3A_319 to %parallel_loop3A_320 step %parallel_loop3A_321 iter_args(%parallel_loop3A_860 = %broadcast_in_dim3A_318) -> (vector<16xf32>)  : i32 {
      %parallel_loop3A_861 = arith.constant 16 : i32
      %parallel_loop3A_862 = arith.muli %parallel_loop3A_859, %parallel_loop3A_861 : i32
      %parallel_loop3A_863 = arith.index_cast %parallel_loop3A_862 : i32 to index
      %parallel_loop3A_864 = tpu.vector_load %arg5[%parallel_loop3A_863] {strides = array<i32>} : memref<32768xf32, #tpu.memory_space<vmem>>, vector<16xf32>,
      %parallel_loop3A_865 = tpu.bitcast %parallel_loop3A_864 : vector<16xf32> -> vector<16xi32>
      %parallel_loop3A_866 = arith.constant 2147483647 : i32
      %parallel_loop3A_867 = vector.broadcast %parallel_loop3A_866 : i32 to vector<16xi32>
      %parallel_loop3A_868 = arith.andi %parallel_loop3A_865, %parallel_loop3A_867 : vector<16xi32>
      %parallel_loop3A_869 = tpu.bitcast %parallel_loop3A_868 : vector<16xi32> -> vector<16xf32>
      %parallel_loop3A_870 = vector.broadcast %or3A_316 : i32 to vector<16xi32>
      %parallel_loop3A_871 = arith.cmpi sgt, %parallel_loop3A_868, %parallel_loop3A_870 : vector<16xi32>
      %parallel_loop3A_872 = arith.select %parallel_loop3A_871, %parallel_loop3A_869, %broadcast_in_dim3A_318 : vector<16xi1>, vector<16xf32>
      %parallel_loop3A_873 = arith.addf %parallel_loop3A_860, %parallel_loop3A_872 : vector<16xf32>
      scf.yield %parallel_loop3A_873 : vector<16xf32>
    } {sc.loop_unroll_factor = 16 : i64, sc.parallel_access}
    %reduce_sum3A_323 = arith.constant true
    %reduce_sum3A_324 = vector.broadcast %reduce_sum3A_323 : i1 to vector<16xi1>
    %reduce_sum3A_325 = tpu.scan <sum>, %parallel_loop3A_322 masked %reduce_sum3A_324 : vector<16xf32>, vector<16xi1> -> vector<16xf32>
    %reduce_sum3A_326 = vector.extract %reduce_sum3A_325[15] : f32 from vector<16xf32>
    %add3A_327 = arith.constant 1 : i32
    %add3A_328 = arith.addi %shift_right_logical3A_254, %add3A_327 : i32
    %mul3A_329 = arith.constant 16 : i32
    %mul3A_330 = arith.muli %add3A_328, %mul3A_329 : i32
    %broadcast_in_dim3A_331 = arith.constant 0 : i32
    %broadcast_in_dim3A_332 = vector.broadcast %broadcast_in_dim3A_331 : i32 to vector<16xi32>
    %add3A_333 = arith.constant 16 : i32
    %add3A_334 = arith.addi %mul3A_330, %add3A_333 : i32
    %sub3A_335 = arith.constant 1 : i32
    %sub3A_336 = arith.subi %add3A_334, %sub3A_335 : i32
    %jit3A_337 = arith.constant 16 : i32
    %div3A_338 = arith.divsi %sub3A_336, %jit3A_337 : i32
    %sign3A_339 = arith.constant 0 : i32
    %sign3A_340 = arith.cmpi sgt, %sub3A_336, %sign3A_339 : i32
    %sign3A_341 = arith.extui %sign3A_340 : i1 to i32
    %sign3A_342 = arith.constant 0 : i32
    %sign3A_343 = arith.cmpi slt, %sub3A_336, %sign3A_342 : i32
    %sign3A_344 = arith.extui %sign3A_343 : i1 to i32
    %sign3A_345 = arith.subi %sign3A_341, %sign3A_344 : i32
    %sign3A_346 = arith.constant 0 : i32
    %sign3A_347 = arith.cmpi sgt, %jit3A_337, %sign3A_346 : i32
    %sign3A_348 = arith.extui %sign3A_347 : i1 to i32
    %sign3A_349 = arith.constant 0 : i32
    %sign3A_350 = arith.cmpi slt, %jit3A_337, %sign3A_349 : i32
    %sign3A_351 = arith.extui %sign3A_350 : i1 to i32
    %sign3A_352 = arith.subi %sign3A_348, %sign3A_351 : i32
    %ne3A_353 = arith.cmpi ne, %sign3A_345, %sign3A_352 : i32
    %rem3A_354 = arith.remsi %sub3A_336, %jit3A_337 : i32
    %ne3A_355 = arith.constant 0 : i32
    %ne3A_356 = arith.cmpi ne, %rem3A_354, %ne3A_355 : i32
    %and3A_357 = arith.andi %ne3A_353, %ne3A_356 : i1
    %sub3A_358 = arith.constant 1 : i32
    %sub3A_359 = arith.subi %div3A_338, %sub3A_358 : i32
    %select_n3A_360 = arith.select %and3A_357, %sub3A_359, %div3A_338 : i32
    %parallel_loop3A_361 = arith.constant 0 : i32
    %parallel_loop3A_362 = arith.constant 1 : i32
    scf.for %parallel_loop3A_859 = %parallel_loop3A_361 to %select_n3A_360 step %parallel_loop3A_362  : i32 {
      %parallel_loop3A_860 = arith.constant 16 : i32
      %parallel_loop3A_861 = arith.muli %parallel_loop3A_859, %parallel_loop3A_860 : i32
      %parallel_loop3A_862 = arith.index_cast %parallel_loop3A_861 : i32 to index
      %parallel_loop3A_863 = tpu.vector_load %arg6[%parallel_loop3A_862] {strides = array<i32>} : memref<4096xi32, #tpu.memory_space<vmem>>, vector<16xi32>,
      tpu.vector_store %arg6[%parallel_loop3A_862], %broadcast_in_dim3A_332 {strides = array<i32>} : memref<4096xi32, #tpu.memory_space<vmem>>, vector<16xi32>,
    } {sc.loop_unroll_factor = 4 : i64, sc.parallel_access}
    %broadcast_in_dim3A_363 = arith.constant 0 : i32
    %broadcast_in_dim3A_364 = vector.broadcast %broadcast_in_dim3A_363 : i32 to vector<16xi32>
    %add3A_365 = arith.constant 2048 : i32
    %add3A_366 = arith.constant 16 : i32
    %add3A_367 = arith.addi %add3A_365, %add3A_366 : i32
    %sub3A_368 = arith.constant 1 : i32
    %sub3A_369 = arith.subi %add3A_367, %sub3A_368 : i32
    %jit3A_370 = arith.constant 16 : i32
    %div3A_371 = arith.divsi %sub3A_369, %jit3A_370 : i32
    %sign3A_372 = arith.constant 0 : i32
    %sign3A_373 = arith.cmpi sgt, %sub3A_369, %sign3A_372 : i32
    %sign3A_374 = arith.extui %sign3A_373 : i1 to i32
    %sign3A_375 = arith.constant 0 : i32
    %sign3A_376 = arith.cmpi slt, %sub3A_369, %sign3A_375 : i32
    %sign3A_377 = arith.extui %sign3A_376 : i1 to i32
    %sign3A_378 = arith.subi %sign3A_374, %sign3A_377 : i32
    %sign3A_379 = arith.constant 0 : i32
    %sign3A_380 = arith.cmpi sgt, %jit3A_370, %sign3A_379 : i32
    %sign3A_381 = arith.extui %sign3A_380 : i1 to i32
    %sign3A_382 = arith.constant 0 : i32
    %sign3A_383 = arith.cmpi slt, %jit3A_370, %sign3A_382 : i32
    %sign3A_384 = arith.extui %sign3A_383 : i1 to i32
    %sign3A_385 = arith.subi %sign3A_381, %sign3A_384 : i32
    %ne3A_386 = arith.cmpi ne, %sign3A_378, %sign3A_385 : i32
    %rem3A_387 = arith.remsi %sub3A_369, %jit3A_370 : i32
    %ne3A_388 = arith.constant 0 : i32
    %ne3A_389 = arith.cmpi ne, %rem3A_387, %ne3A_388 : i32
    %and3A_390 = arith.andi %ne3A_386, %ne3A_389 : i1
    %sub3A_391 = arith.constant 1 : i32
    %sub3A_392 = arith.subi %div3A_371, %sub3A_391 : i32
    %select_n3A_393 = arith.select %and3A_390, %sub3A_392, %div3A_371 : i32
    %parallel_loop3A_394 = arith.constant 0 : i32
    %parallel_loop3A_395 = arith.constant 1 : i32
    scf.for %parallel_loop3A_859 = %parallel_loop3A_394 to %select_n3A_393 step %parallel_loop3A_395  : i32 {
      %parallel_loop3A_860 = arith.constant 16 : i32
      %parallel_loop3A_861 = arith.muli %parallel_loop3A_859, %parallel_loop3A_860 : i32
      %parallel_loop3A_862 = arith.index_cast %parallel_loop3A_861 : i32 to index
      %parallel_loop3A_863 = tpu.vector_load %arg7[%parallel_loop3A_862] {strides = array<i32>} : memref<2048xi32, #tpu.memory_space<vmem>>, vector<16xi32>,
      tpu.vector_store %arg7[%parallel_loop3A_862], %broadcast_in_dim3A_364 {strides = array<i32>} : memref<2048xi32, #tpu.memory_space<vmem>>, vector<16xi32>,
    } {sc.loop_unroll_factor = 4 : i64, sc.parallel_access}
    %jit3A_396 = arith.constant 4096 : i32
    %jit3A_397 = arith.constant 0 : i32
    %select_n3A_398 = arith.select %not3A_298, %jit3A_396, %jit3A_397 : i32
    %broadcast_in_dim3A_399 = arith.constant 0 : i32
    %broadcast_in_dim3A_400 = vector.broadcast %broadcast_in_dim3A_399 : i32 to vector<16xi32>
    %add3A_401 = arith.constant 16 : i32
    %add3A_402 = arith.addi %select_n3A_398, %add3A_401 : i32
    %sub3A_403 = arith.constant 1 : i32
    %sub3A_404 = arith.subi %add3A_402, %sub3A_403 : i32
    %jit3A_405 = arith.constant 16 : i32
    %div3A_406 = arith.divsi %sub3A_404, %jit3A_405 : i32
    %sign3A_407 = arith.constant 0 : i32
    %sign3A_408 = arith.cmpi sgt, %sub3A_404, %sign3A_407 : i32
    %sign3A_409 = arith.extui %sign3A_408 : i1 to i32
    %sign3A_410 = arith.constant 0 : i32
    %sign3A_411 = arith.cmpi slt, %sub3A_404, %sign3A_410 : i32
    %sign3A_412 = arith.extui %sign3A_411 : i1 to i32
    %sign3A_413 = arith.subi %sign3A_409, %sign3A_412 : i32
    %sign3A_414 = arith.constant 0 : i32
    %sign3A_415 = arith.cmpi sgt, %jit3A_405, %sign3A_414 : i32
    %sign3A_416 = arith.extui %sign3A_415 : i1 to i32
    %sign3A_417 = arith.constant 0 : i32
    %sign3A_418 = arith.cmpi slt, %jit3A_405, %sign3A_417 : i32
    %sign3A_419 = arith.extui %sign3A_418 : i1 to i32
    %sign3A_420 = arith.subi %sign3A_416, %sign3A_419 : i32
    %ne3A_421 = arith.cmpi ne, %sign3A_413, %sign3A_420 : i32
    %rem3A_422 = arith.remsi %sub3A_404, %jit3A_405 : i32
    %ne3A_423 = arith.constant 0 : i32
    %ne3A_424 = arith.cmpi ne, %rem3A_422, %ne3A_423 : i32
    %and3A_425 = arith.andi %ne3A_421, %ne3A_424 : i1
    %sub3A_426 = arith.constant 1 : i32
    %sub3A_427 = arith.subi %div3A_406, %sub3A_426 : i32
    %select_n3A_428 = arith.select %and3A_425, %sub3A_427, %div3A_406 : i32
    %parallel_loop3A_429 = arith.constant 0 : i32
    %parallel_loop3A_430 = arith.constant 1 : i32
    scf.for %parallel_loop3A_859 = %parallel_loop3A_429 to %select_n3A_428 step %parallel_loop3A_430  : i32 {
      %parallel_loop3A_860 = arith.constant 16 : i32
      %parallel_loop3A_861 = arith.muli %parallel_loop3A_859, %parallel_loop3A_860 : i32
      %parallel_loop3A_862 = arith.index_cast %parallel_loop3A_861 : i32 to index
      %parallel_loop3A_863 = tpu.vector_load %arg8[%parallel_loop3A_862] {strides = array<i32>} : memref<4096xi32, #tpu.memory_space<vmem>>, vector<16xi32>,
      tpu.vector_store %arg8[%parallel_loop3A_862], %broadcast_in_dim3A_400 {strides = array<i32>} : memref<4096xi32, #tpu.memory_space<vmem>>, vector<16xi32>,
    } {sc.loop_unroll_factor = 4 : i64, sc.parallel_access}
    %eq3A_431 = arith.constant 1 : i32
    %eq3A_432 = vector.broadcast %eq3A_431 : i32 to vector<16xi32>
    %eq3A_433 = arith.cmpi eq, %iota3A, %eq3A_432 : vector<16xi32>
    %broadcast_in_dim3A_434 = vector.broadcast %reduce_sum3A_326 : f32 to vector<16xf32>
    %select_n3A_435 = arith.select %eq3A_433, %broadcast_in_dim3A_434, %select_n3A_219 : vector<16xi1>, vector<16xf32>
    %add3A_436 = arith.constant 1 : i32
    %add3A_437 = arith.addi %mul3A_2, %add3A_436 : i32
    %add3A_438 = arith.constant 2 : i32
    %add3A_439 = arith.addi %add3A_437, %add3A_438 : i32
    %dma_start3A_440 = arith.constant 0 : i32
    %dma_start3A_441 = tpu.memref_slice %arg2[%add3A_439, %dma_start3A_440] : memref<128x32768xf32, #tpu.memory_space<hbm>> -> memref<1x32768xf32, #tpu.memory_space<hbm>>
    %dma_start3A_442 = tpu.memref_squeeze %dma_start3A_441 : memref<1x32768xf32, #tpu.memory_space<hbm>> -> memref<32768xf32, #tpu.memory_space<hbm>>
    %dma_start3A_443 = arith.constant 0 : i32
    %dma_start3A_444 = tpu.memref_slice %arg2[%add3A_439, %dma_start3A_443] : memref<128x32768xf32, #tpu.memory_space<hbm>> -> memref<1x32768xf32, #tpu.memory_space<hbm>>
    %dma_start3A_445 = tpu.memref_squeeze %dma_start3A_444 : memref<1x32768xf32, #tpu.memory_space<hbm>> -> memref<32768xf32, #tpu.memory_space<hbm>>
    tpu.enqueue_dma source(%dma_start3A_445 : memref<32768xf32, #tpu.memory_space<hbm>>) target(%arg5 : memref<32768xf32, #tpu.memory_space<vmem>>) target_semaphore(%arg11 : memref<!tpu.dma_semaphore, #tpu.memory_space<semaphore_mem>>)
    %dma_wait3A_446 = arith.constant 0 : i32
    %dma_wait3A_447 = tpu.memref_slice %arg2[%add3A_223, %dma_wait3A_446] : memref<128x32768xf32, #tpu.memory_space<hbm>> -> memref<1x32768xf32, #tpu.memory_space<hbm>>
    %dma_wait3A_448 = tpu.memref_squeeze %dma_wait3A_447 : memref<1x32768xf32, #tpu.memory_space<hbm>> -> memref<32768xf32, #tpu.memory_space<hbm>>
    %dma_wait3A_449 = arith.constant 0 : i32
    %dma_wait3A_450 = tpu.memref_slice %arg2[%add3A_223, %dma_wait3A_449] : memref<128x32768xf32, #tpu.memory_space<hbm>> -> memref<1x32768xf32, #tpu.memory_space<hbm>>
    %dma_wait3A_451 = tpu.memref_squeeze %dma_wait3A_450 : memref<1x32768xf32, #tpu.memory_space<hbm>> -> memref<32768xf32, #tpu.memory_space<hbm>>
    tpu.wait_dma2 semaphore(%arg10 : memref<!tpu.dma_semaphore, #tpu.memory_space<semaphore_mem>>) src(%dma_wait3A_451 : memref<32768xf32, #tpu.memory_space<hbm>>) dst(%arg4 : memref<32768xf32, #tpu.memory_space<vmem>>)
    %broadcast_in_dim3A_452 = arith.constant 1 : i32
    %broadcast_in_dim3A_453 = vector.broadcast %broadcast_in_dim3A_452 : i32 to vector<16xi32>
    %iota3A_454 = tpu.iota {dimensions = array<i32: 0>} : vector<16xi32>
    %broadcast_in_dim3A_455 = arith.constant 0 : i32
    %broadcast_in_dim3A_456 = vector.broadcast %broadcast_in_dim3A_455 : i32 to vector<16xi32>
    %parallel_loop3A_457 = arith.constant 0 : i32
    %parallel_loop3A_458 = arith.constant 2048 : i32
    %parallel_loop3A_459 = arith.constant 1 : i32
    %parallel_loop3A_460 = scf.for %parallel_loop3A_859 = %parallel_loop3A_457 to %parallel_loop3A_458 step %parallel_loop3A_459 iter_args(%parallel_loop3A_860 = %broadcast_in_dim3A_456) -> (vector<16xi32>)  : i32 {
      %parallel_loop3A_861 = arith.constant 16 : i32
      %parallel_loop3A_862 = arith.muli %parallel_loop3A_859, %parallel_loop3A_861 : i32
      %parallel_loop3A_863 = arith.index_cast %parallel_loop3A_862 : i32 to index
      %parallel_loop3A_864 = tpu.vector_load %arg4[%parallel_loop3A_863] {strides = array<i32>} : memref<32768xf32, #tpu.memory_space<vmem>>, vector<16xf32>,
      %parallel_loop3A_865 = tpu.bitcast %parallel_loop3A_864 : vector<16xf32> -> vector<16xi32>
      %parallel_loop3A_866 = arith.constant 2147483647 : i32
      %parallel_loop3A_867 = vector.broadcast %parallel_loop3A_866 : i32 to vector<16xi32>
      %parallel_loop3A_868 = arith.andi %parallel_loop3A_865, %parallel_loop3A_867 : vector<16xi32>
      %parallel_loop3A_869 = arith.constant 19 : i32
      %parallel_loop3A_870 = vector.broadcast %parallel_loop3A_869 : i32 to vector<16xi32>
      %parallel_loop3A_871 = arith.shrui %parallel_loop3A_868, %parallel_loop3A_870 : vector<16xi32>
      %parallel_loop3A_872 = arith.constant 4080 : i32
      %parallel_loop3A_873 = vector.broadcast %parallel_loop3A_872 : i32 to vector<16xi32>
      %parallel_loop3A_874 = arith.andi %parallel_loop3A_871, %parallel_loop3A_873 : vector<16xi32>
      %parallel_loop3A_875 = arith.ori %parallel_loop3A_874, %iota3A_454 : vector<16xi32>
      tpu.vector_store_idx %arg6[%parallel_loop3A_875], %broadcast_in_dim3A_453 {add = true} : memref<4096xi32, #tpu.memory_space<vmem>>[vector<16xi32>], vector<16xi32>,
      %parallel_loop3A_876 = arith.maxsi %parallel_loop3A_860, %parallel_loop3A_868 : vector<16xi32>
      scf.yield %parallel_loop3A_876 : vector<16xi32>
    } {sc.loop_unroll_factor = 16 : i64, sc.parallel_access}
    %reduce_max3A_461 = arith.constant true
    %reduce_max3A_462 = vector.broadcast %reduce_max3A_461 : i1 to vector<16xi1>
    %reduce_max3A_463 = arith.constant -2147483648 : i32
    %reduce_max3A_464 = vector.broadcast %reduce_max3A_463 : i32 to vector<16xi32>
    %reduce_max3A_465 = arith.xori %parallel_loop3A_460, %reduce_max3A_464 : vector<16xi32>
    %reduce_max3A_466 = tpu.scan <max>, %reduce_max3A_465 masked %reduce_max3A_462 : vector<16xi32>, vector<16xi1> -> vector<16xi32>
    %reduce_max3A_467 = arith.xori %reduce_max3A_466, %reduce_max3A_464 : vector<16xi32>
    %reduce_max3A_468 = vector.extract %reduce_max3A_467[15] : i32 from vector<16xi32>
    %shift_right_logical3A_469 = arith.constant 23 : i32
    %shift_right_logical3A_470 = arith.shrui %reduce_max3A_468, %shift_right_logical3A_469 : i32
    %while3A_471 = arith.constant 3277 : i32
    %while3A_472 = arith.constant 0 : i32
    %while3A_473 = arith.constant 0 : i32
    %while3A_474 = arith.constant 0 : i32
    %while3A_475 = arith.constant 0 : i32
    %while3A_476 = arith.constant 0 : i32
    %while3A_477:6 = scf.while (%while3A_859 = %shift_right_logical3A_470, %while3A_860 = %while3A_472, %while3A_861 = %while3A_473, %while3A_862 = %while3A_474, %while3A_863 = %while3A_475, %while3A_864 = %while3A_476) : (i32, i32, i32, i32, i32, i32) -> (i32, i32, i32, i32, i32, i32) {
      %eq3A_865 = arith.constant 0 : i32
      %eq3A_866 = arith.cmpi eq, %while3A_860, %eq3A_865 : i32
      %ge3A = arith.constant 0 : i32
      %ge3A_867 = arith.cmpi sge, %while3A_859, %ge3A : i32
      %and3A_868 = arith.andi %eq3A_866, %ge3A_867 : i1
      scf.condition(%and3A_868) %while3A_859, %while3A_860, %while3A_861, %while3A_862, %while3A_863, %while3A_864 : i32, i32, i32, i32, i32, i32
    } do {
    ^bb0(%while3A_859: i32, %while3A_860: i32, %while3A_861: i32, %while3A_862: i32, %while3A_863: i32, %while3A_864: i32):
      %mul3A_865 = arith.constant 16 : i32
      %mul3A_866 = arith.muli %while3A_859, %mul3A_865 : i32
      %get3A = arith.index_cast %mul3A_866 : i32 to index
      %get3A_867 = tpu.vector_load %arg6[%get3A] {strides = array<i32>} : memref<4096xi32, #tpu.memory_space<vmem>>, vector<16xi32>,
      %reduce_sum3A_868 = arith.constant true
      %reduce_sum3A_869 = vector.broadcast %reduce_sum3A_868 : i1 to vector<16xi1>
      %reduce_sum3A_870 = tpu.scan <sum>, %get3A_867 masked %reduce_sum3A_869 : vector<16xi32>, vector<16xi1> -> vector<16xi32>
      %reduce_sum3A_871 = vector.extract %reduce_sum3A_870[15] : i32 from vector<16xi32>
      %add3A_872 = arith.addi %while3A_864, %reduce_sum3A_871 : i32
      %ge3A = arith.cmpi sge, %add3A_872, %while3A_471 : i32
      %jit3A_873 = arith.constant 1 : i32
      %jit3A_874 = arith.constant 0 : i32
      %select_n3A_875 = arith.select %ge3A, %jit3A_873, %jit3A_874 : i32
      %eq3A_876 = arith.constant 1 : i32
      %eq3A_877 = arith.cmpi eq, %select_n3A_875, %eq3A_876 : i32
      %select_n3A_878 = arith.select %eq3A_877, %while3A_859, %while3A_861 : i32
      %eq3A_879 = arith.constant 1 : i32
      %eq3A_880 = arith.cmpi eq, %select_n3A_875, %eq3A_879 : i32
      %select_n3A_881 = arith.select %eq3A_880, %while3A_864, %while3A_862 : i32
      %eq3A_882 = arith.constant 1 : i32
      %eq3A_883 = arith.cmpi eq, %select_n3A_875, %eq3A_882 : i32
      %select_n3A_884 = arith.select %eq3A_883, %reduce_sum3A_871, %while3A_863 : i32
      %eq3A_885 = arith.constant 1 : i32
      %eq3A_886 = arith.cmpi eq, %select_n3A_875, %eq3A_885 : i32
      %add3A_887 = arith.addi %while3A_864, %reduce_sum3A_871 : i32
      %select_n3A_888 = arith.select %eq3A_886, %while3A_864, %add3A_887 : i32
      %sub3A_889 = arith.constant 1 : i32
      %sub3A_890 = arith.subi %while3A_859, %sub3A_889 : i32
      %or3A_891 = arith.ori %while3A_860, %select_n3A_875 : i32
      scf.yield %sub3A_890, %or3A_891, %select_n3A_878, %select_n3A_881, %select_n3A_884, %select_n3A_888 : i32, i32, i32, i32, i32, i32
    }
    %sub3A_478 = arith.constant 3277 : i32
    %sub3A_479 = arith.subi %sub3A_478, %while3A_477#3 : i32
    %broadcast_in_dim3A_480 = arith.constant 1 : i32
    %broadcast_in_dim3A_481 = vector.broadcast %broadcast_in_dim3A_480 : i32 to vector<16xi32>
    %parallel_loop3A_482 = arith.constant 0 : i32
    %parallel_loop3A_483 = arith.constant 2048 : i32
    %parallel_loop3A_484 = arith.constant 1 : i32
    scf.for %parallel_loop3A_859 = %parallel_loop3A_482 to %parallel_loop3A_483 step %parallel_loop3A_484  : i32 {
      %parallel_loop3A_860 = arith.constant 16 : i32
      %parallel_loop3A_861 = arith.muli %parallel_loop3A_859, %parallel_loop3A_860 : i32
      %parallel_loop3A_862 = arith.index_cast %parallel_loop3A_861 : i32 to index
      %parallel_loop3A_863 = tpu.vector_load %arg4[%parallel_loop3A_862] {strides = array<i32>} : memref<32768xf32, #tpu.memory_space<vmem>>, vector<16xf32>,
      %parallel_loop3A_864 = tpu.bitcast %parallel_loop3A_863 : vector<16xf32> -> vector<16xi32>
      %parallel_loop3A_865 = arith.constant 2147483647 : i32
      %parallel_loop3A_866 = vector.broadcast %parallel_loop3A_865 : i32 to vector<16xi32>
      %parallel_loop3A_867 = arith.andi %parallel_loop3A_864, %parallel_loop3A_866 : vector<16xi32>
      %parallel_loop3A_868 = arith.constant 23 : i32
      %parallel_loop3A_869 = vector.broadcast %parallel_loop3A_868 : i32 to vector<16xi32>
      %parallel_loop3A_870 = arith.shrui %parallel_loop3A_867, %parallel_loop3A_869 : vector<16xi32>
      %parallel_loop3A_871 = vector.broadcast %while3A_477#2 : i32 to vector<16xi32>
      %parallel_loop3A_872 = arith.cmpi eq, %parallel_loop3A_870, %parallel_loop3A_871 : vector<16xi32>
      %parallel_loop3A_873 = arith.constant 12 : i32
      %parallel_loop3A_874 = vector.broadcast %parallel_loop3A_873 : i32 to vector<16xi32>
      %parallel_loop3A_875 = arith.shrui %parallel_loop3A_867, %parallel_loop3A_874 : vector<16xi32>
      %parallel_loop3A_876 = arith.constant 2047 : i32
      %parallel_loop3A_877 = vector.broadcast %parallel_loop3A_876 : i32 to vector<16xi32>
      %parallel_loop3A_878 = arith.andi %parallel_loop3A_875, %parallel_loop3A_877 : vector<16xi32>
      tpu.vector_store_idx %arg7[%parallel_loop3A_878], %broadcast_in_dim3A_481 masked %parallel_loop3A_872 {add = true} : memref<2048xi32, #tpu.memory_space<vmem>>[vector<16xi32>], vector<16xi32>, vector<16xi1>
    } {sc.loop_unroll_factor = 16 : i64, sc.parallel_access}
    %while3A_485 = arith.constant 31 : i32
    %while3A_486 = arith.constant 0 : i32
    %while3A_487 = arith.constant 0 : i32
    %while3A_488 = arith.constant 0 : i32
    %while3A_489 = arith.constant 0 : i32
    %while3A_490:5 = scf.while (%while3A_859 = %while3A_485, %while3A_860 = %while3A_486, %while3A_861 = %while3A_487, %while3A_862 = %while3A_488, %while3A_863 = %while3A_489) : (i32, i32, i32, i32, i32) -> (i32, i32, i32, i32, i32) {
      %eq3A_864 = arith.constant 0 : i32
      %eq3A_865 = arith.cmpi eq, %while3A_860, %eq3A_864 : i32
      %ge3A = arith.constant 0 : i32
      %ge3A_866 = arith.cmpi sge, %while3A_859, %ge3A : i32
      %and3A_867 = arith.andi %eq3A_865, %ge3A_866 : i1
      scf.condition(%and3A_867) %while3A_859, %while3A_860, %while3A_861, %while3A_862, %while3A_863 : i32, i32, i32, i32, i32
    } do {
    ^bb0(%while3A_859: i32, %while3A_860: i32, %while3A_861: i32, %while3A_862: i32, %while3A_863: i32):
      %mul3A_864 = arith.constant 4 : i32
      %mul3A_865 = arith.muli %while3A_859, %mul3A_864 : i32
      %mul3A_866 = arith.constant 16 : i32
      %mul3A_867 = arith.muli %mul3A_865, %mul3A_866 : i32
      %get3A = arith.index_cast %mul3A_867 : i32 to index
      %get3A_868 = tpu.vector_load %arg7[%get3A] {strides = array<i32>} : memref<2048xi32, #tpu.memory_space<vmem>>, vector<16xi32>,
      %add3A_869 = arith.constant 16 : i32
      %add3A_870 = arith.addi %mul3A_867, %add3A_869 : i32
      %get3A_871 = arith.index_cast %add3A_870 : i32 to index
      %get3A_872 = tpu.vector_load %arg7[%get3A_871] {strides = array<i32>} : memref<2048xi32, #tpu.memory_space<vmem>>, vector<16xi32>,
      %add3A_873 = arith.addi %get3A_868, %get3A_872 : vector<16xi32>
      %add3A_874 = arith.constant 32 : i32
      %add3A_875 = arith.addi %mul3A_867, %add3A_874 : i32
      %get3A_876 = arith.index_cast %add3A_875 : i32 to index
      %get3A_877 = tpu.vector_load %arg7[%get3A_876] {strides = array<i32>} : memref<2048xi32, #tpu.memory_space<vmem>>, vector<16xi32>,
      %add3A_878 = arith.addi %add3A_873, %get3A_877 : vector<16xi32>
      %add3A_879 = arith.constant 48 : i32
      %add3A_880 = arith.addi %mul3A_867, %add3A_879 : i32
      %get3A_881 = arith.index_cast %add3A_880 : i32 to index
      %get3A_882 = tpu.vector_load %arg7[%get3A_881] {strides = array<i32>} : memref<2048xi32, #tpu.memory_space<vmem>>, vector<16xi32>,
      %add3A_883 = arith.addi %add3A_878, %get3A_882 : vector<16xi32>
      %reduce_sum3A_884 = arith.constant true
      %reduce_sum3A_885 = vector.broadcast %reduce_sum3A_884 : i1 to vector<16xi1>
      %reduce_sum3A_886 = tpu.scan <sum>, %add3A_883 masked %reduce_sum3A_885 : vector<16xi32>, vector<16xi1> -> vector<16xi32>
      %reduce_sum3A_887 = vector.extract %reduce_sum3A_886[15] : i32 from vector<16xi32>
      %add3A_888 = arith.addi %while3A_863, %reduce_sum3A_887 : i32
      %ge3A = arith.cmpi sge, %add3A_888, %sub3A_479 : i32
      %jit3A_889 = arith.constant 1 : i32
      %jit3A_890 = arith.constant 0 : i32
      %select_n3A_891 = arith.select %ge3A, %jit3A_889, %jit3A_890 : i32
      %eq3A_892 = arith.constant 1 : i32
      %eq3A_893 = arith.cmpi eq, %select_n3A_891, %eq3A_892 : i32
      %select_n3A_894 = arith.select %eq3A_893, %while3A_859, %while3A_861 : i32
      %eq3A_895 = arith.constant 1 : i32
      %eq3A_896 = arith.cmpi eq, %select_n3A_891, %eq3A_895 : i32
      %select_n3A_897 = arith.select %eq3A_896, %while3A_863, %while3A_862 : i32
      %eq3A_898 = arith.constant 1 : i32
      %eq3A_899 = arith.cmpi eq, %select_n3A_891, %eq3A_898 : i32
      %add3A_900 = arith.addi %while3A_863, %reduce_sum3A_887 : i32
      %select_n3A_901 = arith.select %eq3A_899, %while3A_863, %add3A_900 : i32
      %sub3A_902 = arith.constant 1 : i32
      %sub3A_903 = arith.subi %while3A_859, %sub3A_902 : i32
      %or3A_904 = arith.ori %while3A_860, %select_n3A_891 : i32
      scf.yield %sub3A_903, %or3A_904, %select_n3A_894, %select_n3A_897, %select_n3A_901 : i32, i32, i32, i32, i32
    }
    %mul3A_491 = arith.constant 4 : i32
    %mul3A_492 = arith.muli %while3A_490#2, %mul3A_491 : i32
    %add3A_493 = arith.constant 3 : i32
    %add3A_494 = arith.addi %mul3A_492, %add3A_493 : i32
    %sub3A_495 = arith.subi %sub3A_479, %while3A_490#3 : i32
    %iota3A_496 = tpu.iota {dimensions = array<i32: 0>} : vector<16xi32>
    %while3A_497 = arith.constant 0 : i32
    %while3A_498 = arith.constant 0 : i32
    %while3A_499 = arith.constant 0 : i32
    %while3A_500 = arith.constant 0 : i32
    %while3A_501 = arith.constant 0 : i32
    %while3A_502:6 = scf.while (%while3A_859 = %add3A_494, %while3A_860 = %while3A_497, %while3A_861 = %while3A_498, %while3A_862 = %while3A_499, %while3A_863 = %while3A_500, %while3A_864 = %while3A_501) : (i32, i32, i32, i32, i32, i32) -> (i32, i32, i32, i32, i32, i32) {
      %eq3A_865 = arith.constant 0 : i32
      %eq3A_866 = arith.cmpi eq, %while3A_860, %eq3A_865 : i32
      %ge3A = arith.constant 0 : i32
      %ge3A_867 = arith.cmpi sge, %while3A_859, %ge3A : i32
      %and3A_868 = arith.andi %eq3A_866, %ge3A_867 : i1
      scf.condition(%and3A_868) %while3A_859, %while3A_860, %while3A_861, %while3A_862, %while3A_863, %while3A_864 : i32, i32, i32, i32, i32, i32
    } do {
    ^bb0(%while3A_859: i32, %while3A_860: i32, %while3A_861: i32, %while3A_862: i32, %while3A_863: i32, %while3A_864: i32):
      %mul3A_865 = arith.constant 16 : i32
      %mul3A_866 = arith.muli %while3A_859, %mul3A_865 : i32
      %get3A = arith.index_cast %mul3A_866 : i32 to index
      %get3A_867 = tpu.vector_load %arg7[%get3A] {strides = array<i32>} : memref<2048xi32, #tpu.memory_space<vmem>>, vector<16xi32>,
      %rev3A = arith.constant 15 : i32
      %rev3A_868 = vector.broadcast %rev3A : i32 to vector<16xi32>
      %rev3A_869 = tpu.iota {dimensions = array<i32: 0>} : vector<16xi32>
      %rev3A_870 = arith.subi %rev3A_868, %rev3A_869 : vector<16xi32>
      %rev3A_871 = tpu.dynamic_gather %get3A_867[%rev3A_870] in [0] : vector<16xi32>, vector<16xi32> -> vector<16xi32>
      %cumsum3A = arith.constant true
      %cumsum3A_872 = vector.broadcast %cumsum3A : i1 to vector<16xi1>
      %cumsum3A_873 = tpu.scan <sum>, %rev3A_871 masked %cumsum3A_872 : vector<16xi32>, vector<16xi1> -> vector<16xi32>
      %reduce_max3A_874 = arith.constant true
      %reduce_max3A_875 = vector.broadcast %reduce_max3A_874 : i1 to vector<16xi1>
      %reduce_max3A_876 = arith.constant -2147483648 : i32
      %reduce_max3A_877 = vector.broadcast %reduce_max3A_876 : i32 to vector<16xi32>
      %reduce_max3A_878 = arith.xori %cumsum3A_873, %reduce_max3A_877 : vector<16xi32>
      %reduce_max3A_879 = tpu.scan <max>, %reduce_max3A_878 masked %reduce_max3A_875 : vector<16xi32>, vector<16xi1> -> vector<16xi32>
      %reduce_max3A_880 = arith.xori %reduce_max3A_879, %reduce_max3A_877 : vector<16xi32>
      %reduce_max3A_881 = vector.extract %reduce_max3A_880[15] : i32 from vector<16xi32>
      %add3A_882 = arith.addi %while3A_864, %reduce_max3A_881 : i32
      %ge3A = arith.cmpi sge, %add3A_882, %sub3A_495 : i32
      %jit3A_883 = arith.constant 1 : i32
      %jit3A_884 = arith.constant 0 : i32
      %select_n3A_885 = arith.select %ge3A, %jit3A_883, %jit3A_884 : i32
      %add3A_886 = vector.broadcast %while3A_864 : i32 to vector<16xi32>
      %add3A_887 = arith.addi %add3A_886, %cumsum3A_873 : vector<16xi32>
      %ge3A_888 = vector.broadcast %sub3A_495 : i32 to vector<16xi32>
      %ge3A_889 = arith.cmpi sge, %add3A_887, %ge3A_888 : vector<16xi32>
      %jit3A_890 = arith.constant 16 : i32
      %broadcast_in_dim3A_891 = vector.broadcast %jit3A_890 : i32 to vector<16xi32>
      %select_n3A_892 = arith.select %ge3A_889, %iota3A_496, %broadcast_in_dim3A_891 : vector<16xi1>, vector<16xi32>
      %reduce_min3A = arith.constant true
      %reduce_min3A_893 = vector.broadcast %reduce_min3A : i1 to vector<16xi1>
      %reduce_min3A_894 = arith.constant -2147483648 : i32
      %reduce_min3A_895 = vector.broadcast %reduce_min3A_894 : i32 to vector<16xi32>
      %reduce_min3A_896 = arith.xori %select_n3A_892, %reduce_min3A_895 : vector<16xi32>
      %reduce_min3A_897 = tpu.scan <min>, %reduce_min3A_896 masked %reduce_min3A_893 : vector<16xi32>, vector<16xi1> -> vector<16xi32>
      %reduce_min3A_898 = arith.xori %reduce_min3A_897, %reduce_min3A_895 : vector<16xi32>
      %reduce_min3A_899 = vector.extract %reduce_min3A_898[15] : i32 from vector<16xi32>
      %lt3A = vector.broadcast %reduce_min3A_899 : i32 to vector<16xi32>
      %lt3A_900 = arith.cmpi slt, %iota3A_496, %lt3A : vector<16xi32>
      %jit3A_901 = arith.constant 0 : i32
      %broadcast_in_dim3A_902 = vector.broadcast %jit3A_901 : i32 to vector<16xi32>
      %select_n3A_903 = arith.select %lt3A_900, %rev3A_871, %broadcast_in_dim3A_902 : vector<16xi1>, vector<16xi32>
      %reduce_sum3A_904 = arith.constant true
      %reduce_sum3A_905 = vector.broadcast %reduce_sum3A_904 : i1 to vector<16xi1>
      %reduce_sum3A_906 = tpu.scan <sum>, %select_n3A_903 masked %reduce_sum3A_905 : vector<16xi32>, vector<16xi1> -> vector<16xi32>
      %reduce_sum3A_907 = vector.extract %reduce_sum3A_906[15] : i32 from vector<16xi32>
      %eq3A_908 = vector.broadcast %reduce_min3A_899 : i32 to vector<16xi32>
      %eq3A_909 = arith.cmpi eq, %iota3A_496, %eq3A_908 : vector<16xi32>
      %jit3A_910 = arith.constant 0 : i32
      %broadcast_in_dim3A_911 = vector.broadcast %jit3A_910 : i32 to vector<16xi32>
      %select_n3A_912 = arith.select %eq3A_909, %rev3A_871, %broadcast_in_dim3A_911 : vector<16xi1>, vector<16xi32>
      %reduce_sum3A_913 = arith.constant true
      %reduce_sum3A_914 = vector.broadcast %reduce_sum3A_913 : i1 to vector<16xi1>
      %reduce_sum3A_915 = tpu.scan <sum>, %select_n3A_912 masked %reduce_sum3A_914 : vector<16xi32>, vector<16xi1> -> vector<16xi32>
      %reduce_sum3A_916 = vector.extract %reduce_sum3A_915[15] : i32 from vector<16xi32>
      %add3A_917 = arith.constant 15 : i32
      %add3A_918 = arith.addi %mul3A_866, %add3A_917 : i32
      %sub3A_919 = arith.subi %add3A_918, %reduce_min3A_899 : i32
      %eq3A_920 = arith.constant 1 : i32
      %eq3A_921 = arith.cmpi eq, %select_n3A_885, %eq3A_920 : i32
      %select_n3A_922 = arith.select %eq3A_921, %sub3A_919, %while3A_861 : i32
      %eq3A_923 = arith.constant 1 : i32
      %eq3A_924 = arith.cmpi eq, %select_n3A_885, %eq3A_923 : i32
      %add3A_925 = arith.addi %while3A_864, %reduce_sum3A_907 : i32
      %select_n3A_926 = arith.select %eq3A_924, %add3A_925, %while3A_862 : i32
      %eq3A_927 = arith.constant 1 : i32
      %eq3A_928 = arith.cmpi eq, %select_n3A_885, %eq3A_927 : i32
      %select_n3A_929 = arith.select %eq3A_928, %reduce_sum3A_916, %while3A_863 : i32
      %eq3A_930 = arith.constant 1 : i32
      %eq3A_931 = arith.cmpi eq, %select_n3A_885, %eq3A_930 : i32
      %add3A_932 = arith.addi %while3A_864, %reduce_max3A_881 : i32
      %select_n3A_933 = arith.select %eq3A_931, %while3A_864, %add3A_932 : i32
      %sub3A_934 = arith.constant 1 : i32
      %sub3A_935 = arith.subi %while3A_859, %sub3A_934 : i32
      %or3A_936 = arith.ori %while3A_860, %select_n3A_885 : i32
      scf.yield %sub3A_935, %or3A_936, %select_n3A_922, %select_n3A_926, %select_n3A_929, %select_n3A_933 : i32, i32, i32, i32, i32, i32
    }
    %add3A_503 = arith.addi %while3A_490#3, %while3A_502#3 : i32
    %sub3A_504 = arith.subi %sub3A_479, %add3A_503 : i32
    %shift_left3A_505 = arith.constant 11 : i32
    %shift_left3A_506 = arith.shli %while3A_477#2, %shift_left3A_505 : i32
    %or3A_507 = arith.ori %shift_left3A_506, %while3A_502#2 : i32
    %eq3A_508 = arith.constant 1 : i32
    %eq3A_509 = arith.cmpi eq, %while3A_502#4, %eq3A_508 : i32
    %eq3A_510 = arith.constant 1 : i32
    %eq3A_511 = arith.cmpi eq, %sub3A_504, %eq3A_510 : i32
    %and3A_512 = arith.andi %eq3A_509, %eq3A_511 : i1
    %not3A_513 = arith.constant true
    %not3A_514 = arith.xori %and3A_512, %not3A_513 : i1
    %convert_element_type3A_515 = arith.extui %not3A_514 : i1 to i32
    %cond3A_516 = arith.constant 0 : i32
    %cond3A_517 = arith.cmpi ne, %convert_element_type3A_515, %cond3A_516 : i32
    scf.if %cond3A_517 {
      %broadcast_in_dim3A_859 = arith.constant 1 : i32
      %broadcast_in_dim3A_860 = vector.broadcast %broadcast_in_dim3A_859 : i32 to vector<16xi32>
      %parallel_loop3A_861 = arith.constant 0 : i32
      %parallel_loop3A_862 = arith.constant 2048 : i32
      %parallel_loop3A_863 = arith.constant 1 : i32
      scf.for %parallel_loop3A_864 = %parallel_loop3A_861 to %parallel_loop3A_862 step %parallel_loop3A_863  : i32 {
        %parallel_loop3A_865 = arith.constant 16 : i32
        %parallel_loop3A_866 = arith.muli %parallel_loop3A_864, %parallel_loop3A_865 : i32
        %parallel_loop3A_867 = arith.index_cast %parallel_loop3A_866 : i32 to index
        %parallel_loop3A_868 = tpu.vector_load %arg4[%parallel_loop3A_867] {strides = array<i32>} : memref<32768xf32, #tpu.memory_space<vmem>>, vector<16xf32>,
        %parallel_loop3A_869 = tpu.bitcast %parallel_loop3A_868 : vector<16xf32> -> vector<16xi32>
        %parallel_loop3A_870 = arith.constant 2147483647 : i32
        %parallel_loop3A_871 = vector.broadcast %parallel_loop3A_870 : i32 to vector<16xi32>
        %parallel_loop3A_872 = arith.andi %parallel_loop3A_869, %parallel_loop3A_871 : vector<16xi32>
        %parallel_loop3A_873 = arith.constant 12 : i32
        %parallel_loop3A_874 = vector.broadcast %parallel_loop3A_873 : i32 to vector<16xi32>
        %parallel_loop3A_875 = arith.shrui %parallel_loop3A_872, %parallel_loop3A_874 : vector<16xi32>
        %parallel_loop3A_876 = vector.broadcast %or3A_507 : i32 to vector<16xi32>
        %parallel_loop3A_877 = arith.cmpi eq, %parallel_loop3A_875, %parallel_loop3A_876 : vector<16xi32>
        %parallel_loop3A_878 = arith.constant 4095 : i32
        %parallel_loop3A_879 = vector.broadcast %parallel_loop3A_878 : i32 to vector<16xi32>
        %parallel_loop3A_880 = arith.andi %parallel_loop3A_872, %parallel_loop3A_879 : vector<16xi32>
        tpu.vector_store_idx %arg8[%parallel_loop3A_880], %broadcast_in_dim3A_860 masked %parallel_loop3A_877 {add = true} : memref<4096xi32, #tpu.memory_space<vmem>>[vector<16xi32>], vector<16xi32>, vector<16xi1>
      } {sc.loop_unroll_factor = 8 : i64, sc.parallel_access}
    } else {
    }
    %jit3A_518 = arith.constant 255 : i32
    %jit3A_519 = arith.constant -1 : i32
    %select_n3A_520 = arith.select %not3A_514, %jit3A_518, %jit3A_519 : i32
    %iota3A_521 = tpu.iota {dimensions = array<i32: 0>} : vector<16xi32>
    %while3A_522 = arith.constant 0 : i32
    %while3A_523 = arith.constant 0 : i32
    %while3A_524 = arith.constant 0 : i32
    %while3A_525 = arith.constant 0 : i32
    %while3A_526 = arith.constant 0 : i32
    %while3A_527:6 = scf.while (%while3A_859 = %select_n3A_520, %while3A_860 = %while3A_522, %while3A_861 = %while3A_523, %while3A_862 = %while3A_524, %while3A_863 = %while3A_525, %while3A_864 = %while3A_526) : (i32, i32, i32, i32, i32, i32) -> (i32, i32, i32, i32, i32, i32) {
      %eq3A_865 = arith.constant 0 : i32
      %eq3A_866 = arith.cmpi eq, %while3A_860, %eq3A_865 : i32
      %ge3A = arith.constant 0 : i32
      %ge3A_867 = arith.cmpi sge, %while3A_859, %ge3A : i32
      %and3A_868 = arith.andi %eq3A_866, %ge3A_867 : i1
      scf.condition(%and3A_868) %while3A_859, %while3A_860, %while3A_861, %while3A_862, %while3A_863, %while3A_864 : i32, i32, i32, i32, i32, i32
    } do {
    ^bb0(%while3A_859: i32, %while3A_860: i32, %while3A_861: i32, %while3A_862: i32, %while3A_863: i32, %while3A_864: i32):
      %mul3A_865 = arith.constant 16 : i32
      %mul3A_866 = arith.muli %while3A_859, %mul3A_865 : i32
      %get3A = arith.index_cast %mul3A_866 : i32 to index
      %get3A_867 = tpu.vector_load %arg8[%get3A] {strides = array<i32>} : memref<4096xi32, #tpu.memory_space<vmem>>, vector<16xi32>,
      %rev3A = arith.constant 15 : i32
      %rev3A_868 = vector.broadcast %rev3A : i32 to vector<16xi32>
      %rev3A_869 = tpu.iota {dimensions = array<i32: 0>} : vector<16xi32>
      %rev3A_870 = arith.subi %rev3A_868, %rev3A_869 : vector<16xi32>
      %rev3A_871 = tpu.dynamic_gather %get3A_867[%rev3A_870] in [0] : vector<16xi32>, vector<16xi32> -> vector<16xi32>
      %cumsum3A = arith.constant true
      %cumsum3A_872 = vector.broadcast %cumsum3A : i1 to vector<16xi1>
      %cumsum3A_873 = tpu.scan <sum>, %rev3A_871 masked %cumsum3A_872 : vector<16xi32>, vector<16xi1> -> vector<16xi32>
      %reduce_max3A_874 = arith.constant true
      %reduce_max3A_875 = vector.broadcast %reduce_max3A_874 : i1 to vector<16xi1>
      %reduce_max3A_876 = arith.constant -2147483648 : i32
      %reduce_max3A_877 = vector.broadcast %reduce_max3A_876 : i32 to vector<16xi32>
      %reduce_max3A_878 = arith.xori %cumsum3A_873, %reduce_max3A_877 : vector<16xi32>
      %reduce_max3A_879 = tpu.scan <max>, %reduce_max3A_878 masked %reduce_max3A_875 : vector<16xi32>, vector<16xi1> -> vector<16xi32>
      %reduce_max3A_880 = arith.xori %reduce_max3A_879, %reduce_max3A_877 : vector<16xi32>
      %reduce_max3A_881 = vector.extract %reduce_max3A_880[15] : i32 from vector<16xi32>
      %add3A_882 = arith.addi %while3A_864, %reduce_max3A_881 : i32
      %ge3A = arith.cmpi sge, %add3A_882, %sub3A_504 : i32
      %jit3A_883 = arith.constant 1 : i32
      %jit3A_884 = arith.constant 0 : i32
      %select_n3A_885 = arith.select %ge3A, %jit3A_883, %jit3A_884 : i32
      %add3A_886 = vector.broadcast %while3A_864 : i32 to vector<16xi32>
      %add3A_887 = arith.addi %add3A_886, %cumsum3A_873 : vector<16xi32>
      %ge3A_888 = vector.broadcast %sub3A_504 : i32 to vector<16xi32>
      %ge3A_889 = arith.cmpi sge, %add3A_887, %ge3A_888 : vector<16xi32>
      %jit3A_890 = arith.constant 16 : i32
      %broadcast_in_dim3A_891 = vector.broadcast %jit3A_890 : i32 to vector<16xi32>
      %select_n3A_892 = arith.select %ge3A_889, %iota3A_521, %broadcast_in_dim3A_891 : vector<16xi1>, vector<16xi32>
      %reduce_min3A = arith.constant true
      %reduce_min3A_893 = vector.broadcast %reduce_min3A : i1 to vector<16xi1>
      %reduce_min3A_894 = arith.constant -2147483648 : i32
      %reduce_min3A_895 = vector.broadcast %reduce_min3A_894 : i32 to vector<16xi32>
      %reduce_min3A_896 = arith.xori %select_n3A_892, %reduce_min3A_895 : vector<16xi32>
      %reduce_min3A_897 = tpu.scan <min>, %reduce_min3A_896 masked %reduce_min3A_893 : vector<16xi32>, vector<16xi1> -> vector<16xi32>
      %reduce_min3A_898 = arith.xori %reduce_min3A_897, %reduce_min3A_895 : vector<16xi32>
      %reduce_min3A_899 = vector.extract %reduce_min3A_898[15] : i32 from vector<16xi32>
      %lt3A = vector.broadcast %reduce_min3A_899 : i32 to vector<16xi32>
      %lt3A_900 = arith.cmpi slt, %iota3A_521, %lt3A : vector<16xi32>
      %jit3A_901 = arith.constant 0 : i32
      %broadcast_in_dim3A_902 = vector.broadcast %jit3A_901 : i32 to vector<16xi32>
      %select_n3A_903 = arith.select %lt3A_900, %rev3A_871, %broadcast_in_dim3A_902 : vector<16xi1>, vector<16xi32>
      %reduce_sum3A_904 = arith.constant true
      %reduce_sum3A_905 = vector.broadcast %reduce_sum3A_904 : i1 to vector<16xi1>
      %reduce_sum3A_906 = tpu.scan <sum>, %select_n3A_903 masked %reduce_sum3A_905 : vector<16xi32>, vector<16xi1> -> vector<16xi32>
      %reduce_sum3A_907 = vector.extract %reduce_sum3A_906[15] : i32 from vector<16xi32>
      %eq3A_908 = vector.broadcast %reduce_min3A_899 : i32 to vector<16xi32>
      %eq3A_909 = arith.cmpi eq, %iota3A_521, %eq3A_908 : vector<16xi32>
      %jit3A_910 = arith.constant 0 : i32
      %broadcast_in_dim3A_911 = vector.broadcast %jit3A_910 : i32 to vector<16xi32>
      %select_n3A_912 = arith.select %eq3A_909, %rev3A_871, %broadcast_in_dim3A_911 : vector<16xi1>, vector<16xi32>
      %reduce_sum3A_913 = arith.constant true
      %reduce_sum3A_914 = vector.broadcast %reduce_sum3A_913 : i1 to vector<16xi1>
      %reduce_sum3A_915 = tpu.scan <sum>, %select_n3A_912 masked %reduce_sum3A_914 : vector<16xi32>, vector<16xi1> -> vector<16xi32>
      %reduce_sum3A_916 = vector.extract %reduce_sum3A_915[15] : i32 from vector<16xi32>
      %add3A_917 = arith.constant 15 : i32
      %add3A_918 = arith.addi %mul3A_866, %add3A_917 : i32
      %sub3A_919 = arith.subi %add3A_918, %reduce_min3A_899 : i32
      %eq3A_920 = arith.constant 1 : i32
      %eq3A_921 = arith.cmpi eq, %select_n3A_885, %eq3A_920 : i32
      %select_n3A_922 = arith.select %eq3A_921, %sub3A_919, %while3A_861 : i32
      %eq3A_923 = arith.constant 1 : i32
      %eq3A_924 = arith.cmpi eq, %select_n3A_885, %eq3A_923 : i32
      %add3A_925 = arith.addi %while3A_864, %reduce_sum3A_907 : i32
      %select_n3A_926 = arith.select %eq3A_924, %add3A_925, %while3A_862 : i32
      %eq3A_927 = arith.constant 1 : i32
      %eq3A_928 = arith.cmpi eq, %select_n3A_885, %eq3A_927 : i32
      %select_n3A_929 = arith.select %eq3A_928, %reduce_sum3A_916, %while3A_863 : i32
      %eq3A_930 = arith.constant 1 : i32
      %eq3A_931 = arith.cmpi eq, %select_n3A_885, %eq3A_930 : i32
      %add3A_932 = arith.addi %while3A_864, %reduce_max3A_881 : i32
      %select_n3A_933 = arith.select %eq3A_931, %while3A_864, %add3A_932 : i32
      %sub3A_934 = arith.constant 1 : i32
      %sub3A_935 = arith.subi %while3A_859, %sub3A_934 : i32
      %or3A_936 = arith.ori %while3A_860, %select_n3A_885 : i32
      scf.yield %sub3A_935, %or3A_936, %select_n3A_922, %select_n3A_926, %select_n3A_929, %select_n3A_933 : i32, i32, i32, i32, i32, i32
    }
    %jit3A_528 = arith.constant 4095 : i32
    %select_n3A_529 = arith.select %not3A_514, %while3A_527#2, %jit3A_528 : i32
    %shift_left3A_530 = arith.constant 12 : i32
    %shift_left3A_531 = arith.shli %or3A_507, %shift_left3A_530 : i32
    %or3A_532 = arith.ori %shift_left3A_531, %select_n3A_529 : i32
    %broadcast_in_dim3A_533 = arith.constant 0.000000e+00 : f32
    %broadcast_in_dim3A_534 = vector.broadcast %broadcast_in_dim3A_533 : f32 to vector<16xf32>
    %parallel_loop3A_535 = arith.constant 0 : i32
    %parallel_loop3A_536 = arith.constant 2048 : i32
    %parallel_loop3A_537 = arith.constant 1 : i32
    %parallel_loop3A_538 = scf.for %parallel_loop3A_859 = %parallel_loop3A_535 to %parallel_loop3A_536 step %parallel_loop3A_537 iter_args(%parallel_loop3A_860 = %broadcast_in_dim3A_534) -> (vector<16xf32>)  : i32 {
      %parallel_loop3A_861 = arith.constant 16 : i32
      %parallel_loop3A_862 = arith.muli %parallel_loop3A_859, %parallel_loop3A_861 : i32
      %parallel_loop3A_863 = arith.index_cast %parallel_loop3A_862 : i32 to index
      %parallel_loop3A_864 = tpu.vector_load %arg4[%parallel_loop3A_863] {strides = array<i32>} : memref<32768xf32, #tpu.memory_space<vmem>>, vector<16xf32>,
      %parallel_loop3A_865 = tpu.bitcast %parallel_loop3A_864 : vector<16xf32> -> vector<16xi32>
      %parallel_loop3A_866 = arith.constant 2147483647 : i32
      %parallel_loop3A_867 = vector.broadcast %parallel_loop3A_866 : i32 to vector<16xi32>
      %parallel_loop3A_868 = arith.andi %parallel_loop3A_865, %parallel_loop3A_867 : vector<16xi32>
      %parallel_loop3A_869 = tpu.bitcast %parallel_loop3A_868 : vector<16xi32> -> vector<16xf32>
      %parallel_loop3A_870 = vector.broadcast %or3A_532 : i32 to vector<16xi32>
      %parallel_loop3A_871 = arith.cmpi sgt, %parallel_loop3A_868, %parallel_loop3A_870 : vector<16xi32>
      %parallel_loop3A_872 = arith.select %parallel_loop3A_871, %parallel_loop3A_869, %broadcast_in_dim3A_534 : vector<16xi1>, vector<16xf32>
      %parallel_loop3A_873 = arith.addf %parallel_loop3A_860, %parallel_loop3A_872 : vector<16xf32>
      scf.yield %parallel_loop3A_873 : vector<16xf32>
    } {sc.loop_unroll_factor = 16 : i64, sc.parallel_access}
    %reduce_sum3A_539 = arith.constant true
    %reduce_sum3A_540 = vector.broadcast %reduce_sum3A_539 : i1 to vector<16xi1>
    %reduce_sum3A_541 = tpu.scan <sum>, %parallel_loop3A_538 masked %reduce_sum3A_540 : vector<16xf32>, vector<16xi1> -> vector<16xf32>
    %reduce_sum3A_542 = vector.extract %reduce_sum3A_541[15] : f32 from vector<16xf32>
    %add3A_543 = arith.constant 1 : i32
    %add3A_544 = arith.addi %shift_right_logical3A_470, %add3A_543 : i32
    %mul3A_545 = arith.constant 16 : i32
    %mul3A_546 = arith.muli %add3A_544, %mul3A_545 : i32
    %broadcast_in_dim3A_547 = arith.constant 0 : i32
    %broadcast_in_dim3A_548 = vector.broadcast %broadcast_in_dim3A_547 : i32 to vector<16xi32>
    %add3A_549 = arith.constant 16 : i32
    %add3A_550 = arith.addi %mul3A_546, %add3A_549 : i32
    %sub3A_551 = arith.constant 1 : i32
    %sub3A_552 = arith.subi %add3A_550, %sub3A_551 : i32
    %jit3A_553 = arith.constant 16 : i32
    %div3A_554 = arith.divsi %sub3A_552, %jit3A_553 : i32
    %sign3A_555 = arith.constant 0 : i32
    %sign3A_556 = arith.cmpi sgt, %sub3A_552, %sign3A_555 : i32
    %sign3A_557 = arith.extui %sign3A_556 : i1 to i32
    %sign3A_558 = arith.constant 0 : i32
    %sign3A_559 = arith.cmpi slt, %sub3A_552, %sign3A_558 : i32
    %sign3A_560 = arith.extui %sign3A_559 : i1 to i32
    %sign3A_561 = arith.subi %sign3A_557, %sign3A_560 : i32
    %sign3A_562 = arith.constant 0 : i32
    %sign3A_563 = arith.cmpi sgt, %jit3A_553, %sign3A_562 : i32
    %sign3A_564 = arith.extui %sign3A_563 : i1 to i32
    %sign3A_565 = arith.constant 0 : i32
    %sign3A_566 = arith.cmpi slt, %jit3A_553, %sign3A_565 : i32
    %sign3A_567 = arith.extui %sign3A_566 : i1 to i32
    %sign3A_568 = arith.subi %sign3A_564, %sign3A_567 : i32
    %ne3A_569 = arith.cmpi ne, %sign3A_561, %sign3A_568 : i32
    %rem3A_570 = arith.remsi %sub3A_552, %jit3A_553 : i32
    %ne3A_571 = arith.constant 0 : i32
    %ne3A_572 = arith.cmpi ne, %rem3A_570, %ne3A_571 : i32
    %and3A_573 = arith.andi %ne3A_569, %ne3A_572 : i1
    %sub3A_574 = arith.constant 1 : i32
    %sub3A_575 = arith.subi %div3A_554, %sub3A_574 : i32
    %select_n3A_576 = arith.select %and3A_573, %sub3A_575, %div3A_554 : i32
    %parallel_loop3A_577 = arith.constant 0 : i32
    %parallel_loop3A_578 = arith.constant 1 : i32
    scf.for %parallel_loop3A_859 = %parallel_loop3A_577 to %select_n3A_576 step %parallel_loop3A_578  : i32 {
      %parallel_loop3A_860 = arith.constant 16 : i32
      %parallel_loop3A_861 = arith.muli %parallel_loop3A_859, %parallel_loop3A_860 : i32
      %parallel_loop3A_862 = arith.index_cast %parallel_loop3A_861 : i32 to index
      %parallel_loop3A_863 = tpu.vector_load %arg6[%parallel_loop3A_862] {strides = array<i32>} : memref<4096xi32, #tpu.memory_space<vmem>>, vector<16xi32>,
      tpu.vector_store %arg6[%parallel_loop3A_862], %broadcast_in_dim3A_548 {strides = array<i32>} : memref<4096xi32, #tpu.memory_space<vmem>>, vector<16xi32>,
    } {sc.loop_unroll_factor = 4 : i64, sc.parallel_access}
    %broadcast_in_dim3A_579 = arith.constant 0 : i32
    %broadcast_in_dim3A_580 = vector.broadcast %broadcast_in_dim3A_579 : i32 to vector<16xi32>
    %add3A_581 = arith.constant 2048 : i32
    %add3A_582 = arith.constant 16 : i32
    %add3A_583 = arith.addi %add3A_581, %add3A_582 : i32
    %sub3A_584 = arith.constant 1 : i32
    %sub3A_585 = arith.subi %add3A_583, %sub3A_584 : i32
    %jit3A_586 = arith.constant 16 : i32
    %div3A_587 = arith.divsi %sub3A_585, %jit3A_586 : i32
    %sign3A_588 = arith.constant 0 : i32
    %sign3A_589 = arith.cmpi sgt, %sub3A_585, %sign3A_588 : i32
    %sign3A_590 = arith.extui %sign3A_589 : i1 to i32
    %sign3A_591 = arith.constant 0 : i32
    %sign3A_592 = arith.cmpi slt, %sub3A_585, %sign3A_591 : i32
    %sign3A_593 = arith.extui %sign3A_592 : i1 to i32
    %sign3A_594 = arith.subi %sign3A_590, %sign3A_593 : i32
    %sign3A_595 = arith.constant 0 : i32
    %sign3A_596 = arith.cmpi sgt, %jit3A_586, %sign3A_595 : i32
    %sign3A_597 = arith.extui %sign3A_596 : i1 to i32
    %sign3A_598 = arith.constant 0 : i32
    %sign3A_599 = arith.cmpi slt, %jit3A_586, %sign3A_598 : i32
    %sign3A_600 = arith.extui %sign3A_599 : i1 to i32
    %sign3A_601 = arith.subi %sign3A_597, %sign3A_600 : i32
    %ne3A_602 = arith.cmpi ne, %sign3A_594, %sign3A_601 : i32
    %rem3A_603 = arith.remsi %sub3A_585, %jit3A_586 : i32
    %ne3A_604 = arith.constant 0 : i32
    %ne3A_605 = arith.cmpi ne, %rem3A_603, %ne3A_604 : i32
    %and3A_606 = arith.andi %ne3A_602, %ne3A_605 : i1
    %sub3A_607 = arith.constant 1 : i32
    %sub3A_608 = arith.subi %div3A_587, %sub3A_607 : i32
    %select_n3A_609 = arith.select %and3A_606, %sub3A_608, %div3A_587 : i32
    %parallel_loop3A_610 = arith.constant 0 : i32
    %parallel_loop3A_611 = arith.constant 1 : i32
    scf.for %parallel_loop3A_859 = %parallel_loop3A_610 to %select_n3A_609 step %parallel_loop3A_611  : i32 {
      %parallel_loop3A_860 = arith.constant 16 : i32
      %parallel_loop3A_861 = arith.muli %parallel_loop3A_859, %parallel_loop3A_860 : i32
      %parallel_loop3A_862 = arith.index_cast %parallel_loop3A_861 : i32 to index
      %parallel_loop3A_863 = tpu.vector_load %arg7[%parallel_loop3A_862] {strides = array<i32>} : memref<2048xi32, #tpu.memory_space<vmem>>, vector<16xi32>,
      tpu.vector_store %arg7[%parallel_loop3A_862], %broadcast_in_dim3A_580 {strides = array<i32>} : memref<2048xi32, #tpu.memory_space<vmem>>, vector<16xi32>,
    } {sc.loop_unroll_factor = 4 : i64, sc.parallel_access}
    %jit3A_612 = arith.constant 4096 : i32
    %jit3A_613 = arith.constant 0 : i32
    %select_n3A_614 = arith.select %not3A_514, %jit3A_612, %jit3A_613 : i32
    %broadcast_in_dim3A_615 = arith.constant 0 : i32
    %broadcast_in_dim3A_616 = vector.broadcast %broadcast_in_dim3A_615 : i32 to vector<16xi32>
    %add3A_617 = arith.constant 16 : i32
    %add3A_618 = arith.addi %select_n3A_614, %add3A_617 : i32
    %sub3A_619 = arith.constant 1 : i32
    %sub3A_620 = arith.subi %add3A_618, %sub3A_619 : i32
    %jit3A_621 = arith.constant 16 : i32
    %div3A_622 = arith.divsi %sub3A_620, %jit3A_621 : i32
    %sign3A_623 = arith.constant 0 : i32
    %sign3A_624 = arith.cmpi sgt, %sub3A_620, %sign3A_623 : i32
    %sign3A_625 = arith.extui %sign3A_624 : i1 to i32
    %sign3A_626 = arith.constant 0 : i32
    %sign3A_627 = arith.cmpi slt, %sub3A_620, %sign3A_626 : i32
    %sign3A_628 = arith.extui %sign3A_627 : i1 to i32
    %sign3A_629 = arith.subi %sign3A_625, %sign3A_628 : i32
    %sign3A_630 = arith.constant 0 : i32
    %sign3A_631 = arith.cmpi sgt, %jit3A_621, %sign3A_630 : i32
    %sign3A_632 = arith.extui %sign3A_631 : i1 to i32
    %sign3A_633 = arith.constant 0 : i32
    %sign3A_634 = arith.cmpi slt, %jit3A_621, %sign3A_633 : i32
    %sign3A_635 = arith.extui %sign3A_634 : i1 to i32
    %sign3A_636 = arith.subi %sign3A_632, %sign3A_635 : i32
    %ne3A_637 = arith.cmpi ne, %sign3A_629, %sign3A_636 : i32
    %rem3A_638 = arith.remsi %sub3A_620, %jit3A_621 : i32
    %ne3A_639 = arith.constant 0 : i32
    %ne3A_640 = arith.cmpi ne, %rem3A_638, %ne3A_639 : i32
    %and3A_641 = arith.andi %ne3A_637, %ne3A_640 : i1
    %sub3A_642 = arith.constant 1 : i32
    %sub3A_643 = arith.subi %div3A_622, %sub3A_642 : i32
    %select_n3A_644 = arith.select %and3A_641, %sub3A_643, %div3A_622 : i32
    %parallel_loop3A_645 = arith.constant 0 : i32
    %parallel_loop3A_646 = arith.constant 1 : i32
    scf.for %parallel_loop3A_859 = %parallel_loop3A_645 to %select_n3A_644 step %parallel_loop3A_646  : i32 {
      %parallel_loop3A_860 = arith.constant 16 : i32
      %parallel_loop3A_861 = arith.muli %parallel_loop3A_859, %parallel_loop3A_860 : i32
      %parallel_loop3A_862 = arith.index_cast %parallel_loop3A_861 : i32 to index
      %parallel_loop3A_863 = tpu.vector_load %arg8[%parallel_loop3A_862] {strides = array<i32>} : memref<4096xi32, #tpu.memory_space<vmem>>, vector<16xi32>,
      tpu.vector_store %arg8[%parallel_loop3A_862], %broadcast_in_dim3A_616 {strides = array<i32>} : memref<4096xi32, #tpu.memory_space<vmem>>, vector<16xi32>,
    } {sc.loop_unroll_factor = 4 : i64, sc.parallel_access}
    %eq3A_647 = arith.constant 2 : i32
    %eq3A_648 = vector.broadcast %eq3A_647 : i32 to vector<16xi32>
    %eq3A_649 = arith.cmpi eq, %iota3A, %eq3A_648 : vector<16xi32>
    %broadcast_in_dim3A_650 = vector.broadcast %reduce_sum3A_542 : f32 to vector<16xf32>
    %select_n3A_651 = arith.select %eq3A_649, %broadcast_in_dim3A_650, %select_n3A_435 : vector<16xi1>, vector<16xf32>
    %dma_wait3A_652 = arith.constant 0 : i32
    %dma_wait3A_653 = tpu.memref_slice %arg2[%add3A_439, %dma_wait3A_652] : memref<128x32768xf32, #tpu.memory_space<hbm>> -> memref<1x32768xf32, #tpu.memory_space<hbm>>
    %dma_wait3A_654 = tpu.memref_squeeze %dma_wait3A_653 : memref<1x32768xf32, #tpu.memory_space<hbm>> -> memref<32768xf32, #tpu.memory_space<hbm>>
    %dma_wait3A_655 = arith.constant 0 : i32
    %dma_wait3A_656 = tpu.memref_slice %arg2[%add3A_439, %dma_wait3A_655] : memref<128x32768xf32, #tpu.memory_space<hbm>> -> memref<1x32768xf32, #tpu.memory_space<hbm>>
    %dma_wait3A_657 = tpu.memref_squeeze %dma_wait3A_656 : memref<1x32768xf32, #tpu.memory_space<hbm>> -> memref<32768xf32, #tpu.memory_space<hbm>>
    tpu.wait_dma2 semaphore(%arg11 : memref<!tpu.dma_semaphore, #tpu.memory_space<semaphore_mem>>) src(%dma_wait3A_657 : memref<32768xf32, #tpu.memory_space<hbm>>) dst(%arg5 : memref<32768xf32, #tpu.memory_space<vmem>>)
    %broadcast_in_dim3A_658 = arith.constant 1 : i32
    %broadcast_in_dim3A_659 = vector.broadcast %broadcast_in_dim3A_658 : i32 to vector<16xi32>
    %iota3A_660 = tpu.iota {dimensions = array<i32: 0>} : vector<16xi32>
    %broadcast_in_dim3A_661 = arith.constant 0 : i32
    %broadcast_in_dim3A_662 = vector.broadcast %broadcast_in_dim3A_661 : i32 to vector<16xi32>
    %parallel_loop3A_663 = arith.constant 0 : i32
    %parallel_loop3A_664 = arith.constant 2048 : i32
    %parallel_loop3A_665 = arith.constant 1 : i32
    %parallel_loop3A_666 = scf.for %parallel_loop3A_859 = %parallel_loop3A_663 to %parallel_loop3A_664 step %parallel_loop3A_665 iter_args(%parallel_loop3A_860 = %broadcast_in_dim3A_662) -> (vector<16xi32>)  : i32 {
      %parallel_loop3A_861 = arith.constant 16 : i32
      %parallel_loop3A_862 = arith.muli %parallel_loop3A_859, %parallel_loop3A_861 : i32
      %parallel_loop3A_863 = arith.index_cast %parallel_loop3A_862 : i32 to index
      %parallel_loop3A_864 = tpu.vector_load %arg5[%parallel_loop3A_863] {strides = array<i32>} : memref<32768xf32, #tpu.memory_space<vmem>>, vector<16xf32>,
      %parallel_loop3A_865 = tpu.bitcast %parallel_loop3A_864 : vector<16xf32> -> vector<16xi32>
      %parallel_loop3A_866 = arith.constant 2147483647 : i32
      %parallel_loop3A_867 = vector.broadcast %parallel_loop3A_866 : i32 to vector<16xi32>
      %parallel_loop3A_868 = arith.andi %parallel_loop3A_865, %parallel_loop3A_867 : vector<16xi32>
      %parallel_loop3A_869 = arith.constant 19 : i32
      %parallel_loop3A_870 = vector.broadcast %parallel_loop3A_869 : i32 to vector<16xi32>
      %parallel_loop3A_871 = arith.shrui %parallel_loop3A_868, %parallel_loop3A_870 : vector<16xi32>
      %parallel_loop3A_872 = arith.constant 4080 : i32
      %parallel_loop3A_873 = vector.broadcast %parallel_loop3A_872 : i32 to vector<16xi32>
      %parallel_loop3A_874 = arith.andi %parallel_loop3A_871, %parallel_loop3A_873 : vector<16xi32>
      %parallel_loop3A_875 = arith.ori %parallel_loop3A_874, %iota3A_660 : vector<16xi32>
      tpu.vector_store_idx %arg6[%parallel_loop3A_875], %broadcast_in_dim3A_659 {add = true} : memref<4096xi32, #tpu.memory_space<vmem>>[vector<16xi32>], vector<16xi32>,
      %parallel_loop3A_876 = arith.maxsi %parallel_loop3A_860, %parallel_loop3A_868 : vector<16xi32>
      scf.yield %parallel_loop3A_876 : vector<16xi32>
    } {sc.loop_unroll_factor = 16 : i64, sc.parallel_access}
    %reduce_max3A_667 = arith.constant true
    %reduce_max3A_668 = vector.broadcast %reduce_max3A_667 : i1 to vector<16xi1>
    %reduce_max3A_669 = arith.constant -2147483648 : i32
    %reduce_max3A_670 = vector.broadcast %reduce_max3A_669 : i32 to vector<16xi32>
    %reduce_max3A_671 = arith.xori %parallel_loop3A_666, %reduce_max3A_670 : vector<16xi32>
    %reduce_max3A_672 = tpu.scan <max>, %reduce_max3A_671 masked %reduce_max3A_668 : vector<16xi32>, vector<16xi1> -> vector<16xi32>
    %reduce_max3A_673 = arith.xori %reduce_max3A_672, %reduce_max3A_670 : vector<16xi32>
    %reduce_max3A_674 = vector.extract %reduce_max3A_673[15] : i32 from vector<16xi32>
    %shift_right_logical3A_675 = arith.constant 23 : i32
    %shift_right_logical3A_676 = arith.shrui %reduce_max3A_674, %shift_right_logical3A_675 : i32
    %while3A_677 = arith.constant 3277 : i32
    %while3A_678 = arith.constant 0 : i32
    %while3A_679 = arith.constant 0 : i32
    %while3A_680 = arith.constant 0 : i32
    %while3A_681 = arith.constant 0 : i32
    %while3A_682 = arith.constant 0 : i32
    %while3A_683:6 = scf.while (%while3A_859 = %shift_right_logical3A_676, %while3A_860 = %while3A_678, %while3A_861 = %while3A_679, %while3A_862 = %while3A_680, %while3A_863 = %while3A_681, %while3A_864 = %while3A_682) : (i32, i32, i32, i32, i32, i32) -> (i32, i32, i32, i32, i32, i32) {
      %eq3A_865 = arith.constant 0 : i32
      %eq3A_866 = arith.cmpi eq, %while3A_860, %eq3A_865 : i32
      %ge3A = arith.constant 0 : i32
      %ge3A_867 = arith.cmpi sge, %while3A_859, %ge3A : i32
      %and3A_868 = arith.andi %eq3A_866, %ge3A_867 : i1
      scf.condition(%and3A_868) %while3A_859, %while3A_860, %while3A_861, %while3A_862, %while3A_863, %while3A_864 : i32, i32, i32, i32, i32, i32
    } do {
    ^bb0(%while3A_859: i32, %while3A_860: i32, %while3A_861: i32, %while3A_862: i32, %while3A_863: i32, %while3A_864: i32):
      %mul3A_865 = arith.constant 16 : i32
      %mul3A_866 = arith.muli %while3A_859, %mul3A_865 : i32
      %get3A = arith.index_cast %mul3A_866 : i32 to index
      %get3A_867 = tpu.vector_load %arg6[%get3A] {strides = array<i32>} : memref<4096xi32, #tpu.memory_space<vmem>>, vector<16xi32>,
      %reduce_sum3A_868 = arith.constant true
      %reduce_sum3A_869 = vector.broadcast %reduce_sum3A_868 : i1 to vector<16xi1>
      %reduce_sum3A_870 = tpu.scan <sum>, %get3A_867 masked %reduce_sum3A_869 : vector<16xi32>, vector<16xi1> -> vector<16xi32>
      %reduce_sum3A_871 = vector.extract %reduce_sum3A_870[15] : i32 from vector<16xi32>
      %add3A_872 = arith.addi %while3A_864, %reduce_sum3A_871 : i32
      %ge3A = arith.cmpi sge, %add3A_872, %while3A_677 : i32
      %jit3A_873 = arith.constant 1 : i32
      %jit3A_874 = arith.constant 0 : i32
      %select_n3A_875 = arith.select %ge3A, %jit3A_873, %jit3A_874 : i32
      %eq3A_876 = arith.constant 1 : i32
      %eq3A_877 = arith.cmpi eq, %select_n3A_875, %eq3A_876 : i32
      %select_n3A_878 = arith.select %eq3A_877, %while3A_859, %while3A_861 : i32
      %eq3A_879 = arith.constant 1 : i32
      %eq3A_880 = arith.cmpi eq, %select_n3A_875, %eq3A_879 : i32
      %select_n3A_881 = arith.select %eq3A_880, %while3A_864, %while3A_862 : i32
      %eq3A_882 = arith.constant 1 : i32
      %eq3A_883 = arith.cmpi eq, %select_n3A_875, %eq3A_882 : i32
      %select_n3A_884 = arith.select %eq3A_883, %reduce_sum3A_871, %while3A_863 : i32
      %eq3A_885 = arith.constant 1 : i32
      %eq3A_886 = arith.cmpi eq, %select_n3A_875, %eq3A_885 : i32
      %add3A_887 = arith.addi %while3A_864, %reduce_sum3A_871 : i32
      %select_n3A_888 = arith.select %eq3A_886, %while3A_864, %add3A_887 : i32
      %sub3A_889 = arith.constant 1 : i32
      %sub3A_890 = arith.subi %while3A_859, %sub3A_889 : i32
      %or3A_891 = arith.ori %while3A_860, %select_n3A_875 : i32
      scf.yield %sub3A_890, %or3A_891, %select_n3A_878, %select_n3A_881, %select_n3A_884, %select_n3A_888 : i32, i32, i32, i32, i32, i32
    }
    %sub3A_684 = arith.constant 3277 : i32
    %sub3A_685 = arith.subi %sub3A_684, %while3A_683#3 : i32
    %broadcast_in_dim3A_686 = arith.constant 1 : i32
    %broadcast_in_dim3A_687 = vector.broadcast %broadcast_in_dim3A_686 : i32 to vector<16xi32>
    %parallel_loop3A_688 = arith.constant 0 : i32
    %parallel_loop3A_689 = arith.constant 2048 : i32
    %parallel_loop3A_690 = arith.constant 1 : i32
    scf.for %parallel_loop3A_859 = %parallel_loop3A_688 to %parallel_loop3A_689 step %parallel_loop3A_690  : i32 {
      %parallel_loop3A_860 = arith.constant 16 : i32
      %parallel_loop3A_861 = arith.muli %parallel_loop3A_859, %parallel_loop3A_860 : i32
      %parallel_loop3A_862 = arith.index_cast %parallel_loop3A_861 : i32 to index
      %parallel_loop3A_863 = tpu.vector_load %arg5[%parallel_loop3A_862] {strides = array<i32>} : memref<32768xf32, #tpu.memory_space<vmem>>, vector<16xf32>,
      %parallel_loop3A_864 = tpu.bitcast %parallel_loop3A_863 : vector<16xf32> -> vector<16xi32>
      %parallel_loop3A_865 = arith.constant 2147483647 : i32
      %parallel_loop3A_866 = vector.broadcast %parallel_loop3A_865 : i32 to vector<16xi32>
      %parallel_loop3A_867 = arith.andi %parallel_loop3A_864, %parallel_loop3A_866 : vector<16xi32>
      %parallel_loop3A_868 = arith.constant 23 : i32
      %parallel_loop3A_869 = vector.broadcast %parallel_loop3A_868 : i32 to vector<16xi32>
      %parallel_loop3A_870 = arith.shrui %parallel_loop3A_867, %parallel_loop3A_869 : vector<16xi32>
      %parallel_loop3A_871 = vector.broadcast %while3A_683#2 : i32 to vector<16xi32>
      %parallel_loop3A_872 = arith.cmpi eq, %parallel_loop3A_870, %parallel_loop3A_871 : vector<16xi32>
      %parallel_loop3A_873 = arith.constant 12 : i32
      %parallel_loop3A_874 = vector.broadcast %parallel_loop3A_873 : i32 to vector<16xi32>
      %parallel_loop3A_875 = arith.shrui %parallel_loop3A_867, %parallel_loop3A_874 : vector<16xi32>
      %parallel_loop3A_876 = arith.constant 2047 : i32
      %parallel_loop3A_877 = vector.broadcast %parallel_loop3A_876 : i32 to vector<16xi32>
      %parallel_loop3A_878 = arith.andi %parallel_loop3A_875, %parallel_loop3A_877 : vector<16xi32>
      tpu.vector_store_idx %arg7[%parallel_loop3A_878], %broadcast_in_dim3A_687 masked %parallel_loop3A_872 {add = true} : memref<2048xi32, #tpu.memory_space<vmem>>[vector<16xi32>], vector<16xi32>, vector<16xi1>
    } {sc.loop_unroll_factor = 16 : i64, sc.parallel_access}
    %while3A_691 = arith.constant 31 : i32
    %while3A_692 = arith.constant 0 : i32
    %while3A_693 = arith.constant 0 : i32
    %while3A_694 = arith.constant 0 : i32
    %while3A_695 = arith.constant 0 : i32
    %while3A_696:5 = scf.while (%while3A_859 = %while3A_691, %while3A_860 = %while3A_692, %while3A_861 = %while3A_693, %while3A_862 = %while3A_694, %while3A_863 = %while3A_695) : (i32, i32, i32, i32, i32) -> (i32, i32, i32, i32, i32) {
      %eq3A_864 = arith.constant 0 : i32
      %eq3A_865 = arith.cmpi eq, %while3A_860, %eq3A_864 : i32
      %ge3A = arith.constant 0 : i32
      %ge3A_866 = arith.cmpi sge, %while3A_859, %ge3A : i32
      %and3A_867 = arith.andi %eq3A_865, %ge3A_866 : i1
      scf.condition(%and3A_867) %while3A_859, %while3A_860, %while3A_861, %while3A_862, %while3A_863 : i32, i32, i32, i32, i32
    } do {
    ^bb0(%while3A_859: i32, %while3A_860: i32, %while3A_861: i32, %while3A_862: i32, %while3A_863: i32):
      %mul3A_864 = arith.constant 4 : i32
      %mul3A_865 = arith.muli %while3A_859, %mul3A_864 : i32
      %mul3A_866 = arith.constant 16 : i32
      %mul3A_867 = arith.muli %mul3A_865, %mul3A_866 : i32
      %get3A = arith.index_cast %mul3A_867 : i32 to index
      %get3A_868 = tpu.vector_load %arg7[%get3A] {strides = array<i32>} : memref<2048xi32, #tpu.memory_space<vmem>>, vector<16xi32>,
      %add3A_869 = arith.constant 16 : i32
      %add3A_870 = arith.addi %mul3A_867, %add3A_869 : i32
      %get3A_871 = arith.index_cast %add3A_870 : i32 to index
      %get3A_872 = tpu.vector_load %arg7[%get3A_871] {strides = array<i32>} : memref<2048xi32, #tpu.memory_space<vmem>>, vector<16xi32>,
      %add3A_873 = arith.addi %get3A_868, %get3A_872 : vector<16xi32>
      %add3A_874 = arith.constant 32 : i32
      %add3A_875 = arith.addi %mul3A_867, %add3A_874 : i32
      %get3A_876 = arith.index_cast %add3A_875 : i32 to index
      %get3A_877 = tpu.vector_load %arg7[%get3A_876] {strides = array<i32>} : memref<2048xi32, #tpu.memory_space<vmem>>, vector<16xi32>,
      %add3A_878 = arith.addi %add3A_873, %get3A_877 : vector<16xi32>
      %add3A_879 = arith.constant 48 : i32
      %add3A_880 = arith.addi %mul3A_867, %add3A_879 : i32
      %get3A_881 = arith.index_cast %add3A_880 : i32 to index
      %get3A_882 = tpu.vector_load %arg7[%get3A_881] {strides = array<i32>} : memref<2048xi32, #tpu.memory_space<vmem>>, vector<16xi32>,
      %add3A_883 = arith.addi %add3A_878, %get3A_882 : vector<16xi32>
      %reduce_sum3A_884 = arith.constant true
      %reduce_sum3A_885 = vector.broadcast %reduce_sum3A_884 : i1 to vector<16xi1>
      %reduce_sum3A_886 = tpu.scan <sum>, %add3A_883 masked %reduce_sum3A_885 : vector<16xi32>, vector<16xi1> -> vector<16xi32>
      %reduce_sum3A_887 = vector.extract %reduce_sum3A_886[15] : i32 from vector<16xi32>
      %add3A_888 = arith.addi %while3A_863, %reduce_sum3A_887 : i32
      %ge3A = arith.cmpi sge, %add3A_888, %sub3A_685 : i32
      %jit3A_889 = arith.constant 1 : i32
      %jit3A_890 = arith.constant 0 : i32
      %select_n3A_891 = arith.select %ge3A, %jit3A_889, %jit3A_890 : i32
      %eq3A_892 = arith.constant 1 : i32
      %eq3A_893 = arith.cmpi eq, %select_n3A_891, %eq3A_892 : i32
      %select_n3A_894 = arith.select %eq3A_893, %while3A_859, %while3A_861 : i32
      %eq3A_895 = arith.constant 1 : i32
      %eq3A_896 = arith.cmpi eq, %select_n3A_891, %eq3A_895 : i32
      %select_n3A_897 = arith.select %eq3A_896, %while3A_863, %while3A_862 : i32
      %eq3A_898 = arith.constant 1 : i32
      %eq3A_899 = arith.cmpi eq, %select_n3A_891, %eq3A_898 : i32
      %add3A_900 = arith.addi %while3A_863, %reduce_sum3A_887 : i32
      %select_n3A_901 = arith.select %eq3A_899, %while3A_863, %add3A_900 : i32
      %sub3A_902 = arith.constant 1 : i32
      %sub3A_903 = arith.subi %while3A_859, %sub3A_902 : i32
      %or3A_904 = arith.ori %while3A_860, %select_n3A_891 : i32
      scf.yield %sub3A_903, %or3A_904, %select_n3A_894, %select_n3A_897, %select_n3A_901 : i32, i32, i32, i32, i32
    }
    %mul3A_697 = arith.constant 4 : i32
    %mul3A_698 = arith.muli %while3A_696#2, %mul3A_697 : i32
    %add3A_699 = arith.constant 3 : i32
    %add3A_700 = arith.addi %mul3A_698, %add3A_699 : i32
    %sub3A_701 = arith.subi %sub3A_685, %while3A_696#3 : i32
    %iota3A_702 = tpu.iota {dimensions = array<i32: 0>} : vector<16xi32>
    %while3A_703 = arith.constant 0 : i32
    %while3A_704 = arith.constant 0 : i32
    %while3A_705 = arith.constant 0 : i32
    %while3A_706 = arith.constant 0 : i32
    %while3A_707 = arith.constant 0 : i32
    %while3A_708:6 = scf.while (%while3A_859 = %add3A_700, %while3A_860 = %while3A_703, %while3A_861 = %while3A_704, %while3A_862 = %while3A_705, %while3A_863 = %while3A_706, %while3A_864 = %while3A_707) : (i32, i32, i32, i32, i32, i32) -> (i32, i32, i32, i32, i32, i32) {
      %eq3A_865 = arith.constant 0 : i32
      %eq3A_866 = arith.cmpi eq, %while3A_860, %eq3A_865 : i32
      %ge3A = arith.constant 0 : i32
      %ge3A_867 = arith.cmpi sge, %while3A_859, %ge3A : i32
      %and3A_868 = arith.andi %eq3A_866, %ge3A_867 : i1
      scf.condition(%and3A_868) %while3A_859, %while3A_860, %while3A_861, %while3A_862, %while3A_863, %while3A_864 : i32, i32, i32, i32, i32, i32
    } do {
    ^bb0(%while3A_859: i32, %while3A_860: i32, %while3A_861: i32, %while3A_862: i32, %while3A_863: i32, %while3A_864: i32):
      %mul3A_865 = arith.constant 16 : i32
      %mul3A_866 = arith.muli %while3A_859, %mul3A_865 : i32
      %get3A = arith.index_cast %mul3A_866 : i32 to index
      %get3A_867 = tpu.vector_load %arg7[%get3A] {strides = array<i32>} : memref<2048xi32, #tpu.memory_space<vmem>>, vector<16xi32>,
      %rev3A = arith.constant 15 : i32
      %rev3A_868 = vector.broadcast %rev3A : i32 to vector<16xi32>
      %rev3A_869 = tpu.iota {dimensions = array<i32: 0>} : vector<16xi32>
      %rev3A_870 = arith.subi %rev3A_868, %rev3A_869 : vector<16xi32>
      %rev3A_871 = tpu.dynamic_gather %get3A_867[%rev3A_870] in [0] : vector<16xi32>, vector<16xi32> -> vector<16xi32>
      %cumsum3A = arith.constant true
      %cumsum3A_872 = vector.broadcast %cumsum3A : i1 to vector<16xi1>
      %cumsum3A_873 = tpu.scan <sum>, %rev3A_871 masked %cumsum3A_872 : vector<16xi32>, vector<16xi1> -> vector<16xi32>
      %reduce_max3A_874 = arith.constant true
      %reduce_max3A_875 = vector.broadcast %reduce_max3A_874 : i1 to vector<16xi1>
      %reduce_max3A_876 = arith.constant -2147483648 : i32
      %reduce_max3A_877 = vector.broadcast %reduce_max3A_876 : i32 to vector<16xi32>
      %reduce_max3A_878 = arith.xori %cumsum3A_873, %reduce_max3A_877 : vector<16xi32>
      %reduce_max3A_879 = tpu.scan <max>, %reduce_max3A_878 masked %reduce_max3A_875 : vector<16xi32>, vector<16xi1> -> vector<16xi32>
      %reduce_max3A_880 = arith.xori %reduce_max3A_879, %reduce_max3A_877 : vector<16xi32>
      %reduce_max3A_881 = vector.extract %reduce_max3A_880[15] : i32 from vector<16xi32>
      %add3A_882 = arith.addi %while3A_864, %reduce_max3A_881 : i32
      %ge3A = arith.cmpi sge, %add3A_882, %sub3A_701 : i32
      %jit3A_883 = arith.constant 1 : i32
      %jit3A_884 = arith.constant 0 : i32
      %select_n3A_885 = arith.select %ge3A, %jit3A_883, %jit3A_884 : i32
      %add3A_886 = vector.broadcast %while3A_864 : i32 to vector<16xi32>
      %add3A_887 = arith.addi %add3A_886, %cumsum3A_873 : vector<16xi32>
      %ge3A_888 = vector.broadcast %sub3A_701 : i32 to vector<16xi32>
      %ge3A_889 = arith.cmpi sge, %add3A_887, %ge3A_888 : vector<16xi32>
      %jit3A_890 = arith.constant 16 : i32
      %broadcast_in_dim3A_891 = vector.broadcast %jit3A_890 : i32 to vector<16xi32>
      %select_n3A_892 = arith.select %ge3A_889, %iota3A_702, %broadcast_in_dim3A_891 : vector<16xi1>, vector<16xi32>
      %reduce_min3A = arith.constant true
      %reduce_min3A_893 = vector.broadcast %reduce_min3A : i1 to vector<16xi1>
      %reduce_min3A_894 = arith.constant -2147483648 : i32
      %reduce_min3A_895 = vector.broadcast %reduce_min3A_894 : i32 to vector<16xi32>
      %reduce_min3A_896 = arith.xori %select_n3A_892, %reduce_min3A_895 : vector<16xi32>
      %reduce_min3A_897 = tpu.scan <min>, %reduce_min3A_896 masked %reduce_min3A_893 : vector<16xi32>, vector<16xi1> -> vector<16xi32>
      %reduce_min3A_898 = arith.xori %reduce_min3A_897, %reduce_min3A_895 : vector<16xi32>
      %reduce_min3A_899 = vector.extract %reduce_min3A_898[15] : i32 from vector<16xi32>
      %lt3A = vector.broadcast %reduce_min3A_899 : i32 to vector<16xi32>
      %lt3A_900 = arith.cmpi slt, %iota3A_702, %lt3A : vector<16xi32>
      %jit3A_901 = arith.constant 0 : i32
      %broadcast_in_dim3A_902 = vector.broadcast %jit3A_901 : i32 to vector<16xi32>
      %select_n3A_903 = arith.select %lt3A_900, %rev3A_871, %broadcast_in_dim3A_902 : vector<16xi1>, vector<16xi32>
      %reduce_sum3A_904 = arith.constant true
      %reduce_sum3A_905 = vector.broadcast %reduce_sum3A_904 : i1 to vector<16xi1>
      %reduce_sum3A_906 = tpu.scan <sum>, %select_n3A_903 masked %reduce_sum3A_905 : vector<16xi32>, vector<16xi1> -> vector<16xi32>
      %reduce_sum3A_907 = vector.extract %reduce_sum3A_906[15] : i32 from vector<16xi32>
      %eq3A_908 = vector.broadcast %reduce_min3A_899 : i32 to vector<16xi32>
      %eq3A_909 = arith.cmpi eq, %iota3A_702, %eq3A_908 : vector<16xi32>
      %jit3A_910 = arith.constant 0 : i32
      %broadcast_in_dim3A_911 = vector.broadcast %jit3A_910 : i32 to vector<16xi32>
      %select_n3A_912 = arith.select %eq3A_909, %rev3A_871, %broadcast_in_dim3A_911 : vector<16xi1>, vector<16xi32>
      %reduce_sum3A_913 = arith.constant true
      %reduce_sum3A_914 = vector.broadcast %reduce_sum3A_913 : i1 to vector<16xi1>
      %reduce_sum3A_915 = tpu.scan <sum>, %select_n3A_912 masked %reduce_sum3A_914 : vector<16xi32>, vector<16xi1> -> vector<16xi32>
      %reduce_sum3A_916 = vector.extract %reduce_sum3A_915[15] : i32 from vector<16xi32>
      %add3A_917 = arith.constant 15 : i32
      %add3A_918 = arith.addi %mul3A_866, %add3A_917 : i32
      %sub3A_919 = arith.subi %add3A_918, %reduce_min3A_899 : i32
      %eq3A_920 = arith.constant 1 : i32
      %eq3A_921 = arith.cmpi eq, %select_n3A_885, %eq3A_920 : i32
      %select_n3A_922 = arith.select %eq3A_921, %sub3A_919, %while3A_861 : i32
      %eq3A_923 = arith.constant 1 : i32
      %eq3A_924 = arith.cmpi eq, %select_n3A_885, %eq3A_923 : i32
      %add3A_925 = arith.addi %while3A_864, %reduce_sum3A_907 : i32
      %select_n3A_926 = arith.select %eq3A_924, %add3A_925, %while3A_862 : i32
      %eq3A_927 = arith.constant 1 : i32
      %eq3A_928 = arith.cmpi eq, %select_n3A_885, %eq3A_927 : i32
      %select_n3A_929 = arith.select %eq3A_928, %reduce_sum3A_916, %while3A_863 : i32
      %eq3A_930 = arith.constant 1 : i32
      %eq3A_931 = arith.cmpi eq, %select_n3A_885, %eq3A_930 : i32
      %add3A_932 = arith.addi %while3A_864, %reduce_max3A_881 : i32
      %select_n3A_933 = arith.select %eq3A_931, %while3A_864, %add3A_932 : i32
      %sub3A_934 = arith.constant 1 : i32
      %sub3A_935 = arith.subi %while3A_859, %sub3A_934 : i32
      %or3A_936 = arith.ori %while3A_860, %select_n3A_885 : i32
      scf.yield %sub3A_935, %or3A_936, %select_n3A_922, %select_n3A_926, %select_n3A_929, %select_n3A_933 : i32, i32, i32, i32, i32, i32
    }
    %add3A_709 = arith.addi %while3A_696#3, %while3A_708#3 : i32
    %sub3A_710 = arith.subi %sub3A_685, %add3A_709 : i32
    %shift_left3A_711 = arith.constant 11 : i32
    %shift_left3A_712 = arith.shli %while3A_683#2, %shift_left3A_711 : i32
    %or3A_713 = arith.ori %shift_left3A_712, %while3A_708#2 : i32
    %eq3A_714 = arith.constant 1 : i32
    %eq3A_715 = arith.cmpi eq, %while3A_708#4, %eq3A_714 : i32
    %eq3A_716 = arith.constant 1 : i32
    %eq3A_717 = arith.cmpi eq, %sub3A_710, %eq3A_716 : i32
    %and3A_718 = arith.andi %eq3A_715, %eq3A_717 : i1
    %not3A_719 = arith.constant true
    %not3A_720 = arith.xori %and3A_718, %not3A_719 : i1
    %convert_element_type3A_721 = arith.extui %not3A_720 : i1 to i32
    %cond3A_722 = arith.constant 0 : i32
    %cond3A_723 = arith.cmpi ne, %convert_element_type3A_721, %cond3A_722 : i32
    scf.if %cond3A_723 {
      %broadcast_in_dim3A_859 = arith.constant 1 : i32
      %broadcast_in_dim3A_860 = vector.broadcast %broadcast_in_dim3A_859 : i32 to vector<16xi32>
      %parallel_loop3A_861 = arith.constant 0 : i32
      %parallel_loop3A_862 = arith.constant 2048 : i32
      %parallel_loop3A_863 = arith.constant 1 : i32
      scf.for %parallel_loop3A_864 = %parallel_loop3A_861 to %parallel_loop3A_862 step %parallel_loop3A_863  : i32 {
        %parallel_loop3A_865 = arith.constant 16 : i32
        %parallel_loop3A_866 = arith.muli %parallel_loop3A_864, %parallel_loop3A_865 : i32
        %parallel_loop3A_867 = arith.index_cast %parallel_loop3A_866 : i32 to index
        %parallel_loop3A_868 = tpu.vector_load %arg5[%parallel_loop3A_867] {strides = array<i32>} : memref<32768xf32, #tpu.memory_space<vmem>>, vector<16xf32>,
        %parallel_loop3A_869 = tpu.bitcast %parallel_loop3A_868 : vector<16xf32> -> vector<16xi32>
        %parallel_loop3A_870 = arith.constant 2147483647 : i32
        %parallel_loop3A_871 = vector.broadcast %parallel_loop3A_870 : i32 to vector<16xi32>
        %parallel_loop3A_872 = arith.andi %parallel_loop3A_869, %parallel_loop3A_871 : vector<16xi32>
        %parallel_loop3A_873 = arith.constant 12 : i32
        %parallel_loop3A_874 = vector.broadcast %parallel_loop3A_873 : i32 to vector<16xi32>
        %parallel_loop3A_875 = arith.shrui %parallel_loop3A_872, %parallel_loop3A_874 : vector<16xi32>
        %parallel_loop3A_876 = vector.broadcast %or3A_713 : i32 to vector<16xi32>
        %parallel_loop3A_877 = arith.cmpi eq, %parallel_loop3A_875, %parallel_loop3A_876 : vector<16xi32>
        %parallel_loop3A_878 = arith.constant 4095 : i32
        %parallel_loop3A_879 = vector.broadcast %parallel_loop3A_878 : i32 to vector<16xi32>
        %parallel_loop3A_880 = arith.andi %parallel_loop3A_872, %parallel_loop3A_879 : vector<16xi32>
        tpu.vector_store_idx %arg8[%parallel_loop3A_880], %broadcast_in_dim3A_860 masked %parallel_loop3A_877 {add = true} : memref<4096xi32, #tpu.memory_space<vmem>>[vector<16xi32>], vector<16xi32>, vector<16xi1>
      } {sc.loop_unroll_factor = 8 : i64, sc.parallel_access}
    } else {
    }
    %jit3A_724 = arith.constant 255 : i32
    %jit3A_725 = arith.constant -1 : i32
    %select_n3A_726 = arith.select %not3A_720, %jit3A_724, %jit3A_725 : i32
    %iota3A_727 = tpu.iota {dimensions = array<i32: 0>} : vector<16xi32>
    %while3A_728 = arith.constant 0 : i32
    %while3A_729 = arith.constant 0 : i32
    %while3A_730 = arith.constant 0 : i32
    %while3A_731 = arith.constant 0 : i32
    %while3A_732 = arith.constant 0 : i32
    %while3A_733:6 = scf.while (%while3A_859 = %select_n3A_726, %while3A_860 = %while3A_728, %while3A_861 = %while3A_729, %while3A_862 = %while3A_730, %while3A_863 = %while3A_731, %while3A_864 = %while3A_732) : (i32, i32, i32, i32, i32, i32) -> (i32, i32, i32, i32, i32, i32) {
      %eq3A_865 = arith.constant 0 : i32
      %eq3A_866 = arith.cmpi eq, %while3A_860, %eq3A_865 : i32
      %ge3A = arith.constant 0 : i32
      %ge3A_867 = arith.cmpi sge, %while3A_859, %ge3A : i32
      %and3A_868 = arith.andi %eq3A_866, %ge3A_867 : i1
      scf.condition(%and3A_868) %while3A_859, %while3A_860, %while3A_861, %while3A_862, %while3A_863, %while3A_864 : i32, i32, i32, i32, i32, i32
    } do {
    ^bb0(%while3A_859: i32, %while3A_860: i32, %while3A_861: i32, %while3A_862: i32, %while3A_863: i32, %while3A_864: i32):
      %mul3A_865 = arith.constant 16 : i32
      %mul3A_866 = arith.muli %while3A_859, %mul3A_865 : i32
      %get3A = arith.index_cast %mul3A_866 : i32 to index
      %get3A_867 = tpu.vector_load %arg8[%get3A] {strides = array<i32>} : memref<4096xi32, #tpu.memory_space<vmem>>, vector<16xi32>,
      %rev3A = arith.constant 15 : i32
      %rev3A_868 = vector.broadcast %rev3A : i32 to vector<16xi32>
      %rev3A_869 = tpu.iota {dimensions = array<i32: 0>} : vector<16xi32>
      %rev3A_870 = arith.subi %rev3A_868, %rev3A_869 : vector<16xi32>
      %rev3A_871 = tpu.dynamic_gather %get3A_867[%rev3A_870] in [0] : vector<16xi32>, vector<16xi32> -> vector<16xi32>
      %cumsum3A = arith.constant true
      %cumsum3A_872 = vector.broadcast %cumsum3A : i1 to vector<16xi1>
      %cumsum3A_873 = tpu.scan <sum>, %rev3A_871 masked %cumsum3A_872 : vector<16xi32>, vector<16xi1> -> vector<16xi32>
      %reduce_max3A_874 = arith.constant true
      %reduce_max3A_875 = vector.broadcast %reduce_max3A_874 : i1 to vector<16xi1>
      %reduce_max3A_876 = arith.constant -2147483648 : i32
      %reduce_max3A_877 = vector.broadcast %reduce_max3A_876 : i32 to vector<16xi32>
      %reduce_max3A_878 = arith.xori %cumsum3A_873, %reduce_max3A_877 : vector<16xi32>
      %reduce_max3A_879 = tpu.scan <max>, %reduce_max3A_878 masked %reduce_max3A_875 : vector<16xi32>, vector<16xi1> -> vector<16xi32>
      %reduce_max3A_880 = arith.xori %reduce_max3A_879, %reduce_max3A_877 : vector<16xi32>
      %reduce_max3A_881 = vector.extract %reduce_max3A_880[15] : i32 from vector<16xi32>
      %add3A_882 = arith.addi %while3A_864, %reduce_max3A_881 : i32
      %ge3A = arith.cmpi sge, %add3A_882, %sub3A_710 : i32
      %jit3A_883 = arith.constant 1 : i32
      %jit3A_884 = arith.constant 0 : i32
      %select_n3A_885 = arith.select %ge3A, %jit3A_883, %jit3A_884 : i32
      %add3A_886 = vector.broadcast %while3A_864 : i32 to vector<16xi32>
      %add3A_887 = arith.addi %add3A_886, %cumsum3A_873 : vector<16xi32>
      %ge3A_888 = vector.broadcast %sub3A_710 : i32 to vector<16xi32>
      %ge3A_889 = arith.cmpi sge, %add3A_887, %ge3A_888 : vector<16xi32>
      %jit3A_890 = arith.constant 16 : i32
      %broadcast_in_dim3A_891 = vector.broadcast %jit3A_890 : i32 to vector<16xi32>
      %select_n3A_892 = arith.select %ge3A_889, %iota3A_727, %broadcast_in_dim3A_891 : vector<16xi1>, vector<16xi32>
      %reduce_min3A = arith.constant true
      %reduce_min3A_893 = vector.broadcast %reduce_min3A : i1 to vector<16xi1>
      %reduce_min3A_894 = arith.constant -2147483648 : i32
      %reduce_min3A_895 = vector.broadcast %reduce_min3A_894 : i32 to vector<16xi32>
      %reduce_min3A_896 = arith.xori %select_n3A_892, %reduce_min3A_895 : vector<16xi32>
      %reduce_min3A_897 = tpu.scan <min>, %reduce_min3A_896 masked %reduce_min3A_893 : vector<16xi32>, vector<16xi1> -> vector<16xi32>
      %reduce_min3A_898 = arith.xori %reduce_min3A_897, %reduce_min3A_895 : vector<16xi32>
      %reduce_min3A_899 = vector.extract %reduce_min3A_898[15] : i32 from vector<16xi32>
      %lt3A = vector.broadcast %reduce_min3A_899 : i32 to vector<16xi32>
      %lt3A_900 = arith.cmpi slt, %iota3A_727, %lt3A : vector<16xi32>
      %jit3A_901 = arith.constant 0 : i32
      %broadcast_in_dim3A_902 = vector.broadcast %jit3A_901 : i32 to vector<16xi32>
      %select_n3A_903 = arith.select %lt3A_900, %rev3A_871, %broadcast_in_dim3A_902 : vector<16xi1>, vector<16xi32>
      %reduce_sum3A_904 = arith.constant true
      %reduce_sum3A_905 = vector.broadcast %reduce_sum3A_904 : i1 to vector<16xi1>
      %reduce_sum3A_906 = tpu.scan <sum>, %select_n3A_903 masked %reduce_sum3A_905 : vector<16xi32>, vector<16xi1> -> vector<16xi32>
      %reduce_sum3A_907 = vector.extract %reduce_sum3A_906[15] : i32 from vector<16xi32>
      %eq3A_908 = vector.broadcast %reduce_min3A_899 : i32 to vector<16xi32>
      %eq3A_909 = arith.cmpi eq, %iota3A_727, %eq3A_908 : vector<16xi32>
      %jit3A_910 = arith.constant 0 : i32
      %broadcast_in_dim3A_911 = vector.broadcast %jit3A_910 : i32 to vector<16xi32>
      %select_n3A_912 = arith.select %eq3A_909, %rev3A_871, %broadcast_in_dim3A_911 : vector<16xi1>, vector<16xi32>
      %reduce_sum3A_913 = arith.constant true
      %reduce_sum3A_914 = vector.broadcast %reduce_sum3A_913 : i1 to vector<16xi1>
      %reduce_sum3A_915 = tpu.scan <sum>, %select_n3A_912 masked %reduce_sum3A_914 : vector<16xi32>, vector<16xi1> -> vector<16xi32>
      %reduce_sum3A_916 = vector.extract %reduce_sum3A_915[15] : i32 from vector<16xi32>
      %add3A_917 = arith.constant 15 : i32
      %add3A_918 = arith.addi %mul3A_866, %add3A_917 : i32
      %sub3A_919 = arith.subi %add3A_918, %reduce_min3A_899 : i32
      %eq3A_920 = arith.constant 1 : i32
      %eq3A_921 = arith.cmpi eq, %select_n3A_885, %eq3A_920 : i32
      %select_n3A_922 = arith.select %eq3A_921, %sub3A_919, %while3A_861 : i32
      %eq3A_923 = arith.constant 1 : i32
      %eq3A_924 = arith.cmpi eq, %select_n3A_885, %eq3A_923 : i32
      %add3A_925 = arith.addi %while3A_864, %reduce_sum3A_907 : i32
      %select_n3A_926 = arith.select %eq3A_924, %add3A_925, %while3A_862 : i32
      %eq3A_927 = arith.constant 1 : i32
      %eq3A_928 = arith.cmpi eq, %select_n3A_885, %eq3A_927 : i32
      %select_n3A_929 = arith.select %eq3A_928, %reduce_sum3A_916, %while3A_863 : i32
      %eq3A_930 = arith.constant 1 : i32
      %eq3A_931 = arith.cmpi eq, %select_n3A_885, %eq3A_930 : i32
      %add3A_932 = arith.addi %while3A_864, %reduce_max3A_881 : i32
      %select_n3A_933 = arith.select %eq3A_931, %while3A_864, %add3A_932 : i32
      %sub3A_934 = arith.constant 1 : i32
      %sub3A_935 = arith.subi %while3A_859, %sub3A_934 : i32
      %or3A_936 = arith.ori %while3A_860, %select_n3A_885 : i32
      scf.yield %sub3A_935, %or3A_936, %select_n3A_922, %select_n3A_926, %select_n3A_929, %select_n3A_933 : i32, i32, i32, i32, i32, i32
    }
    %jit3A_734 = arith.constant 4095 : i32
    %select_n3A_735 = arith.select %not3A_720, %while3A_733#2, %jit3A_734 : i32
    %shift_left3A_736 = arith.constant 12 : i32
    %shift_left3A_737 = arith.shli %or3A_713, %shift_left3A_736 : i32
    %or3A_738 = arith.ori %shift_left3A_737, %select_n3A_735 : i32
    %broadcast_in_dim3A_739 = arith.constant 0.000000e+00 : f32
    %broadcast_in_dim3A_740 = vector.broadcast %broadcast_in_dim3A_739 : f32 to vector<16xf32>
    %parallel_loop3A_741 = arith.constant 0 : i32
    %parallel_loop3A_742 = arith.constant 2048 : i32
    %parallel_loop3A_743 = arith.constant 1 : i32
    %parallel_loop3A_744 = scf.for %parallel_loop3A_859 = %parallel_loop3A_741 to %parallel_loop3A_742 step %parallel_loop3A_743 iter_args(%parallel_loop3A_860 = %broadcast_in_dim3A_740) -> (vector<16xf32>)  : i32 {
      %parallel_loop3A_861 = arith.constant 16 : i32
      %parallel_loop3A_862 = arith.muli %parallel_loop3A_859, %parallel_loop3A_861 : i32
      %parallel_loop3A_863 = arith.index_cast %parallel_loop3A_862 : i32 to index
      %parallel_loop3A_864 = tpu.vector_load %arg5[%parallel_loop3A_863] {strides = array<i32>} : memref<32768xf32, #tpu.memory_space<vmem>>, vector<16xf32>,
      %parallel_loop3A_865 = tpu.bitcast %parallel_loop3A_864 : vector<16xf32> -> vector<16xi32>
      %parallel_loop3A_866 = arith.constant 2147483647 : i32
      %parallel_loop3A_867 = vector.broadcast %parallel_loop3A_866 : i32 to vector<16xi32>
      %parallel_loop3A_868 = arith.andi %parallel_loop3A_865, %parallel_loop3A_867 : vector<16xi32>
      %parallel_loop3A_869 = tpu.bitcast %parallel_loop3A_868 : vector<16xi32> -> vector<16xf32>
      %parallel_loop3A_870 = vector.broadcast %or3A_738 : i32 to vector<16xi32>
      %parallel_loop3A_871 = arith.cmpi sgt, %parallel_loop3A_868, %parallel_loop3A_870 : vector<16xi32>
      %parallel_loop3A_872 = arith.select %parallel_loop3A_871, %parallel_loop3A_869, %broadcast_in_dim3A_740 : vector<16xi1>, vector<16xf32>
      %parallel_loop3A_873 = arith.addf %parallel_loop3A_860, %parallel_loop3A_872 : vector<16xf32>
      scf.yield %parallel_loop3A_873 : vector<16xf32>
    } {sc.loop_unroll_factor = 16 : i64, sc.parallel_access}
    %reduce_sum3A_745 = arith.constant true
    %reduce_sum3A_746 = vector.broadcast %reduce_sum3A_745 : i1 to vector<16xi1>
    %reduce_sum3A_747 = tpu.scan <sum>, %parallel_loop3A_744 masked %reduce_sum3A_746 : vector<16xf32>, vector<16xi1> -> vector<16xf32>
    %reduce_sum3A_748 = vector.extract %reduce_sum3A_747[15] : f32 from vector<16xf32>
    %add3A_749 = arith.constant 1 : i32
    %add3A_750 = arith.addi %shift_right_logical3A_676, %add3A_749 : i32
    %mul3A_751 = arith.constant 16 : i32
    %mul3A_752 = arith.muli %add3A_750, %mul3A_751 : i32
    %broadcast_in_dim3A_753 = arith.constant 0 : i32
    %broadcast_in_dim3A_754 = vector.broadcast %broadcast_in_dim3A_753 : i32 to vector<16xi32>
    %add3A_755 = arith.constant 16 : i32
    %add3A_756 = arith.addi %mul3A_752, %add3A_755 : i32
    %sub3A_757 = arith.constant 1 : i32
    %sub3A_758 = arith.subi %add3A_756, %sub3A_757 : i32
    %jit3A_759 = arith.constant 16 : i32
    %div3A_760 = arith.divsi %sub3A_758, %jit3A_759 : i32
    %sign3A_761 = arith.constant 0 : i32
    %sign3A_762 = arith.cmpi sgt, %sub3A_758, %sign3A_761 : i32
    %sign3A_763 = arith.extui %sign3A_762 : i1 to i32
    %sign3A_764 = arith.constant 0 : i32
    %sign3A_765 = arith.cmpi slt, %sub3A_758, %sign3A_764 : i32
    %sign3A_766 = arith.extui %sign3A_765 : i1 to i32
    %sign3A_767 = arith.subi %sign3A_763, %sign3A_766 : i32
    %sign3A_768 = arith.constant 0 : i32
    %sign3A_769 = arith.cmpi sgt, %jit3A_759, %sign3A_768 : i32
    %sign3A_770 = arith.extui %sign3A_769 : i1 to i32
    %sign3A_771 = arith.constant 0 : i32
    %sign3A_772 = arith.cmpi slt, %jit3A_759, %sign3A_771 : i32
    %sign3A_773 = arith.extui %sign3A_772 : i1 to i32
    %sign3A_774 = arith.subi %sign3A_770, %sign3A_773 : i32
    %ne3A_775 = arith.cmpi ne, %sign3A_767, %sign3A_774 : i32
    %rem3A_776 = arith.remsi %sub3A_758, %jit3A_759 : i32
    %ne3A_777 = arith.constant 0 : i32
    %ne3A_778 = arith.cmpi ne, %rem3A_776, %ne3A_777 : i32
    %and3A_779 = arith.andi %ne3A_775, %ne3A_778 : i1
    %sub3A_780 = arith.constant 1 : i32
    %sub3A_781 = arith.subi %div3A_760, %sub3A_780 : i32
    %select_n3A_782 = arith.select %and3A_779, %sub3A_781, %div3A_760 : i32
    %parallel_loop3A_783 = arith.constant 0 : i32
    %parallel_loop3A_784 = arith.constant 1 : i32
    scf.for %parallel_loop3A_859 = %parallel_loop3A_783 to %select_n3A_782 step %parallel_loop3A_784  : i32 {
      %parallel_loop3A_860 = arith.constant 16 : i32
      %parallel_loop3A_861 = arith.muli %parallel_loop3A_859, %parallel_loop3A_860 : i32
      %parallel_loop3A_862 = arith.index_cast %parallel_loop3A_861 : i32 to index
      %parallel_loop3A_863 = tpu.vector_load %arg6[%parallel_loop3A_862] {strides = array<i32>} : memref<4096xi32, #tpu.memory_space<vmem>>, vector<16xi32>,
      tpu.vector_store %arg6[%parallel_loop3A_862], %broadcast_in_dim3A_754 {strides = array<i32>} : memref<4096xi32, #tpu.memory_space<vmem>>, vector<16xi32>,
    } {sc.loop_unroll_factor = 4 : i64, sc.parallel_access}
    %broadcast_in_dim3A_785 = arith.constant 0 : i32
    %broadcast_in_dim3A_786 = vector.broadcast %broadcast_in_dim3A_785 : i32 to vector<16xi32>
    %add3A_787 = arith.constant 2048 : i32
    %add3A_788 = arith.constant 16 : i32
    %add3A_789 = arith.addi %add3A_787, %add3A_788 : i32
    %sub3A_790 = arith.constant 1 : i32
    %sub3A_791 = arith.subi %add3A_789, %sub3A_790 : i32
    %jit3A_792 = arith.constant 16 : i32
    %div3A_793 = arith.divsi %sub3A_791, %jit3A_792 : i32
    %sign3A_794 = arith.constant 0 : i32
    %sign3A_795 = arith.cmpi sgt, %sub3A_791, %sign3A_794 : i32
    %sign3A_796 = arith.extui %sign3A_795 : i1 to i32
    %sign3A_797 = arith.constant 0 : i32
    %sign3A_798 = arith.cmpi slt, %sub3A_791, %sign3A_797 : i32
    %sign3A_799 = arith.extui %sign3A_798 : i1 to i32
    %sign3A_800 = arith.subi %sign3A_796, %sign3A_799 : i32
    %sign3A_801 = arith.constant 0 : i32
    %sign3A_802 = arith.cmpi sgt, %jit3A_792, %sign3A_801 : i32
    %sign3A_803 = arith.extui %sign3A_802 : i1 to i32
    %sign3A_804 = arith.constant 0 : i32
    %sign3A_805 = arith.cmpi slt, %jit3A_792, %sign3A_804 : i32
    %sign3A_806 = arith.extui %sign3A_805 : i1 to i32
    %sign3A_807 = arith.subi %sign3A_803, %sign3A_806 : i32
    %ne3A_808 = arith.cmpi ne, %sign3A_800, %sign3A_807 : i32
    %rem3A_809 = arith.remsi %sub3A_791, %jit3A_792 : i32
    %ne3A_810 = arith.constant 0 : i32
    %ne3A_811 = arith.cmpi ne, %rem3A_809, %ne3A_810 : i32
    %and3A_812 = arith.andi %ne3A_808, %ne3A_811 : i1
    %sub3A_813 = arith.constant 1 : i32
    %sub3A_814 = arith.subi %div3A_793, %sub3A_813 : i32
    %select_n3A_815 = arith.select %and3A_812, %sub3A_814, %div3A_793 : i32
    %parallel_loop3A_816 = arith.constant 0 : i32
    %parallel_loop3A_817 = arith.constant 1 : i32
    scf.for %parallel_loop3A_859 = %parallel_loop3A_816 to %select_n3A_815 step %parallel_loop3A_817  : i32 {
      %parallel_loop3A_860 = arith.constant 16 : i32
      %parallel_loop3A_861 = arith.muli %parallel_loop3A_859, %parallel_loop3A_860 : i32
      %parallel_loop3A_862 = arith.index_cast %parallel_loop3A_861 : i32 to index
      %parallel_loop3A_863 = tpu.vector_load %arg7[%parallel_loop3A_862] {strides = array<i32>} : memref<2048xi32, #tpu.memory_space<vmem>>, vector<16xi32>,
      tpu.vector_store %arg7[%parallel_loop3A_862], %broadcast_in_dim3A_786 {strides = array<i32>} : memref<2048xi32, #tpu.memory_space<vmem>>, vector<16xi32>,
    } {sc.loop_unroll_factor = 4 : i64, sc.parallel_access}
    %jit3A_818 = arith.constant 4096 : i32
    %jit3A_819 = arith.constant 0 : i32
    %select_n3A_820 = arith.select %not3A_720, %jit3A_818, %jit3A_819 : i32
    %broadcast_in_dim3A_821 = arith.constant 0 : i32
    %broadcast_in_dim3A_822 = vector.broadcast %broadcast_in_dim3A_821 : i32 to vector<16xi32>
    %add3A_823 = arith.constant 16 : i32
    %add3A_824 = arith.addi %select_n3A_820, %add3A_823 : i32
    %sub3A_825 = arith.constant 1 : i32
    %sub3A_826 = arith.subi %add3A_824, %sub3A_825 : i32
    %jit3A_827 = arith.constant 16 : i32
    %div3A_828 = arith.divsi %sub3A_826, %jit3A_827 : i32
    %sign3A_829 = arith.constant 0 : i32
    %sign3A_830 = arith.cmpi sgt, %sub3A_826, %sign3A_829 : i32
    %sign3A_831 = arith.extui %sign3A_830 : i1 to i32
    %sign3A_832 = arith.constant 0 : i32
    %sign3A_833 = arith.cmpi slt, %sub3A_826, %sign3A_832 : i32
    %sign3A_834 = arith.extui %sign3A_833 : i1 to i32
    %sign3A_835 = arith.subi %sign3A_831, %sign3A_834 : i32
    %sign3A_836 = arith.constant 0 : i32
    %sign3A_837 = arith.cmpi sgt, %jit3A_827, %sign3A_836 : i32
    %sign3A_838 = arith.extui %sign3A_837 : i1 to i32
    %sign3A_839 = arith.constant 0 : i32
    %sign3A_840 = arith.cmpi slt, %jit3A_827, %sign3A_839 : i32
    %sign3A_841 = arith.extui %sign3A_840 : i1 to i32
    %sign3A_842 = arith.subi %sign3A_838, %sign3A_841 : i32
    %ne3A_843 = arith.cmpi ne, %sign3A_835, %sign3A_842 : i32
    %rem3A_844 = arith.remsi %sub3A_826, %jit3A_827 : i32
    %ne3A_845 = arith.constant 0 : i32
    %ne3A_846 = arith.cmpi ne, %rem3A_844, %ne3A_845 : i32
    %and3A_847 = arith.andi %ne3A_843, %ne3A_846 : i1
    %sub3A_848 = arith.constant 1 : i32
    %sub3A_849 = arith.subi %div3A_828, %sub3A_848 : i32
    %select_n3A_850 = arith.select %and3A_847, %sub3A_849, %div3A_828 : i32
    %parallel_loop3A_851 = arith.constant 0 : i32
    %parallel_loop3A_852 = arith.constant 1 : i32
    scf.for %parallel_loop3A_859 = %parallel_loop3A_851 to %select_n3A_850 step %parallel_loop3A_852  : i32 {
      %parallel_loop3A_860 = arith.constant 16 : i32
      %parallel_loop3A_861 = arith.muli %parallel_loop3A_859, %parallel_loop3A_860 : i32
      %parallel_loop3A_862 = arith.index_cast %parallel_loop3A_861 : i32 to index
      %parallel_loop3A_863 = tpu.vector_load %arg8[%parallel_loop3A_862] {strides = array<i32>} : memref<4096xi32, #tpu.memory_space<vmem>>, vector<16xi32>,
      tpu.vector_store %arg8[%parallel_loop3A_862], %broadcast_in_dim3A_822 {strides = array<i32>} : memref<4096xi32, #tpu.memory_space<vmem>>, vector<16xi32>,
    } {sc.loop_unroll_factor = 4 : i64, sc.parallel_access}
    %eq3A_853 = arith.constant 3 : i32
    %eq3A_854 = vector.broadcast %eq3A_853 : i32 to vector<16xi32>
    %eq3A_855 = arith.cmpi eq, %iota3A, %eq3A_854 : vector<16xi32>
    %broadcast_in_dim3A_856 = vector.broadcast %reduce_sum3A_748 : f32 to vector<16xf32>
    %select_n3A_857 = arith.select %eq3A_855, %broadcast_in_dim3A_856, %select_n3A_651 : vector<16xi1>, vector<16xf32>
    %swap3A = arith.constant 0 : index
    %swap3A_858 = tpu.vector_load %arg9[%swap3A] {strides = array<i32>} : memref<16xf32, #tpu.memory_space<vmem>>, vector<16xf32>,
    tpu.vector_store %arg9[%swap3A], %select_n3A_857 {strides = array<i32>} : memref<16xf32, #tpu.memory_space<vmem>>, vector<16xf32>,
    "tpu.region"() ({
      %run_scoped3A = tpu.sem_alloc : memref<!tpu.dma_semaphore, #tpu.memory_space<semaphore_mem>>
      %dma_start3A_859 = arith.constant 0 : i32
      %dma_start3A_860 = tpu.memref_slice %arg3[%add3A, %dma_start3A_859] : memref<32x16xf32, #tpu.memory_space<hbm>> -> memref<1x16xf32, #tpu.memory_space<hbm>>
      %dma_start3A_861 = tpu.memref_squeeze %dma_start3A_860 : memref<1x16xf32, #tpu.memory_space<hbm>> -> memref<16xf32, #tpu.memory_space<hbm>>
      %dma_start3A_862 = arith.constant 0 : i32
      %dma_start3A_863 = tpu.memref_slice %arg3[%add3A, %dma_start3A_862] : memref<32x16xf32, #tpu.memory_space<hbm>> -> memref<1x16xf32, #tpu.memory_space<hbm>>
      %dma_start3A_864 = tpu.memref_squeeze %dma_start3A_863 : memref<1x16xf32, #tpu.memory_space<hbm>> -> memref<16xf32, #tpu.memory_space<hbm>>
      tpu.enqueue_dma source(%arg9 : memref<16xf32, #tpu.memory_space<vmem>>) target(%dma_start3A_864 : memref<16xf32, #tpu.memory_space<hbm>>) target_semaphore(%run_scoped3A : memref<!tpu.dma_semaphore, #tpu.memory_space<semaphore_mem>>)
      %dma_wait3A_865 = arith.constant 0 : i32
      %dma_wait3A_866 = tpu.memref_slice %arg3[%add3A, %dma_wait3A_865] : memref<32x16xf32, #tpu.memory_space<hbm>> -> memref<1x16xf32, #tpu.memory_space<hbm>>
      %dma_wait3A_867 = tpu.memref_squeeze %dma_wait3A_866 : memref<1x16xf32, #tpu.memory_space<hbm>> -> memref<16xf32, #tpu.memory_space<hbm>>
      %dma_wait3A_868 = arith.constant 0 : i32
      %dma_wait3A_869 = tpu.memref_slice %arg3[%add3A, %dma_wait3A_868] : memref<32x16xf32, #tpu.memory_space<hbm>> -> memref<1x16xf32, #tpu.memory_space<hbm>>
      %dma_wait3A_870 = tpu.memref_squeeze %dma_wait3A_869 : memref<1x16xf32, #tpu.memory_space<hbm>> -> memref<16xf32, #tpu.memory_space<hbm>>
      tpu.wait_dma2 semaphore(%run_scoped3A : memref<!tpu.dma_semaphore, #tpu.memory_space<semaphore_mem>>) src(%arg9 : memref<16xf32, #tpu.memory_space<vmem>>) dst(%dma_wait3A_870 : memref<16xf32, #tpu.memory_space<hbm>>)
      tpu.yield
    }) : () -> ()
    return
  }
}

</mosaic_0001>

<sc_bundles>
// kernel: kernel.3.cloned.1.call-start
scs
__scs_entry_jumppad:
0x0: {  	(pc) =	sbr.rel $0x88, $3  }
0x1: {  	(tag) =	ssettag $0x0;
	lr =	simm.s32 $0x1  }
0x2: {  	[smem:$0x3F9F] =	sst lr;
	_ =	strace $0xD0000000  }
0x3: {  	_ = 	snop  }
0x4: {  	_ = 	snop  }
0x5: {  	_ = 	snop  }
0x6: {  	_ = 	snop  }
0x7: {  	_ = 	snop  }
__scs_overlays_trampoline_lowered:
0x8: {  	[smem:$0x3FAE] =	sst s0  }
0x9: {  	[smem:$0x3FAF] =	sst s1  }
0xa: {  	[smem:$0x3FB0] =	sst s2  }
0xb: {  	[smem:$0x3FB1] =	sst s3  }
0xc: {  	[smem:$0x3FB2] =	sst s4  }
0xd: {  	[smem:$0x3FB3] =	sst s5  }
0xe: {  	[smem:$0x3FB4] =	sst s6  }
0xf: {  	[smem:$0x3FB5] =	sst s7  }
0x10: {  	[smem:$0x3FB6] =	sst s8  }
0x11: {  	[smem:$0x3FB7] =	sst s9;
	s0 =	simm.s32 @!p0 $0x0  }
0x12: {  	s1 =	sld [smem:$0x3F9D];
	s0 =	simm.s32 @p0 $0x1  }
0x13: {  	[smem:$0x3FB8] =	sst s0;
	s0 =	simm.s32 @!p1 $0x0  }
0x14: {  	s2 =	sld [smem:$0x3F9C];
	s0 =	simm.s32 @p1 $0x1  }
0x15: {  	[smem:$0x3FB9] =	sst s0;
	s0 =	simm.s32 @!p2 $0x0  }
0x16: {  	s3 =	sld [smem:$0x3FDB];
	s0 =	simm.s32 @p2 $0x1  }
0x17: {  	s4 =	simm.s32 $0x1BF5;
	[smem:$0x3FBB] =	sst s0  }
0x18: {  	s0 =	sld [smem:$0x3F9E];
	_ =	swait.ge [sflag:s4], $0x0  }
0x19: {  	s7 =	sld [smem:$0x3F9F]  }
0x1a: {  	s8 =	sadd.s32 $0xFFFFE003, lr  }
0x1b: {  	s9 =	sadd.s32 $0xFFFFFEF7, lr;
	s5 =	simm.s32 $0xFFFFFFFF;
	p2 =	slt.u32 s8, $0xFFFFF086  }
0x1c: {  	p1 =	slt.u32 s9, $0xF7A;
	s5 =	simm.s32 @!p2 $0x0  }
0x1d: {  	s5 =	simm.s32 @p1 $0x1;
	p0 =	seq.s32 s7, s2  }
0x1e: {  	s7 =	smul.u32 @!p0 $0xF7A, s2;
	p2 =	seq.s32 @!p0 s5, $0x0  }
0x1f: {  	s9 =	smul.u32 $0xF7A, s1;
	s8 =	simm.s32 @!p0 $0x1BF5;
	p2 =	por !p2, p0  }
0x20: {  	[sflag:s8] =	ssyncset.s32 @!p0 $0xFFFFF086;
	s6 =	sadd.s32 @!p0 s3, s7;
	s7 =	simm.s32 @!p0 $0x108  }
0x21: {  	s3 =	sadd.s32 s3, s9;
	s6 =	sadd.s32 @!p0 $0x88, s6;
	s7 =	simm.s32 @p2 $0x1082  }
0x22: {  	[simem:s7], [sflag:s8] =	dma.local @!p0 [hbm:s6], $0xF7A  }
0x23: {  	s9 =	sor.u32 $0xD0000000, s2;
	s6 =	simm.s32 $0x108;
	_ =	swait.ge @!p0 [sflag:s8], $0x0  }
0x24: {  	s3 =	sadd.s32 $0x88, s3;
	s6 =	simm.s32 @!p1 $0x1082;
	[sflag:s4] =	ssyncset.s32 $0xFFFFF086  }
0x25: {  	[simem:s6], [sflag:s4] =	dma.local [hbm:s3], $0xF7A  }
0x26: {  	[smem:$0x3F9F] =	sst s1;
	(tag) =	ssettag s2;
	_ =	strace s9  }
0x27: {  	s1 =	sld [smem:$0x3FAF]  }
0x28: {  	s2 =	sld [smem:$0x3FB0]  }
0x29: {  	s4 =	sld [smem:$0x3FB2]  }
0x2a: {  	p0 =	seq.s32 s5, $0x0;
	s5 =	sld [smem:$0x3FB3]  }
0x2b: {  	s6 =	sld [smem:$0x3FB4]  }
0x2c: {  	s7 =	sld [smem:$0x3FB5]  }
0x2d: {  	s3 =	simm.s32 $0x108;
	s8 =	sld [smem:$0x3FB6]  }
0x2e: {  	s3 =	simm.s32 @!p0 $0x1082;
	s9 =	sld [smem:$0x3FB7]  }
0x2f: {  	lr =	sadd.s32 s0, s3;
	s0 =	sld [smem:$0x3FAE]  }
0x30: {  	s3 =	sld [smem:$0x3FB1]  }
0x31: {  	[smem:$0x3FBA] =	sst s10  }
0x32: {  	s10 =	sld [smem:$0x3FB8];
	_ =	sdelay $0x3  }
0x33: {  	p0 =	seq.s32 s10, $0x1;
	s10 =	sld [smem:$0x3FBA];
	_ =	sdelay $0x3  }
0x34: {  	[smem:$0x3FBA] =	sst s10  }
0x35: {  	s10 =	sld [smem:$0x3FB9];
	_ =	sdelay $0x3  }
0x36: {  	p1 =	seq.s32 s10, $0x1;
	s10 =	sld [smem:$0x3FBA];
	_ =	sdelay $0x3  }
0x37: {  	[smem:$0x3FBA] =	sst s10  }
0x38: {  	s10 =	sld [smem:$0x3FBB]  }
0x39: {  	_ = 	snop;
	(pc) =	sbr.ind lr, $3  }
0x3a: {  	_ = 	snop  }
0x3b: {  	_ = 	snop  }
0x3c: {  	p2 =	seq.s32 s10, $0x1;
	s10 =	sld [smem:$0x3FBA]  }
0x3d: {  	_ =	shalt  }
0x3e: {  	_ =	shalt  }
0x3f: {  	_ =	shalt  }
0x40: {  	_ =	shalt  }
0x41: {  	_ =	shalt  }
0x42: {  	_ =	shalt  }
0x43: {  	_ =	shalt  }
0x44: {  	_ =	shalt  }
0x45: {  	_ =	shalt  }
0x46: {  	_ =	shalt  }
0x47: {  	_ =	shalt  }
0x48: {  	_ =	shalt  }
0x49: {  	_ =	shalt  }
0x4a: {  	_ =	shalt  }
0x4b: {  	_ =	shalt  }
0x4c: {  	_ =	shalt  }
0x4d: {  	_ =	shalt  }
0x4e: {  	_ =	shalt  }
0x4f: {  	_ =	shalt  }
0x50: {  	_ =	shalt  }
0x51: {  	_ =	shalt  }
0x52: {  	_ =	shalt  }
0x53: {  	_ =	shalt  }
0x54: {  	_ =	shalt  }
0x55: {  	_ =	shalt  }
0x56: {  	_ =	shalt  }
0x57: {  	_ =	shalt  }
0x58: {  	_ =	shalt  }
0x59: {  	_ =	shalt  }
0x5a: {  	_ =	shalt  }
0x5b: {  	_ =	shalt  }
0x5c: {  	_ =	shalt  }
0x5d: {  	_ =	shalt  }
0x5e: {  	_ =	shalt  }
0x5f: {  	_ =	shalt  }
0x60: {  	_ =	shalt  }
0x61: {  	_ =	shalt  }
0x62: {  	_ =	shalt  }
0x63: {  	_ =	shalt  }
0x64: {  	_ =	shalt  }
0x65: {  	_ =	shalt  }
0x66: {  	_ =	shalt  }
0x67: {  	_ =	shalt  }
0x68: {  	_ =	shalt  }
0x69: {  	_ =	shalt  }
0x6a: {  	_ =	shalt  }
0x6b: {  	_ =	shalt  }
0x6c: {  	_ =	shalt  }
0x6d: {  	_ =	shalt  }
0x6e: {  	_ =	shalt  }
0x6f: {  	_ =	shalt  }
0x70: {  	_ =	shalt  }
0x71: {  	_ =	shalt  }
0x72: {  	_ =	shalt  }
0x73: {  	_ =	shalt  }
0x74: {  	_ =	shalt  }
0x75: {  	_ =	shalt  }
0x76: {  	_ =	shalt  }
0x77: {  	_ =	shalt  }
0x78: {  	_ =	shalt  }
0x79: {  	_ =	shalt  }
0x7a: {  	_ =	shalt  }
0x7b: {  	_ =	shalt  }
0x7c: {  	_ =	shalt  }
0x7d: {  	_ =	shalt  }
0x7e: {  	_ =	shalt  }
0x7f: {  	_ =	shalt  }
0x80: {  	_ =	shalt  }
0x81: {  	_ =	shalt  }
0x82: {  	_ =	shalt  }
0x83: {  	_ =	shalt  }
0x84: {  	_ =	shalt  }
0x85: {  	_ =	shalt  }
0x86: {  	_ =	shalt  }
0x87: {  	_ =	shalt  }
.Lfunc_end0:
.L_simem_size_0:
called_computation_lowered:
.L_overlay_start_0:
0x88: {  	s2 =	sld [smem:$0x3FD9]  }
0x89: {  	s3 =	sld [smem:$0x3FFE];
	_ =	sdelay $0x1  }
0x8a: {  	s1 =	srdreg.scid  }
0x8b: {  	s0 =	sand.u32 $0x1, s1  }
0x8c: {  	s17 =	sshll.u32 s0, $0xA;
	s2 =	sadd.s32 s3, s2  }
0x8d: {  	s2 =	sadd.s32 s2, s17  }
0x8e: {  	[smem:$0x3FC6] =	sst s2  }
0x8f: {  	_ = 	snop  }
0x90: {  	s2 =	sld [smem:$0x3FC8];
	(tm) =	ssettm $0x1  }
0x91: {  	s18 =	sld [smem:$0x3FFB];
	_ =	sdelay $0x3  }
0x92: {  	_ =	strace s18  }
0x93: {  	s3 =	sld [smem:$0x3FFC];
	_ =	sdelay $0x3  }
0x94: {  	_ =	strace s3  }
0x95: {  	s3 =	sld [smem:$0x3FFD];
	_ =	sdelay $0x3  }
0x96: {  	_ =	strace s3  }
0x97: {  	_ =	strace $0x8FFFFFFF  }
0x98: {  	s19 =	sld [smem:$0x3FDB];
	_ =	sdelay $0x1  }
0x99: {  	s4 =	simm.s32 $_scs_section_size  }
0x9a: {  	s5 =	simm.s32 $_size__tile_overlayer_lowered;
	s6 =	simm.s32 $_tile_overlayer_lowered  }
0x9b: {  	s22 =	simm.s32 $0x1BFF;
	s21 =	sshll.u32 s6, $0x1;
	s3 =	sadd.s32 s4, s19  }
0x9c: {  	s7 =	simm.s32 $0x0;
	s20 =	sshll.u32 s5, $0x1;
	s5 =	sadd.s32 s21, s3  }
0x9d: {  	[timem:s7], [sflag:s22] =	dma.local [hbm:s5], s20  }
0x9e: {  	_ =	swait.ge [sflag:s22], s20  }
0x9f: {  	s4 =	ssub.s32 $0x0, s20;
	[sflag:s22] =	ssyncset.done $0x0  }
0xa0: {  	[sflag:s22] =	ssyncadd.s32 s4;
	_ =	sdelay $0x1  }
0xa1: {  	s23 =	simm.s32 $0x1B8B  }
0xa2: {  	_ =	swait.ge [sflag:s23], $0x1  }
0xa3: {  	[sflag:s23] =	ssyncset.done $0x0  }
0xa4: {  	s25 =	simm.s32 $0x1B8E;
	s24 =	sld [smem:$0x3FFE];
	[sflag:s23] =	ssyncadd.s32 $0xFFFFFFFF  }
0xa5: {  	s26 =	simm.s32 $execute0_lowered;
	[smem:$0x3FD2] =	sst s25  }
0xa6: {  	s5 =	sshll.u32 s26, $0x1;
	_ =	strace $0x80000046;
	[dreg:$0x1] =	wrdreg $0xFFFFFFFF  }
0xa7: {  	s28 =	simm.s32 $_size_execute0_lowered;
	s3 =	sadd.s32 s3, s5;
	[dreg:$0x0] =	wrdreg $0x0  }
0xa8: {  	s5 =	sshll.u32 s28, $0x1;
	[dreg:$0x2] =	wrdreg s3  }
0xa9: {  	[dreg:$0x3] =	wrdreg s5  }
0xaa: {  	[dreg:$0x4] =	wrdreg $0xC0  }
0xab: {  	_ =	task [dreg:s7], $0x5FFFF  }
0xac: {  	[dreg:$0x1] =	wrdreg $0xFFFFFFFF  }
0xad: {  	[dreg:$0x0] =	wrdreg $0x60  }
0xae: {  	[dreg:$0x2] =	wrdreg s2  }
0xaf: {  	[dreg:$0x3] =	wrdreg s24  }
0xb0: {  	[dreg:$0x4] =	wrdreg $0x9  }
0xb1: {  	_ =	task.clear_ibuf [dreg:s7], $0x5FFFF;
	_ =	strace $0x90000046  }
0xb2: {  	s29 =	simm.s32 $0x9;
	_ =	strace $0x80000048  }
0xb3: {  	_ =	swait.ge [sflag:s29], $0x1  }
0xb4: {  	[sflag:s29] =	ssyncadd.s32 $0xFFFFFFFF  }
0xb5: {  	_ =	strace $0x90000048  }
0xb6: {  	_ =	sfence  }
0xb7: {  	s30 =	sld [smem:$0x0];
	_ =	sdelay $0x2  }
0xb8: {  	s31 =	sshll.u32 s1, $0xD;
	s1 =	sshrl.u32 s1, $0x2  }
0xb9: {  	s3 =	sand.u32 $0x4000, s31;
	s1 =	sadd.s32 s1, s30  }
0xba: {  	s0 =	sor.u32 s3, s0;
	s1 =	sshll.u32 s1, $0x11  }
0xbb: {  	s0 =	sor.u32 s1, s0  }
0xbc: {  	s0 =	sadd.s32 $0x8F2B, s0  }
0xbd: {  	[sflag:s0] =	ssyncadd.remote.s32 $0x1  }
0xbe: {  	_ =	sfence.sel $0xFFFF  }
0xbf: {  	[dreg:$0x0] =	wrdreg $0xFFFFFFFF;
	(pc) =	sbr.abs _section_cstart, $3  }
0xc0: {  	[dreg:$0x1] =	wrdreg $0xFFFFFFFF  }
0xc1: {  	_ =	task.clear_ibuf [dreg:s7], $0x2FFFF;
	_ =	strace $0x9FFFFFFF  }
0xc2: {  	(tm) =	ssettm $0x7FFFFFFF  }
0xc3: {  	_ =	shalt  }
tec
execute0_lowered:
.L_overlay_start_1:
0x0: {  	(tag) =	ssettag $0x1  }
0x1: {  	s0 =	rddreg [dreg:$0x0]  }
0x2: {  	s5 =	rddreg [dreg:$0x1];
	s2 =	simm.s32 $0x0  }
0x3: {  	s3 =	srdreg.scid;
	s1 =	stileid.u32;
	s9 =	simm.s32 $0x80  }
0x4: {  	s10 =	simm.s32 $0x400;
	s12 =	simm.s32 $0x1;
	s13 =	simm.s32 $0x10000  }
0x5: {  	s14 =	simm.s32 $0x11000;
	s15 =	simm.s32 $0x11800;
	s16 =	simm.s32 $0x2  }
0x6: {  	s18 =	simm.s32 $0x3;
	s19 =	simm.s32 $0x0;
	s4 =	sand.u32 $0x1, s3  }
0x7: {  	s7 =	sshll.u32 s1, $0xF;
	s3 =	ssub.s32 $0x2, s4;
	s6 =	sshll.u32 s4, $0x6  }
0x8: {  	[smem:$0x7FF] =	sst s2;
	s8 =	sshrl.u32 s3, $0x1;
	s6 =	sor.u32 s6, s7  }
.Ltmp0:
0x9: {  	s8 =	ssub.s32 s3, s8;
	s3 =	sadd.s32 s0, s6;
	(pc) =	sbr.rel .LBB2_1-.Ltmp0, $4  }
0xa: {  	v0 =	vlaneseq.u32;
	s29 =	sshll.u32 s1, $0x5;
	_ =	strace $0x80000047;
	s28 =	sadd.s32 $0x10, s3  }
0xb: {  	v1 =	vimm.s32 $0x0;
	v3 =	vmul.u32 $0xFFFFFFFF, v0;
	s26 =	sshll.u32 s4, $0x4;
	s30 =	sadd.s32 $0x20, s3;
	[dreg:$0x3] =	wrdreg s28  }
0xc: {  	v2 =	vimm.s32 $0x1;
	vm0 =	vcmask $0x704;
	vm1 =	vcmask $0xB08;
	s0 =	sadd.s32 s5, s26;
	s31 =	sadd.s32 $0x30, s3;
	[dreg:$0x4] =	wrdreg s30  }
0xd: {  	vm2 =	vcmask $0xF0C;
	v4 =	vor.u32 $0x80000000, v0;
	v3 =	vadd.s32 $0xF, v3;
	s7 =	sadd.s32 s29, s0;
	s8 =	smax.u32 s8, $0x1;
	[dreg:$0x5] =	wrdreg s31  }
.LBB2_144:
0xe: {  	[tilespmem:s0+$0xFFFFFFF0] =	vst v1  }
.LBB2_145:
0xf: {  	v6 =	vbroadcast v6, $0xF  }
0x10: {  	s19 =	sadd.s32 $0x1, s19  }
0x11: {  	p0 =	seq.s32 s19, s8;
	v5 =	vsel vm2, v6, v5  }
.Ltmp1:
0x12: {  	s0 =	simm.s32 $0x12800;
	[tilespmem:$0x12800] =	vst v5;
	(pc) =	sbr.rel @p0 .LBB2_146-.Ltmp1, $4  }
0x13: {  	[hbm4b:s7+s2] =	stream.linear.scatter [tilespmem:s0], [sflag:$0x3], $0x80, $0x38;
	[tilespmem:$0x12880] =	vst v63  }
0x14: {  	_ =	swait.ge [sflag:s18], $0x80  }
0x15: {  	[sflag:s18] =	ssyncset.done $0x0  }
0x16: {  	[sflag:s18] =	ssyncadd.s32 $0xFFFFFF80  }
.LBB2_1:
0x17: {  	[tilespmem:s2], [sflag:$0x1] =	stream.strided.gather [hbm4b:s3+s9], $0x8000, s10, s9, $0x38;
	[tilespmem:$0x12880] =	vst v63  }
0x18: {  	s0 =	rddreg [dreg:$0x3];
	s1 =	simm.s32 $0x8000  }
0x19: {  	[tilespmem:s1], [sflag:$0x2] =	stream.strided.gather [hbm4b:s0+s9], $0x8000, s10, s9, $0x38;
	[tilespmem:$0x12880] =	vst v63  }
0x1a: {  	s0 =	simm.s32 $0x10020  }
0x1b: {  	[tilespmem:s0+$0xFFFFFFE0] =	vst v1  }
0x1c: {  	[tilespmem:s0+$0x10] =	vst v1  }
0x1d: {  	s21 =	simm.s32 $0x0;
	[tilespmem:s0+$0x0] =	vst v1  }
.LBB2_2:
0x1e: {  	s21 =	sadd.s32 $0x4, s21  }
0x1f: {  	[tilespmem:s0+$0xFFFFFFF0] =	vst v1;
	s0 =	sadd.s32 $0x40, s0;
	s20 =	simm.s32 $0x11020;
	p0 =	slt.u32 s21, $0xFC  }
.Ltmp2:
0x20: {  	[tilespmem:s0+$0xFFFFFFE0] =	vst v1;
	(pc) =	sbr.rel @p0 .LBB2_2-.Ltmp2, $3  }
0x21: {  	_ =	sdelay $0x1  }
0x22: {  	[tilespmem:s0+$0x10] =	vst v1  }
0x23: {  	[tilespmem:s0+$0x0] =	vst v1  }
0x24: {  	[tilespmem:s0+$0xFFFFFFF0] =	vst v1  }
0x25: {  	[tilespmem:s20+$0xFFFFFFE0] =	vst v1  }
0x26: {  	[tilespmem:s20+$0x10] =	vst v1  }
0x27: {  	s21 =	simm.s32 $0x0;
	s0 =	simm.s32 $0x11820;
	[tilespmem:s20+$0x0] =	vst v1  }
.LBB2_4:
0x28: {  	s21 =	sadd.s32 $0x4, s21  }
0x29: {  	[tilespmem:s20+$0xFFFFFFF0] =	vst v1;
	s20 =	sadd.s32 $0x40, s20;
	p0 =	slt.u32 s21, $0x7C  }
.Ltmp3:
0x2a: {  	[tilespmem:s20+$0xFFFFFFE0] =	vst v1;
	(pc) =	sbr.rel @p0 .LBB2_4-.Ltmp3, $3  }
0x2b: {  	_ =	sdelay $0x1  }
0x2c: {  	[tilespmem:s20+$0x10] =	vst v1  }
0x2d: {  	[tilespmem:s20+$0x0] =	vst v1  }
0x2e: {  	[tilespmem:s20+$0xFFFFFFF0] =	vst v1  }
0x2f: {  	[tilespmem:s0+$0xFFFFFFE0] =	vst v1  }
0x30: {  	[tilespmem:s0+$0x10] =	vst v1  }
0x31: {  	s20 =	simm.s32 $0x0;
	[tilespmem:s0+$0x0] =	vst v1  }
.LBB2_6:
0x32: {  	s20 =	sadd.s32 $0x4, s20  }
0x33: {  	[tilespmem:s0+$0xFFFFFFF0] =	vst v1;
	s0 =	sadd.s32 $0x40, s0;
	p0 =	slt.u32 s20, $0xFC  }
.Ltmp4:
0x34: {  	[tilespmem:s0+$0xFFFFFFE0] =	vst v1;
	(pc) =	sbr.rel @p0 .LBB2_6-.Ltmp4, $3  }
0x35: {  	_ =	sdelay $0x1  }
0x36: {  	[tilespmem:s0+$0x10] =	vst v1  }
0x37: {  	[tilespmem:s0+$0x0] =	vst v1  }
0x38: {  	[tilespmem:s0+$0xFFFFFFF0] =	vst v1  }
0x39: {  	_ =	swait.ge [sflag:s12], $0x8000  }
0x3a: {  	[sflag:s12] =	ssyncset.done $0x0  }
0x3b: {  	s31 =	simm.s32 $0x80;
	[sflag:s12] =	ssyncadd.s32 $0xFFFF8000  }
0x3c: {  	v7 =	vld [tilespmem:s31+$0x20]  }
0x3d: {  	v11 =	vld [tilespmem:s31+$0xFFFFFFB0]  }
0x3e: {  	v12 =	vld [tilespmem:s31+$0xFFFFFFA0]  }
0x3f: {  	v9 =	vld [tilespmem:s31+$0x30]  }
0x40: {  	v10 =	vld [tilespmem:s31+$0x10]  }
0x41: {  	v6 =	vld [tilespmem:s31+$0x50]  }
0x42: {  	v13 =	vld [tilespmem:s31+$0xFFFFFF80]  }
0x43: {  	v27 =	vld [tilespmem:s31+$0xFFFFFFF0]  }
0x44: {  	v30 =	vld [tilespmem:s31+$0x0]  }
0x45: {  	v14 =	vimm.s32 $0x0;
	v5 =	vld [tilespmem:s31+$0x40];
	v8 =	vshrl.u32 v7, $0x13;
	v17 =	vshrl.u32 v9, $0x13  }
0x46: {  	v20 =	vand.u32 $0x7FFFFFFF, v11;
	v18 =	vand.u32 $0x7FFFFFFF, v12;
	v19 =	vshrl.u32 v10, $0x13  }
0x47: {  	v22 =	vshrl.u32 v6, $0x13;
	v23 =	vand.u32 $0x7FFFFFFF, v13;
	v13 =	vshrl.u32 v13, $0x13  }
0x48: {  	v11 =	vshrl.u32 v11, $0x13;
	v12 =	vshrl.u32 v12, $0x13;
	v61 =	vshrl.u32 v27, $0x13  }
0x49: {  	v15 =	vld [tilespmem:s31+$0xFFFFFF90];
	v62 =	vshrl.u32 v30, $0x13;
	v16 =	vand.u32 $0xFF0, v8;
	v21 =	vand.u32 $0xFF0, v17  }
0x4a: {  	v25 =	vld [tilespmem:s31+$0xFFFFFFE0];
	v17 =	vand.u32 $0xFF0, v19;
	v19 =	vshrl.u32 v5, $0x13;
	v22 =	vand.u32 $0xFF0, v22  }
0x4b: {  	v13 =	vand.u32 $0xFF0, v13;
	vm3 =	vgt.s32 v14, v23;
	v16 =	vor.u32 v0, v16  }
0x4c: {  	v31 =	vld [tilespmem:s31+$0xFFFFFFC0];
	v11 =	vand.u32 $0xFF0, v11;
	v12 =	vand.u32 $0xFF0, v12;
	v28 =	vor.u32 v0, v17  }
0x4d: {  	v8 =	vld [tilespmem:s31+$0x60];
	v22 =	vor.u32 v0, v22;
	v23 =	vsel vm3, v14, v23;
	v33 =	vor.u32 v0, v11  }
0x4e: {  	v24 =	vld [tilespmem:s31+$0xFFFFFFD0];
	v14 =	vshrl.u32 v15, $0x13;
	v15 =	vand.u32 $0x7FFFFFFF, v15;
	v34 =	vor.u32 v0, v13  }
0x4f: {  	v13 =	vshrl.u32 v25, $0x13;
	v11 =	vld [tilespmem:s31+$0x70];
	v17 =	vand.u32 $0x7FFFFFFF, v27;
	v21 =	vor.u32 v0, v21  }
0x50: {  	v27 =	vand.u32 $0xFF0, v62;
	v14 =	vand.u32 $0xFF0, v14;
	v13 =	vand.u32 $0xFF0, v13;
	[tilespmem:v16+s13+$0x0] =	vst.idx.add.s32.msk $0xffff, v2  }
0x51: {  	v15 =	vmax.u32 v23, v15;
	v23 =	vshrl.u32 v31, $0x13;
	v29 =	vor.u32 v0, v14;
	[tilespmem:v28+s13+$0x0] =	vst.idx.add.s32.msk $0xffff, v2  }
0x52: {  	v14 =	vand.u32 $0xFF0, v19;
	v13 =	vor.u32 v0, v13;
	v26 =	vshrl.u32 v8, $0x13;
	[tilespmem:v33+s13+$0x0] =	vst.idx.add.s32.msk $0xffff, v2  }
0x53: {  	v19 =	vand.u32 $0x7FFFFFFF, v30;
	v32 =	vor.u32 v0, v14;
	v26 =	vand.u32 $0xFF0, v26;
	[tilespmem:v22+s13+$0x0] =	vst.idx.add.s32.msk $0xffff, v2  }
0x54: {  	v63 =	vmax.u32 v15, v18;
	v15 =	vand.u32 $0xFF0, v61;
	[tilespmem:v21+s13+$0x0] =	vst.idx.add.s32.msk $0xffff, v2;
	v60 =	vor.u32 v0, v26  }
0x55: {  	v18 =	vor.u32 v0, v12;
	v14 =	vand.u32 $0x7FFFFFFF, v24;
	v24 =	vshrl.u32 v24, $0x13;
	[tilespmem:v34+s13+$0x0] =	vst.idx.add.s32.msk $0xffff, v2  }
0x56: {  	v12 =	vor.u32 v0, v15;
	v15 =	vor.u32 v0, v27;
	v22 =	vshrl.u32 v11, $0x13;
	[tilespmem:v29+s13+$0x0] =	vst.idx.add.s32.msk $0xffff, v2  }
0x57: {  	v24 =	vand.u32 $0xFF0, v24;
	v21 =	vand.u32 $0xFF0, v23;
	v22 =	vand.u32 $0xFF0, v22;
	[tilespmem:v13+s13+$0x0] =	vst.idx.add.s32.msk $0xffff, v2  }
0x58: {  	v16 =	vand.u32 $0x7FFFFFFF, v25;
	v13 =	vor.u32 v0, v21;
	v21 =	vor.u32 v0, v22;
	[tilespmem:v32+s13+$0x0] =	vst.idx.add.s32.msk $0xffff, v2  }
0x59: {  	s20 =	simm.s32 $0x0;
	s21 =	simm.s32 $0x180;
	v23 =	vand.u32 $0x7FFFFFFF, v31;
	v22 =	vmax.u32 v63, v20;
	v20 =	vor.u32 v0, v24;
	[tilespmem:v60+s13+$0x0] =	vst.idx.add.s32.msk $0xffff, v2  }
.LBB2_8:
0x5a: {  	v24 =	vld [tilespmem:s21+$0x20];
	s20 =	sadd.s32 $0x10, s20;
	v22 =	vmax.u32 v22, v23  }
0x5b: {  	v23 =	vld [tilespmem:s21+$0xFFFFFFB0];
	p0 =	slt.u32 s20, $0x7F0;
	v14 =	vmax.u32 v22, v14  }
0x5c: {  	v22 =	vld [tilespmem:s21+$0xFFFFFFA0];
	v14 =	vmax.u32 v14, v16  }
0x5d: {  	v10 =	vand.u32 $0x7FFFFFFF, v10;
	v16 =	vld [tilespmem:s21+$0xFFFFFF90];
	v14 =	vmax.u32 v14, v17  }
0x5e: {  	v17 =	vld [tilespmem:s21+$0x30];
	v14 =	vmax.u32 v14, v19;
	v19 =	vand.u32 $0x7FFFFFFF, v7  }
0x5f: {  	v9 =	vand.u32 $0x7FFFFFFF, v9;
	v25 =	vld [tilespmem:s21+$0xFFFFFF80];
	v10 =	vmax.u32 v14, v10;
	v7 =	vmov v24  }
0x60: {  	v14 =	vmax.u32 v10, v19;
	v19 =	vand.u32 $0x7FFFFFFF, v5;
	v5 =	vld [tilespmem:s21+$0x40]  }
0x61: {  	v10 =	vld [tilespmem:s21+$0x10];
	v27 =	vmax.u32 v14, v9;
	v14 =	vand.u32 $0x7FFFFFFF, v8  }
0x62: {  	v8 =	vshrl.u32 v7, $0x13;
	[tilespmem:v18+s13+$0x0] =	vst.idx.add.s32.msk $0xffff, v2;
	v26 =	vmax.u32 v27, v19;
	v18 =	vand.u32 $0x7FFFFFFF, v6  }
0x63: {  	v19 =	vand.u32 $0xFF0, v8;
	v24 =	vshrl.u32 v17, $0x13;
	v6 =	vld [tilespmem:s21+$0x50];
	v18 =	vmax.u32 v26, v18;
	v9 =	vmovc v17  }
0x64: {  	v11 =	vand.u32 $0x7FFFFFFF, v11;
	v8 =	vld [tilespmem:s21+$0x60];
	v14 =	vmax.u32 v18, v14  }
0x65: {  	[tilespmem:v21+s13+$0x0] =	vst.idx.add.s32.msk $0xffff, v2;
	v11 =	vmax.u32 v14, v11  }
0x66: {  	v26 =	vand.u32 $0x7FFFFFFF, v23;
	v17 =	vor.u32 v0, v19;
	[tilespmem:v15+s13+$0x0] =	vst.idx.add.s32.msk $0xffff, v2  }
0x67: {  	v18 =	vand.u32 $0xFF0, v24;
	v15 =	vand.u32 $0x7FFFFFFF, v22;
	v14 =	vshrl.u32 v10, $0x13;
	[tilespmem:v20+s13+$0x0] =	vst.idx.add.s32.msk $0xffff, v2  }
0x68: {  	v19 =	vshrl.u32 v5, $0x13;
	v14 =	vand.u32 $0xFF0, v14;
	v20 =	vshrl.u32 v6, $0x13;
	[tilespmem:v12+s13+$0x0] =	vst.idx.add.s32.msk $0xffff, v2  }
0x69: {  	v21 =	vshrl.u32 v25, $0x13;
	v12 =	vand.u32 $0x7FFFFFFF, v25;
	v20 =	vand.u32 $0xFF0, v20;
	[tilespmem:v13+s13+$0x0] =	vst.idx.add.s32.msk $0xffff, v2  }
0x6a: {  	v13 =	vand.u32 $0xFF0, v21;
	vm3 =	vgt.s32 v11, v12;
	v21 =	vld [tilespmem:s21+$0xFFFFFFD0];
	v20 =	vor.u32 v0, v20  }
0x6b: {  	v25 =	vshrl.u32 v8, $0x13;
	v12 =	vsel vm3, v11, v12;
	v11 =	vshrl.u32 v16, $0x13;
	v24 =	vld [tilespmem:s21+$0xFFFFFFE0]  }
0x6c: {  	v27 =	vand.u32 $0x7FFFFFFF, v16;
	v29 =	vor.u32 v0, v14;
	v11 =	vand.u32 $0xFF0, v11;
	v28 =	vld [tilespmem:s21+$0xFFFFFFF0]  }
0x6d: {  	v14 =	vand.u32 $0xFF0, v19;
	v30 =	vor.u32 v0, v11;
	v11 =	vshrl.u32 v23, $0x13;
	v23 =	vld [tilespmem:s21+$0x0]  }
0x6e: {  	v22 =	vshrl.u32 v22, $0x13;
	v32 =	vor.u32 v0, v14;
	v11 =	vand.u32 $0xFF0, v11;
	v31 =	vld [tilespmem:s21+$0xFFFFFFC0]  }
0x6f: {  	v25 =	vand.u32 $0xFF0, v25;
	v33 =	vor.u32 v0, v11;
	v14 =	vand.u32 $0x7FFFFFFF, v21;
	[tilespmem:v17+s13+$0x0] =	vst.idx.add.s32.msk $0xffff, v2  }
0x70: {  	v34 =	vor.u32 v0, v13;
	v16 =	vand.u32 $0x7FFFFFFF, v24;
	v13 =	vshrl.u32 v24, $0x13;
	v11 =	vld [tilespmem:s21+$0x70]  }
0x71: {  	v24 =	vor.u32 v0, v18;
	v13 =	vand.u32 $0xFF0, v13;
	v17 =	vand.u32 $0x7FFFFFFF, v28;
	[tilespmem:v29+s13+$0x0] =	vst.idx.add.s32.msk $0xffff, v2  }
0x72: {  	v25 =	vor.u32 v0, v25;
	[tilespmem:v30+s13+$0x0] =	vst.idx.add.s32.msk $0xffff, v2;
	v13 =	vor.u32 v0, v13;
	v19 =	vand.u32 $0x7FFFFFFF, v23  }
0x73: {  	v18 =	vand.u32 $0xFF0, v22;
	v22 =	vshrl.u32 v28, $0x13;
	v23 =	vshrl.u32 v23, $0x13;
	[tilespmem:v32+s13+$0x0] =	vst.idx.add.s32.msk $0xffff, v2  }
0x74: {  	v12 =	vmax.u32 v12, v27;
	v27 =	vshrl.u32 v31, $0x13;
	v23 =	vand.u32 $0xFF0, v23;
	[tilespmem:v33+s13+$0x0] =	vst.idx.add.s32.msk $0xffff, v2  }
.Ltmp5:
0x75: {  	v28 =	vmax.u32 v12, v15;
	v12 =	vand.u32 $0xFF0, v22;
	[tilespmem:v20+s13+$0x0] =	vst.idx.add.s32.msk $0xffff, v2;
	v20 =	vshrl.u32 v11, $0x13;
	(pc) =	sbr.rel @p0 .LBB2_8-.Ltmp5, $4  }
0x76: {  	v21 =	vshrl.u32 v21, $0x13;
	v18 =	vor.u32 v0, v18;
	v12 =	vor.u32 v0, v12;
	[tilespmem:v24+s13+$0x0] =	vst.idx.add.s32.msk $0xffff, v2  }
0x77: {  	v22 =	vand.u32 $0xFF0, v27;
	v15 =	vor.u32 v0, v23;
	v20 =	vand.u32 $0xFF0, v20;
	[tilespmem:v13+s13+$0x0] =	vst.idx.add.s32.msk $0xffff, v2  }
0x78: {  	v24 =	vand.u32 $0xFF0, v21;
	v13 =	vor.u32 v0, v22;
	v21 =	vor.u32 v0, v20;
	[tilespmem:v25+s13+$0x0] =	vst.idx.add.s32.msk $0xffff, v2  }
0x79: {  	s21 =	sadd.s32 $0x100, s21;
	v23 =	vand.u32 $0x7FFFFFFF, v31;
	v22 =	vmax.u32 v28, v26;
	v20 =	vor.u32 v0, v24;
	[tilespmem:v34+s13+$0x0] =	vst.idx.add.s32.msk $0xffff, v2  }
0x7a: {  	v22 =	vmax.u32 v22, v23  }
0x7b: {  	v14 =	vmax.u32 v22, v14  }
0x7c: {  	v14 =	vmax.u32 v14, v16  }
0x7d: {  	v14 =	vmax.u32 v14, v17  }
0x7e: {  	v10 =	vand.u32 $0x7FFFFFFF, v10;
	v14 =	vmax.u32 v14, v19  }
0x7f: {  	v7 =	vand.u32 $0x7FFFFFFF, v7;
	v10 =	vmax.u32 v14, v10  }
0x80: {  	v9 =	vand.u32 $0x7FFFFFFF, v9;
	v7 =	vmax.u32 v10, v7  }
0x81: {  	v5 =	vand.u32 $0x7FFFFFFF, v5;
	v7 =	vmax.u32 v7, v9  }
0x82: {  	v6 =	vand.u32 $0x7FFFFFFF, v6;
	v5 =	vmax.u32 v7, v5  }
0x83: {  	v7 =	vand.u32 $0x7FFFFFFF, v8;
	v5 =	vmax.u32 v5, v6  }
0x84: {  	v6 =	vand.u32 $0x7FFFFFFF, v11;
	v5 =	vmax.u32 v5, v7  }
0x85: {  	v5 =	vmax.u32 v5, v6  }
0x86: {  	v5 =	vxor.u32 $0x80000000, v5  }
0x87: {  	(xrf0) =	vmax.scan.msk.u32 $0xffff, v5;
	_ =	sdelay $0x5  }
0x88: {  	v5, _, _ =	vpop (xrf0)  }
0x89: {  	(v2sf) =	vpush v5, $0xF;
	_ =	sdelay $0xd  }
0x8a: {  	[tilespmem:v18+s13+$0x0] =	vst.idx.add.s32.msk $0xffff, v2  }
0x8b: {  	[tilespmem:v21+s13+$0x0] =	vst.idx.add.s32.msk $0xffff, v2;
	s0 =	spop (v2sf)  }
0x8c: {  	[tilespmem:v15+s13+$0x0] =	vst.idx.add.s32.msk $0xffff, v2;
	s0 =	sshrl.u32 s0, $0x17  }
0x8d: {  	[tilespmem:v20+s13+$0x0] =	vst.idx.add.s32.msk $0xffff, v2;
	s20 =	sxor.u32 $0x100, s0  }
0x8e: {  	[tilespmem:v12+s13+$0x0] =	vst.idx.add.s32.msk $0xffff, v2;
	s23 =	simm.s32 $0x0;
	s22 =	simm.s32 $0x0;
	s0 =	sshll.u32 s20, $0x4  }
0x8f: {  	[tilespmem:v13+s13+$0x0] =	vst.idx.add.s32.msk $0xffff, v2;
	s21 =	simm.s32 $0x0;
	s24 =	smov.u32 s20;
	s0 =	sor.u32 $0x10000, s0  }
.LBB2_10:
0x90: {  	v5 =	vld [tilespmem:s0+$0x0];
	_ =	sdelay $0x4  }
0x91: {  	(xrf0) =	vadd.scan.msk.s32 $0xffff, v5;
	_ =	sdelay $0x5  }
0x92: {  	v5, _, _ =	vpop (xrf0)  }
0x93: {  	(v2sf) =	vpush v5, $0xF;
	_ =	sdelay $0xe  }
0x94: {  	s25 =	spop (v2sf)  }
0x95: {  	s25 =	sadd.s32 s23, s25  }
0x96: {  	p2 =	sne.s32 s24, $0x0;
	p0 =	sgt.s32 s25, $0xCCC  }
0x97: {  	p0 =	por p0, !p2  }
.Ltmp6:
0x98: {  	_ = 	snop;
	(pc) =	sbr.rel @!p0 .LBB2_10-.Ltmp6, $4  }
0x99: {  	s26 =	smov.u32 s21  }
0x9a: {  	s28 =	smov.u32 s22;
	s21 =	smov.u32 s24;
	s22 =	smov.u32 s23  }
0x9b: {  	s24 =	sadd.s32 $0xFFFFFFFF, s24;
	s0 =	sadd.s32 $0xFFFFFFF0, s0;
	p1 =	slt.s32 s25, $0xCCD  }
0x9c: {  	s21 =	smov.u32 @p1 s26;
	s22 =	smov.u32 @p1 s28;
	s23 =	smov.u32 @p1 s25  }
0x9d: {  	s23 =	simm.s32 $0x80  }
0x9e: {  	v6 =	vld [tilespmem:s23+$0xFFFFFF80]  }
0x9f: {  	v7 =	vld [tilespmem:s23+$0x10]  }
0xa0: {  	v8 =	vld [tilespmem:s23+$0xFFFFFFD0]  }
0xa1: {  	v9 =	vld [tilespmem:s23+$0xFFFFFFF0]  }
0xa2: {  	v11 =	vld [tilespmem:s23+$0x0]  }
0xa3: {  	v14 =	vld [tilespmem:s23+$0x30]  }
0xa4: {  	v21 =	vld [tilespmem:s23+$0xFFFFFFA0]  }
0xa5: {  	v5 =	vmov s21;
	v10 =	vld [tilespmem:s23+$0x20]  }
0xa6: {  	v12 =	vshrl.u32 v6, $0x17;
	v6 =	vshrl.u32 v6, $0xC;
	v15 =	vshrl.u32 v9, $0x17  }
0xa7: {  	v13 =	vld [tilespmem:s23+$0xFFFFFFE0];
	v19 =	vshrl.u32 v7, $0xC;
	v20 =	vshrl.u32 v7, $0x17;
	v7 =	vshrl.u32 v9, $0xC  }
0xa8: {  	v24 =	vshrl.u32 v11, $0x17;
	v25 =	vshrl.u32 v14, $0x17;
	v9 =	vshrl.u32 v8, $0x17  }
0xa9: {  	v22 =	vld [tilespmem:s23+$0xFFFFFF90];
	v26 =	vshrl.u32 v8, $0xC;
	v8 =	vshrl.u32 v21, $0x17;
	v12 =	vand.u32 $0xFF, v12  }
0xaa: {  	v17 =	vand.u32 $0x7FF, v6;
	v6 =	vshrl.u32 v10, $0x17;
	v10 =	vshrl.u32 v10, $0xC  }
0xab: {  	v24 =	vand.u32 $0xFF, v24;
	vm3 =	veq.s32 v12, v5;
	v12 =	vshrl.u32 v11, $0xC  }
0xac: {  	v23 =	vand.u32 $0xFF, v6;
	v6 =	vshrl.u32 v13, $0xC;
	v13 =	vshrl.u32 v13, $0x17  }
0xad: {  	v18 =	vld [tilespmem:s23+$0xFFFFFFB0];
	v11 =	vshrl.u32 v14, $0xC;
	v14 =	vand.u32 $0xFF, v9;
	v27 =	vand.u32 $0x7FF, v10  }
0xae: {  	v10 =	vshrl.u32 v22, $0x17;
	v16 =	vand.u32 $0x7FF, v11;
	vm4 =	veq.s32 v14, v5  }
0xaf: {  	v14 =	vand.u32 $0x7FF, v19;
	v19 =	vshrl.u32 v21, $0xC;
	v21 =	vshrl.u32 v22, $0xC;
	v11 =	vld [tilespmem:s23+$0xFFFFFFC0]  }
0xb0: {  	vm7 =	veq.s32 v23, v5;
	v22 =	vand.u32 $0xFF, v8;
	v8 =	vand.u32 $0xFF, v25  }
0xb1: {  	v10 =	vand.u32 $0xFF, v10;
	v23 =	vand.u32 $0xFF, v20;
	v20 =	vld [tilespmem:s23+$0x40];
	vm8 =	veq.s32 v8, v5  }
0xb2: {  	v9 =	vshrl.u32 v18, $0xC;
	vm5 =	veq.s32 v10, v5;
	v10 =	vand.u32 $0x7FF, v21;
	v21 =	vld [tilespmem:s23+$0x50]  }
0xb3: {  	vm10 =	veq.s32 v24, v5;
	v13 =	vand.u32 $0xFF, v13;
	v8 =	vand.u32 $0x7FF, v19;
	v19 =	vld [tilespmem:s23+$0x60]  }
0xb4: {  	[tilespmem:v17+s14+$0x0] =	vst.idx.add.s32.msk vm3, v2;
	v17 =	vshrl.u32 v18, $0x17;
	vm3 =	veq.s32 v22, v5;
	v22 =	vshrl.u32 v11, $0x17  }
0xb5: {  	vm9 =	veq.s32 v23, v5;
	v18 =	vld [tilespmem:s23+$0x70];
	v17 =	vand.u32 $0xFF, v17;
	v22 =	vand.u32 $0xFF, v22  }
0xb6: {  	s24 =	simm.s32 $0x180;
	s23 =	simm.s32 $0x0;
	[tilespmem:v27+s14+$0x0] =	vst.idx.add.s32.msk vm7, v2;
	vm6 =	veq.s32 v17, v5;
	v17 =	vand.u32 $0xFF, v15;
	v15 =	vand.u32 $0x7FF, v26  }
.LBB2_12:
0xb7: {  	s23 =	sadd.s32 $0x10, s23;
	vm7 =	veq.s32 v22, v5;
	[tilespmem:v16+s14+$0x0] =	vst.idx.add.s32.msk vm8, v2  }
0xb8: {  	v12 =	vand.u32 $0x7FF, v12;
	v22 =	vld [tilespmem:s24+$0xFFFFFFA0];
	p0 =	slt.u32 s23, $0x7F0;
	v16 =	vshrl.u32 v21, $0x17;
	v21 =	vshrl.u32 v21, $0xC  }
0xb9: {  	v23 =	vld [tilespmem:s24+$0xFFFFFF80];
	v16 =	vand.u32 $0xFF, v16;
	v24 =	vshrl.u32 v19, $0x17;
	v19 =	vshrl.u32 v19, $0xC  }
0xba: {  	v25 =	vld [tilespmem:s24+$0xFFFFFF90];
	v26 =	vshrl.u32 v20, $0x17;
	v20 =	vshrl.u32 v20, $0xC;
	v24 =	vand.u32 $0xFF, v24  }
0xbb: {  	vm11 =	veq.s32 v16, v5;
	[tilespmem:v14+s14+$0x0] =	vst.idx.add.s32.msk vm9, v2;
	v14 =	vand.u32 $0xFF, v26;
	vm9 =	veq.s32 v24, v5  }
0xbc: {  	v19 =	vand.u32 $0x7FF, v19;
	v16 =	vld [tilespmem:s24+$0x10];
	vm8 =	veq.s32 v14, v5;
	v14 =	vand.u32 $0x7FF, v21  }
0xbd: {  	v20 =	vand.u32 $0x7FF, v20;
	[tilespmem:v12+s14+$0x0] =	vst.idx.add.s32.msk vm10, v2  }
0xbe: {  	v21 =	vld [tilespmem:s24+$0xFFFFFFB0]  }
0xbf: {  	v12 =	vshrl.u32 v18, $0x17;
	v18 =	vshrl.u32 v18, $0xC;
	v24 =	vld [tilespmem:s24+$0xFFFFFFD0]  }
0xc0: {  	v26 =	vshrl.u32 v23, $0x17;
	v23 =	vshrl.u32 v23, $0xC;
	v12 =	vand.u32 $0xFF, v12;
	v27 =	vld [tilespmem:s24+$0xFFFFFFE0]  }
0xc1: {  	v11 =	vshrl.u32 v11, $0xC;
	v26 =	vand.u32 $0xFF, v26;
	vm12 =	veq.s32 v12, v5;
	v28 =	vld [tilespmem:s24+$0xFFFFFFF0]  }
0xc2: {  	vm13 =	veq.s32 v17, v5;
	v11 =	vand.u32 $0x7FF, v11;
	v12 =	vand.u32 $0x7FF, v18;
	v29 =	vld [tilespmem:s24+$0x0]  }
0xc3: {  	v7 =	vand.u32 $0x7FF, v7;
	v17 =	vld [tilespmem:s24+$0x20]  }
0xc4: {  	[tilespmem:v14+s14+$0x0] =	vst.idx.add.s32.msk vm11, v2  }
0xc5: {  	v18 =	vand.u32 $0x7FF, v6;
	v14 =	vld [tilespmem:s24+$0x30]  }
0xc6: {  	v9 =	vand.u32 $0x7FF, v9;
	vm11 =	veq.s32 v13, v5;
	v30 =	vshrl.u32 v28, $0x17;
	[tilespmem:v15+s14+$0x0] =	vst.idx.add.s32.msk vm4, v2  }
0xc7: {  	vm10 =	veq.s32 v26, v5;
	v13 =	vand.u32 $0x7FF, v23;
	v15 =	vshrl.u32 v16, $0xC;
	[tilespmem:v12+s14+$0x0] =	vst.idx.add.s32.msk vm12, v2  }
0xc8: {  	v23 =	vshrl.u32 v16, $0x17;
	v6 =	vshrl.u32 v17, $0x17;
	v17 =	vshrl.u32 v17, $0xC;
	[tilespmem:v7+s14+$0x0] =	vst.idx.add.s32.msk vm13, v2  }
0xc9: {  	v12 =	vshrl.u32 v29, $0xC;
	v7 =	vshrl.u32 v28, $0xC;
	v26 =	vand.u32 $0xFF, v6;
	[tilespmem:v10+s14+$0x0] =	vst.idx.add.s32.msk vm5, v2  }
0xca: {  	v28 =	vshrl.u32 v29, $0x17;
	v6 =	vshrl.u32 v27, $0xC;
	v10 =	vshrl.u32 v14, $0x17;
	[tilespmem:v19+s14+$0x0] =	vst.idx.add.s32.msk vm9, v2  }
0xcb: {  	v16 =	vshrl.u32 v24, $0x17;
	v19 =	vshrl.u32 v27, $0x17;
	v14 =	vshrl.u32 v14, $0xC;
	[tilespmem:v20+s14+$0x0] =	vst.idx.add.s32.msk vm8, v2  }
0xcc: {  	v24 =	vshrl.u32 v24, $0xC;
	v20 =	vand.u32 $0xFF, v16;
	v16 =	vand.u32 $0x7FF, v14;
	[tilespmem:v9+s14+$0x0] =	vst.idx.add.s32.msk vm6, v2  }
0xcd: {  	v14 =	vand.u32 $0x7FF, v15;
	v9 =	vshrl.u32 v21, $0xC;
	vm4 =	veq.s32 v20, v5;
	[tilespmem:v18+s14+$0x0] =	vst.idx.add.s32.msk vm11, v2  }
0xce: {  	v27 =	vand.u32 $0x7FF, v17;
	v15 =	vshrl.u32 v22, $0x17;
	v20 =	vshrl.u32 v22, $0xC;
	[tilespmem:v11+s14+$0x0] =	vst.idx.add.s32.msk vm7, v2  }
0xcf: {  	v17 =	vshrl.u32 v25, $0xC;
	v11 =	vshrl.u32 v25, $0x17;
	vm7 =	veq.s32 v26, v5;
	[tilespmem:v8+s14+$0x0] =	vst.idx.add.s32.msk vm3, v2  }
0xd0: {  	v10 =	vand.u32 $0xFF, v10;
	v15 =	vand.u32 $0xFF, v15;
	v8 =	vand.u32 $0xFF, v11;
	v11 =	vld [tilespmem:s24+$0xFFFFFFC0]  }
0xd1: {  	vm8 =	veq.s32 v10, v5;
	vm5 =	veq.s32 v8, v5;
	v8 =	vshrl.u32 v21, $0x17;
	[tilespmem:v13+s14+$0x0] =	vst.idx.add.s32.msk vm10, v2  }
.Ltmp7:
0xd2: {  	v10 =	vand.u32 $0x7FF, v17;
	v22 =	vand.u32 $0xFF, v23;
	v13 =	vand.u32 $0xFF, v8;
	v18 =	vld [tilespmem:s24+$0x70];
	(pc) =	sbr.rel @p0 .LBB2_12-.Ltmp7, $4  }
0xd3: {  	v17 =	vand.u32 $0xFF, v30;
	v8 =	vand.u32 $0x7FF, v20;
	vm6 =	veq.s32 v13, v5;
	v21 =	vld [tilespmem:s24+$0x50]  }
0xd4: {  	v23 =	vand.u32 $0xFF, v28;
	vm3 =	veq.s32 v15, v5;
	v13 =	vand.u32 $0xFF, v19;
	v19 =	vld [tilespmem:s24+$0x60]  }
0xd5: {  	vm9 =	veq.s32 v22, v5;
	v15 =	vand.u32 $0x7FF, v24;
	v25 =	vshrl.u32 v11, $0x17;
	v20 =	vld [tilespmem:s24+$0x40]  }
0xd6: {  	vm10 =	veq.s32 v23, v5;
	s24 =	sadd.s32 $0x100, s24;
	v22 =	vand.u32 $0xFF, v25;
	[tilespmem:v27+s14+$0x0] =	vst.idx.add.s32.msk vm7, v2  }
0xd7: {  	_ =	sdelay $0x3  }
0xd8: {  	v12 =	vand.u32 $0x7FF, v12  }
0xd9: {  	v56 =	vshrl.u32 v18, $0x17;
	v57 =	vshrl.u32 v18, $0xC;
	[tilespmem:v16+s14+$0x0] =	vst.idx.add.s32.msk vm8, v2;
	vm8 =	veq.s32 v17, v5  }
0xda: {  	v7 =	vand.u32 $0x7FF, v7;
	v9 =	vand.u32 $0x7FF, v9;
	vm14 =	veq.s32 v13, v5  }
0xdb: {  	[tilespmem:v14+s14+$0x0] =	vst.idx.add.s32.msk vm9, v2;
	v6 =	vand.u32 $0x7FF, v6;
	v23 =	vshrl.u32 v21, $0x17;
	v55 =	vshrl.u32 v21, $0xC  }
0xdc: {  	[tilespmem:v15+s14+$0x0] =	vst.idx.add.s32.msk vm4, v2;
	v59 =	vand.u32 $0x7FF, v57;
	v23 =	vand.u32 $0xFF, v23;
	v21 =	vand.u32 $0x7FF, v55  }
0xdd: {  	[tilespmem:v10+s14+$0x0] =	vst.idx.add.s32.msk vm5, v2;
	v58 =	vshrl.u32 v19, $0x17;
	vm7 =	veq.s32 v23, v5;
	v23 =	vand.u32 $0xFF, v56  }
0xde: {  	[tilespmem:v8+s14+$0x0] =	vst.idx.add.s32.msk vm3, v2;
	v60 =	vshrl.u32 v20, $0x17;
	v16 =	vand.u32 $0xFF, v58;
	vm11 =	veq.s32 v23, v5  }
0xdf: {  	v61 =	vshrl.u32 v19, $0xC;
	v14 =	vand.u32 $0xFF, v60;
	vm12 =	veq.s32 v16, v5;
	[tilespmem:v12+s14+$0x0] =	vst.idx.add.s32.msk vm10, v2  }
0xe0: {  	v62 =	vshrl.u32 v20, $0xC;
	v63 =	vand.u32 $0x7FF, v61;
	vm13 =	veq.s32 v14, v5;
	[tilespmem:v9+s14+$0x0] =	vst.idx.add.s32.msk vm6, v2  }
0xe1: {  	vm15 =	veq.s32 v22, v5;
	v12 =	vand.u32 $0x7FF, v62;
	v5 =	vshrl.u32 v11, $0xC;
	[tilespmem:v7+s14+$0x0] =	vst.idx.add.s32.msk vm8, v2  }
0xe2: {  	v5 =	vand.u32 $0x7FF, v5;
	[tilespmem:v6+s14+$0x0] =	vst.idx.add.s32.msk vm14, v2  }
0xe3: {  	[tilespmem:v21+s14+$0x0] =	vst.idx.add.s32.msk vm7, v2  }
0xe4: {  	[tilespmem:v59+s14+$0x0] =	vst.idx.add.s32.msk vm11, v2  }
0xe5: {  	[tilespmem:v63+s14+$0x0] =	vst.idx.add.s32.msk vm12, v2  }
0xe6: {  	s23 =	ssub.s32 $0xCCD, s22;
	s26 =	simm.s32 $0x1F;
	s22 =	simm.s32 $0x0;
	[tilespmem:v12+s14+$0x0] =	vst.idx.add.s32.msk vm13, v2  }
0xe7: {  	s25 =	simm.s32 $0x117F0;
	s24 =	simm.s32 $0x0;
	s0 =	simm.s32 $0x0;
	[tilespmem:v5+s14+$0x0] =	vst.idx.add.s32.msk vm15, v2  }
.LBB2_14:
0xe8: {  	v5 =	vld [tilespmem:s25+$0xFFFFFFD0]  }
0xe9: {  	v6 =	vld [tilespmem:s25+$0xFFFFFFE0]  }
0xea: {  	v7 =	vld [tilespmem:s25+$0xFFFFFFF0]  }
0xeb: {  	v8 =	vld [tilespmem:s25+$0x0];
	_ =	sdelay $0x2  }
0xec: {  	v5 =	vadd.s32 v5, v6  }
0xed: {  	v5 =	vadd.s32 v7, v5  }
0xee: {  	v5 =	vadd.s32 v8, v5  }
0xef: {  	(xrf0) =	vadd.scan.msk.s32 $0xffff, v5;
	_ =	sdelay $0x5  }
0xf0: {  	v5, _, _ =	vpop (xrf0)  }
0xf1: {  	(v2sf) =	vpush v5, $0xF;
	_ =	sdelay $0xe  }
0xf2: {  	s28 =	spop (v2sf)  }
0xf3: {  	s28 =	sadd.s32 s22, s28  }
0xf4: {  	p2 =	sne.s32 s26, $0x0;
	p0 =	sge.s32 s28, s23  }
0xf5: {  	p0 =	por p0, !p2  }
.Ltmp8:
0xf6: {  	_ = 	snop;
	(pc) =	sbr.rel @!p0 .LBB2_14-.Ltmp8, $4  }
0xf7: {  	s29 =	smov.u32 s0  }
0xf8: {  	s30 =	smov.u32 s24;
	s0 =	smov.u32 s26;
	s24 =	smov.u32 s22  }
0xf9: {  	s26 =	sadd.s32 $0xFFFFFFFF, s26;
	s25 =	sadd.s32 $0xFFFFFFC0, s25;
	p1 =	slt.s32 s28, s23  }
0xfa: {  	s0 =	smov.u32 @p1 s29;
	s24 =	smov.u32 @p1 s30;
	s22 =	smov.u32 @p1 s28  }
0xfb: {  	s25 =	sshll.u32 s0, $0x2  }
0xfc: {  	p0 =	sgt.s32 s25, $0xFFFFFFFF  }
.Ltmp9:
0xfd: {  	_ = 	snop;
	(pc) =	sbr.rel @!p0 .LBB2_16-.Ltmp9, $2  }
0xfe: {  	_ =	sdelay $0x2  }
0xff: {  	s22 =	ssub.s32 s23, s24  }
0x100: {  	s26 =	sshll.u32 s0, $0x8  }
0x101: {  	s28 =	ssub.s32 $0xFFFFFFFD, s25;
	s25 =	sshll.u32 s0, $0x6;
	s29 =	simm.s32 $0x0  }
0x102: {  	s30 =	simm.s32 $0x0;
	s0 =	simm.s32 $0x0;
	s26 =	sshra.s32 s26, $0x2  }
0x103: {  	v5 =	vmov s22;
	s31 =	simm.s32 $0x0;
	s25 =	sadd.s32 $0x8000003F, s25;
	s26 =	sadd.s32 $0x11030, s26  }
.LBB2_18:
0x104: {  	v6 =	vld [tilespmem:s26+$0x0];
	_ =	sdelay $0x4  }
0x105: {  	v6 =	vperm.xlane v6, v3;
	_ =	sdelay $0x1  }
0x106: {  	(xrf0) =	vadd.scan.msk.s32 $0xffff, v6;
	_ =	sdelay $0x5  }
0x107: {  	v7, _, _ =	vpop (xrf0)  }
0x108: {  	v8 =	vadd.s32 s30, v7  }
0x109: {  	v7 =	vxor.u32 $0x80000000, v7;
	vm3 =	vlt.s32 v8, v5  }
0x10a: {  	(xrf0) =	vmax.scan.msk.u32 $0xffff, v7;
	v7 =	vsel vm3, $0x80000010, v4  }
0x10b: {  	(xrf0) =	vmin.scan.msk.u32 $0xffff, v7;
	_ =	sdelay $0x4  }
0x10c: {  	v7, _, _ =	vpop (xrf0)  }
0x10d: {  	(v2sf) =	vpush v7, $0xF;
	v7, _, _ =	vpop (xrf0)  }
0x10e: {  	(v2sf) =	vpush v7, $0xF;
	_ =	sdelay $0xd  }
0x10f: {  	s1 =	spop (v2sf)  }
0x110: {  	s17 =	spop (v2sf)  }
0x111: {  	s11 =	sxor.u32 $0x80000000, s17  }
0x112: {  	v7 =	vmov s11  }
0x113: {  	vm3 =	vgt.s32 v7, v0  }
0x114: {  	v63 =	vnsel vm3, $0x0, v6;
	vm3 =	veq.s32 v7, v0  }
0x115: {  	(xrf0) =	vadd.scan.msk.s32 $0xffff, v63;
	v6 =	vnsel vm3, $0x0, v6  }
0x116: {  	(xrf0) =	vadd.scan.msk.s32 $0xffff, v6;
	_ =	sdelay $0x4  }
0x117: {  	v6, _, _ =	vpop (xrf0)  }
0x118: {  	(v2sf) =	vpush v6, $0xF;
	v6, _, _ =	vpop (xrf0)  }
0x119: {  	(v2sf) =	vpush v6, $0xF;
	_ =	sdelay $0x6  }
0x11a: {  	s1 =	sadd.s32 s1, s30  }
0x11b: {  	s1 =	sadd.s32 $0x80000000, s1  }
0x11c: {  	p0 =	sge.s32 s1, s22  }
0x11d: {  	p1 =	sne.s32 @!p0 s28, $0x0  }
0x11e: {  	s4 =	smov.u32 s31;
	p0 =	por p0, !p1  }
.Ltmp10:
0x11f: {  	s5 =	smov.u32 s0;
	s6 =	smov.u32 s29;
	(pc) =	sbr.rel @!p0 .LBB2_18-.Ltmp10, $4  }
0x120: {  	s26 =	sadd.s32 $0xFFFFFFF0, s26;
	s31 =	ssub.s32 s25, s17;
	s25 =	sadd.s32 $0xFFFFFFF0, s25  }
0x121: {  	s28 =	sadd.s32 $0x1, s28;
	p1 =	slt.s32 s1, s22;
	s11 =	spop (v2sf)  }
0x122: {  	s31 =	smov.u32 @p1 s4;
	s29 =	spop (v2sf);
	s0 =	sadd.s32 s30, s11  }
0x123: {  	s30 =	smov.u32 @p1 s1;
	s0 =	smov.u32 @p1 s5;
	s29 =	smov.u32 @p1 s6  }
0x124: {  	s0 =	sadd.s32 s0, s24  }
0x125: {  	p0 =	sne.s32 s29, $0x1;
	s22 =	ssub.s32 s23, s0  }
0x126: {  	p1 =	seq.s32 @!p0 s22, $0x1  }
0x127: {  	p1 =	por p0, !p1  }
.Ltmp11:
0x128: {  	_ = 	snop;
	(pc) =	sbr.rel @p1 .LBB2_21-.Ltmp11, $3  }
0x129: {  	_ =	sdelay $0x1  }
0x12a: {  	s30 =	sshll.u32 s21, $0xB  }
0x12b: {  	s21 =	sor.u32 s30, s31  }
.Ltmp12:
0x12c: {  	(pc) =	sbr.rel .LBB2_27-.Ltmp12, $2  }
0x12d: {  	_ =	sdelay $0x2  }
0x12e: {  	s0 =	simm.s32 $0xFFF;
	p0 =	por $0x0, $0x0  }
.LBB2_16:
.Ltmp13:
0x12f: {  	(pc) =	sbr.rel .LBB2_22-.Ltmp13, $2  }
0x130: {  	_ =	sdelay $0x2  }
0x131: {  	s21 =	sshll.u32 s21, $0xB  }
.LBB2_21:
0x132: {  	s21 =	smov.u32 @p0 s21;
	s22 =	smov.u32 @p0 s22  }
.LBB2_22:
0x133: {  	s0 =	simm.s32 $0x40  }
0x134: {  	v7 =	vld [tilespmem:s0+$0x30]  }
0x135: {  	v6 =	vld [tilespmem:s0+$0xFFFFFFD0]  }
0x136: {  	v8 =	vld [tilespmem:s0+$0xFFFFFFE0]  }
0x137: {  	v10 =	vld [tilespmem:s0+$0xFFFFFFF0]  }
0x138: {  	v12 =	vld [tilespmem:s0+$0x0]  }
0x139: {  	v13 =	vld [tilespmem:s0+$0x10]  }
0x13a: {  	v15 =	vld [tilespmem:s0+$0xFFFFFFC0]  }
0x13b: {  	v5 =	vmov s21;
	v9 =	vshrl.u32 v7, $0xC  }
0x13c: {  	v11 =	vshrl.u32 v6, $0xC;
	v14 =	vand.u32 $0xFFF, v6;
	v16 =	vshrl.u32 v8, $0xC  }
0x13d: {  	v6 =	vld [tilespmem:s0+$0x20];
	v59 =	vshrl.u32 v10, $0xC;
	v7 =	vand.u32 $0xFFF, v7;
	v9 =	vand.u32 $0x7FFFF, v9  }
0x13e: {  	v60 =	vshrl.u32 v12, $0xC;
	v11 =	vand.u32 $0x7FFFF, v11;
	vm7 =	veq.s32 v9, v5  }
0x13f: {  	v61 =	vshrl.u32 v13, $0xC;
	v17 =	vshrl.u32 v15, $0xC;
	vm10 =	veq.s32 v11, v5  }
0x140: {  	v10 =	vand.u32 $0xFFF, v10;
	v63 =	vand.u32 $0x7FFFF, v17;
	v9 =	vand.u32 $0x7FFFF, v16  }
0x141: {  	v11 =	vand.u32 $0x7FFFF, v59;
	vm8 =	veq.s32 v63, v5;
	vm3 =	veq.s32 v9, v5  }
0x142: {  	v9 =	vand.u32 $0x7FFFF, v60;
	vm4 =	veq.s32 v11, v5;
	v62 =	vshrl.u32 v6, $0xC  }
0x143: {  	v11 =	vand.u32 $0x7FFFF, v61;
	vm5 =	veq.s32 v9, v5;
	v9 =	vand.u32 $0x7FFFF, v62  }
0x144: {  	vm6 =	veq.s32 v11, v5;
	v11 =	vand.u32 $0xFFF, v15;
	vm9 =	veq.s32 v9, v5;
	[tilespmem:v7+s15+$0x0] =	vst.idx.add.s32.msk vm7, v2  }
0x145: {  	s23 =	simm.s32 $0x0;
	s24 =	simm.s32 $0xC0;
	v9 =	vand.u32 $0xFFF, v8;
	v8 =	vand.u32 $0xFFF, v12;
	[tilespmem:v14+s15+$0x0] =	vst.idx.add.s32.msk vm10, v2;
	v7 =	vand.u32 $0xFFF, v13  }
.LBB2_23:
0x146: {  	v12 =	vld [tilespmem:s24+$0x30];
	s23 =	sadd.s32 $0x8, s23;
	v13 =	vand.u32 $0xFFF, v6;
	vm7 =	vmmov vm9  }
0x147: {  	v6 =	vld [tilespmem:s24+$0xFFFFFFD0];
	p0 =	slt.u32 s23, $0x7F8  }
0x148: {  	v14 =	vld [tilespmem:s24+$0xFFFFFFE0]  }
0x149: {  	v15 =	vld [tilespmem:s24+$0xFFFFFFF0]  }
0x14a: {  	v16 =	vld [tilespmem:s24+$0x0]  }
0x14b: {  	v17 =	vld [tilespmem:s24+$0x10];
	v18 =	vshrl.u32 v12, $0xC  }
0x14c: {  	v19 =	vshrl.u32 v6, $0xC;
	v20 =	vand.u32 $0xFFF, v6;
	v6 =	vld [tilespmem:s24+$0x20];
	v18 =	vand.u32 $0x7FFFF, v18  }
0x14d: {  	v21 =	vld [tilespmem:s24+$0xFFFFFFC0];
	v19 =	vand.u32 $0x7FFFF, v19;
	v22 =	vshrl.u32 v14, $0xC;
	vm10 =	veq.s32 v18, v5  }
0x14e: {  	v12 =	vand.u32 $0xFFF, v12;
	v18 =	vand.u32 $0x7FFFF, v22;
	v22 =	vshrl.u32 v15, $0xC;
	[tilespmem:v11+s15+$0x0] =	vst.idx.add.s32.msk vm8, v2  }
0x14f: {  	vm11 =	veq.s32 v19, v5;
	v11 =	vand.u32 $0x7FFFF, v22;
	v19 =	vshrl.u32 v16, $0xC;
	[tilespmem:v9+s15+$0x0] =	vst.idx.add.s32.msk vm3, v2  }
0x150: {  	vm3 =	veq.s32 v18, v5;
	v9 =	vand.u32 $0x7FFFF, v19;
	v18 =	vshrl.u32 v17, $0xC;
	[tilespmem:v10+s15+$0x0] =	vst.idx.add.s32.msk vm4, v2  }
.Ltmp14:
0x151: {  	vm4 =	veq.s32 v11, v5;
	v10 =	vand.u32 $0x7FFFF, v18;
	v11 =	vshrl.u32 v6, $0xC;
	[tilespmem:v8+s15+$0x0] =	vst.idx.add.s32.msk vm5, v2;
	(pc) =	sbr.rel @p0 .LBB2_23-.Ltmp14, $4  }
0x152: {  	vm5 =	veq.s32 v9, v5;
	v8 =	vshrl.u32 v21, $0xC;
	v9 =	vand.u32 $0x7FFFF, v11;
	[tilespmem:v7+s15+$0x0] =	vst.idx.add.s32.msk vm6, v2  }
0x153: {  	vm6 =	veq.s32 v10, v5;
	v7 =	vand.u32 $0x7FFFF, v8;
	vm9 =	veq.s32 v9, v5;
	[tilespmem:v12+s15+$0x0] =	vst.idx.add.s32.msk vm10, v2  }
0x154: {  	v11 =	vand.u32 $0xFFF, v21;
	v9 =	vand.u32 $0xFFF, v14;
	vm8 =	veq.s32 v7, v5;
	[tilespmem:v13+s15+$0x0] =	vst.idx.add.s32.msk vm7, v2  }
0x155: {  	s24 =	sadd.s32 $0x80, s24;
	v10 =	vand.u32 $0xFFF, v15;
	v8 =	vand.u32 $0xFFF, v16;
	v7 =	vand.u32 $0xFFF, v17;
	[tilespmem:v20+s15+$0x0] =	vst.idx.add.s32.msk vm11, v2  }
0x156: {  	_ =	sdelay $0x4  }
0x157: {  	v5 =	vand.u32 $0xFFF, v6;
	[tilespmem:v11+s15+$0x0] =	vst.idx.add.s32.msk vm8, v2  }
0x158: {  	[tilespmem:v9+s15+$0x0] =	vst.idx.add.s32.msk vm3, v2  }
0x159: {  	[tilespmem:v10+s15+$0x0] =	vst.idx.add.s32.msk vm4, v2  }
0x15a: {  	[tilespmem:v8+s15+$0x0] =	vst.idx.add.s32.msk vm5, v2  }
0x15b: {  	[tilespmem:v7+s15+$0x0] =	vst.idx.add.s32.msk vm6, v2;
	s0 =	simm.s32 $0x0  }
0x15c: {  	vm7 =	vmmov vm9;
	s25 =	simm.s32 $0x1000;
	s23 =	simm.s32 $0x127F0;
	s24 =	simm.s32 $0x0;
	[tilespmem:v5+s15+$0x0] =	vst.idx.add.s32.msk vm9, v2;
	v5 =	vmov s22  }
.LBB2_25:
0x15d: {  	v6 =	vld [tilespmem:s23+$0x0];
	_ =	sdelay $0x4  }
0x15e: {  	v6 =	vperm.xlane v6, v3;
	_ =	sdelay $0x1  }
0x15f: {  	(xrf0) =	vadd.scan.msk.s32 $0xffff, v6;
	_ =	sdelay $0x5  }
0x160: {  	v6, _, _ =	vpop (xrf0)  }
0x161: {  	v7 =	vxor.u32 $0x80000000, v6  }
0x162: {  	(xrf0) =	vmax.scan.msk.u32 $0xffff, v7  }
0x163: {  	v6 =	vadd.s32 s24, v6  }
0x164: {  	vm3 =	vlt.s32 v6, v5  }
0x165: {  	v6 =	vsel vm3, $0x80000010, v4;
	_ =	sdelay $0x2  }
0x166: {  	(xrf0) =	vmin.scan.msk.u32 $0xffff, v6;
	v6, _, _ =	vpop (xrf0)  }
0x167: {  	(v2sf) =	vpush v6, $0xF;
	_ =	sdelay $0x5  }
0x168: {  	v6, _, _ =	vpop (xrf0)  }
0x169: {  	(v2sf) =	vpush v6, $0xF;
	_ =	sdelay $0x7  }
0x16a: {  	s1 =	spop (v2sf)  }
0x16b: {  	s1 =	sadd.s32 s1, s24  }
0x16c: {  	s1 =	sadd.s32 $0x80000000, s1  }
0x16d: {  	p1 =	sge.s32 s1, s22  }
0x16e: {  	p2 =	sne.s32 @!p1 s25, $0x10  }
0x16f: {  	p2 =	por p1, !p2  }
.Ltmp15:
0x170: {  	_ = 	snop;
	(pc) =	sbr.rel @!p2 .LBB2_25-.Ltmp15, $4  }
0x171: {  	s4 =	spop (v2sf)  }
0x172: {  	s5 =	smov.u32 s0;
	s31 =	sxor.u32 $0x7FFFFFFF, s4  }
0x173: {  	s23 =	sadd.s32 $0xFFFFFFF0, s23;
	p0 =	slt.s32 s1, s22;
	s0 =	sadd.s32 s31, s25  }
0x174: {  	s25 =	sadd.s32 $0xFFFFFFF0, s25;
	s24 =	smov.u32 @p0 s1;
	s0 =	smov.u32 @p0 s5  }
0x175: {  	p0 =	por $0x1, $0x1  }
0x176: {  	s21 =	smov.u32 @p1 s21;
	s0 =	smov.u32 @p1 s0;
	p0 =	por @!p1 p0, p0  }
.LBB2_27:
0x177: {  	s22 =	simm.s32 $0x80  }
0x178: {  	v6 =	vld [tilespmem:s22+$0xFFFFFF80];
	_ =	sdelay $0x1  }
0x179: {  	v7 =	vld [tilespmem:s22+$0xFFFFFF90]  }
0x17a: {  	s1 =	sshll.u32 s21, $0xC  }
0x17b: {  	s0 =	sor.u32 s1, s0;
	v8 =	vld [tilespmem:s22+$0xFFFFFFA0]  }
0x17c: {  	v5 =	vmov s0;
	v6 =	vand.u32 $0x7FFFFFFF, v6  }
0x17d: {  	v9 =	vld [tilespmem:s22+$0xFFFFFFB0];
	vm3 =	vgt.s32 v6, v5  }
0x17e: {  	v10 =	vimm.f32 $0.0e+00;
	v7 =	vand.u32 $0x7FFFFFFF, v7;
	v6 =	vnsel vm3, $0x0, v6  }
0x17f: {  	vm3 =	vgt.s32 v7, v5;
	v6 =	vadd.f32 v6, v10;
	v10 =	vld [tilespmem:s22+$0xFFFFFFC0]  }
0x180: {  	v8 =	vand.u32 $0x7FFFFFFF, v8;
	v7 =	vnsel vm3, $0x0, v7  }
0x181: {  	vm3 =	vgt.s32 v8, v5;
	v6 =	vadd.f32 v7, v6;
	v7 =	vld [tilespmem:s22+$0xFFFFFFD0]  }
0x182: {  	v9 =	vand.u32 $0x7FFFFFFF, v9;
	v8 =	vnsel vm3, $0x0, v8  }
0x183: {  	vm3 =	vgt.s32 v9, v5;
	v6 =	vadd.f32 v8, v6;
	v8 =	vld [tilespmem:s22+$0xFFFFFFE0]  }
0x184: {  	v9 =	vnsel vm3, $0x0, v9;
	v10 =	vand.u32 $0x7FFFFFFF, v10  }
0x185: {  	v6 =	vadd.f32 v9, v6;
	vm3 =	vgt.s32 v10, v5;
	v9 =	vld [tilespmem:s22+$0xFFFFFFF0]  }
0x186: {  	v10 =	vnsel vm3, $0x0, v10;
	v7 =	vand.u32 $0x7FFFFFFF, v7  }
0x187: {  	v6 =	vadd.f32 v10, v6;
	vm3 =	vgt.s32 v7, v5;
	v10 =	vld [tilespmem:s22+$0x0]  }
0x188: {  	v7 =	vnsel vm3, $0x0, v7;
	v8 =	vand.u32 $0x7FFFFFFF, v8  }
0x189: {  	v6 =	vadd.f32 v7, v6;
	vm3 =	vgt.s32 v8, v5;
	v7 =	vld [tilespmem:s22+$0x10]  }
0x18a: {  	v8 =	vnsel vm3, $0x0, v8;
	v9 =	vand.u32 $0x7FFFFFFF, v9  }
0x18b: {  	v6 =	vadd.f32 v8, v6;
	vm3 =	vgt.s32 v9, v5;
	v8 =	vld [tilespmem:s22+$0x20]  }
0x18c: {  	v9 =	vnsel vm3, $0x0, v9;
	v10 =	vand.u32 $0x7FFFFFFF, v10  }
0x18d: {  	v6 =	vadd.f32 v9, v6;
	vm3 =	vgt.s32 v10, v5;
	v9 =	vld [tilespmem:s22+$0x30]  }
0x18e: {  	v10 =	vnsel vm3, $0x0, v10;
	v7 =	vand.u32 $0x7FFFFFFF, v7  }
0x18f: {  	v11 =	vld [tilespmem:s22+$0x40];
	v6 =	vadd.f32 v10, v6;
	vm3 =	vgt.s32 v7, v5  }
0x190: {  	v7 =	vnsel vm3, $0x0, v7;
	v8 =	vand.u32 $0x7FFFFFFF, v8  }
0x191: {  	v12 =	vld [tilespmem:s22+$0x50];
	v6 =	vadd.f32 v7, v6;
	vm3 =	vgt.s32 v8, v5  }
0x192: {  	v7 =	vnsel vm3, $0x0, v8;
	v8 =	vand.u32 $0x7FFFFFFF, v9  }
0x193: {  	v7 =	vadd.f32 v7, v6;
	vm3 =	vgt.s32 v8, v5;
	v6 =	vld [tilespmem:s22+$0x60]  }
0x194: {  	v9 =	vand.u32 $0x7FFFFFFF, v11;
	v8 =	vnsel vm3, $0x0, v8  }
0x195: {  	vm3 =	vgt.s32 v9, v5;
	v8 =	vadd.f32 v8, v7;
	v7 =	vld [tilespmem:s22+$0x70]  }
0x196: {  	s21 =	simm.s32 $0x0;
	v10 =	vnsel vm3, $0x0, v9;
	v9 =	vand.u32 $0x7FFFFFFF, v12;
	s22 =	simm.s32 $0x180  }
.LBB2_28:
0x197: {  	v11 =	vld [tilespmem:s22+$0xFFFFFF80];
	s21 =	sadd.s32 $0x10, s21;
	v8 =	vadd.f32 v10, v8;
	vm3 =	vgt.s32 v9, v5  }
0x198: {  	p1 =	slt.u32 s21, $0x7F0;
	v9 =	vnsel vm3, $0x0, v9;
	v6 =	vand.u32 $0x7FFFFFFF, v6  }
0x199: {  	v10 =	vld [tilespmem:s22+$0xFFFFFF90];
	v8 =	vadd.f32 v9, v8;
	vm3 =	vgt.s32 v6, v5  }
0x19a: {  	v6 =	vnsel vm3, $0x0, v6;
	v7 =	vand.u32 $0x7FFFFFFF, v7  }
0x19b: {  	v9 =	vld [tilespmem:s22+$0xFFFFFFA0];
	v6 =	vadd.f32 v6, v8;
	vm3 =	vgt.s32 v7, v5  }
0x19c: {  	v8 =	vand.u32 $0x7FFFFFFF, v11;
	v7 =	vnsel vm3, $0x0, v7  }
0x19d: {  	vm3 =	vgt.s32 v8, v5;
	v11 =	vld [tilespmem:s22+$0xFFFFFFB0];
	v6 =	vadd.f32 v7, v6  }
0x19e: {  	v7 =	vnsel vm3, $0x0, v8;
	v8 =	vand.u32 $0x7FFFFFFF, v10  }
0x19f: {  	v6 =	vadd.f32 v7, v6;
	vm3 =	vgt.s32 v8, v5;
	v7 =	vld [tilespmem:s22+$0xFFFFFFC0]  }
0x1a0: {  	v8 =	vnsel vm3, $0x0, v8;
	v9 =	vand.u32 $0x7FFFFFFF, v9  }
0x1a1: {  	v6 =	vadd.f32 v8, v6;
	vm3 =	vgt.s32 v9, v5;
	v8 =	vld [tilespmem:s22+$0xFFFFFFD0]  }
0x1a2: {  	v9 =	vnsel vm3, $0x0, v9;
	v10 =	vand.u32 $0x7FFFFFFF, v11  }
0x1a3: {  	v6 =	vadd.f32 v9, v6;
	vm3 =	vgt.s32 v10, v5;
	v9 =	vld [tilespmem:s22+$0xFFFFFFE0]  }
0x1a4: {  	v10 =	vnsel vm3, $0x0, v10;
	v7 =	vand.u32 $0x7FFFFFFF, v7  }
0x1a5: {  	v6 =	vadd.f32 v10, v6;
	vm3 =	vgt.s32 v7, v5;
	v10 =	vld [tilespmem:s22+$0xFFFFFFF0]  }
0x1a6: {  	v7 =	vnsel vm3, $0x0, v7;
	v8 =	vand.u32 $0x7FFFFFFF, v8  }
0x1a7: {  	v6 =	vadd.f32 v7, v6;
	vm3 =	vgt.s32 v8, v5;
	v7 =	vld [tilespmem:s22+$0x0]  }
0x1a8: {  	v8 =	vnsel vm3, $0x0, v8;
	v9 =	vand.u32 $0x7FFFFFFF, v9  }
0x1a9: {  	v6 =	vadd.f32 v8, v6;
	vm3 =	vgt.s32 v9, v5;
	v8 =	vld [tilespmem:s22+$0x10]  }
0x1aa: {  	v9 =	vnsel vm3, $0x0, v9;
	v10 =	vand.u32 $0x7FFFFFFF, v10  }
0x1ab: {  	v6 =	vadd.f32 v9, v6;
	vm3 =	vgt.s32 v10, v5;
	v9 =	vld [tilespmem:s22+$0x20]  }
0x1ac: {  	v10 =	vnsel vm3, $0x0, v10;
	v7 =	vand.u32 $0x7FFFFFFF, v7  }
0x1ad: {  	v6 =	vadd.f32 v10, v6;
	vm3 =	vgt.s32 v7, v5;
	v10 =	vld [tilespmem:s22+$0x30]  }
0x1ae: {  	v7 =	vnsel vm3, $0x0, v7;
	v8 =	vand.u32 $0x7FFFFFFF, v8  }
0x1af: {  	v6 =	vadd.f32 v7, v6;
	vm3 =	vgt.s32 v8, v5;
	v7 =	vld [tilespmem:s22+$0x40]  }
0x1b0: {  	v8 =	vnsel vm3, $0x0, v8;
	v9 =	vand.u32 $0x7FFFFFFF, v9  }
0x1b1: {  	v6 =	vadd.f32 v8, v6;
	vm3 =	vgt.s32 v9, v5;
	v11 =	vld [tilespmem:s22+$0x50]  }
.Ltmp16:
0x1b2: {  	v8 =	vnsel vm3, $0x0, v9;
	v9 =	vand.u32 $0x7FFFFFFF, v10;
	(pc) =	sbr.rel @p1 .LBB2_28-.Ltmp16, $4  }
0x1b3: {  	v8 =	vadd.f32 v8, v6;
	vm3 =	vgt.s32 v9, v5;
	v6 =	vld [tilespmem:s22+$0x60]  }
0x1b4: {  	v9 =	vnsel vm3, $0x0, v9;
	v10 =	vand.u32 $0x7FFFFFFF, v7  }
0x1b5: {  	v8 =	vadd.f32 v9, v8;
	vm3 =	vgt.s32 v10, v5;
	v7 =	vld [tilespmem:s22+$0x70]  }
0x1b6: {  	s22 =	sadd.s32 $0x100, s22;
	v10 =	vnsel vm3, $0x0, v10;
	v9 =	vand.u32 $0x7FFFFFFF, v11  }
0x1b7: {  	v8 =	vadd.f32 v10, v8;
	vm3 =	vgt.s32 v9, v5  }
0x1b8: {  	v9 =	vnsel vm3, $0x0, v9;
	v6 =	vand.u32 $0x7FFFFFFF, v6  }
0x1b9: {  	v8 =	vadd.f32 v9, v8;
	vm3 =	vgt.s32 v6, v5  }
0x1ba: {  	v6 =	vnsel vm3, $0x0, v6;
	v7 =	vand.u32 $0x7FFFFFFF, v7  }
0x1bb: {  	v6 =	vadd.f32 v6, v8;
	vm3 =	vgt.s32 v7, v5  }
0x1bc: {  	v5 =	vnsel vm3, $0x0, v7  }
0x1bd: {  	v5 =	vadd.f32 v5, v6;
	_ =	sdelay $0x1  }
0x1be: {  	(xrf2) =	vadd.scan.msk.f32 $0xffff, v5;
	_ =	sdelay $0x2  }
0x1bf: {  	s0 =	sadd.s32 $0x1, s20  }
0x1c0: {  	s21 =	sand.u32 $0x3FC, s0  }
0x1c1: {  	p1 =	seq.s32 s21, $0x0  }
.Ltmp17:
0x1c2: {  	_ = 	snop;
	(pc) =	sbr.rel @p1 .LBB2_33-.Ltmp17, $2  }
0x1c3: {  	_ =	sdelay $0x2  }
0x1c4: {  	v5, _, _ =	vpop (xrf2)  }
0x1c5: {  	p1 =	sgt.u32 s21, $0x4  }
.Ltmp18:
0x1c6: {  	_ = 	snop;
	(pc) =	sbr.rel @!p1 .LBB2_32-.Ltmp18, $4  }
0x1c7: {  	s22 =	simm.s32 $0x10020  }
0x1c8: {  	[tilespmem:s22+$0xFFFFFFE0] =	vst v1  }
0x1c9: {  	[tilespmem:s22+$0x10] =	vst v1  }
0x1ca: {  	s23 =	simm.s32 $0x4;
	[tilespmem:s22+$0x0] =	vst v1  }
.LBB2_31:
0x1cb: {  	s23 =	sadd.s32 $0x4, s23  }
0x1cc: {  	[tilespmem:s22+$0xFFFFFFF0] =	vst v1;
	s22 =	sadd.s32 $0x40, s22;
	p1 =	slt.u32 s23, s21  }
.Ltmp19:
0x1cd: {  	[tilespmem:s22+$0xFFFFFFE0] =	vst v1;
	(pc) =	sbr.rel @p1 .LBB2_31-.Ltmp19, $3  }
0x1ce: {  	_ =	sdelay $0x1  }
0x1cf: {  	[tilespmem:s22+$0x10] =	vst v1  }
0x1d0: {  	[tilespmem:s22+$0x0] =	vst v1  }
.LBB2_32:
0x1d1: {  	[tilespmem:s22+$0xFFFFFFF0] =	vst v1  }
.LBB2_33:
0x1d2: {  	p1 =	sle.u32 s21, s20  }
.Ltmp20:
0x1d3: {  	_ = 	snop;
	(pc) =	sbr.rel @!p1 .LBB2_34-.Ltmp20, $1  }
0x1d4: {  	_ =	sdelay $0x3  }
0x1d5: {  	s0 =	sshll.u32 s0, $0x4  }
0x1d6: {  	s1 =	ssub.s32 s20, s21;
	s4 =	sand.u32 $0x3FC0, s0  }
0x1d7: {  	s0 =	sadd.s32 $0x1, s1;
	s20 =	sor.u32 $0x10000, s4  }
.LBB2_51:
0x1d8: {  	p1 =	seq.s32 s0, $0x1  }
.Ltmp21:
0x1d9: {  	_ = 	snop;
	(pc) =	sbr.rel @!p1 .LBB2_51-.Ltmp21, $2  }
0x1da: {  	_ =	sdelay $0x2  }
0x1db: {  	[tilespmem:s20+$0x0] =	vst v1;
	s20 =	sadd.s32 $0x10, s20;
	s0 =	sadd.s32 $0xFFFFFFFF, s0  }
.LBB2_34:
0x1dc: {  	s0 =	simm.s32 $0x11020  }
0x1dd: {  	[tilespmem:s0+$0xFFFFFFE0] =	vst v1  }
0x1de: {  	[tilespmem:s0+$0x10] =	vst v1  }
0x1df: {  	s20 =	simm.s32 $0x0;
	[tilespmem:s0+$0x0] =	vst v1  }
.LBB2_35:
0x1e0: {  	s20 =	sadd.s32 $0x4, s20  }
0x1e1: {  	[tilespmem:s0+$0xFFFFFFF0] =	vst v1;
	s0 =	sadd.s32 $0x40, s0;
	p1 =	slt.u32 s20, $0x7C  }
.Ltmp22:
0x1e2: {  	[tilespmem:s0+$0xFFFFFFE0] =	vst v1;
	(pc) =	sbr.rel @p1 .LBB2_35-.Ltmp22, $3  }
0x1e3: {  	_ =	sdelay $0x1  }
0x1e4: {  	[tilespmem:s0+$0x10] =	vst v1  }
0x1e5: {  	[tilespmem:s0+$0x0] =	vst v1  }
.Ltmp23:
0x1e6: {  	(pc) =	sbr.rel @!p0 .LBB2_40-.Ltmp23, $2  }
0x1e7: {  	_ =	sdelay $0x2  }
0x1e8: {  	[tilespmem:s0+$0xFFFFFFF0] =	vst v1  }
0x1e9: {  	s0 =	simm.s32 $0x11820  }
0x1ea: {  	[tilespmem:s0+$0xFFFFFFE0] =	vst v1  }
0x1eb: {  	[tilespmem:s0+$0x10] =	vst v1  }
0x1ec: {  	s20 =	simm.s32 $0x0;
	[tilespmem:s0+$0x0] =	vst v1  }
.LBB2_38:
0x1ed: {  	s20 =	sadd.s32 $0x4, s20  }
0x1ee: {  	[tilespmem:s0+$0xFFFFFFF0] =	vst v1;
	s0 =	sadd.s32 $0x40, s0;
	p0 =	slt.u32 s20, $0xFC  }
.Ltmp24:
0x1ef: {  	[tilespmem:s0+$0xFFFFFFE0] =	vst v1;
	(pc) =	sbr.rel @p0 .LBB2_38-.Ltmp24, $3  }
0x1f0: {  	_ =	sdelay $0x1  }
0x1f1: {  	[tilespmem:s0+$0x10] =	vst v1  }
0x1f2: {  	[tilespmem:s0+$0x0] =	vst v1  }
0x1f3: {  	[tilespmem:s0+$0xFFFFFFF0] =	vst v1  }
.LBB2_40:
0x1f4: {  	s0 =	rddreg [dreg:$0x4]  }
0x1f5: {  	[tilespmem:s2], [sflag:$0x1] =	stream.strided.gather [hbm4b:s0+s9], $0x8000, s10, s9, $0x38;
	[tilespmem:$0x12880] =	vst v63  }
0x1f6: {  	_ =	swait.ge [sflag:s16], $0x8000  }
0x1f7: {  	[sflag:s16] =	ssyncset.done $0x0  }
0x1f8: {  	s20 =	simm.s32 $0x8080;
	[sflag:s16] =	ssyncadd.s32 $0xFFFF8000  }
0x1f9: {  	v8 =	vld [tilespmem:s20+$0x20]  }
0x1fa: {  	v13 =	vld [tilespmem:s20+$0xFFFFFFB0]  }
0x1fb: {  	v14 =	vld [tilespmem:s20+$0xFFFFFFA0]  }
0x1fc: {  	v10 =	vld [tilespmem:s20+$0x30]  }
0x1fd: {  	v11 =	vld [tilespmem:s20+$0x10]  }
0x1fe: {  	v7 =	vld [tilespmem:s20+$0x50]  }
0x1ff: {  	v15 =	vld [tilespmem:s20+$0xFFFFFF80];
	_ =	sdelay $0x1  }
0x200: {  	v6 =	vld [tilespmem:s20+$0x40]  }
0x201: {  	v12 =	vimm.s32 $0x0;
	v9 =	vshrl.u32 v8, $0x13;
	v18 =	vshrl.u32 v10, $0x13  }
0x202: {  	v16 =	vld [tilespmem:s20+$0xFFFFFF90];
	v21 =	vand.u32 $0x7FFFFFFF, v13;
	v19 =	vand.u32 $0x7FFFFFFF, v14;
	v20 =	vshrl.u32 v11, $0x13  }
0x203: {  	v23 =	vshrl.u32 v7, $0x13;
	v24 =	vand.u32 $0x7FFFFFFF, v15;
	v15 =	vshrl.u32 v15, $0x13  }
0x204: {  	v14 =	vshrl.u32 v14, $0x13;
	v17 =	vand.u32 $0xFF0, v9;
	v22 =	vand.u32 $0xFF0, v18  }
0x205: {  	v26 =	vld [tilespmem:s20+$0xFFFFFFD0];
	v18 =	vand.u32 $0xFF0, v20;
	v20 =	vshrl.u32 v6, $0x13;
	v23 =	vand.u32 $0xFF0, v23  }
0x206: {  	v27 =	vld [tilespmem:s20+$0xFFFFFFE0];
	v25 =	vand.u32 $0xFF0, v15;
	vm3 =	vgt.s32 v12, v24;
	v14 =	vand.u32 $0xFF0, v14  }
0x207: {  	v29 =	vld [tilespmem:s20+$0xFFFFFFF0];
	v17 =	vor.u32 v0, v17;
	v24 =	vsel vm3, v12, v24;
	v12 =	vshrl.u32 v16, $0x13  }
0x208: {  	v32 =	vld [tilespmem:s20+$0xFFFFFFC0];
	v23 =	vor.u32 v0, v23;
	v30 =	vor.u32 v0, v18;
	v12 =	vand.u32 $0xFF0, v12  }
0x209: {  	v9 =	vld [tilespmem:s20+$0x60];
	v16 =	vand.u32 $0x7FFFFFFF, v16;
	v31 =	vor.u32 v0, v12;
	v12 =	vshrl.u32 v13, $0x13  }
0x20a: {  	v15 =	vand.u32 $0xFF0, v20;
	v22 =	vor.u32 v0, v22;
	v13 =	vld [tilespmem:s20+$0x0];
	v12 =	vand.u32 $0xFF0, v12  }
0x20b: {  	v25 =	vor.u32 v0, v25;
	v18 =	vshrl.u32 v27, $0x13;
	v34 =	vor.u32 v0, v12;
	v12 =	vld [tilespmem:s20+$0x70]  }
0x20c: {  	v33 =	vor.u32 v0, v15;
	v15 =	vand.u32 $0x7FFFFFFF, v26;
	v20 =	vand.u32 $0xFF0, v18;
	[tilespmem:v17+s13+$0x0] =	vst.idx.add.s32.msk $0xffff, v2  }
0x20d: {  	v18 =	vand.u32 $0x7FFFFFFF, v29;
	v29 =	vshrl.u32 v29, $0x13;
	v16 =	vmax.u32 v24, v16;
	[tilespmem:v30+s13+$0x0] =	vst.idx.add.s32.msk $0xffff, v2  }
0x20e: {  	v24 =	vshrl.u32 v32, $0x13;
	v63 =	vmax.u32 v16, v19;
	v28 =	vshrl.u32 v9, $0x13;
	[tilespmem:v23+s13+$0x0] =	vst.idx.add.s32.msk $0xffff, v2  }
0x20f: {  	v28 =	vand.u32 $0xFF0, v28;
	v17 =	vand.u32 $0x7FFFFFFF, v27;
	v27 =	vor.u32 v0, v20;
	[tilespmem:v22+s13+$0x0] =	vst.idx.add.s32.msk $0xffff, v2  }
0x210: {  	v26 =	vshrl.u32 v26, $0x13;
	v19 =	vor.u32 v0, v14;
	[tilespmem:v25+s13+$0x0] =	vst.idx.add.s32.msk $0xffff, v2;
	v28 =	vor.u32 v0, v28  }
0x211: {  	v14 =	vand.u32 $0xFF0, v24;
	[tilespmem:v33+s13+$0x0] =	vst.idx.add.s32.msk $0xffff, v2;
	v20 =	vand.u32 $0x7FFFFFFF, v13;
	v13 =	vshrl.u32 v13, $0x13  }
0x212: {  	v26 =	vand.u32 $0xFF0, v26;
	[tilespmem:v31+s13+$0x0] =	vst.idx.add.s32.msk $0xffff, v2;
	v62 =	vand.u32 $0xFF0, v13;
	v13 =	vand.u32 $0xFF0, v29  }
0x213: {  	v14 =	vor.u32 v0, v14;
	[tilespmem:v34+s13+$0x0] =	vst.idx.add.s32.msk $0xffff, v2;
	v23 =	vshrl.u32 v12, $0x13;
	v13 =	vor.u32 v0, v13  }
0x214: {  	v16 =	vor.u32 v0, v62;
	[tilespmem:v27+s13+$0x0] =	vst.idx.add.s32.msk $0xffff, v2;
	v22 =	vand.u32 $0xFF0, v23;
	v23 =	vmax.u32 v63, v21  }
0x215: {  	s21 =	simm.s32 $0x8180;
	v24 =	vand.u32 $0x7FFFFFFF, v32;
	s20 =	simm.s32 $0x0;
	v21 =	vor.u32 v0, v26;
	[tilespmem:v28+s13+$0x0] =	vst.idx.add.s32.msk $0xffff, v2;
	v22 =	vor.u32 v0, v22  }
.LBB2_41:
0x216: {  	v25 =	vld [tilespmem:s21+$0x20];
	s20 =	sadd.s32 $0x10, s20;
	v23 =	vmax.u32 v23, v24  }
0x217: {  	v24 =	vld [tilespmem:s21+$0xFFFFFFB0];
	p0 =	slt.u32 s20, $0x7F0;
	v15 =	vmax.u32 v23, v15  }
0x218: {  	v23 =	vld [tilespmem:s21+$0xFFFFFFA0];
	v15 =	vmax.u32 v15, v17  }
0x219: {  	v11 =	vand.u32 $0x7FFFFFFF, v11;
	v17 =	vld [tilespmem:s21+$0xFFFFFF90];
	v15 =	vmax.u32 v15, v18  }
0x21a: {  	v18 =	vld [tilespmem:s21+$0x30];
	v15 =	vmax.u32 v15, v20;
	v20 =	vand.u32 $0x7FFFFFFF, v8  }
0x21b: {  	v10 =	vand.u32 $0x7FFFFFFF, v10;
	v26 =	vld [tilespmem:s21+$0xFFFFFF80];
	v11 =	vmax.u32 v15, v11;
	v8 =	vmov v25  }
0x21c: {  	v15 =	vmax.u32 v11, v20;
	v20 =	vand.u32 $0x7FFFFFFF, v6;
	v6 =	vld [tilespmem:s21+$0x40]  }
0x21d: {  	v11 =	vld [tilespmem:s21+$0x10];
	v28 =	vmax.u32 v15, v10;
	v15 =	vand.u32 $0x7FFFFFFF, v9  }
0x21e: {  	v9 =	vshrl.u32 v8, $0x13;
	[tilespmem:v19+s13+$0x0] =	vst.idx.add.s32.msk $0xffff, v2;
	v27 =	vmax.u32 v28, v20;
	v19 =	vand.u32 $0x7FFFFFFF, v7  }
0x21f: {  	v20 =	vand.u32 $0xFF0, v9;
	v25 =	vshrl.u32 v18, $0x13;
	v7 =	vld [tilespmem:s21+$0x50];
	v19 =	vmax.u32 v27, v19;
	v10 =	vmovc v18  }
0x220: {  	v12 =	vand.u32 $0x7FFFFFFF, v12;
	v9 =	vld [tilespmem:s21+$0x60];
	v15 =	vmax.u32 v19, v15  }
0x221: {  	[tilespmem:v22+s13+$0x0] =	vst.idx.add.s32.msk $0xffff, v2;
	v12 =	vmax.u32 v15, v12  }
0x222: {  	v27 =	vand.u32 $0x7FFFFFFF, v24;
	v18 =	vor.u32 v0, v20;
	[tilespmem:v16+s13+$0x0] =	vst.idx.add.s32.msk $0xffff, v2  }
0x223: {  	v19 =	vand.u32 $0xFF0, v25;
	v16 =	vand.u32 $0x7FFFFFFF, v23;
	v15 =	vshrl.u32 v11, $0x13;
	[tilespmem:v21+s13+$0x0] =	vst.idx.add.s32.msk $0xffff, v2  }
0x224: {  	v20 =	vshrl.u32 v6, $0x13;
	v15 =	vand.u32 $0xFF0, v15;
	v21 =	vshrl.u32 v7, $0x13;
	[tilespmem:v13+s13+$0x0] =	vst.idx.add.s32.msk $0xffff, v2  }
0x225: {  	v22 =	vshrl.u32 v26, $0x13;
	v13 =	vand.u32 $0x7FFFFFFF, v26;
	v21 =	vand.u32 $0xFF0, v21;
	[tilespmem:v14+s13+$0x0] =	vst.idx.add.s32.msk $0xffff, v2  }
0x226: {  	v14 =	vand.u32 $0xFF0, v22;
	vm3 =	vgt.s32 v12, v13;
	v22 =	vld [tilespmem:s21+$0xFFFFFFD0];
	v21 =	vor.u32 v0, v21  }
0x227: {  	v26 =	vshrl.u32 v9, $0x13;
	v13 =	vsel vm3, v12, v13;
	v12 =	vshrl.u32 v17, $0x13;
	v25 =	vld [tilespmem:s21+$0xFFFFFFE0]  }
0x228: {  	v28 =	vand.u32 $0x7FFFFFFF, v17;
	v30 =	vor.u32 v0, v15;
	v12 =	vand.u32 $0xFF0, v12;
	v29 =	vld [tilespmem:s21+$0xFFFFFFF0]  }
0x229: {  	v15 =	vand.u32 $0xFF0, v20;
	v31 =	vor.u32 v0, v12;
	v12 =	vshrl.u32 v24, $0x13;
	v24 =	vld [tilespmem:s21+$0x0]  }
0x22a: {  	v23 =	vshrl.u32 v23, $0x13;
	v33 =	vor.u32 v0, v15;
	v12 =	vand.u32 $0xFF0, v12;
	v32 =	vld [tilespmem:s21+$0xFFFFFFC0]  }
0x22b: {  	v26 =	vand.u32 $0xFF0, v26;
	v34 =	vor.u32 v0, v12;
	v15 =	vand.u32 $0x7FFFFFFF, v22;
	[tilespmem:v18+s13+$0x0] =	vst.idx.add.s32.msk $0xffff, v2  }
0x22c: {  	v35 =	vor.u32 v0, v14;
	v17 =	vand.u32 $0x7FFFFFFF, v25;
	v14 =	vshrl.u32 v25, $0x13;
	v12 =	vld [tilespmem:s21+$0x70]  }
0x22d: {  	v25 =	vor.u32 v0, v19;
	v14 =	vand.u32 $0xFF0, v14;
	v18 =	vand.u32 $0x7FFFFFFF, v29;
	[tilespmem:v30+s13+$0x0] =	vst.idx.add.s32.msk $0xffff, v2  }
0x22e: {  	v26 =	vor.u32 v0, v26;
	[tilespmem:v31+s13+$0x0] =	vst.idx.add.s32.msk $0xffff, v2;
	v14 =	vor.u32 v0, v14;
	v20 =	vand.u32 $0x7FFFFFFF, v24  }
0x22f: {  	v19 =	vand.u32 $0xFF0, v23;
	v23 =	vshrl.u32 v29, $0x13;
	v24 =	vshrl.u32 v24, $0x13;
	[tilespmem:v33+s13+$0x0] =	vst.idx.add.s32.msk $0xffff, v2  }
0x230: {  	v13 =	vmax.u32 v13, v28;
	v28 =	vshrl.u32 v32, $0x13;
	v24 =	vand.u32 $0xFF0, v24;
	[tilespmem:v34+s13+$0x0] =	vst.idx.add.s32.msk $0xffff, v2  }
.Ltmp25:
0x231: {  	v29 =	vmax.u32 v13, v16;
	v13 =	vand.u32 $0xFF0, v23;
	[tilespmem:v21+s13+$0x0] =	vst.idx.add.s32.msk $0xffff, v2;
	v21 =	vshrl.u32 v12, $0x13;
	(pc) =	sbr.rel @p0 .LBB2_41-.Ltmp25, $4  }
0x232: {  	v22 =	vshrl.u32 v22, $0x13;
	v19 =	vor.u32 v0, v19;
	v13 =	vor.u32 v0, v13;
	[tilespmem:v25+s13+$0x0] =	vst.idx.add.s32.msk $0xffff, v2  }
0x233: {  	v23 =	vand.u32 $0xFF0, v28;
	v16 =	vor.u32 v0, v24;
	v21 =	vand.u32 $0xFF0, v21;
	[tilespmem:v14+s13+$0x0] =	vst.idx.add.s32.msk $0xffff, v2  }
0x234: {  	v25 =	vand.u32 $0xFF0, v22;
	v14 =	vor.u32 v0, v23;
	v22 =	vor.u32 v0, v21;
	[tilespmem:v26+s13+$0x0] =	vst.idx.add.s32.msk $0xffff, v2  }
0x235: {  	s21 =	sadd.s32 $0x100, s21;
	v24 =	vand.u32 $0x7FFFFFFF, v32;
	v23 =	vmax.u32 v29, v27;
	v21 =	vor.u32 v0, v25;
	[tilespmem:v35+s13+$0x0] =	vst.idx.add.s32.msk $0xffff, v2  }
0x236: {  	v23 =	vmax.u32 v23, v24  }
0x237: {  	v15 =	vmax.u32 v23, v15  }
0x238: {  	v15 =	vmax.u32 v15, v17  }
0x239: {  	v15 =	vmax.u32 v15, v18  }
0x23a: {  	v11 =	vand.u32 $0x7FFFFFFF, v11;
	v15 =	vmax.u32 v15, v20  }
0x23b: {  	v8 =	vand.u32 $0x7FFFFFFF, v8;
	v11 =	vmax.u32 v15, v11  }
0x23c: {  	v10 =	vand.u32 $0x7FFFFFFF, v10;
	v8 =	vmax.u32 v11, v8  }
0x23d: {  	v6 =	vand.u32 $0x7FFFFFFF, v6;
	v8 =	vmax.u32 v8, v10  }
0x23e: {  	v7 =	vand.u32 $0x7FFFFFFF, v7;
	v6 =	vmax.u32 v8, v6  }
0x23f: {  	v63 =	vand.u32 $0x7FFFFFFF, v9;
	v6 =	vmax.u32 v6, v7  }
0x240: {  	v7 =	vand.u32 $0x7FFFFFFF, v12;
	v6 =	vmax.u32 v6, v63  }
0x241: {  	v6 =	vmax.u32 v6, v7  }
0x242: {  	v6 =	vxor.u32 $0x80000000, v6  }
0x243: {  	(xrf0) =	vmax.scan.msk.u32 $0xffff, v6;
	_ =	sdelay $0x5  }
0x244: {  	v6, _, _ =	vpop (xrf0)  }
0x245: {  	(v2sf) =	vpush v6, $0xF;
	_ =	sdelay $0xd  }
0x246: {  	[tilespmem:v19+s13+$0x0] =	vst.idx.add.s32.msk $0xffff, v2  }
0x247: {  	[tilespmem:v22+s13+$0x0] =	vst.idx.add.s32.msk $0xffff, v2;
	s0 =	spop (v2sf)  }
0x248: {  	[tilespmem:v16+s13+$0x0] =	vst.idx.add.s32.msk $0xffff, v2;
	s0 =	sshrl.u32 s0, $0x17  }
0x249: {  	[tilespmem:v21+s13+$0x0] =	vst.idx.add.s32.msk $0xffff, v2;
	s20 =	sxor.u32 $0x100, s0  }
0x24a: {  	[tilespmem:v13+s13+$0x0] =	vst.idx.add.s32.msk $0xffff, v2;
	s23 =	simm.s32 $0x0;
	s22 =	simm.s32 $0x0;
	s0 =	sshll.u32 s20, $0x4  }
0x24b: {  	[tilespmem:v14+s13+$0x0] =	vst.idx.add.s32.msk $0xffff, v2;
	s21 =	simm.s32 $0x0;
	s24 =	smov.u32 s20;
	s0 =	sor.u32 $0x10000, s0  }
.LBB2_43:
0x24c: {  	v6 =	vld [tilespmem:s0+$0x0];
	_ =	sdelay $0x4  }
0x24d: {  	(xrf0) =	vadd.scan.msk.s32 $0xffff, v6;
	_ =	sdelay $0x5  }
0x24e: {  	v6, _, _ =	vpop (xrf0)  }
0x24f: {  	(v2sf) =	vpush v6, $0xF;
	_ =	sdelay $0xe  }
0x250: {  	s1 =	spop (v2sf)  }
0x251: {  	s1 =	sadd.s32 s23, s1  }
0x252: {  	p2 =	sne.s32 s24, $0x0;
	p0 =	sgt.s32 s1, $0xCCC  }
0x253: {  	p0 =	por p0, !p2  }
.Ltmp26:
0x254: {  	_ = 	snop;
	(pc) =	sbr.rel @!p0 .LBB2_43-.Ltmp26, $4  }
0x255: {  	s4 =	smov.u32 s21  }
0x256: {  	s5 =	smov.u32 s22;
	s21 =	smov.u32 s24;
	s22 =	smov.u32 s23  }
0x257: {  	s24 =	sadd.s32 $0xFFFFFFFF, s24;
	s0 =	sadd.s32 $0xFFFFFFF0, s0;
	p1 =	slt.s32 s1, $0xCCD  }
0x258: {  	s21 =	smov.u32 @p1 s4;
	s22 =	smov.u32 @p1 s5;
	s23 =	smov.u32 @p1 s1  }
0x259: {  	s23 =	simm.s32 $0x8080  }
0x25a: {  	v7 =	vld [tilespmem:s23+$0xFFFFFF80]  }
0x25b: {  	v8 =	vld [tilespmem:s23+$0x10]  }
0x25c: {  	v9 =	vld [tilespmem:s23+$0xFFFFFFD0]  }
0x25d: {  	v10 =	vld [tilespmem:s23+$0xFFFFFFF0]  }
0x25e: {  	v12 =	vld [tilespmem:s23+$0x0]  }
0x25f: {  	v15 =	vld [tilespmem:s23+$0x30]  }
0x260: {  	v22 =	vld [tilespmem:s23+$0xFFFFFFA0]  }
0x261: {  	v6 =	vmov s21;
	v11 =	vld [tilespmem:s23+$0x20]  }
0x262: {  	v13 =	vshrl.u32 v7, $0x17;
	v7 =	vshrl.u32 v7, $0xC;
	v16 =	vshrl.u32 v10, $0x17  }
0x263: {  	v14 =	vld [tilespmem:s23+$0xFFFFFFE0];
	v20 =	vshrl.u32 v8, $0xC;
	v21 =	vshrl.u32 v8, $0x17;
	v8 =	vshrl.u32 v10, $0xC  }
0x264: {  	v25 =	vshrl.u32 v12, $0x17;
	v26 =	vshrl.u32 v15, $0x17;
	v10 =	vshrl.u32 v9, $0x17  }
0x265: {  	v23 =	vld [tilespmem:s23+$0xFFFFFF90];
	v27 =	vshrl.u32 v9, $0xC;
	v9 =	vshrl.u32 v22, $0x17;
	v13 =	vand.u32 $0xFF, v13  }
0x266: {  	v18 =	vand.u32 $0x7FF, v7;
	v7 =	vshrl.u32 v11, $0x17;
	v11 =	vshrl.u32 v11, $0xC  }
0x267: {  	v63 =	vand.u32 $0xFF, v21;
	v25 =	vand.u32 $0xFF, v25;
	vm3 =	veq.s32 v13, v6  }
0x268: {  	v13 =	vshrl.u32 v12, $0xC;
	v24 =	vand.u32 $0xFF, v7;
	v7 =	vshrl.u32 v14, $0xC  }
0x269: {  	v19 =	vld [tilespmem:s23+$0xFFFFFFB0];
	v12 =	vshrl.u32 v15, $0xC;
	v15 =	vand.u32 $0xFF, v10;
	v28 =	vand.u32 $0x7FF, v11  }
0x26a: {  	v11 =	vshrl.u32 v23, $0x17;
	v17 =	vand.u32 $0x7FF, v12;
	vm4 =	veq.s32 v15, v6  }
0x26b: {  	v15 =	vand.u32 $0x7FF, v20;
	v20 =	vshrl.u32 v22, $0xC;
	v22 =	vshrl.u32 v23, $0xC;
	v12 =	vld [tilespmem:s23+$0xFFFFFFC0]  }
0x26c: {  	vm7 =	veq.s32 v24, v6;
	v23 =	vand.u32 $0xFF, v9;
	v9 =	vand.u32 $0xFF, v26  }
0x26d: {  	v21 =	vld [tilespmem:s23+$0x40];
	v14 =	vshrl.u32 v14, $0x17;
	v11 =	vand.u32 $0xFF, v11;
	vm8 =	veq.s32 v9, v6  }
0x26e: {  	v10 =	vshrl.u32 v19, $0xC;
	vm5 =	veq.s32 v11, v6;
	v11 =	vand.u32 $0x7FF, v22;
	v22 =	vld [tilespmem:s23+$0x50]  }
0x26f: {  	vm9 =	veq.s32 v63, v6;
	vm10 =	veq.s32 v25, v6;
	v9 =	vand.u32 $0x7FF, v20;
	v20 =	vld [tilespmem:s23+$0x60]  }
0x270: {  	[tilespmem:v18+s14+$0x0] =	vst.idx.add.s32.msk vm3, v2;
	v18 =	vshrl.u32 v19, $0x17;
	vm3 =	veq.s32 v23, v6;
	v23 =	vshrl.u32 v12, $0x17  }
0x271: {  	v14 =	vand.u32 $0xFF, v14;
	v19 =	vld [tilespmem:s23+$0x70];
	v18 =	vand.u32 $0xFF, v18;
	v23 =	vand.u32 $0xFF, v23  }
0x272: {  	s24 =	simm.s32 $0x8180;
	s23 =	simm.s32 $0x0;
	[tilespmem:v28+s14+$0x0] =	vst.idx.add.s32.msk vm7, v2;
	vm6 =	veq.s32 v18, v6;
	v18 =	vand.u32 $0xFF, v16;
	v16 =	vand.u32 $0x7FF, v27  }
.LBB2_45:
0x273: {  	s23 =	sadd.s32 $0x10, s23;
	vm7 =	veq.s32 v23, v6;
	[tilespmem:v17+s14+$0x0] =	vst.idx.add.s32.msk vm8, v2  }
0x274: {  	v13 =	vand.u32 $0x7FF, v13;
	v23 =	vld [tilespmem:s24+$0xFFFFFFA0];
	p0 =	slt.u32 s23, $0x7F0;
	v17 =	vshrl.u32 v22, $0x17;
	v22 =	vshrl.u32 v22, $0xC  }
0x275: {  	v24 =	vld [tilespmem:s24+$0xFFFFFF80];
	v17 =	vand.u32 $0xFF, v17;
	v25 =	vshrl.u32 v20, $0x17;
	v20 =	vshrl.u32 v20, $0xC  }
0x276: {  	v26 =	vld [tilespmem:s24+$0xFFFFFF90];
	v27 =	vshrl.u32 v21, $0x17;
	v21 =	vshrl.u32 v21, $0xC;
	v25 =	vand.u32 $0xFF, v25  }
0x277: {  	vm11 =	veq.s32 v17, v6;
	[tilespmem:v15+s14+$0x0] =	vst.idx.add.s32.msk vm9, v2;
	v15 =	vand.u32 $0xFF, v27;
	vm9 =	veq.s32 v25, v6  }
0x278: {  	v20 =	vand.u32 $0x7FF, v20;
	v17 =	vld [tilespmem:s24+$0x10];
	vm8 =	veq.s32 v15, v6;
	v15 =	vand.u32 $0x7FF, v22  }
0x279: {  	v21 =	vand.u32 $0x7FF, v21;
	[tilespmem:v13+s14+$0x0] =	vst.idx.add.s32.msk vm10, v2  }
0x27a: {  	v22 =	vld [tilespmem:s24+$0xFFFFFFB0]  }
0x27b: {  	v13 =	vshrl.u32 v19, $0x17;
	v19 =	vshrl.u32 v19, $0xC;
	v25 =	vld [tilespmem:s24+$0xFFFFFFD0]  }
0x27c: {  	v27 =	vshrl.u32 v24, $0x17;
	v24 =	vshrl.u32 v24, $0xC;
	v13 =	vand.u32 $0xFF, v13;
	v28 =	vld [tilespmem:s24+$0xFFFFFFE0]  }
0x27d: {  	v12 =	vshrl.u32 v12, $0xC;
	v27 =	vand.u32 $0xFF, v27;
	vm12 =	veq.s32 v13, v6;
	v29 =	vld [tilespmem:s24+$0xFFFFFFF0]  }
0x27e: {  	vm13 =	veq.s32 v18, v6;
	v12 =	vand.u32 $0x7FF, v12;
	v13 =	vand.u32 $0x7FF, v19;
	v30 =	vld [tilespmem:s24+$0x0]  }
0x27f: {  	v8 =	vand.u32 $0x7FF, v8;
	v18 =	vld [tilespmem:s24+$0x20]  }
0x280: {  	[tilespmem:v15+s14+$0x0] =	vst.idx.add.s32.msk vm11, v2  }
0x281: {  	v19 =	vand.u32 $0x7FF, v7;
	v15 =	vld [tilespmem:s24+$0x30]  }
0x282: {  	v10 =	vand.u32 $0x7FF, v10;
	vm11 =	veq.s32 v14, v6;
	v31 =	vshrl.u32 v29, $0x17;
	[tilespmem:v16+s14+$0x0] =	vst.idx.add.s32.msk vm4, v2  }
0x283: {  	vm10 =	veq.s32 v27, v6;
	v14 =	vand.u32 $0x7FF, v24;
	v16 =	vshrl.u32 v17, $0xC;
	[tilespmem:v13+s14+$0x0] =	vst.idx.add.s32.msk vm12, v2  }
0x284: {  	v24 =	vshrl.u32 v17, $0x17;
	v7 =	vshrl.u32 v18, $0x17;
	v18 =	vshrl.u32 v18, $0xC;
	[tilespmem:v8+s14+$0x0] =	vst.idx.add.s32.msk vm13, v2  }
0x285: {  	v13 =	vshrl.u32 v30, $0xC;
	v8 =	vshrl.u32 v29, $0xC;
	v27 =	vand.u32 $0xFF, v7;
	[tilespmem:v11+s14+$0x0] =	vst.idx.add.s32.msk vm5, v2  }
0x286: {  	v29 =	vshrl.u32 v30, $0x17;
	v7 =	vshrl.u32 v28, $0xC;
	v11 =	vshrl.u32 v15, $0x17;
	[tilespmem:v20+s14+$0x0] =	vst.idx.add.s32.msk vm9, v2  }
0x287: {  	v17 =	vshrl.u32 v25, $0x17;
	v20 =	vshrl.u32 v28, $0x17;
	v15 =	vshrl.u32 v15, $0xC;
	[tilespmem:v21+s14+$0x0] =	vst.idx.add.s32.msk vm8, v2  }
0x288: {  	v25 =	vshrl.u32 v25, $0xC;
	v21 =	vand.u32 $0xFF, v17;
	v17 =	vand.u32 $0x7FF, v15;
	[tilespmem:v10+s14+$0x0] =	vst.idx.add.s32.msk vm6, v2  }
0x289: {  	v15 =	vand.u32 $0x7FF, v16;
	v10 =	vshrl.u32 v22, $0xC;
	vm4 =	veq.s32 v21, v6;
	[tilespmem:v19+s14+$0x0] =	vst.idx.add.s32.msk vm11, v2  }
0x28a: {  	v28 =	vand.u32 $0x7FF, v18;
	v16 =	vshrl.u32 v23, $0x17;
	v21 =	vshrl.u32 v23, $0xC;
	[tilespmem:v12+s14+$0x0] =	vst.idx.add.s32.msk vm7, v2  }
0x28b: {  	v18 =	vshrl.u32 v26, $0xC;
	v12 =	vshrl.u32 v26, $0x17;
	vm7 =	veq.s32 v27, v6;
	[tilespmem:v9+s14+$0x0] =	vst.idx.add.s32.msk vm3, v2  }
0x28c: {  	v11 =	vand.u32 $0xFF, v11;
	v16 =	vand.u32 $0xFF, v16;
	v9 =	vand.u32 $0xFF, v12;
	v12 =	vld [tilespmem:s24+$0xFFFFFFC0]  }
0x28d: {  	vm8 =	veq.s32 v11, v6;
	vm5 =	veq.s32 v9, v6;
	v9 =	vshrl.u32 v22, $0x17;
	[tilespmem:v14+s14+$0x0] =	vst.idx.add.s32.msk vm10, v2  }
.Ltmp27:
0x28e: {  	v11 =	vand.u32 $0x7FF, v18;
	v23 =	vand.u32 $0xFF, v24;
	v14 =	vand.u32 $0xFF, v9;
	v19 =	vld [tilespmem:s24+$0x70];
	(pc) =	sbr.rel @p0 .LBB2_45-.Ltmp27, $4  }
0x28f: {  	v18 =	vand.u32 $0xFF, v31;
	v9 =	vand.u32 $0x7FF, v21;
	vm6 =	veq.s32 v14, v6;
	v22 =	vld [tilespmem:s24+$0x50]  }
0x290: {  	v24 =	vand.u32 $0xFF, v29;
	vm3 =	veq.s32 v16, v6;
	v14 =	vand.u32 $0xFF, v20;
	v20 =	vld [tilespmem:s24+$0x60]  }
0x291: {  	vm9 =	veq.s32 v23, v6;
	v16 =	vand.u32 $0x7FF, v25;
	v26 =	vshrl.u32 v12, $0x17;
	v21 =	vld [tilespmem:s24+$0x40]  }
0x292: {  	vm10 =	veq.s32 v24, v6;
	s24 =	sadd.s32 $0x100, s24;
	v23 =	vand.u32 $0xFF, v26;
	[tilespmem:v28+s14+$0x0] =	vst.idx.add.s32.msk vm7, v2  }
0x293: {  	_ =	sdelay $0x3  }
0x294: {  	v13 =	vand.u32 $0x7FF, v13  }
0x295: {  	v56 =	vshrl.u32 v19, $0x17;
	v57 =	vshrl.u32 v19, $0xC;
	[tilespmem:v17+s14+$0x0] =	vst.idx.add.s32.msk vm8, v2;
	vm8 =	veq.s32 v18, v6  }
0x296: {  	v8 =	vand.u32 $0x7FF, v8;
	v10 =	vand.u32 $0x7FF, v10;
	vm14 =	veq.s32 v14, v6  }
0x297: {  	[tilespmem:v15+s14+$0x0] =	vst.idx.add.s32.msk vm9, v2;
	v7 =	vand.u32 $0x7FF, v7;
	v24 =	vshrl.u32 v22, $0x17;
	v55 =	vshrl.u32 v22, $0xC  }
0x298: {  	[tilespmem:v16+s14+$0x0] =	vst.idx.add.s32.msk vm4, v2;
	v59 =	vand.u32 $0x7FF, v57;
	v24 =	vand.u32 $0xFF, v24;
	v22 =	vand.u32 $0x7FF, v55  }
0x299: {  	[tilespmem:v11+s14+$0x0] =	vst.idx.add.s32.msk vm5, v2;
	v58 =	vshrl.u32 v20, $0x17;
	vm7 =	veq.s32 v24, v6;
	v24 =	vand.u32 $0xFF, v56  }
0x29a: {  	[tilespmem:v9+s14+$0x0] =	vst.idx.add.s32.msk vm3, v2;
	v60 =	vshrl.u32 v21, $0x17;
	v17 =	vand.u32 $0xFF, v58;
	vm11 =	veq.s32 v24, v6  }
0x29b: {  	v61 =	vshrl.u32 v20, $0xC;
	v15 =	vand.u32 $0xFF, v60;
	vm12 =	veq.s32 v17, v6;
	[tilespmem:v13+s14+$0x0] =	vst.idx.add.s32.msk vm10, v2  }
0x29c: {  	v62 =	vshrl.u32 v21, $0xC;
	v63 =	vand.u32 $0x7FF, v61;
	vm13 =	veq.s32 v15, v6;
	[tilespmem:v10+s14+$0x0] =	vst.idx.add.s32.msk vm6, v2  }
0x29d: {  	vm15 =	veq.s32 v23, v6;
	v13 =	vand.u32 $0x7FF, v62;
	v6 =	vshrl.u32 v12, $0xC;
	[tilespmem:v8+s14+$0x0] =	vst.idx.add.s32.msk vm8, v2  }
0x29e: {  	v6 =	vand.u32 $0x7FF, v6;
	[tilespmem:v7+s14+$0x0] =	vst.idx.add.s32.msk vm14, v2  }
0x29f: {  	[tilespmem:v22+s14+$0x0] =	vst.idx.add.s32.msk vm7, v2  }
0x2a0: {  	[tilespmem:v59+s14+$0x0] =	vst.idx.add.s32.msk vm11, v2  }
0x2a1: {  	[tilespmem:v63+s14+$0x0] =	vst.idx.add.s32.msk vm12, v2  }
0x2a2: {  	s23 =	ssub.s32 $0xCCD, s22;
	s26 =	simm.s32 $0x1F;
	s22 =	simm.s32 $0x0;
	[tilespmem:v13+s14+$0x0] =	vst.idx.add.s32.msk vm13, v2  }
0x2a3: {  	s25 =	simm.s32 $0x117F0;
	s24 =	simm.s32 $0x0;
	s0 =	simm.s32 $0x0;
	[tilespmem:v6+s14+$0x0] =	vst.idx.add.s32.msk vm15, v2  }
.LBB2_47:
0x2a4: {  	v6 =	vld [tilespmem:s25+$0xFFFFFFD0]  }
0x2a5: {  	v7 =	vld [tilespmem:s25+$0xFFFFFFE0]  }
0x2a6: {  	v8 =	vld [tilespmem:s25+$0xFFFFFFF0]  }
0x2a7: {  	v9 =	vld [tilespmem:s25+$0x0];
	_ =	sdelay $0x2  }
0x2a8: {  	v6 =	vadd.s32 v6, v7  }
0x2a9: {  	v6 =	vadd.s32 v8, v6  }
0x2aa: {  	v6 =	vadd.s32 v9, v6  }
0x2ab: {  	(xrf0) =	vadd.scan.msk.s32 $0xffff, v6;
	_ =	sdelay $0x5  }
0x2ac: {  	v6, _, _ =	vpop (xrf0)  }
0x2ad: {  	(v2sf) =	vpush v6, $0xF;
	_ =	sdelay $0xe  }
0x2ae: {  	s1 =	spop (v2sf)  }
0x2af: {  	s1 =	sadd.s32 s22, s1  }
0x2b0: {  	p2 =	sne.s32 s26, $0x0;
	p0 =	sge.s32 s1, s23  }
0x2b1: {  	p0 =	por p0, !p2  }
.Ltmp28:
0x2b2: {  	_ = 	snop;
	(pc) =	sbr.rel @!p0 .LBB2_47-.Ltmp28, $4  }
0x2b3: {  	s4 =	smov.u32 s0  }
0x2b4: {  	s5 =	smov.u32 s24;
	s0 =	smov.u32 s26;
	s24 =	smov.u32 s22  }
0x2b5: {  	s26 =	sadd.s32 $0xFFFFFFFF, s26;
	s25 =	sadd.s32 $0xFFFFFFC0, s25;
	p1 =	slt.s32 s1, s23  }
0x2b6: {  	s0 =	smov.u32 @p1 s4;
	s24 =	smov.u32 @p1 s5;
	s22 =	smov.u32 @p1 s1  }
0x2b7: {  	s25 =	sshll.u32 s0, $0x2  }
0x2b8: {  	p0 =	sgt.s32 s25, $0xFFFFFFFF  }
.Ltmp29:
0x2b9: {  	_ = 	snop;
	(pc) =	sbr.rel @!p0 .LBB2_49-.Ltmp29, $2  }
0x2ba: {  	_ =	sdelay $0x2  }
0x2bb: {  	s22 =	ssub.s32 s23, s24  }
0x2bc: {  	s1 =	sshll.u32 s0, $0x8  }
0x2bd: {  	s28 =	ssub.s32 $0xFFFFFFFD, s25;
	s26 =	sshll.u32 s0, $0x6;
	s29 =	simm.s32 $0x0  }
0x2be: {  	s30 =	simm.s32 $0x0;
	s0 =	simm.s32 $0x0;
	s1 =	sshra.s32 s1, $0x2  }
0x2bf: {  	v6 =	vmov s22;
	s31 =	simm.s32 $0x0;
	s25 =	sadd.s32 $0x8000003F, s26;
	s26 =	sadd.s32 $0x11030, s1  }
.LBB2_53:
0x2c0: {  	v7 =	vld [tilespmem:s26+$0x0];
	_ =	sdelay $0x4  }
0x2c1: {  	v7 =	vperm.xlane v7, v3;
	_ =	sdelay $0x1  }
0x2c2: {  	(xrf0) =	vadd.scan.msk.s32 $0xffff, v7;
	_ =	sdelay $0x5  }
0x2c3: {  	v8, _, _ =	vpop (xrf0)  }
0x2c4: {  	v9 =	vadd.s32 s30, v8  }
0x2c5: {  	v8 =	vxor.u32 $0x80000000, v8;
	vm3 =	vlt.s32 v9, v6  }
0x2c6: {  	(xrf0) =	vmax.scan.msk.u32 $0xffff, v8;
	v8 =	vsel vm3, $0x80000010, v4  }
0x2c7: {  	(xrf0) =	vmin.scan.msk.u32 $0xffff, v8;
	_ =	sdelay $0x4  }
0x2c8: {  	v8, _, _ =	vpop (xrf0)  }
0x2c9: {  	(v2sf) =	vpush v8, $0xF;
	v8, _, _ =	vpop (xrf0)  }
0x2ca: {  	(v2sf) =	vpush v8, $0xF;
	_ =	sdelay $0xd  }
0x2cb: {  	s1 =	spop (v2sf)  }
0x2cc: {  	s4 =	spop (v2sf)  }
0x2cd: {  	s5 =	sxor.u32 $0x80000000, s4  }
0x2ce: {  	v8 =	vmov s5  }
0x2cf: {  	vm3 =	vgt.s32 v8, v0  }
0x2d0: {  	v63 =	vnsel vm3, $0x0, v7;
	vm3 =	veq.s32 v8, v0  }
0x2d1: {  	(xrf0) =	vadd.scan.msk.s32 $0xffff, v63;
	v7 =	vnsel vm3, $0x0, v7  }
0x2d2: {  	(xrf0) =	vadd.scan.msk.s32 $0xffff, v7;
	_ =	sdelay $0x4  }
0x2d3: {  	v7, _, _ =	vpop (xrf0)  }
0x2d4: {  	(v2sf) =	vpush v7, $0xF;
	v7, _, _ =	vpop (xrf0)  }
0x2d5: {  	(v2sf) =	vpush v7, $0xF;
	_ =	sdelay $0x6  }
0x2d6: {  	s1 =	sadd.s32 s1, s30  }
0x2d7: {  	s1 =	sadd.s32 $0x80000000, s1  }
0x2d8: {  	p0 =	sge.s32 s1, s22  }
0x2d9: {  	p1 =	sne.s32 @!p0 s28, $0x0  }
0x2da: {  	s6 =	smov.u32 s31;
	p0 =	por p0, !p1  }
.Ltmp30:
0x2db: {  	s11 =	smov.u32 s0;
	s17 =	smov.u32 s29;
	(pc) =	sbr.rel @!p0 .LBB2_53-.Ltmp30, $4  }
0x2dc: {  	s26 =	sadd.s32 $0xFFFFFFF0, s26;
	s31 =	ssub.s32 s25, s4;
	s25 =	sadd.s32 $0xFFFFFFF0, s25  }
0x2dd: {  	s28 =	sadd.s32 $0x1, s28;
	p1 =	slt.s32 s1, s22;
	s5 =	spop (v2sf)  }
0x2de: {  	s31 =	smov.u32 @p1 s6;
	s29 =	spop (v2sf);
	s0 =	sadd.s32 s30, s5  }
0x2df: {  	s30 =	smov.u32 @p1 s1;
	s0 =	smov.u32 @p1 s11;
	s29 =	smov.u32 @p1 s17  }
0x2e0: {  	s0 =	sadd.s32 s0, s24  }
0x2e1: {  	p0 =	sne.s32 s29, $0x1;
	s22 =	ssub.s32 s23, s0  }
0x2e2: {  	p1 =	seq.s32 @!p0 s22, $0x1  }
0x2e3: {  	p1 =	por p0, !p1  }
.Ltmp31:
0x2e4: {  	_ = 	snop;
	(pc) =	sbr.rel @p1 .LBB2_56-.Ltmp31, $3  }
0x2e5: {  	_ =	sdelay $0x1  }
0x2e6: {  	s30 =	sshll.u32 s21, $0xB  }
0x2e7: {  	s21 =	sor.u32 s30, s31  }
.Ltmp32:
0x2e8: {  	(pc) =	sbr.rel .LBB2_62-.Ltmp32, $2  }
0x2e9: {  	_ =	sdelay $0x2  }
0x2ea: {  	s0 =	simm.s32 $0xFFF;
	p0 =	por $0x0, $0x0  }
.LBB2_49:
.Ltmp33:
0x2eb: {  	(pc) =	sbr.rel .LBB2_57-.Ltmp33, $2  }
0x2ec: {  	_ =	sdelay $0x2  }
0x2ed: {  	s21 =	sshll.u32 s21, $0xB  }
.LBB2_56:
0x2ee: {  	s21 =	smov.u32 @p0 s21;
	s22 =	smov.u32 @p0 s22  }
.LBB2_57:
0x2ef: {  	s0 =	simm.s32 $0x8040  }
0x2f0: {  	v8 =	vld [tilespmem:s0+$0x30]  }
0x2f1: {  	v7 =	vld [tilespmem:s0+$0xFFFFFFD0]  }
0x2f2: {  	v9 =	vld [tilespmem:s0+$0xFFFFFFE0]  }
0x2f3: {  	v11 =	vld [tilespmem:s0+$0xFFFFFFF0]  }
0x2f4: {  	v13 =	vld [tilespmem:s0+$0x0]  }
0x2f5: {  	v14 =	vld [tilespmem:s0+$0x10]  }
0x2f6: {  	v16 =	vld [tilespmem:s0+$0xFFFFFFC0]  }
0x2f7: {  	v6 =	vmov s21;
	v10 =	vshrl.u32 v8, $0xC  }
0x2f8: {  	v12 =	vshrl.u32 v7, $0xC;
	v15 =	vand.u32 $0xFFF, v7;
	v17 =	vshrl.u32 v9, $0xC  }
0x2f9: {  	v7 =	vld [tilespmem:s0+$0x20];
	v59 =	vshrl.u32 v11, $0xC;
	v8 =	vand.u32 $0xFFF, v8;
	v10 =	vand.u32 $0x7FFFF, v10  }
0x2fa: {  	v60 =	vshrl.u32 v13, $0xC;
	v12 =	vand.u32 $0x7FFFF, v12;
	vm7 =	veq.s32 v10, v6  }
0x2fb: {  	v61 =	vshrl.u32 v14, $0xC;
	v18 =	vshrl.u32 v16, $0xC;
	vm10 =	veq.s32 v12, v6  }
0x2fc: {  	v11 =	vand.u32 $0xFFF, v11;
	v63 =	vand.u32 $0x7FFFF, v18;
	v10 =	vand.u32 $0x7FFFF, v17  }
0x2fd: {  	v12 =	vand.u32 $0x7FFFF, v59;
	vm8 =	veq.s32 v63, v6;
	vm3 =	veq.s32 v10, v6  }
0x2fe: {  	v10 =	vand.u32 $0x7FFFF, v60;
	vm4 =	veq.s32 v12, v6;
	v62 =	vshrl.u32 v7, $0xC  }
0x2ff: {  	v12 =	vand.u32 $0x7FFFF, v61;
	vm5 =	veq.s32 v10, v6;
	v10 =	vand.u32 $0x7FFFF, v62  }
0x300: {  	vm6 =	veq.s32 v12, v6;
	v12 =	vand.u32 $0xFFF, v16;
	vm9 =	veq.s32 v10, v6;
	[tilespmem:v8+s15+$0x0] =	vst.idx.add.s32.msk vm7, v2  }
0x301: {  	s23 =	simm.s32 $0x0;
	s24 =	simm.s32 $0x80C0;
	v10 =	vand.u32 $0xFFF, v9;
	v9 =	vand.u32 $0xFFF, v13;
	[tilespmem:v15+s15+$0x0] =	vst.idx.add.s32.msk vm10, v2;
	v8 =	vand.u32 $0xFFF, v14  }
.LBB2_58:
0x302: {  	v13 =	vld [tilespmem:s24+$0x30];
	s23 =	sadd.s32 $0x8, s23;
	v14 =	vand.u32 $0xFFF, v7;
	vm7 =	vmmov vm9  }
0x303: {  	v7 =	vld [tilespmem:s24+$0xFFFFFFD0];
	p0 =	slt.u32 s23, $0x7F8  }
0x304: {  	v15 =	vld [tilespmem:s24+$0xFFFFFFE0]  }
0x305: {  	v16 =	vld [tilespmem:s24+$0xFFFFFFF0]  }
0x306: {  	v17 =	vld [tilespmem:s24+$0x0]  }
0x307: {  	v18 =	vld [tilespmem:s24+$0x10];
	v19 =	vshrl.u32 v13, $0xC  }
0x308: {  	v20 =	vshrl.u32 v7, $0xC;
	v21 =	vand.u32 $0xFFF, v7;
	v7 =	vld [tilespmem:s24+$0x20];
	v19 =	vand.u32 $0x7FFFF, v19  }
0x309: {  	v22 =	vld [tilespmem:s24+$0xFFFFFFC0];
	v20 =	vand.u32 $0x7FFFF, v20;
	v23 =	vshrl.u32 v15, $0xC;
	vm10 =	veq.s32 v19, v6  }
0x30a: {  	v13 =	vand.u32 $0xFFF, v13;
	v19 =	vand.u32 $0x7FFFF, v23;
	v23 =	vshrl.u32 v16, $0xC;
	[tilespmem:v12+s15+$0x0] =	vst.idx.add.s32.msk vm8, v2  }
0x30b: {  	vm11 =	veq.s32 v20, v6;
	v12 =	vand.u32 $0x7FFFF, v23;
	v20 =	vshrl.u32 v17, $0xC;
	[tilespmem:v10+s15+$0x0] =	vst.idx.add.s32.msk vm3, v2  }
0x30c: {  	vm3 =	veq.s32 v19, v6;
	v10 =	vand.u32 $0x7FFFF, v20;
	v19 =	vshrl.u32 v18, $0xC;
	[tilespmem:v11+s15+$0x0] =	vst.idx.add.s32.msk vm4, v2  }
.Ltmp34:
0x30d: {  	vm4 =	veq.s32 v12, v6;
	v11 =	vand.u32 $0x7FFFF, v19;
	v12 =	vshrl.u32 v7, $0xC;
	[tilespmem:v9+s15+$0x0] =	vst.idx.add.s32.msk vm5, v2;
	(pc) =	sbr.rel @p0 .LBB2_58-.Ltmp34, $4  }
0x30e: {  	vm5 =	veq.s32 v10, v6;
	v9 =	vshrl.u32 v22, $0xC;
	v10 =	vand.u32 $0x7FFFF, v12;
	[tilespmem:v8+s15+$0x0] =	vst.idx.add.s32.msk vm6, v2  }
0x30f: {  	vm6 =	veq.s32 v11, v6;
	v8 =	vand.u32 $0x7FFFF, v9;
	vm9 =	veq.s32 v10, v6;
	[tilespmem:v13+s15+$0x0] =	vst.idx.add.s32.msk vm10, v2  }
0x310: {  	v12 =	vand.u32 $0xFFF, v22;
	v10 =	vand.u32 $0xFFF, v15;
	vm8 =	veq.s32 v8, v6;
	[tilespmem:v14+s15+$0x0] =	vst.idx.add.s32.msk vm7, v2  }
0x311: {  	s24 =	sadd.s32 $0x80, s24;
	v11 =	vand.u32 $0xFFF, v16;
	v9 =	vand.u32 $0xFFF, v17;
	v8 =	vand.u32 $0xFFF, v18;
	[tilespmem:v21+s15+$0x0] =	vst.idx.add.s32.msk vm11, v2  }
0x312: {  	_ =	sdelay $0x4  }
0x313: {  	v6 =	vand.u32 $0xFFF, v7;
	[tilespmem:v12+s15+$0x0] =	vst.idx.add.s32.msk vm8, v2  }
0x314: {  	[tilespmem:v10+s15+$0x0] =	vst.idx.add.s32.msk vm3, v2  }
0x315: {  	[tilespmem:v11+s15+$0x0] =	vst.idx.add.s32.msk vm4, v2  }
0x316: {  	[tilespmem:v9+s15+$0x0] =	vst.idx.add.s32.msk vm5, v2  }
0x317: {  	[tilespmem:v8+s15+$0x0] =	vst.idx.add.s32.msk vm6, v2;
	s0 =	simm.s32 $0x0  }
0x318: {  	vm7 =	vmmov vm9;
	s25 =	simm.s32 $0x1000;
	s23 =	simm.s32 $0x127F0;
	s24 =	simm.s32 $0x0;
	[tilespmem:v6+s15+$0x0] =	vst.idx.add.s32.msk vm9, v2;
	v6 =	vmov s22  }
.LBB2_60:
0x319: {  	v7 =	vld [tilespmem:s23+$0x0];
	_ =	sdelay $0x4  }
0x31a: {  	v7 =	vperm.xlane v7, v3;
	_ =	sdelay $0x1  }
0x31b: {  	(xrf0) =	vadd.scan.msk.s32 $0xffff, v7;
	_ =	sdelay $0x5  }
0x31c: {  	v7, _, _ =	vpop (xrf0)  }
0x31d: {  	v8 =	vxor.u32 $0x80000000, v7  }
0x31e: {  	(xrf0) =	vmax.scan.msk.u32 $0xffff, v8  }
0x31f: {  	v7 =	vadd.s32 s24, v7  }
0x320: {  	vm3 =	vlt.s32 v7, v6  }
0x321: {  	v7 =	vsel vm3, $0x80000010, v4;
	_ =	sdelay $0x2  }
0x322: {  	(xrf0) =	vmin.scan.msk.u32 $0xffff, v7;
	v7, _, _ =	vpop (xrf0)  }
0x323: {  	(v2sf) =	vpush v7, $0xF;
	_ =	sdelay $0x5  }
0x324: {  	v7, _, _ =	vpop (xrf0)  }
0x325: {  	(v2sf) =	vpush v7, $0xF;
	_ =	sdelay $0x7  }
0x326: {  	s1 =	spop (v2sf)  }
0x327: {  	s1 =	sadd.s32 s1, s24  }
0x328: {  	s1 =	sadd.s32 $0x80000000, s1  }
0x329: {  	p1 =	sge.s32 s1, s22  }
0x32a: {  	p2 =	sne.s32 @!p1 s25, $0x10  }
0x32b: {  	p2 =	por p1, !p2  }
.Ltmp35:
0x32c: {  	_ = 	snop;
	(pc) =	sbr.rel @!p2 .LBB2_60-.Ltmp35, $4  }
0x32d: {  	s4 =	spop (v2sf)  }
0x32e: {  	s5 =	smov.u32 s0;
	s31 =	sxor.u32 $0x7FFFFFFF, s4  }
0x32f: {  	s23 =	sadd.s32 $0xFFFFFFF0, s23;
	p0 =	slt.s32 s1, s22;
	s0 =	sadd.s32 s31, s25  }
0x330: {  	s25 =	sadd.s32 $0xFFFFFFF0, s25;
	s24 =	smov.u32 @p0 s1;
	s0 =	smov.u32 @p0 s5  }
0x331: {  	p0 =	por $0x1, $0x1  }
0x332: {  	s21 =	smov.u32 @p1 s21;
	s0 =	smov.u32 @p1 s0;
	p0 =	por @!p1 p0, p0  }
.LBB2_62:
0x333: {  	s22 =	simm.s32 $0x8080  }
0x334: {  	v7 =	vld [tilespmem:s22+$0xFFFFFF80];
	_ =	sdelay $0x1  }
0x335: {  	v8 =	vld [tilespmem:s22+$0xFFFFFF90]  }
0x336: {  	s1 =	sshll.u32 s21, $0xC  }
0x337: {  	s0 =	sor.u32 s1, s0;
	v9 =	vld [tilespmem:s22+$0xFFFFFFA0]  }
0x338: {  	v6 =	vmov s0;
	v7 =	vand.u32 $0x7FFFFFFF, v7  }
0x339: {  	v10 =	vld [tilespmem:s22+$0xFFFFFFB0];
	vm3 =	vgt.s32 v7, v6  }
0x33a: {  	v11 =	vimm.f32 $0.0e+00;
	v8 =	vand.u32 $0x7FFFFFFF, v8;
	v7 =	vnsel vm3, $0x0, v7  }
0x33b: {  	vm3 =	vgt.s32 v8, v6;
	v7 =	vadd.f32 v7, v11;
	v11 =	vld [tilespmem:s22+$0xFFFFFFC0]  }
0x33c: {  	v9 =	vand.u32 $0x7FFFFFFF, v9;
	v8 =	vnsel vm3, $0x0, v8  }
0x33d: {  	vm3 =	vgt.s32 v9, v6;
	v7 =	vadd.f32 v8, v7;
	v8 =	vld [tilespmem:s22+$0xFFFFFFD0]  }
0x33e: {  	v10 =	vand.u32 $0x7FFFFFFF, v10;
	v9 =	vnsel vm3, $0x0, v9  }
0x33f: {  	vm3 =	vgt.s32 v10, v6;
	v7 =	vadd.f32 v9, v7;
	v9 =	vld [tilespmem:s22+$0xFFFFFFE0]  }
0x340: {  	v10 =	vnsel vm3, $0x0, v10;
	v11 =	vand.u32 $0x7FFFFFFF, v11  }
0x341: {  	v7 =	vadd.f32 v10, v7;
	vm3 =	vgt.s32 v11, v6;
	v10 =	vld [tilespmem:s22+$0xFFFFFFF0]  }
0x342: {  	v11 =	vnsel vm3, $0x0, v11;
	v8 =	vand.u32 $0x7FFFFFFF, v8  }
0x343: {  	v7 =	vadd.f32 v11, v7;
	vm3 =	vgt.s32 v8, v6;
	v11 =	vld [tilespmem:s22+$0x0]  }
0x344: {  	v8 =	vnsel vm3, $0x0, v8;
	v9 =	vand.u32 $0x7FFFFFFF, v9  }
0x345: {  	v7 =	vadd.f32 v8, v7;
	vm3 =	vgt.s32 v9, v6;
	v8 =	vld [tilespmem:s22+$0x10]  }
0x346: {  	v9 =	vnsel vm3, $0x0, v9;
	v10 =	vand.u32 $0x7FFFFFFF, v10  }
0x347: {  	v7 =	vadd.f32 v9, v7;
	vm3 =	vgt.s32 v10, v6;
	v9 =	vld [tilespmem:s22+$0x20]  }
0x348: {  	v10 =	vnsel vm3, $0x0, v10;
	v11 =	vand.u32 $0x7FFFFFFF, v11  }
0x349: {  	v7 =	vadd.f32 v10, v7;
	vm3 =	vgt.s32 v11, v6;
	v10 =	vld [tilespmem:s22+$0x30]  }
0x34a: {  	v11 =	vnsel vm3, $0x0, v11;
	v8 =	vand.u32 $0x7FFFFFFF, v8  }
0x34b: {  	v12 =	vld [tilespmem:s22+$0x40];
	v7 =	vadd.f32 v11, v7;
	vm3 =	vgt.s32 v8, v6  }
0x34c: {  	v8 =	vnsel vm3, $0x0, v8;
	v9 =	vand.u32 $0x7FFFFFFF, v9  }
0x34d: {  	v13 =	vld [tilespmem:s22+$0x50];
	v7 =	vadd.f32 v8, v7;
	vm3 =	vgt.s32 v9, v6  }
0x34e: {  	v8 =	vnsel vm3, $0x0, v9;
	v9 =	vand.u32 $0x7FFFFFFF, v10  }
0x34f: {  	v5 =	vbroadcast v5, $0xF;
	v8 =	vadd.f32 v8, v7;
	vm4 =	vgt.s32 v9, v6;
	v7 =	vld [tilespmem:s22+$0x60]  }
0x350: {  	vm3 =	vmmov $0x1;
	v10 =	vand.u32 $0x7FFFFFFF, v12;
	v9 =	vnsel vm4, $0x0, v9  }
0x351: {  	v5 =	vnsel vm3, $0x0, v5;
	vm3 =	vgt.s32 v10, v6;
	v9 =	vadd.f32 v9, v8;
	v8 =	vld [tilespmem:s22+$0x70]  }
0x352: {  	s21 =	simm.s32 $0x0;
	v11 =	vnsel vm3, $0x0, v10;
	v10 =	vand.u32 $0x7FFFFFFF, v13;
	s22 =	simm.s32 $0x8180  }
.LBB2_63:
0x353: {  	v12 =	vld [tilespmem:s22+$0xFFFFFF80];
	s21 =	sadd.s32 $0x10, s21;
	v9 =	vadd.f32 v11, v9;
	vm3 =	vgt.s32 v10, v6  }
0x354: {  	p1 =	slt.u32 s21, $0x7F0;
	v10 =	vnsel vm3, $0x0, v10;
	v7 =	vand.u32 $0x7FFFFFFF, v7  }
0x355: {  	v11 =	vld [tilespmem:s22+$0xFFFFFF90];
	v9 =	vadd.f32 v10, v9;
	vm3 =	vgt.s32 v7, v6  }
0x356: {  	v7 =	vnsel vm3, $0x0, v7;
	v8 =	vand.u32 $0x7FFFFFFF, v8  }
0x357: {  	v10 =	vld [tilespmem:s22+$0xFFFFFFA0];
	v7 =	vadd.f32 v7, v9;
	vm3 =	vgt.s32 v8, v6  }
0x358: {  	v9 =	vand.u32 $0x7FFFFFFF, v12;
	v8 =	vnsel vm3, $0x0, v8  }
0x359: {  	vm3 =	vgt.s32 v9, v6;
	v12 =	vld [tilespmem:s22+$0xFFFFFFB0];
	v7 =	vadd.f32 v8, v7  }
0x35a: {  	v8 =	vnsel vm3, $0x0, v9;
	v9 =	vand.u32 $0x7FFFFFFF, v11  }
0x35b: {  	v7 =	vadd.f32 v8, v7;
	vm3 =	vgt.s32 v9, v6;
	v8 =	vld [tilespmem:s22+$0xFFFFFFC0]  }
0x35c: {  	v9 =	vnsel vm3, $0x0, v9;
	v10 =	vand.u32 $0x7FFFFFFF, v10  }
0x35d: {  	v7 =	vadd.f32 v9, v7;
	vm3 =	vgt.s32 v10, v6;
	v9 =	vld [tilespmem:s22+$0xFFFFFFD0]  }
0x35e: {  	v10 =	vnsel vm3, $0x0, v10;
	v11 =	vand.u32 $0x7FFFFFFF, v12  }
0x35f: {  	v7 =	vadd.f32 v10, v7;
	vm3 =	vgt.s32 v11, v6;
	v10 =	vld [tilespmem:s22+$0xFFFFFFE0]  }
0x360: {  	v11 =	vnsel vm3, $0x0, v11;
	v8 =	vand.u32 $0x7FFFFFFF, v8  }
0x361: {  	v7 =	vadd.f32 v11, v7;
	vm3 =	vgt.s32 v8, v6;
	v11 =	vld [tilespmem:s22+$0xFFFFFFF0]  }
0x362: {  	v8 =	vnsel vm3, $0x0, v8;
	v9 =	vand.u32 $0x7FFFFFFF, v9  }
0x363: {  	v7 =	vadd.f32 v8, v7;
	vm3 =	vgt.s32 v9, v6;
	v8 =	vld [tilespmem:s22+$0x0]  }
0x364: {  	v9 =	vnsel vm3, $0x0, v9;
	v10 =	vand.u32 $0x7FFFFFFF, v10  }
0x365: {  	v7 =	vadd.f32 v9, v7;
	vm3 =	vgt.s32 v10, v6;
	v9 =	vld [tilespmem:s22+$0x10]  }
0x366: {  	v10 =	vnsel vm3, $0x0, v10;
	v11 =	vand.u32 $0x7FFFFFFF, v11  }
0x367: {  	v7 =	vadd.f32 v10, v7;
	vm3 =	vgt.s32 v11, v6;
	v10 =	vld [tilespmem:s22+$0x20]  }
0x368: {  	v11 =	vnsel vm3, $0x0, v11;
	v8 =	vand.u32 $0x7FFFFFFF, v8  }
0x369: {  	v7 =	vadd.f32 v11, v7;
	vm3 =	vgt.s32 v8, v6;
	v11 =	vld [tilespmem:s22+$0x30]  }
0x36a: {  	v8 =	vnsel vm3, $0x0, v8;
	v9 =	vand.u32 $0x7FFFFFFF, v9  }
0x36b: {  	v7 =	vadd.f32 v8, v7;
	vm3 =	vgt.s32 v9, v6;
	v8 =	vld [tilespmem:s22+$0x40]  }
0x36c: {  	v9 =	vnsel vm3, $0x0, v9;
	v10 =	vand.u32 $0x7FFFFFFF, v10  }
0x36d: {  	v7 =	vadd.f32 v9, v7;
	vm3 =	vgt.s32 v10, v6;
	v12 =	vld [tilespmem:s22+$0x50]  }
.Ltmp36:
0x36e: {  	v9 =	vnsel vm3, $0x0, v10;
	v10 =	vand.u32 $0x7FFFFFFF, v11;
	(pc) =	sbr.rel @p1 .LBB2_63-.Ltmp36, $4  }
0x36f: {  	v9 =	vadd.f32 v9, v7;
	vm3 =	vgt.s32 v10, v6;
	v7 =	vld [tilespmem:s22+$0x60]  }
0x370: {  	v10 =	vnsel vm3, $0x0, v10;
	v11 =	vand.u32 $0x7FFFFFFF, v8  }
0x371: {  	v9 =	vadd.f32 v10, v9;
	vm3 =	vgt.s32 v11, v6;
	v8 =	vld [tilespmem:s22+$0x70]  }
0x372: {  	s22 =	sadd.s32 $0x100, s22;
	v11 =	vnsel vm3, $0x0, v11;
	v10 =	vand.u32 $0x7FFFFFFF, v12  }
0x373: {  	v9 =	vadd.f32 v11, v9;
	vm3 =	vgt.s32 v10, v6  }
0x374: {  	v10 =	vnsel vm3, $0x0, v10;
	v7 =	vand.u32 $0x7FFFFFFF, v7  }
0x375: {  	v9 =	vadd.f32 v10, v9;
	vm3 =	vgt.s32 v7, v6  }
0x376: {  	v7 =	vnsel vm3, $0x0, v7;
	v8 =	vand.u32 $0x7FFFFFFF, v8  }
0x377: {  	v7 =	vadd.f32 v7, v9;
	vm3 =	vgt.s32 v8, v6  }
0x378: {  	v6 =	vnsel vm3, $0x0, v8  }
0x379: {  	v6 =	vadd.f32 v6, v7;
	_ =	sdelay $0x1  }
0x37a: {  	(xrf2) =	vadd.scan.msk.f32 $0xffff, v6;
	_ =	sdelay $0x2  }
0x37b: {  	s0 =	sadd.s32 $0x1, s20  }
0x37c: {  	s21 =	sand.u32 $0x3FC, s0  }
0x37d: {  	p1 =	seq.s32 s21, $0x0  }
.Ltmp37:
0x37e: {  	_ = 	snop;
	(pc) =	sbr.rel @p1 .LBB2_68-.Ltmp37, $2  }
0x37f: {  	_ =	sdelay $0x2  }
0x380: {  	v6, _, _ =	vpop (xrf2)  }
0x381: {  	p1 =	sgt.u32 s21, $0x4  }
.Ltmp38:
0x382: {  	_ = 	snop;
	(pc) =	sbr.rel @!p1 .LBB2_67-.Ltmp38, $4  }
0x383: {  	s22 =	simm.s32 $0x10020  }
0x384: {  	[tilespmem:s22+$0xFFFFFFE0] =	vst v1  }
0x385: {  	[tilespmem:s22+$0x10] =	vst v1  }
0x386: {  	s23 =	simm.s32 $0x4;
	[tilespmem:s22+$0x0] =	vst v1  }
.LBB2_66:
0x387: {  	s23 =	sadd.s32 $0x4, s23  }
0x388: {  	[tilespmem:s22+$0xFFFFFFF0] =	vst v1;
	s22 =	sadd.s32 $0x40, s22;
	p1 =	slt.u32 s23, s21  }
.Ltmp39:
0x389: {  	[tilespmem:s22+$0xFFFFFFE0] =	vst v1;
	(pc) =	sbr.rel @p1 .LBB2_66-.Ltmp39, $3  }
0x38a: {  	_ =	sdelay $0x1  }
0x38b: {  	[tilespmem:s22+$0x10] =	vst v1  }
0x38c: {  	[tilespmem:s22+$0x0] =	vst v1  }
.LBB2_67:
0x38d: {  	[tilespmem:s22+$0xFFFFFFF0] =	vst v1  }
.LBB2_68:
0x38e: {  	p1 =	sle.u32 s21, s20  }
.Ltmp40:
0x38f: {  	_ = 	snop;
	(pc) =	sbr.rel @!p1 .LBB2_69-.Ltmp40, $1  }
0x390: {  	_ =	sdelay $0x3  }
0x391: {  	s0 =	sshll.u32 s0, $0x4  }
0x392: {  	s1 =	ssub.s32 s20, s21;
	s4 =	sand.u32 $0x3FC0, s0  }
0x393: {  	s0 =	sadd.s32 $0x1, s1;
	s20 =	sor.u32 $0x10000, s4  }
.LBB2_86:
0x394: {  	p1 =	seq.s32 s0, $0x1  }
.Ltmp41:
0x395: {  	_ = 	snop;
	(pc) =	sbr.rel @!p1 .LBB2_86-.Ltmp41, $2  }
0x396: {  	_ =	sdelay $0x2  }
0x397: {  	[tilespmem:s20+$0x0] =	vst v1;
	s20 =	sadd.s32 $0x10, s20;
	s0 =	sadd.s32 $0xFFFFFFFF, s0  }
.LBB2_69:
0x398: {  	s0 =	simm.s32 $0x11020  }
0x399: {  	[tilespmem:s0+$0xFFFFFFE0] =	vst v1  }
0x39a: {  	[tilespmem:s0+$0x10] =	vst v1  }
0x39b: {  	s20 =	simm.s32 $0x0;
	[tilespmem:s0+$0x0] =	vst v1  }
.LBB2_70:
0x39c: {  	s20 =	sadd.s32 $0x4, s20  }
0x39d: {  	[tilespmem:s0+$0xFFFFFFF0] =	vst v1;
	s0 =	sadd.s32 $0x40, s0;
	p1 =	slt.u32 s20, $0x7C  }
.Ltmp42:
0x39e: {  	[tilespmem:s0+$0xFFFFFFE0] =	vst v1;
	(pc) =	sbr.rel @p1 .LBB2_70-.Ltmp42, $3  }
0x39f: {  	_ =	sdelay $0x1  }
0x3a0: {  	[tilespmem:s0+$0x10] =	vst v1  }
0x3a1: {  	[tilespmem:s0+$0x0] =	vst v1  }
.Ltmp43:
0x3a2: {  	(pc) =	sbr.rel @!p0 .LBB2_75-.Ltmp43, $2  }
0x3a3: {  	_ =	sdelay $0x2  }
0x3a4: {  	[tilespmem:s0+$0xFFFFFFF0] =	vst v1  }
0x3a5: {  	s0 =	simm.s32 $0x11820  }
0x3a6: {  	[tilespmem:s0+$0xFFFFFFE0] =	vst v1  }
0x3a7: {  	[tilespmem:s0+$0x10] =	vst v1  }
0x3a8: {  	s20 =	simm.s32 $0x0;
	[tilespmem:s0+$0x0] =	vst v1  }
.LBB2_73:
0x3a9: {  	s20 =	sadd.s32 $0x4, s20  }
0x3aa: {  	[tilespmem:s0+$0xFFFFFFF0] =	vst v1;
	s0 =	sadd.s32 $0x40, s0;
	p0 =	slt.u32 s20, $0xFC  }
.Ltmp44:
0x3ab: {  	[tilespmem:s0+$0xFFFFFFE0] =	vst v1;
	(pc) =	sbr.rel @p0 .LBB2_73-.Ltmp44, $3  }
0x3ac: {  	_ =	sdelay $0x1  }
0x3ad: {  	[tilespmem:s0+$0x10] =	vst v1  }
0x3ae: {  	[tilespmem:s0+$0x0] =	vst v1  }
0x3af: {  	[tilespmem:s0+$0xFFFFFFF0] =	vst v1  }
.LBB2_75:
0x3b0: {  	s20 =	simm.s32 $0x80;
	s0 =	rddreg [dreg:$0x5];
	s1 =	simm.s32 $0x8000  }
0x3b1: {  	[tilespmem:s1], [sflag:$0x2] =	stream.strided.gather [hbm4b:s0+s20], $0x8000, s10, s20, $0x38;
	[tilespmem:$0x12880] =	vst v63  }
0x3b2: {  	_ =	swait.ge [sflag:s12], $0x8000  }
0x3b3: {  	[sflag:s12] =	ssyncset.done $0x0  }
0x3b4: {  	[sflag:s12] =	ssyncadd.s32 $0xFFFF8000  }
0x3b5: {  	v9 =	vld [tilespmem:s20+$0x20]  }
0x3b6: {  	v14 =	vld [tilespmem:s20+$0xFFFFFFB0]  }
0x3b7: {  	v15 =	vld [tilespmem:s20+$0xFFFFFFA0]  }
0x3b8: {  	v11 =	vld [tilespmem:s20+$0x30]  }
0x3b9: {  	v12 =	vld [tilespmem:s20+$0x10]  }
0x3ba: {  	v8 =	vld [tilespmem:s20+$0x50]  }
0x3bb: {  	v16 =	vld [tilespmem:s20+$0xFFFFFF80];
	_ =	sdelay $0x1  }
0x3bc: {  	v7 =	vld [tilespmem:s20+$0x40]  }
0x3bd: {  	v13 =	vimm.s32 $0x0;
	v10 =	vshrl.u32 v9, $0x13;
	v19 =	vshrl.u32 v11, $0x13  }
0x3be: {  	v17 =	vld [tilespmem:s20+$0xFFFFFF90];
	v22 =	vand.u32 $0x7FFFFFFF, v14;
	v20 =	vand.u32 $0x7FFFFFFF, v15;
	v21 =	vshrl.u32 v12, $0x13  }
0x3bf: {  	v24 =	vshrl.u32 v8, $0x13;
	v25 =	vand.u32 $0x7FFFFFFF, v16;
	v16 =	vshrl.u32 v16, $0x13  }
0x3c0: {  	v15 =	vshrl.u32 v15, $0x13;
	v18 =	vand.u32 $0xFF0, v10;
	v23 =	vand.u32 $0xFF0, v19  }
0x3c1: {  	v27 =	vld [tilespmem:s20+$0xFFFFFFD0];
	v19 =	vand.u32 $0xFF0, v21;
	v21 =	vshrl.u32 v7, $0x13;
	v24 =	vand.u32 $0xFF0, v24  }
0x3c2: {  	v28 =	vld [tilespmem:s20+$0xFFFFFFE0];
	v26 =	vand.u32 $0xFF0, v16;
	vm3 =	vgt.s32 v13, v25;
	v15 =	vand.u32 $0xFF0, v15  }
0x3c3: {  	v30 =	vld [tilespmem:s20+$0xFFFFFFF0];
	v18 =	vor.u32 v0, v18;
	v25 =	vsel vm3, v13, v25;
	v13 =	vshrl.u32 v17, $0x13  }
0x3c4: {  	v33 =	vld [tilespmem:s20+$0xFFFFFFC0];
	v24 =	vor.u32 v0, v24;
	v31 =	vor.u32 v0, v19;
	v13 =	vand.u32 $0xFF0, v13  }
0x3c5: {  	v10 =	vld [tilespmem:s20+$0x60];
	v17 =	vand.u32 $0x7FFFFFFF, v17;
	v32 =	vor.u32 v0, v13;
	v13 =	vshrl.u32 v14, $0x13  }
0x3c6: {  	v16 =	vand.u32 $0xFF0, v21;
	v23 =	vor.u32 v0, v23;
	v14 =	vld [tilespmem:s20+$0x0];
	v13 =	vand.u32 $0xFF0, v13  }
0x3c7: {  	v26 =	vor.u32 v0, v26;
	v19 =	vshrl.u32 v28, $0x13;
	v35 =	vor.u32 v0, v13;
	v13 =	vld [tilespmem:s20+$0x70]  }
0x3c8: {  	v34 =	vor.u32 v0, v16;
	v16 =	vand.u32 $0x7FFFFFFF, v27;
	v21 =	vand.u32 $0xFF0, v19;
	[tilespmem:v18+s13+$0x0] =	vst.idx.add.s32.msk $0xffff, v2  }
0x3c9: {  	v19 =	vand.u32 $0x7FFFFFFF, v30;
	v30 =	vshrl.u32 v30, $0x13;
	v17 =	vmax.u32 v25, v17;
	[tilespmem:v31+s13+$0x0] =	vst.idx.add.s32.msk $0xffff, v2  }
0x3ca: {  	v25 =	vshrl.u32 v33, $0x13;
	v61 =	vor.u32 v0, v21;
	v29 =	vshrl.u32 v10, $0x13;
	[tilespmem:v24+s13+$0x0] =	vst.idx.add.s32.msk $0xffff, v2  }
0x3cb: {  	v27 =	vshrl.u32 v27, $0x13;
	v63 =	vmax.u32 v17, v20;
	v29 =	vand.u32 $0xFF0, v29;
	[tilespmem:v23+s13+$0x0] =	vst.idx.add.s32.msk $0xffff, v2  }
0x3cc: {  	v20 =	vor.u32 v0, v15;
	v15 =	vand.u32 $0xFF0, v25;
	[tilespmem:v26+s13+$0x0] =	vst.idx.add.s32.msk $0xffff, v2;
	v29 =	vor.u32 v0, v29  }
0x3cd: {  	v27 =	vand.u32 $0xFF0, v27;
	[tilespmem:v34+s13+$0x0] =	vst.idx.add.s32.msk $0xffff, v2;
	v21 =	vand.u32 $0x7FFFFFFF, v14;
	v14 =	vshrl.u32 v14, $0x13  }
0x3ce: {  	v25 =	vand.u32 $0x7FFFFFFF, v33;
	[tilespmem:v32+s13+$0x0] =	vst.idx.add.s32.msk $0xffff, v2;
	v62 =	vand.u32 $0xFF0, v14;
	v14 =	vand.u32 $0xFF0, v30  }
0x3cf: {  	v15 =	vor.u32 v0, v15;
	[tilespmem:v61+s13+$0x0] =	vst.idx.add.s32.msk $0xffff, v2;
	v24 =	vshrl.u32 v13, $0x13;
	v14 =	vor.u32 v0, v14  }
0x3d0: {  	[tilespmem:v35+s13+$0x0] =	vst.idx.add.s32.msk $0xffff, v2;
	v17 =	vor.u32 v0, v62;
	v23 =	vand.u32 $0xFF0, v24;
	v24 =	vmax.u32 v63, v22  }
0x3d1: {  	s21 =	simm.s32 $0x180;
	s20 =	simm.s32 $0x0;
	v18 =	vand.u32 $0x7FFFFFFF, v28;
	v22 =	vor.u32 v0, v27;
	[tilespmem:v29+s13+$0x0] =	vst.idx.add.s32.msk $0xffff, v2;
	v23 =	vor.u32 v0, v23  }
.LBB2_76:
0x3d2: {  	v26 =	vld [tilespmem:s21+$0x20];
	s20 =	sadd.s32 $0x10, s20;
	v24 =	vmax.u32 v24, v25  }
0x3d3: {  	v25 =	vld [tilespmem:s21+$0xFFFFFFB0];
	p0 =	slt.u32 s20, $0x7F0;
	v16 =	vmax.u32 v24, v16  }
0x3d4: {  	v24 =	vld [tilespmem:s21+$0xFFFFFFA0];
	v16 =	vmax.u32 v16, v18  }
0x3d5: {  	v12 =	vand.u32 $0x7FFFFFFF, v12;
	v18 =	vld [tilespmem:s21+$0xFFFFFF90];
	v16 =	vmax.u32 v16, v19  }
0x3d6: {  	v19 =	vld [tilespmem:s21+$0x30];
	v16 =	vmax.u32 v16, v21;
	v21 =	vand.u32 $0x7FFFFFFF, v9  }
0x3d7: {  	v11 =	vand.u32 $0x7FFFFFFF, v11;
	v27 =	vld [tilespmem:s21+$0xFFFFFF80];
	v12 =	vmax.u32 v16, v12;
	v9 =	vmov v26  }
0x3d8: {  	v16 =	vmax.u32 v12, v21;
	v21 =	vand.u32 $0x7FFFFFFF, v7;
	v7 =	vld [tilespmem:s21+$0x40]  }
0x3d9: {  	v12 =	vld [tilespmem:s21+$0x10];
	v29 =	vmax.u32 v16, v11;
	v16 =	vand.u32 $0x7FFFFFFF, v10  }
0x3da: {  	v10 =	vshrl.u32 v9, $0x13;
	[tilespmem:v20+s13+$0x0] =	vst.idx.add.s32.msk $0xffff, v2;
	v28 =	vmax.u32 v29, v21;
	v20 =	vand.u32 $0x7FFFFFFF, v8  }
0x3db: {  	v21 =	vand.u32 $0xFF0, v10;
	v26 =	vshrl.u32 v19, $0x13;
	v8 =	vld [tilespmem:s21+$0x50];
	v20 =	vmax.u32 v28, v20;
	v11 =	vmovc v19  }
0x3dc: {  	v13 =	vand.u32 $0x7FFFFFFF, v13;
	v10 =	vld [tilespmem:s21+$0x60];
	v16 =	vmax.u32 v20, v16  }
0x3dd: {  	[tilespmem:v23+s13+$0x0] =	vst.idx.add.s32.msk $0xffff, v2;
	v13 =	vmax.u32 v16, v13  }
0x3de: {  	v28 =	vand.u32 $0x7FFFFFFF, v25;
	v19 =	vor.u32 v0, v21;
	[tilespmem:v17+s13+$0x0] =	vst.idx.add.s32.msk $0xffff, v2  }
0x3df: {  	v20 =	vand.u32 $0xFF0, v26;
	v17 =	vand.u32 $0x7FFFFFFF, v24;
	v16 =	vshrl.u32 v12, $0x13;
	[tilespmem:v22+s13+$0x0] =	vst.idx.add.s32.msk $0xffff, v2  }
0x3e0: {  	v21 =	vshrl.u32 v7, $0x13;
	v16 =	vand.u32 $0xFF0, v16;
	v22 =	vshrl.u32 v8, $0x13;
	[tilespmem:v14+s13+$0x0] =	vst.idx.add.s32.msk $0xffff, v2  }
0x3e1: {  	v23 =	vshrl.u32 v27, $0x13;
	v14 =	vand.u32 $0x7FFFFFFF, v27;
	v22 =	vand.u32 $0xFF0, v22;
	[tilespmem:v15+s13+$0x0] =	vst.idx.add.s32.msk $0xffff, v2  }
0x3e2: {  	v15 =	vand.u32 $0xFF0, v23;
	vm3 =	vgt.s32 v13, v14;
	v23 =	vld [tilespmem:s21+$0xFFFFFFD0];
	v22 =	vor.u32 v0, v22  }
0x3e3: {  	v27 =	vshrl.u32 v10, $0x13;
	v14 =	vsel vm3, v13, v14;
	v13 =	vshrl.u32 v18, $0x13;
	v26 =	vld [tilespmem:s21+$0xFFFFFFE0]  }
0x3e4: {  	v29 =	vand.u32 $0x7FFFFFFF, v18;
	v31 =	vor.u32 v0, v16;
	v13 =	vand.u32 $0xFF0, v13;
	v30 =	vld [tilespmem:s21+$0xFFFFFFF0]  }
0x3e5: {  	v16 =	vand.u32 $0xFF0, v21;
	v32 =	vor.u32 v0, v13;
	v13 =	vshrl.u32 v25, $0x13;
	v25 =	vld [tilespmem:s21+$0x0]  }
0x3e6: {  	v24 =	vshrl.u32 v24, $0x13;
	v34 =	vor.u32 v0, v16;
	v13 =	vand.u32 $0xFF0, v13;
	v33 =	vld [tilespmem:s21+$0xFFFFFFC0]  }
0x3e7: {  	v27 =	vand.u32 $0xFF0, v27;
	v35 =	vor.u32 v0, v13;
	v16 =	vand.u32 $0x7FFFFFFF, v23;
	[tilespmem:v19+s13+$0x0] =	vst.idx.add.s32.msk $0xffff, v2  }
0x3e8: {  	v36 =	vor.u32 v0, v15;
	v18 =	vand.u32 $0x7FFFFFFF, v26;
	v15 =	vshrl.u32 v26, $0x13;
	v13 =	vld [tilespmem:s21+$0x70]  }
0x3e9: {  	v26 =	vor.u32 v0, v20;
	v15 =	vand.u32 $0xFF0, v15;
	v19 =	vand.u32 $0x7FFFFFFF, v30;
	[tilespmem:v31+s13+$0x0] =	vst.idx.add.s32.msk $0xffff, v2  }
0x3ea: {  	v27 =	vor.u32 v0, v27;
	[tilespmem:v32+s13+$0x0] =	vst.idx.add.s32.msk $0xffff, v2;
	v15 =	vor.u32 v0, v15;
	v21 =	vand.u32 $0x7FFFFFFF, v25  }
0x3eb: {  	v20 =	vand.u32 $0xFF0, v24;
	v24 =	vshrl.u32 v30, $0x13;
	v25 =	vshrl.u32 v25, $0x13;
	[tilespmem:v34+s13+$0x0] =	vst.idx.add.s32.msk $0xffff, v2  }
0x3ec: {  	v14 =	vmax.u32 v14, v29;
	v29 =	vshrl.u32 v33, $0x13;
	v25 =	vand.u32 $0xFF0, v25;
	[tilespmem:v35+s13+$0x0] =	vst.idx.add.s32.msk $0xffff, v2  }
.Ltmp45:
0x3ed: {  	v30 =	vmax.u32 v14, v17;
	v14 =	vand.u32 $0xFF0, v24;
	[tilespmem:v22+s13+$0x0] =	vst.idx.add.s32.msk $0xffff, v2;
	v22 =	vshrl.u32 v13, $0x13;
	(pc) =	sbr.rel @p0 .LBB2_76-.Ltmp45, $4  }
0x3ee: {  	v23 =	vshrl.u32 v23, $0x13;
	v20 =	vor.u32 v0, v20;
	v14 =	vor.u32 v0, v14;
	[tilespmem:v26+s13+$0x0] =	vst.idx.add.s32.msk $0xffff, v2  }
0x3ef: {  	v24 =	vand.u32 $0xFF0, v29;
	v17 =	vor.u32 v0, v25;
	v22 =	vand.u32 $0xFF0, v22;
	[tilespmem:v15+s13+$0x0] =	vst.idx.add.s32.msk $0xffff, v2  }
0x3f0: {  	v26 =	vand.u32 $0xFF0, v23;
	v15 =	vor.u32 v0, v24;
	v23 =	vor.u32 v0, v22;
	[tilespmem:v27+s13+$0x0] =	vst.idx.add.s32.msk $0xffff, v2  }
0x3f1: {  	s21 =	sadd.s32 $0x100, s21;
	v25 =	vand.u32 $0x7FFFFFFF, v33;
	v24 =	vmax.u32 v30, v28;
	v22 =	vor.u32 v0, v26;
	[tilespmem:v36+s13+$0x0] =	vst.idx.add.s32.msk $0xffff, v2  }
0x3f2: {  	v24 =	vmax.u32 v24, v25  }
0x3f3: {  	v16 =	vmax.u32 v24, v16  }
0x3f4: {  	v16 =	vmax.u32 v16, v18  }
0x3f5: {  	v16 =	vmax.u32 v16, v19  }
0x3f6: {  	v12 =	vand.u32 $0x7FFFFFFF, v12;
	v16 =	vmax.u32 v16, v21  }
0x3f7: {  	v9 =	vand.u32 $0x7FFFFFFF, v9;
	v12 =	vmax.u32 v16, v12  }
0x3f8: {  	v11 =	vand.u32 $0x7FFFFFFF, v11;
	v9 =	vmax.u32 v12, v9  }
0x3f9: {  	v7 =	vand.u32 $0x7FFFFFFF, v7;
	v9 =	vmax.u32 v9, v11  }
0x3fa: {  	v8 =	vand.u32 $0x7FFFFFFF, v8;
	v7 =	vmax.u32 v9, v7  }
0x3fb: {  	v63 =	vand.u32 $0x7FFFFFFF, v10;
	v7 =	vmax.u32 v7, v8  }
0x3fc: {  	v8 =	vand.u32 $0x7FFFFFFF, v13;
	v7 =	vmax.u32 v7, v63  }
0x3fd: {  	v7 =	vmax.u32 v7, v8  }
0x3fe: {  	v7 =	vxor.u32 $0x80000000, v7  }
0x3ff: {  	(xrf0) =	vmax.scan.msk.u32 $0xffff, v7;
	_ =	sdelay $0x5  }
0x400: {  	v7, _, _ =	vpop (xrf0)  }
0x401: {  	(v2sf) =	vpush v7, $0xF;
	_ =	sdelay $0xd  }
0x402: {  	[tilespmem:v20+s13+$0x0] =	vst.idx.add.s32.msk $0xffff, v2  }
0x403: {  	[tilespmem:v23+s13+$0x0] =	vst.idx.add.s32.msk $0xffff, v2;
	s0 =	spop (v2sf)  }
0x404: {  	[tilespmem:v17+s13+$0x0] =	vst.idx.add.s32.msk $0xffff, v2;
	s0 =	sshrl.u32 s0, $0x17  }
0x405: {  	[tilespmem:v22+s13+$0x0] =	vst.idx.add.s32.msk $0xffff, v2;
	s20 =	sxor.u32 $0x100, s0  }
0x406: {  	[tilespmem:v14+s13+$0x0] =	vst.idx.add.s32.msk $0xffff, v2;
	s23 =	simm.s32 $0x0;
	s22 =	simm.s32 $0x0;
	s0 =	sshll.u32 s20, $0x4  }
0x407: {  	[tilespmem:v15+s13+$0x0] =	vst.idx.add.s32.msk $0xffff, v2;
	s21 =	simm.s32 $0x0;
	s24 =	smov.u32 s20;
	s0 =	sor.u32 $0x10000, s0  }
.LBB2_78:
0x408: {  	v7 =	vld [tilespmem:s0+$0x0];
	_ =	sdelay $0x4  }
0x409: {  	(xrf0) =	vadd.scan.msk.s32 $0xffff, v7;
	_ =	sdelay $0x5  }
0x40a: {  	v7, _, _ =	vpop (xrf0)  }
0x40b: {  	(v2sf) =	vpush v7, $0xF;
	_ =	sdelay $0xe  }
0x40c: {  	s1 =	spop (v2sf)  }
0x40d: {  	s1 =	sadd.s32 s23, s1  }
0x40e: {  	p2 =	sne.s32 s24, $0x0;
	p0 =	sgt.s32 s1, $0xCCC  }
0x40f: {  	p0 =	por p0, !p2  }
.Ltmp46:
0x410: {  	_ = 	snop;
	(pc) =	sbr.rel @!p0 .LBB2_78-.Ltmp46, $4  }
0x411: {  	s4 =	smov.u32 s21  }
0x412: {  	s5 =	smov.u32 s22;
	s21 =	smov.u32 s24;
	s22 =	smov.u32 s23  }
0x413: {  	s24 =	sadd.s32 $0xFFFFFFFF, s24;
	s0 =	sadd.s32 $0xFFFFFFF0, s0;
	p1 =	slt.s32 s1, $0xCCD  }
0x414: {  	s21 =	smov.u32 @p1 s4;
	s22 =	smov.u32 @p1 s5;
	s23 =	smov.u32 @p1 s1  }
0x415: {  	s23 =	simm.s32 $0x80  }
0x416: {  	v8 =	vld [tilespmem:s23+$0xFFFFFF80]  }
0x417: {  	v9 =	vld [tilespmem:s23+$0x10]  }
0x418: {  	v10 =	vld [tilespmem:s23+$0xFFFFFFD0]  }
0x419: {  	v11 =	vld [tilespmem:s23+$0xFFFFFFF0]  }
0x41a: {  	v13 =	vld [tilespmem:s23+$0x0]  }
0x41b: {  	v16 =	vld [tilespmem:s23+$0x30]  }
0x41c: {  	v23 =	vld [tilespmem:s23+$0xFFFFFFA0]  }
0x41d: {  	v7 =	vmov s21;
	v12 =	vld [tilespmem:s23+$0x20]  }
0x41e: {  	v14 =	vshrl.u32 v8, $0x17;
	v8 =	vshrl.u32 v8, $0xC;
	v17 =	vshrl.u32 v11, $0x17  }
0x41f: {  	v15 =	vld [tilespmem:s23+$0xFFFFFFE0];
	v21 =	vshrl.u32 v9, $0xC;
	v22 =	vshrl.u32 v9, $0x17;
	v9 =	vshrl.u32 v11, $0xC  }
0x420: {  	v26 =	vshrl.u32 v13, $0x17;
	v27 =	vshrl.u32 v16, $0x17;
	v11 =	vshrl.u32 v10, $0x17  }
0x421: {  	v24 =	vld [tilespmem:s23+$0xFFFFFF90];
	v28 =	vshrl.u32 v10, $0xC;
	v10 =	vshrl.u32 v23, $0x17;
	v14 =	vand.u32 $0xFF, v14  }
0x422: {  	v19 =	vand.u32 $0x7FF, v8;
	v8 =	vshrl.u32 v12, $0x17;
	v12 =	vshrl.u32 v12, $0xC  }
0x423: {  	v26 =	vand.u32 $0xFF, v26;
	vm3 =	veq.s32 v14, v7;
	v14 =	vshrl.u32 v13, $0xC  }
0x424: {  	v25 =	vand.u32 $0xFF, v8;
	v8 =	vshrl.u32 v15, $0xC;
	v15 =	vshrl.u32 v15, $0x17  }
0x425: {  	v20 =	vld [tilespmem:s23+$0xFFFFFFB0];
	v13 =	vshrl.u32 v16, $0xC;
	v16 =	vand.u32 $0xFF, v11;
	v29 =	vand.u32 $0x7FF, v12  }
0x426: {  	v12 =	vshrl.u32 v24, $0x17;
	v18 =	vand.u32 $0x7FF, v13;
	vm4 =	veq.s32 v16, v7  }
0x427: {  	v16 =	vand.u32 $0x7FF, v21;
	v21 =	vshrl.u32 v23, $0xC;
	v23 =	vshrl.u32 v24, $0xC;
	v13 =	vld [tilespmem:s23+$0xFFFFFFC0]  }
0x428: {  	vm7 =	veq.s32 v25, v7;
	v24 =	vand.u32 $0xFF, v10;
	v10 =	vand.u32 $0xFF, v27  }
0x429: {  	v12 =	vand.u32 $0xFF, v12;
	v25 =	vand.u32 $0xFF, v22;
	v22 =	vld [tilespmem:s23+$0x40];
	vm8 =	veq.s32 v10, v7  }
0x42a: {  	v11 =	vshrl.u32 v20, $0xC;
	vm5 =	veq.s32 v12, v7;
	v12 =	vand.u32 $0x7FF, v23;
	v23 =	vld [tilespmem:s23+$0x50]  }
0x42b: {  	vm10 =	veq.s32 v26, v7;
	v15 =	vand.u32 $0xFF, v15;
	v10 =	vand.u32 $0x7FF, v21;
	v21 =	vld [tilespmem:s23+$0x60]  }
0x42c: {  	[tilespmem:v19+s14+$0x0] =	vst.idx.add.s32.msk vm3, v2;
	v19 =	vshrl.u32 v20, $0x17;
	vm3 =	veq.s32 v24, v7;
	v24 =	vshrl.u32 v13, $0x17  }
0x42d: {  	vm9 =	veq.s32 v25, v7;
	v20 =	vld [tilespmem:s23+$0x70];
	v19 =	vand.u32 $0xFF, v19;
	v24 =	vand.u32 $0xFF, v24  }
0x42e: {  	s24 =	simm.s32 $0x180;
	s23 =	simm.s32 $0x0;
	[tilespmem:v29+s14+$0x0] =	vst.idx.add.s32.msk vm7, v2;
	vm6 =	veq.s32 v19, v7;
	v19 =	vand.u32 $0xFF, v17;
	v17 =	vand.u32 $0x7FF, v28  }
.LBB2_80:
0x42f: {  	s23 =	sadd.s32 $0x10, s23;
	vm7 =	veq.s32 v24, v7;
	[tilespmem:v18+s14+$0x0] =	vst.idx.add.s32.msk vm8, v2  }
0x430: {  	v14 =	vand.u32 $0x7FF, v14;
	v24 =	vld [tilespmem:s24+$0xFFFFFFA0];
	p0 =	slt.u32 s23, $0x7F0;
	v18 =	vshrl.u32 v23, $0x17;
	v23 =	vshrl.u32 v23, $0xC  }
0x431: {  	v25 =	vld [tilespmem:s24+$0xFFFFFF80];
	v18 =	vand.u32 $0xFF, v18;
	v26 =	vshrl.u32 v21, $0x17;
	v21 =	vshrl.u32 v21, $0xC  }
0x432: {  	v27 =	vld [tilespmem:s24+$0xFFFFFF90];
	v28 =	vshrl.u32 v22, $0x17;
	v22 =	vshrl.u32 v22, $0xC;
	v26 =	vand.u32 $0xFF, v26  }
0x433: {  	vm11 =	veq.s32 v18, v7;
	[tilespmem:v16+s14+$0x0] =	vst.idx.add.s32.msk vm9, v2;
	v16 =	vand.u32 $0xFF, v28;
	vm9 =	veq.s32 v26, v7  }
0x434: {  	v21 =	vand.u32 $0x7FF, v21;
	v18 =	vld [tilespmem:s24+$0x10];
	vm8 =	veq.s32 v16, v7;
	v16 =	vand.u32 $0x7FF, v23  }
0x435: {  	v22 =	vand.u32 $0x7FF, v22;
	[tilespmem:v14+s14+$0x0] =	vst.idx.add.s32.msk vm10, v2  }
0x436: {  	v23 =	vld [tilespmem:s24+$0xFFFFFFB0]  }
0x437: {  	v14 =	vshrl.u32 v20, $0x17;
	v20 =	vshrl.u32 v20, $0xC;
	v26 =	vld [tilespmem:s24+$0xFFFFFFD0]  }
0x438: {  	v28 =	vshrl.u32 v25, $0x17;
	v25 =	vshrl.u32 v25, $0xC;
	v14 =	vand.u32 $0xFF, v14;
	v29 =	vld [tilespmem:s24+$0xFFFFFFE0]  }
0x439: {  	v13 =	vshrl.u32 v13, $0xC;
	v28 =	vand.u32 $0xFF, v28;
	vm12 =	veq.s32 v14, v7;
	v30 =	vld [tilespmem:s24+$0xFFFFFFF0]  }
0x43a: {  	vm13 =	veq.s32 v19, v7;
	v13 =	vand.u32 $0x7FF, v13;
	v14 =	vand.u32 $0x7FF, v20;
	v31 =	vld [tilespmem:s24+$0x0]  }
0x43b: {  	v9 =	vand.u32 $0x7FF, v9;
	v19 =	vld [tilespmem:s24+$0x20]  }
0x43c: {  	[tilespmem:v16+s14+$0x0] =	vst.idx.add.s32.msk vm11, v2  }
0x43d: {  	v20 =	vand.u32 $0x7FF, v8;
	v16 =	vld [tilespmem:s24+$0x30]  }
0x43e: {  	v11 =	vand.u32 $0x7FF, v11;
	vm11 =	veq.s32 v15, v7;
	v32 =	vshrl.u32 v30, $0x17;
	[tilespmem:v17+s14+$0x0] =	vst.idx.add.s32.msk vm4, v2  }
0x43f: {  	vm10 =	veq.s32 v28, v7;
	v15 =	vand.u32 $0x7FF, v25;
	v17 =	vshrl.u32 v18, $0xC;
	[tilespmem:v14+s14+$0x0] =	vst.idx.add.s32.msk vm12, v2  }
0x440: {  	v25 =	vshrl.u32 v18, $0x17;
	v8 =	vshrl.u32 v19, $0x17;
	v19 =	vshrl.u32 v19, $0xC;
	[tilespmem:v9+s14+$0x0] =	vst.idx.add.s32.msk vm13, v2  }
0x441: {  	v14 =	vshrl.u32 v31, $0xC;
	v9 =	vshrl.u32 v30, $0xC;
	v28 =	vand.u32 $0xFF, v8;
	[tilespmem:v12+s14+$0x0] =	vst.idx.add.s32.msk vm5, v2  }
0x442: {  	v30 =	vshrl.u32 v31, $0x17;
	v8 =	vshrl.u32 v29, $0xC;
	v12 =	vshrl.u32 v16, $0x17;
	[tilespmem:v21+s14+$0x0] =	vst.idx.add.s32.msk vm9, v2  }
0x443: {  	v18 =	vshrl.u32 v26, $0x17;
	v21 =	vshrl.u32 v29, $0x17;
	v16 =	vshrl.u32 v16, $0xC;
	[tilespmem:v22+s14+$0x0] =	vst.idx.add.s32.msk vm8, v2  }
0x444: {  	v26 =	vshrl.u32 v26, $0xC;
	v22 =	vand.u32 $0xFF, v18;
	v18 =	vand.u32 $0x7FF, v16;
	[tilespmem:v11+s14+$0x0] =	vst.idx.add.s32.msk vm6, v2  }
0x445: {  	v16 =	vand.u32 $0x7FF, v17;
	v11 =	vshrl.u32 v23, $0xC;
	vm4 =	veq.s32 v22, v7;
	[tilespmem:v20+s14+$0x0] =	vst.idx.add.s32.msk vm11, v2  }
0x446: {  	v29 =	vand.u32 $0x7FF, v19;
	v17 =	vshrl.u32 v24, $0x17;
	v22 =	vshrl.u32 v24, $0xC;
	[tilespmem:v13+s14+$0x0] =	vst.idx.add.s32.msk vm7, v2  }
0x447: {  	v19 =	vshrl.u32 v27, $0xC;
	v13 =	vshrl.u32 v27, $0x17;
	vm7 =	veq.s32 v28, v7;
	[tilespmem:v10+s14+$0x0] =	vst.idx.add.s32.msk vm3, v2  }
0x448: {  	v12 =	vand.u32 $0xFF, v12;
	v17 =	vand.u32 $0xFF, v17;
	v10 =	vand.u32 $0xFF, v13;
	v13 =	vld [tilespmem:s24+$0xFFFFFFC0]  }
0x449: {  	vm8 =	veq.s32 v12, v7;
	vm5 =	veq.s32 v10, v7;
	v10 =	vshrl.u32 v23, $0x17;
	[tilespmem:v15+s14+$0x0] =	vst.idx.add.s32.msk vm10, v2  }
.Ltmp47:
0x44a: {  	v12 =	vand.u32 $0x7FF, v19;
	v24 =	vand.u32 $0xFF, v25;
	v15 =	vand.u32 $0xFF, v10;
	v20 =	vld [tilespmem:s24+$0x70];
	(pc) =	sbr.rel @p0 .LBB2_80-.Ltmp47, $4  }
0x44b: {  	v19 =	vand.u32 $0xFF, v32;
	v10 =	vand.u32 $0x7FF, v22;
	vm6 =	veq.s32 v15, v7;
	v23 =	vld [tilespmem:s24+$0x50]  }
0x44c: {  	v25 =	vand.u32 $0xFF, v30;
	vm3 =	veq.s32 v17, v7;
	v15 =	vand.u32 $0xFF, v21;
	v21 =	vld [tilespmem:s24+$0x60]  }
0x44d: {  	vm9 =	veq.s32 v24, v7;
	v17 =	vand.u32 $0x7FF, v26;
	v27 =	vshrl.u32 v13, $0x17;
	v22 =	vld [tilespmem:s24+$0x40]  }
0x44e: {  	vm10 =	veq.s32 v25, v7;
	s24 =	sadd.s32 $0x100, s24;
	v24 =	vand.u32 $0xFF, v27;
	[tilespmem:v29+s14+$0x0] =	vst.idx.add.s32.msk vm7, v2  }
0x44f: {  	_ =	sdelay $0x3  }
0x450: {  	v14 =	vand.u32 $0x7FF, v14  }
0x451: {  	v56 =	vshrl.u32 v20, $0x17;
	v57 =	vshrl.u32 v20, $0xC;
	[tilespmem:v18+s14+$0x0] =	vst.idx.add.s32.msk vm8, v2;
	vm8 =	veq.s32 v19, v7  }
0x452: {  	v9 =	vand.u32 $0x7FF, v9;
	v11 =	vand.u32 $0x7FF, v11;
	vm14 =	veq.s32 v15, v7  }
0x453: {  	[tilespmem:v16+s14+$0x0] =	vst.idx.add.s32.msk vm9, v2;
	v8 =	vand.u32 $0x7FF, v8;
	v25 =	vshrl.u32 v23, $0x17;
	v55 =	vshrl.u32 v23, $0xC  }
0x454: {  	[tilespmem:v17+s14+$0x0] =	vst.idx.add.s32.msk vm4, v2;
	v59 =	vand.u32 $0x7FF, v57;
	v25 =	vand.u32 $0xFF, v25;
	v23 =	vand.u32 $0x7FF, v55  }
0x455: {  	[tilespmem:v12+s14+$0x0] =	vst.idx.add.s32.msk vm5, v2;
	v58 =	vshrl.u32 v21, $0x17;
	vm7 =	veq.s32 v25, v7;
	v25 =	vand.u32 $0xFF, v56  }
0x456: {  	[tilespmem:v10+s14+$0x0] =	vst.idx.add.s32.msk vm3, v2;
	v60 =	vshrl.u32 v22, $0x17;
	v18 =	vand.u32 $0xFF, v58;
	vm11 =	veq.s32 v25, v7  }
0x457: {  	v61 =	vshrl.u32 v21, $0xC;
	v16 =	vand.u32 $0xFF, v60;
	vm12 =	veq.s32 v18, v7;
	[tilespmem:v14+s14+$0x0] =	vst.idx.add.s32.msk vm10, v2  }
0x458: {  	v62 =	vshrl.u32 v22, $0xC;
	v63 =	vand.u32 $0x7FF, v61;
	vm13 =	veq.s32 v16, v7;
	[tilespmem:v11+s14+$0x0] =	vst.idx.add.s32.msk vm6, v2  }
0x459: {  	vm15 =	veq.s32 v24, v7;
	v14 =	vand.u32 $0x7FF, v62;
	v7 =	vshrl.u32 v13, $0xC;
	[tilespmem:v9+s14+$0x0] =	vst.idx.add.s32.msk vm8, v2  }
0x45a: {  	v7 =	vand.u32 $0x7FF, v7;
	[tilespmem:v8+s14+$0x0] =	vst.idx.add.s32.msk vm14, v2  }
0x45b: {  	[tilespmem:v23+s14+$0x0] =	vst.idx.add.s32.msk vm7, v2  }
0x45c: {  	[tilespmem:v59+s14+$0x0] =	vst.idx.add.s32.msk vm11, v2  }
0x45d: {  	[tilespmem:v63+s14+$0x0] =	vst.idx.add.s32.msk vm12, v2  }
0x45e: {  	s23 =	ssub.s32 $0xCCD, s22;
	s26 =	simm.s32 $0x1F;
	s22 =	simm.s32 $0x0;
	[tilespmem:v14+s14+$0x0] =	vst.idx.add.s32.msk vm13, v2  }
0x45f: {  	s25 =	simm.s32 $0x117F0;
	s24 =	simm.s32 $0x0;
	s0 =	simm.s32 $0x0;
	[tilespmem:v7+s14+$0x0] =	vst.idx.add.s32.msk vm15, v2  }
.LBB2_82:
0x460: {  	v7 =	vld [tilespmem:s25+$0xFFFFFFD0]  }
0x461: {  	v8 =	vld [tilespmem:s25+$0xFFFFFFE0]  }
0x462: {  	v9 =	vld [tilespmem:s25+$0xFFFFFFF0]  }
0x463: {  	v10 =	vld [tilespmem:s25+$0x0];
	_ =	sdelay $0x2  }
0x464: {  	v7 =	vadd.s32 v7, v8  }
0x465: {  	v7 =	vadd.s32 v9, v7  }
0x466: {  	v7 =	vadd.s32 v10, v7  }
0x467: {  	(xrf0) =	vadd.scan.msk.s32 $0xffff, v7;
	_ =	sdelay $0x5  }
0x468: {  	v7, _, _ =	vpop (xrf0)  }
0x469: {  	(v2sf) =	vpush v7, $0xF;
	_ =	sdelay $0xe  }
0x46a: {  	s1 =	spop (v2sf)  }
0x46b: {  	s1 =	sadd.s32 s22, s1  }
0x46c: {  	p2 =	sne.s32 s26, $0x0;
	p0 =	sge.s32 s1, s23  }
0x46d: {  	p0 =	por p0, !p2  }
.Ltmp48:
0x46e: {  	_ = 	snop;
	(pc) =	sbr.rel @!p0 .LBB2_82-.Ltmp48, $4  }
0x46f: {  	s4 =	smov.u32 s0  }
0x470: {  	s5 =	smov.u32 s24;
	s0 =	smov.u32 s26;
	s24 =	smov.u32 s22  }
0x471: {  	s26 =	sadd.s32 $0xFFFFFFFF, s26;
	s25 =	sadd.s32 $0xFFFFFFC0, s25;
	p1 =	slt.s32 s1, s23  }
0x472: {  	s0 =	smov.u32 @p1 s4;
	s24 =	smov.u32 @p1 s5;
	s22 =	smov.u32 @p1 s1  }
0x473: {  	s25 =	sshll.u32 s0, $0x2  }
0x474: {  	p0 =	sgt.s32 s25, $0xFFFFFFFF  }
.Ltmp49:
0x475: {  	_ = 	snop;
	(pc) =	sbr.rel @!p0 .LBB2_84-.Ltmp49, $2  }
0x476: {  	_ =	sdelay $0x2  }
0x477: {  	s22 =	ssub.s32 s23, s24  }
0x478: {  	s1 =	sshll.u32 s0, $0x8  }
0x479: {  	s28 =	ssub.s32 $0xFFFFFFFD, s25;
	s26 =	sshll.u32 s0, $0x6;
	s29 =	simm.s32 $0x0  }
0x47a: {  	s30 =	simm.s32 $0x0;
	s0 =	simm.s32 $0x0;
	s1 =	sshra.s32 s1, $0x2  }
0x47b: {  	v7 =	vmov s22;
	s31 =	simm.s32 $0x0;
	s25 =	sadd.s32 $0x8000003F, s26;
	s26 =	sadd.s32 $0x11030, s1  }
.LBB2_88:
0x47c: {  	v8 =	vld [tilespmem:s26+$0x0];
	_ =	sdelay $0x4  }
0x47d: {  	v8 =	vperm.xlane v8, v3;
	_ =	sdelay $0x1  }
0x47e: {  	(xrf0) =	vadd.scan.msk.s32 $0xffff, v8;
	_ =	sdelay $0x5  }
0x47f: {  	v9, _, _ =	vpop (xrf0)  }
0x480: {  	v10 =	vadd.s32 s30, v9  }
0x481: {  	v9 =	vxor.u32 $0x80000000, v9;
	vm3 =	vlt.s32 v10, v7  }
0x482: {  	(xrf0) =	vmax.scan.msk.u32 $0xffff, v9;
	v59 =	vsel vm3, $0x80000010, v4  }
0x483: {  	(xrf0) =	vmin.scan.msk.u32 $0xffff, v59;
	_ =	sdelay $0x4  }
0x484: {  	v60, _, _ =	vpop (xrf0)  }
0x485: {  	(v2sf) =	vpush v60, $0xF;
	v61, _, _ =	vpop (xrf0)  }
0x486: {  	(v2sf) =	vpush v61, $0xF;
	_ =	sdelay $0xd  }
0x487: {  	s1 =	spop (v2sf)  }
0x488: {  	s4 =	spop (v2sf)  }
0x489: {  	s5 =	sxor.u32 $0x80000000, s4  }
0x48a: {  	v62 =	vmov s5  }
0x48b: {  	vm3 =	vgt.s32 v62, v0  }
0x48c: {  	v63 =	vnsel vm3, $0x0, v8;
	vm3 =	veq.s32 v62, v0  }
0x48d: {  	(xrf0) =	vadd.scan.msk.s32 $0xffff, v63;
	v8 =	vnsel vm3, $0x0, v8  }
0x48e: {  	(xrf0) =	vadd.scan.msk.s32 $0xffff, v8;
	_ =	sdelay $0x4  }
0x48f: {  	v8, _, _ =	vpop (xrf0)  }
0x490: {  	(v2sf) =	vpush v8, $0xF;
	v8, _, _ =	vpop (xrf0)  }
0x491: {  	(v2sf) =	vpush v8, $0xF;
	_ =	sdelay $0x6  }
0x492: {  	s1 =	sadd.s32 s1, s30  }
0x493: {  	s1 =	sadd.s32 $0x80000000, s1  }
0x494: {  	p0 =	sge.s32 s1, s22  }
0x495: {  	p1 =	sne.s32 @!p0 s28, $0x0  }
0x496: {  	s6 =	smov.u32 s31;
	p0 =	por p0, !p1  }
.Ltmp50:
0x497: {  	s11 =	smov.u32 s0;
	s17 =	smov.u32 s29;
	(pc) =	sbr.rel @!p0 .LBB2_88-.Ltmp50, $4  }
0x498: {  	s26 =	sadd.s32 $0xFFFFFFF0, s26;
	s31 =	ssub.s32 s25, s4;
	s25 =	sadd.s32 $0xFFFFFFF0, s25  }
0x499: {  	s28 =	sadd.s32 $0x1, s28;
	p1 =	slt.s32 s1, s22;
	s5 =	spop (v2sf)  }
0x49a: {  	s31 =	smov.u32 @p1 s6;
	s29 =	spop (v2sf);
	s0 =	sadd.s32 s30, s5  }
0x49b: {  	s30 =	smov.u32 @p1 s1;
	s0 =	smov.u32 @p1 s11;
	s29 =	smov.u32 @p1 s17  }
0x49c: {  	s0 =	sadd.s32 s0, s24  }
0x49d: {  	p0 =	sne.s32 s29, $0x1;
	s22 =	ssub.s32 s23, s0  }
0x49e: {  	p1 =	seq.s32 @!p0 s22, $0x1  }
0x49f: {  	p1 =	por p0, !p1  }
.Ltmp51:
0x4a0: {  	_ = 	snop;
	(pc) =	sbr.rel @p1 .LBB2_91-.Ltmp51, $3  }
0x4a1: {  	_ =	sdelay $0x1  }
0x4a2: {  	s30 =	sshll.u32 s21, $0xB  }
0x4a3: {  	s21 =	sor.u32 s30, s31  }
.Ltmp52:
0x4a4: {  	(pc) =	sbr.rel .LBB2_97-.Ltmp52, $2  }
0x4a5: {  	_ =	sdelay $0x2  }
0x4a6: {  	s0 =	simm.s32 $0xFFF;
	p0 =	por $0x0, $0x0  }
.LBB2_84:
.Ltmp53:
0x4a7: {  	(pc) =	sbr.rel .LBB2_92-.Ltmp53, $2  }
0x4a8: {  	_ =	sdelay $0x2  }
0x4a9: {  	s21 =	sshll.u32 s21, $0xB  }
.LBB2_91:
0x4aa: {  	s21 =	smov.u32 @p0 s21;
	s22 =	smov.u32 @p0 s22  }
.LBB2_92:
0x4ab: {  	s0 =	simm.s32 $0x40  }
0x4ac: {  	v9 =	vld [tilespmem:s0+$0x30]  }
0x4ad: {  	v8 =	vld [tilespmem:s0+$0xFFFFFFD0]  }
0x4ae: {  	v10 =	vld [tilespmem:s0+$0xFFFFFFE0]  }
0x4af: {  	v12 =	vld [tilespmem:s0+$0xFFFFFFF0]  }
0x4b0: {  	v14 =	vld [tilespmem:s0+$0x0]  }
0x4b1: {  	v15 =	vld [tilespmem:s0+$0x10]  }
0x4b2: {  	v17 =	vld [tilespmem:s0+$0xFFFFFFC0]  }
0x4b3: {  	v7 =	vmov s21;
	v11 =	vshrl.u32 v9, $0xC  }
0x4b4: {  	v13 =	vshrl.u32 v8, $0xC;
	v16 =	vand.u32 $0xFFF, v8;
	v18 =	vshrl.u32 v10, $0xC  }
0x4b5: {  	v8 =	vld [tilespmem:s0+$0x20];
	v59 =	vshrl.u32 v12, $0xC;
	v9 =	vand.u32 $0xFFF, v9;
	v11 =	vand.u32 $0x7FFFF, v11  }
0x4b6: {  	v60 =	vshrl.u32 v14, $0xC;
	v13 =	vand.u32 $0x7FFFF, v13;
	vm7 =	veq.s32 v11, v7  }
0x4b7: {  	v61 =	vshrl.u32 v15, $0xC;
	v19 =	vshrl.u32 v17, $0xC;
	vm10 =	veq.s32 v13, v7  }
0x4b8: {  	v12 =	vand.u32 $0xFFF, v12;
	v63 =	vand.u32 $0x7FFFF, v19;
	v11 =	vand.u32 $0x7FFFF, v18  }
0x4b9: {  	v13 =	vand.u32 $0x7FFFF, v59;
	vm8 =	veq.s32 v63, v7;
	vm3 =	veq.s32 v11, v7  }
0x4ba: {  	v11 =	vand.u32 $0x7FFFF, v60;
	vm4 =	veq.s32 v13, v7;
	v62 =	vshrl.u32 v8, $0xC  }
0x4bb: {  	v13 =	vand.u32 $0x7FFFF, v61;
	vm5 =	veq.s32 v11, v7;
	v11 =	vand.u32 $0x7FFFF, v62  }
0x4bc: {  	vm6 =	veq.s32 v13, v7;
	v13 =	vand.u32 $0xFFF, v17;
	vm9 =	veq.s32 v11, v7;
	[tilespmem:v9+s15+$0x0] =	vst.idx.add.s32.msk vm7, v2  }
0x4bd: {  	s23 =	simm.s32 $0x0;
	s24 =	simm.s32 $0xC0;
	v11 =	vand.u32 $0xFFF, v10;
	v10 =	vand.u32 $0xFFF, v14;
	[tilespmem:v16+s15+$0x0] =	vst.idx.add.s32.msk vm10, v2;
	v9 =	vand.u32 $0xFFF, v15  }
.LBB2_93:
0x4be: {  	v14 =	vld [tilespmem:s24+$0x30];
	s23 =	sadd.s32 $0x8, s23;
	v15 =	vand.u32 $0xFFF, v8;
	vm7 =	vmmov vm9  }
0x4bf: {  	v8 =	vld [tilespmem:s24+$0xFFFFFFD0];
	p0 =	slt.u32 s23, $0x7F8  }
0x4c0: {  	v16 =	vld [tilespmem:s24+$0xFFFFFFE0]  }
0x4c1: {  	v17 =	vld [tilespmem:s24+$0xFFFFFFF0]  }
0x4c2: {  	v18 =	vld [tilespmem:s24+$0x0]  }
0x4c3: {  	v19 =	vld [tilespmem:s24+$0x10];
	v20 =	vshrl.u32 v14, $0xC  }
0x4c4: {  	v21 =	vshrl.u32 v8, $0xC;
	v22 =	vand.u32 $0xFFF, v8;
	v8 =	vld [tilespmem:s24+$0x20];
	v20 =	vand.u32 $0x7FFFF, v20  }
0x4c5: {  	v23 =	vld [tilespmem:s24+$0xFFFFFFC0];
	v21 =	vand.u32 $0x7FFFF, v21;
	v24 =	vshrl.u32 v16, $0xC;
	vm10 =	veq.s32 v20, v7  }
0x4c6: {  	v14 =	vand.u32 $0xFFF, v14;
	v20 =	vand.u32 $0x7FFFF, v24;
	v24 =	vshrl.u32 v17, $0xC;
	[tilespmem:v13+s15+$0x0] =	vst.idx.add.s32.msk vm8, v2  }
0x4c7: {  	vm11 =	veq.s32 v21, v7;
	v13 =	vand.u32 $0x7FFFF, v24;
	v21 =	vshrl.u32 v18, $0xC;
	[tilespmem:v11+s15+$0x0] =	vst.idx.add.s32.msk vm3, v2  }
0x4c8: {  	vm3 =	veq.s32 v20, v7;
	v11 =	vand.u32 $0x7FFFF, v21;
	v20 =	vshrl.u32 v19, $0xC;
	[tilespmem:v12+s15+$0x0] =	vst.idx.add.s32.msk vm4, v2  }
.Ltmp54:
0x4c9: {  	vm4 =	veq.s32 v13, v7;
	v12 =	vand.u32 $0x7FFFF, v20;
	v13 =	vshrl.u32 v8, $0xC;
	[tilespmem:v10+s15+$0x0] =	vst.idx.add.s32.msk vm5, v2;
	(pc) =	sbr.rel @p0 .LBB2_93-.Ltmp54, $4  }
0x4ca: {  	vm5 =	veq.s32 v11, v7;
	v10 =	vshrl.u32 v23, $0xC;
	v11 =	vand.u32 $0x7FFFF, v13;
	[tilespmem:v9+s15+$0x0] =	vst.idx.add.s32.msk vm6, v2  }
0x4cb: {  	vm6 =	veq.s32 v12, v7;
	v9 =	vand.u32 $0x7FFFF, v10;
	vm9 =	veq.s32 v11, v7;
	[tilespmem:v14+s15+$0x0] =	vst.idx.add.s32.msk vm10, v2  }
0x4cc: {  	v13 =	vand.u32 $0xFFF, v23;
	v11 =	vand.u32 $0xFFF, v16;
	vm8 =	veq.s32 v9, v7;
	[tilespmem:v15+s15+$0x0] =	vst.idx.add.s32.msk vm7, v2  }
0x4cd: {  	s24 =	sadd.s32 $0x80, s24;
	v12 =	vand.u32 $0xFFF, v17;
	v10 =	vand.u32 $0xFFF, v18;
	v9 =	vand.u32 $0xFFF, v19;
	[tilespmem:v22+s15+$0x0] =	vst.idx.add.s32.msk vm11, v2  }
0x4ce: {  	_ =	sdelay $0x4  }
0x4cf: {  	v7 =	vand.u32 $0xFFF, v8;
	[tilespmem:v13+s15+$0x0] =	vst.idx.add.s32.msk vm8, v2  }
0x4d0: {  	[tilespmem:v11+s15+$0x0] =	vst.idx.add.s32.msk vm3, v2  }
0x4d1: {  	[tilespmem:v12+s15+$0x0] =	vst.idx.add.s32.msk vm4, v2  }
0x4d2: {  	[tilespmem:v10+s15+$0x0] =	vst.idx.add.s32.msk vm5, v2  }
0x4d3: {  	[tilespmem:v9+s15+$0x0] =	vst.idx.add.s32.msk vm6, v2;
	s0 =	simm.s32 $0x0  }
0x4d4: {  	vm7 =	vmmov vm9;
	s25 =	simm.s32 $0x1000;
	s23 =	simm.s32 $0x127F0;
	s24 =	simm.s32 $0x0;
	[tilespmem:v7+s15+$0x0] =	vst.idx.add.s32.msk vm9, v2;
	v7 =	vmov s22  }
.LBB2_95:
0x4d5: {  	v8 =	vld [tilespmem:s23+$0x0];
	_ =	sdelay $0x4  }
0x4d6: {  	v8 =	vperm.xlane v8, v3;
	_ =	sdelay $0x1  }
0x4d7: {  	(xrf0) =	vadd.scan.msk.s32 $0xffff, v8;
	_ =	sdelay $0x5  }
0x4d8: {  	v8, _, _ =	vpop (xrf0)  }
0x4d9: {  	v9 =	vxor.u32 $0x80000000, v8  }
0x4da: {  	(xrf0) =	vmax.scan.msk.u32 $0xffff, v9  }
0x4db: {  	v8 =	vadd.s32 s24, v8  }
0x4dc: {  	vm3 =	vlt.s32 v8, v7  }
0x4dd: {  	v8 =	vsel vm3, $0x80000010, v4;
	_ =	sdelay $0x2  }
0x4de: {  	(xrf0) =	vmin.scan.msk.u32 $0xffff, v8;
	v8, _, _ =	vpop (xrf0)  }
0x4df: {  	(v2sf) =	vpush v8, $0xF;
	_ =	sdelay $0x5  }
0x4e0: {  	v8, _, _ =	vpop (xrf0)  }
0x4e1: {  	(v2sf) =	vpush v8, $0xF;
	_ =	sdelay $0x7  }
0x4e2: {  	s1 =	spop (v2sf)  }
0x4e3: {  	s1 =	sadd.s32 s1, s24  }
0x4e4: {  	s1 =	sadd.s32 $0x80000000, s1  }
0x4e5: {  	p1 =	sge.s32 s1, s22  }
0x4e6: {  	p2 =	sne.s32 @!p1 s25, $0x10  }
0x4e7: {  	p2 =	por p1, !p2  }
.Ltmp55:
0x4e8: {  	_ = 	snop;
	(pc) =	sbr.rel @!p2 .LBB2_95-.Ltmp55, $4  }
0x4e9: {  	s4 =	spop (v2sf)  }
0x4ea: {  	s5 =	smov.u32 s0;
	s31 =	sxor.u32 $0x7FFFFFFF, s4  }
0x4eb: {  	s23 =	sadd.s32 $0xFFFFFFF0, s23;
	p0 =	slt.s32 s1, s22;
	s0 =	sadd.s32 s31, s25  }
0x4ec: {  	s25 =	sadd.s32 $0xFFFFFFF0, s25;
	s24 =	smov.u32 @p0 s1;
	s0 =	smov.u32 @p0 s5  }
0x4ed: {  	p0 =	por $0x1, $0x1  }
0x4ee: {  	s21 =	smov.u32 @p1 s21;
	s0 =	smov.u32 @p1 s0;
	p0 =	por @!p1 p0, p0  }
.LBB2_97:
0x4ef: {  	s22 =	simm.s32 $0x80  }
0x4f0: {  	v8 =	vld [tilespmem:s22+$0xFFFFFF80];
	_ =	sdelay $0x1  }
0x4f1: {  	v9 =	vld [tilespmem:s22+$0xFFFFFF90]  }
0x4f2: {  	s1 =	sshll.u32 s21, $0xC  }
0x4f3: {  	s0 =	sor.u32 s1, s0;
	v10 =	vld [tilespmem:s22+$0xFFFFFFA0]  }
0x4f4: {  	v7 =	vmov s0;
	v8 =	vand.u32 $0x7FFFFFFF, v8  }
0x4f5: {  	v11 =	vld [tilespmem:s22+$0xFFFFFFB0];
	vm3 =	vgt.s32 v8, v7  }
0x4f6: {  	v12 =	vimm.f32 $0.0e+00;
	v9 =	vand.u32 $0x7FFFFFFF, v9;
	v8 =	vnsel vm3, $0x0, v8  }
0x4f7: {  	v61 =	vld [tilespmem:s22+$0xFFFFFFC0];
	vm3 =	vgt.s32 v9, v7;
	v8 =	vadd.f32 v8, v12  }
0x4f8: {  	v10 =	vand.u32 $0x7FFFFFFF, v10;
	v9 =	vnsel vm3, $0x0, v9  }
0x4f9: {  	vm3 =	vgt.s32 v10, v7;
	v8 =	vadd.f32 v9, v8;
	v9 =	vld [tilespmem:s22+$0xFFFFFFD0]  }
0x4fa: {  	v11 =	vand.u32 $0x7FFFFFFF, v11;
	v10 =	vnsel vm3, $0x0, v10  }
0x4fb: {  	vm3 =	vgt.s32 v11, v7;
	v8 =	vadd.f32 v10, v8;
	v10 =	vld [tilespmem:s22+$0xFFFFFFE0]  }
0x4fc: {  	v12 =	vand.u32 $0x7FFFFFFF, v61;
	v11 =	vnsel vm3, $0x0, v11  }
0x4fd: {  	vm3 =	vgt.s32 v12, v7;
	v8 =	vadd.f32 v11, v8;
	v11 =	vld [tilespmem:s22+$0xFFFFFFF0]  }
0x4fe: {  	v12 =	vnsel vm3, $0x0, v12;
	v9 =	vand.u32 $0x7FFFFFFF, v9  }
0x4ff: {  	v62 =	vld [tilespmem:s22+$0x0];
	v8 =	vadd.f32 v12, v8;
	vm3 =	vgt.s32 v9, v7  }
0x500: {  	v9 =	vnsel vm3, $0x0, v9;
	v10 =	vand.u32 $0x7FFFFFFF, v10  }
0x501: {  	v8 =	vadd.f32 v9, v8;
	vm3 =	vgt.s32 v10, v7;
	v9 =	vld [tilespmem:s22+$0x10]  }
0x502: {  	v10 =	vnsel vm3, $0x0, v10;
	v11 =	vand.u32 $0x7FFFFFFF, v11  }
0x503: {  	v8 =	vadd.f32 v10, v8;
	vm3 =	vgt.s32 v11, v7;
	v10 =	vld [tilespmem:s22+$0x20]  }
0x504: {  	v12 =	vand.u32 $0x7FFFFFFF, v62;
	v11 =	vnsel vm3, $0x0, v11  }
0x505: {  	vm3 =	vgt.s32 v12, v7;
	v8 =	vadd.f32 v11, v8;
	v11 =	vld [tilespmem:s22+$0x30]  }
0x506: {  	v12 =	vnsel vm3, $0x0, v12;
	v9 =	vand.u32 $0x7FFFFFFF, v9  }
0x507: {  	v13 =	vld [tilespmem:s22+$0x40];
	v8 =	vadd.f32 v12, v8;
	vm3 =	vgt.s32 v9, v7  }
0x508: {  	v9 =	vnsel vm3, $0x0, v9;
	v10 =	vand.u32 $0x7FFFFFFF, v10  }
0x509: {  	v6 =	vbroadcast v6, $0xF;
	v63 =	vld [tilespmem:s22+$0x50];
	v8 =	vadd.f32 v9, v8;
	vm3 =	vgt.s32 v10, v7  }
0x50a: {  	v9 =	vnsel vm3, $0x0, v10;
	v10 =	vand.u32 $0x7FFFFFFF, v11  }
0x50b: {  	v5 =	vsel vm0, v6, v5;
	v6 =	vld [tilespmem:s22+$0x60];
	v8 =	vadd.f32 v9, v8;
	vm3 =	vgt.s32 v10, v7  }
0x50c: {  	v11 =	vand.u32 $0x7FFFFFFF, v13;
	v9 =	vnsel vm3, $0x0, v10  }
0x50d: {  	vm3 =	vgt.s32 v11, v7;
	v9 =	vadd.f32 v9, v8;
	v8 =	vld [tilespmem:s22+$0x70]  }
0x50e: {  	s21 =	simm.s32 $0x0;
	v10 =	vand.u32 $0x7FFFFFFF, v63;
	v11 =	vnsel vm3, $0x0, v11;
	s22 =	simm.s32 $0x180  }
.LBB2_98:
0x50f: {  	v12 =	vld [tilespmem:s22+$0xFFFFFF80];
	s21 =	sadd.s32 $0x10, s21;
	v9 =	vadd.f32 v11, v9;
	vm3 =	vgt.s32 v10, v7  }
0x510: {  	p1 =	slt.u32 s21, $0x7F0;
	v10 =	vnsel vm3, $0x0, v10;
	v6 =	vand.u32 $0x7FFFFFFF, v6  }
0x511: {  	v11 =	vld [tilespmem:s22+$0xFFFFFF90];
	v9 =	vadd.f32 v10, v9;
	vm3 =	vgt.s32 v6, v7  }
0x512: {  	v6 =	vnsel vm3, $0x0, v6;
	v8 =	vand.u32 $0x7FFFFFFF, v8  }
0x513: {  	v10 =	vld [tilespmem:s22+$0xFFFFFFA0];
	v6 =	vadd.f32 v6, v9;
	vm3 =	vgt.s32 v8, v7  }
0x514: {  	v9 =	vand.u32 $0x7FFFFFFF, v12;
	v8 =	vnsel vm3, $0x0, v8  }
0x515: {  	vm3 =	vgt.s32 v9, v7;
	v12 =	vld [tilespmem:s22+$0xFFFFFFB0];
	v6 =	vadd.f32 v8, v6  }
0x516: {  	v8 =	vnsel vm3, $0x0, v9;
	v9 =	vand.u32 $0x7FFFFFFF, v11  }
0x517: {  	v6 =	vadd.f32 v8, v6;
	vm3 =	vgt.s32 v9, v7;
	v8 =	vld [tilespmem:s22+$0xFFFFFFC0]  }
0x518: {  	v9 =	vnsel vm3, $0x0, v9;
	v10 =	vand.u32 $0x7FFFFFFF, v10  }
0x519: {  	v6 =	vadd.f32 v9, v6;
	vm3 =	vgt.s32 v10, v7;
	v9 =	vld [tilespmem:s22+$0xFFFFFFD0]  }
0x51a: {  	v10 =	vnsel vm3, $0x0, v10;
	v11 =	vand.u32 $0x7FFFFFFF, v12  }
0x51b: {  	v6 =	vadd.f32 v10, v6;
	vm3 =	vgt.s32 v11, v7;
	v10 =	vld [tilespmem:s22+$0xFFFFFFE0]  }
0x51c: {  	v11 =	vnsel vm3, $0x0, v11;
	v8 =	vand.u32 $0x7FFFFFFF, v8  }
0x51d: {  	v6 =	vadd.f32 v11, v6;
	vm3 =	vgt.s32 v8, v7;
	v11 =	vld [tilespmem:s22+$0xFFFFFFF0]  }
0x51e: {  	v8 =	vnsel vm3, $0x0, v8;
	v9 =	vand.u32 $0x7FFFFFFF, v9  }
0x51f: {  	v6 =	vadd.f32 v8, v6;
	vm3 =	vgt.s32 v9, v7;
	v8 =	vld [tilespmem:s22+$0x0]  }
0x520: {  	v9 =	vnsel vm3, $0x0, v9;
	v10 =	vand.u32 $0x7FFFFFFF, v10  }
0x521: {  	v6 =	vadd.f32 v9, v6;
	vm3 =	vgt.s32 v10, v7;
	v9 =	vld [tilespmem:s22+$0x10]  }
0x522: {  	v10 =	vnsel vm3, $0x0, v10;
	v11 =	vand.u32 $0x7FFFFFFF, v11  }
0x523: {  	v6 =	vadd.f32 v10, v6;
	vm3 =	vgt.s32 v11, v7;
	v10 =	vld [tilespmem:s22+$0x20]  }
0x524: {  	v11 =	vnsel vm3, $0x0, v11;
	v8 =	vand.u32 $0x7FFFFFFF, v8  }
0x525: {  	v6 =	vadd.f32 v11, v6;
	vm3 =	vgt.s32 v8, v7;
	v11 =	vld [tilespmem:s22+$0x30]  }
0x526: {  	v8 =	vnsel vm3, $0x0, v8;
	v9 =	vand.u32 $0x7FFFFFFF, v9  }
0x527: {  	v6 =	vadd.f32 v8, v6;
	vm3 =	vgt.s32 v9, v7;
	v8 =	vld [tilespmem:s22+$0x40]  }
0x528: {  	v9 =	vnsel vm3, $0x0, v9;
	v10 =	vand.u32 $0x7FFFFFFF, v10  }
0x529: {  	v6 =	vadd.f32 v9, v6;
	vm3 =	vgt.s32 v10, v7;
	v12 =	vld [tilespmem:s22+$0x50]  }
.Ltmp56:
0x52a: {  	v9 =	vnsel vm3, $0x0, v10;
	v10 =	vand.u32 $0x7FFFFFFF, v11;
	(pc) =	sbr.rel @p1 .LBB2_98-.Ltmp56, $4  }
0x52b: {  	v9 =	vadd.f32 v9, v6;
	vm3 =	vgt.s32 v10, v7;
	v6 =	vld [tilespmem:s22+$0x60]  }
0x52c: {  	v10 =	vnsel vm3, $0x0, v10;
	v11 =	vand.u32 $0x7FFFFFFF, v8  }
0x52d: {  	v9 =	vadd.f32 v10, v9;
	vm3 =	vgt.s32 v11, v7;
	v8 =	vld [tilespmem:s22+$0x70]  }
0x52e: {  	s22 =	sadd.s32 $0x100, s22;
	v11 =	vnsel vm3, $0x0, v11;
	v10 =	vand.u32 $0x7FFFFFFF, v12  }
0x52f: {  	v9 =	vadd.f32 v11, v9;
	vm3 =	vgt.s32 v10, v7  }
0x530: {  	v10 =	vnsel vm3, $0x0, v10;
	v6 =	vand.u32 $0x7FFFFFFF, v6  }
0x531: {  	v9 =	vadd.f32 v10, v9;
	vm3 =	vgt.s32 v6, v7  }
0x532: {  	v6 =	vnsel vm3, $0x0, v6;
	v8 =	vand.u32 $0x7FFFFFFF, v8  }
0x533: {  	v6 =	vadd.f32 v6, v9;
	vm3 =	vgt.s32 v8, v7  }
0x534: {  	v7 =	vnsel vm3, $0x0, v8  }
0x535: {  	v6 =	vadd.f32 v7, v6;
	_ =	sdelay $0x1  }
0x536: {  	(xrf2) =	vadd.scan.msk.f32 $0xffff, v6;
	_ =	sdelay $0x2  }
0x537: {  	s0 =	sadd.s32 $0x1, s20  }
0x538: {  	s21 =	sand.u32 $0x3FC, s0  }
0x539: {  	p1 =	seq.s32 s21, $0x0  }
.Ltmp57:
0x53a: {  	_ = 	snop;
	(pc) =	sbr.rel @p1 .LBB2_103-.Ltmp57, $2  }
0x53b: {  	_ =	sdelay $0x2  }
0x53c: {  	v6, _, _ =	vpop (xrf2)  }
0x53d: {  	p1 =	sgt.u32 s21, $0x4  }
.Ltmp58:
0x53e: {  	_ = 	snop;
	(pc) =	sbr.rel @!p1 .LBB2_102-.Ltmp58, $4  }
0x53f: {  	s22 =	simm.s32 $0x10020  }
0x540: {  	[tilespmem:s22+$0xFFFFFFE0] =	vst v1  }
0x541: {  	[tilespmem:s22+$0x10] =	vst v1  }
0x542: {  	s23 =	simm.s32 $0x4;
	[tilespmem:s22+$0x0] =	vst v1  }
.LBB2_101:
0x543: {  	s23 =	sadd.s32 $0x4, s23  }
0x544: {  	[tilespmem:s22+$0xFFFFFFF0] =	vst v1;
	s22 =	sadd.s32 $0x40, s22;
	p1 =	slt.u32 s23, s21  }
.Ltmp59:
0x545: {  	[tilespmem:s22+$0xFFFFFFE0] =	vst v1;
	(pc) =	sbr.rel @p1 .LBB2_101-.Ltmp59, $3  }
0x546: {  	_ =	sdelay $0x1  }
0x547: {  	[tilespmem:s22+$0x10] =	vst v1  }
0x548: {  	[tilespmem:s22+$0x0] =	vst v1  }
.LBB2_102:
0x549: {  	[tilespmem:s22+$0xFFFFFFF0] =	vst v1  }
.LBB2_103:
0x54a: {  	p1 =	sle.u32 s21, s20  }
.Ltmp60:
0x54b: {  	_ = 	snop;
	(pc) =	sbr.rel @!p1 .LBB2_104-.Ltmp60, $1  }
0x54c: {  	_ =	sdelay $0x3  }
0x54d: {  	s0 =	sshll.u32 s0, $0x4  }
0x54e: {  	s1 =	ssub.s32 s20, s21;
	s4 =	sand.u32 $0x3FC0, s0  }
0x54f: {  	s0 =	sadd.s32 $0x1, s1;
	s20 =	sor.u32 $0x10000, s4  }
.LBB2_121:
0x550: {  	p1 =	seq.s32 s0, $0x1  }
.Ltmp61:
0x551: {  	_ = 	snop;
	(pc) =	sbr.rel @!p1 .LBB2_121-.Ltmp61, $2  }
0x552: {  	_ =	sdelay $0x2  }
0x553: {  	[tilespmem:s20+$0x0] =	vst v1;
	s20 =	sadd.s32 $0x10, s20;
	s0 =	sadd.s32 $0xFFFFFFFF, s0  }
.LBB2_104:
0x554: {  	s0 =	simm.s32 $0x11020  }
0x555: {  	[tilespmem:s0+$0xFFFFFFE0] =	vst v1  }
0x556: {  	[tilespmem:s0+$0x10] =	vst v1  }
0x557: {  	s20 =	simm.s32 $0x0;
	[tilespmem:s0+$0x0] =	vst v1  }
.LBB2_105:
0x558: {  	s20 =	sadd.s32 $0x4, s20  }
0x559: {  	[tilespmem:s0+$0xFFFFFFF0] =	vst v1;
	s0 =	sadd.s32 $0x40, s0;
	p1 =	slt.u32 s20, $0x7C  }
.Ltmp62:
0x55a: {  	[tilespmem:s0+$0xFFFFFFE0] =	vst v1;
	(pc) =	sbr.rel @p1 .LBB2_105-.Ltmp62, $3  }
0x55b: {  	_ =	sdelay $0x1  }
0x55c: {  	[tilespmem:s0+$0x10] =	vst v1  }
0x55d: {  	[tilespmem:s0+$0x0] =	vst v1  }
.Ltmp63:
0x55e: {  	(pc) =	sbr.rel @!p0 .LBB2_110-.Ltmp63, $2  }
0x55f: {  	_ =	sdelay $0x2  }
0x560: {  	[tilespmem:s0+$0xFFFFFFF0] =	vst v1  }
0x561: {  	s0 =	simm.s32 $0x11820  }
0x562: {  	[tilespmem:s0+$0xFFFFFFE0] =	vst v1  }
0x563: {  	[tilespmem:s0+$0x10] =	vst v1  }
0x564: {  	s20 =	simm.s32 $0x0;
	[tilespmem:s0+$0x0] =	vst v1  }
.LBB2_108:
0x565: {  	s20 =	sadd.s32 $0x4, s20  }
0x566: {  	[tilespmem:s0+$0xFFFFFFF0] =	vst v1;
	s0 =	sadd.s32 $0x40, s0;
	p0 =	slt.u32 s20, $0xFC  }
.Ltmp64:
0x567: {  	[tilespmem:s0+$0xFFFFFFE0] =	vst v1;
	(pc) =	sbr.rel @p0 .LBB2_108-.Ltmp64, $3  }
0x568: {  	_ =	sdelay $0x1  }
0x569: {  	[tilespmem:s0+$0x10] =	vst v1  }
0x56a: {  	[tilespmem:s0+$0x0] =	vst v1  }
0x56b: {  	[tilespmem:s0+$0xFFFFFFF0] =	vst v1  }
.LBB2_110:
0x56c: {  	_ =	swait.ge [sflag:s16], $0x8000  }
0x56d: {  	[sflag:s16] =	ssyncset.done $0x0  }
0x56e: {  	s20 =	simm.s32 $0x8080;
	[sflag:s16] =	ssyncadd.s32 $0xFFFF8000  }
0x56f: {  	v9 =	vld [tilespmem:s20+$0x20]  }
0x570: {  	v14 =	vld [tilespmem:s20+$0xFFFFFFB0]  }
0x571: {  	v15 =	vld [tilespmem:s20+$0xFFFFFFA0]  }
0x572: {  	v11 =	vld [tilespmem:s20+$0x30]  }
0x573: {  	v12 =	vld [tilespmem:s20+$0x10]  }
0x574: {  	v8 =	vld [tilespmem:s20+$0x50]  }
0x575: {  	v16 =	vld [tilespmem:s20+$0xFFFFFF80];
	_ =	sdelay $0x1  }
0x576: {  	v7 =	vld [tilespmem:s20+$0x40]  }
0x577: {  	v13 =	vimm.s32 $0x0;
	v10 =	vshrl.u32 v9, $0x13;
	v19 =	vshrl.u32 v11, $0x13  }
0x578: {  	v17 =	vld [tilespmem:s20+$0xFFFFFF90];
	v22 =	vand.u32 $0x7FFFFFFF, v14;
	v20 =	vand.u32 $0x7FFFFFFF, v15;
	v21 =	vshrl.u32 v12, $0x13  }
0x579: {  	v24 =	vshrl.u32 v8, $0x13;
	v25 =	vand.u32 $0x7FFFFFFF, v16;
	v16 =	vshrl.u32 v16, $0x13  }
0x57a: {  	v15 =	vshrl.u32 v15, $0x13;
	v18 =	vand.u32 $0xFF0, v10;
	v23 =	vand.u32 $0xFF0, v19  }
0x57b: {  	v27 =	vld [tilespmem:s20+$0xFFFFFFD0];
	v19 =	vand.u32 $0xFF0, v21;
	v21 =	vshrl.u32 v7, $0x13;
	v24 =	vand.u32 $0xFF0, v24  }
0x57c: {  	v28 =	vld [tilespmem:s20+$0xFFFFFFE0];
	v26 =	vand.u32 $0xFF0, v16;
	vm3 =	vgt.s32 v13, v25;
	v15 =	vand.u32 $0xFF0, v15  }
0x57d: {  	v30 =	vld [tilespmem:s20+$0xFFFFFFF0];
	v18 =	vor.u32 v0, v18;
	v25 =	vsel vm3, v13, v25;
	v13 =	vshrl.u32 v17, $0x13  }
0x57e: {  	v33 =	vld [tilespmem:s20+$0xFFFFFFC0];
	v24 =	vor.u32 v0, v24;
	v31 =	vor.u32 v0, v19;
	v13 =	vand.u32 $0xFF0, v13  }
0x57f: {  	v10 =	vld [tilespmem:s20+$0x60];
	v17 =	vand.u32 $0x7FFFFFFF, v17;
	v32 =	vor.u32 v0, v13;
	v13 =	vshrl.u32 v14, $0x13  }
0x580: {  	v16 =	vand.u32 $0xFF0, v21;
	v23 =	vor.u32 v0, v23;
	v14 =	vld [tilespmem:s20+$0x0];
	v13 =	vand.u32 $0xFF0, v13  }
0x581: {  	v26 =	vor.u32 v0, v26;
	v19 =	vshrl.u32 v28, $0x13;
	v35 =	vor.u32 v0, v13;
	v13 =	vld [tilespmem:s20+$0x70]  }
0x582: {  	v34 =	vor.u32 v0, v16;
	v16 =	vand.u32 $0x7FFFFFFF, v27;
	v21 =	vand.u32 $0xFF0, v19;
	[tilespmem:v18+s13+$0x0] =	vst.idx.add.s32.msk $0xffff, v2  }
0x583: {  	v19 =	vand.u32 $0x7FFFFFFF, v30;
	v30 =	vshrl.u32 v30, $0x13;
	v17 =	vmax.u32 v25, v17;
	[tilespmem:v31+s13+$0x0] =	vst.idx.add.s32.msk $0xffff, v2  }
0x584: {  	v25 =	vshrl.u32 v33, $0x13;
	v61 =	vor.u32 v0, v21;
	v29 =	vshrl.u32 v10, $0x13;
	[tilespmem:v24+s13+$0x0] =	vst.idx.add.s32.msk $0xffff, v2  }
0x585: {  	v27 =	vshrl.u32 v27, $0x13;
	v63 =	vmax.u32 v17, v20;
	v29 =	vand.u32 $0xFF0, v29;
	[tilespmem:v23+s13+$0x0] =	vst.idx.add.s32.msk $0xffff, v2  }
0x586: {  	v20 =	vor.u32 v0, v15;
	v15 =	vand.u32 $0xFF0, v25;
	[tilespmem:v26+s13+$0x0] =	vst.idx.add.s32.msk $0xffff, v2;
	v29 =	vor.u32 v0, v29  }
0x587: {  	v27 =	vand.u32 $0xFF0, v27;
	[tilespmem:v34+s13+$0x0] =	vst.idx.add.s32.msk $0xffff, v2;
	v21 =	vand.u32 $0x7FFFFFFF, v14;
	v14 =	vshrl.u32 v14, $0x13  }
0x588: {  	v25 =	vand.u32 $0x7FFFFFFF, v33;
	[tilespmem:v32+s13+$0x0] =	vst.idx.add.s32.msk $0xffff, v2;
	v62 =	vand.u32 $0xFF0, v14;
	v14 =	vand.u32 $0xFF0, v30  }
0x589: {  	v15 =	vor.u32 v0, v15;
	[tilespmem:v61+s13+$0x0] =	vst.idx.add.s32.msk $0xffff, v2;
	v24 =	vshrl.u32 v13, $0x13;
	v14 =	vor.u32 v0, v14  }
0x58a: {  	[tilespmem:v35+s13+$0x0] =	vst.idx.add.s32.msk $0xffff, v2;
	v17 =	vor.u32 v0, v62;
	v23 =	vand.u32 $0xFF0, v24;
	v24 =	vmax.u32 v63, v22  }
0x58b: {  	s21 =	simm.s32 $0x8180;
	s20 =	simm.s32 $0x0;
	v18 =	vand.u32 $0x7FFFFFFF, v28;
	v22 =	vor.u32 v0, v27;
	[tilespmem:v29+s13+$0x0] =	vst.idx.add.s32.msk $0xffff, v2;
	v23 =	vor.u32 v0, v23  }
.LBB2_111:
0x58c: {  	v26 =	vld [tilespmem:s21+$0x20];
	s20 =	sadd.s32 $0x10, s20;
	v24 =	vmax.u32 v24, v25  }
0x58d: {  	v25 =	vld [tilespmem:s21+$0xFFFFFFB0];
	p0 =	slt.u32 s20, $0x7F0;
	v16 =	vmax.u32 v24, v16  }
0x58e: {  	v24 =	vld [tilespmem:s21+$0xFFFFFFA0];
	v16 =	vmax.u32 v16, v18  }
0x58f: {  	v12 =	vand.u32 $0x7FFFFFFF, v12;
	v18 =	vld [tilespmem:s21+$0xFFFFFF90];
	v16 =	vmax.u32 v16, v19  }
0x590: {  	v19 =	vld [tilespmem:s21+$0x30];
	v16 =	vmax.u32 v16, v21;
	v21 =	vand.u32 $0x7FFFFFFF, v9  }
0x591: {  	v11 =	vand.u32 $0x7FFFFFFF, v11;
	v27 =	vld [tilespmem:s21+$0xFFFFFF80];
	v12 =	vmax.u32 v16, v12;
	v9 =	vmov v26  }
0x592: {  	v16 =	vmax.u32 v12, v21;
	v21 =	vand.u32 $0x7FFFFFFF, v7;
	v7 =	vld [tilespmem:s21+$0x40]  }
0x593: {  	v12 =	vld [tilespmem:s21+$0x10];
	v29 =	vmax.u32 v16, v11;
	v16 =	vand.u32 $0x7FFFFFFF, v10  }
0x594: {  	v10 =	vshrl.u32 v9, $0x13;
	[tilespmem:v20+s13+$0x0] =	vst.idx.add.s32.msk $0xffff, v2;
	v28 =	vmax.u32 v29, v21;
	v20 =	vand.u32 $0x7FFFFFFF, v8  }
0x595: {  	v21 =	vand.u32 $0xFF0, v10;
	v26 =	vshrl.u32 v19, $0x13;
	v8 =	vld [tilespmem:s21+$0x50];
	v20 =	vmax.u32 v28, v20;
	v11 =	vmovc v19  }
0x596: {  	v13 =	vand.u32 $0x7FFFFFFF, v13;
	v10 =	vld [tilespmem:s21+$0x60];
	v16 =	vmax.u32 v20, v16  }
0x597: {  	[tilespmem:v23+s13+$0x0] =	vst.idx.add.s32.msk $0xffff, v2;
	v13 =	vmax.u32 v16, v13  }
0x598: {  	v28 =	vand.u32 $0x7FFFFFFF, v25;
	v19 =	vor.u32 v0, v21;
	[tilespmem:v17+s13+$0x0] =	vst.idx.add.s32.msk $0xffff, v2  }
0x599: {  	v20 =	vand.u32 $0xFF0, v26;
	v17 =	vand.u32 $0x7FFFFFFF, v24;
	v16 =	vshrl.u32 v12, $0x13;
	[tilespmem:v22+s13+$0x0] =	vst.idx.add.s32.msk $0xffff, v2  }
0x59a: {  	v21 =	vshrl.u32 v7, $0x13;
	v16 =	vand.u32 $0xFF0, v16;
	v22 =	vshrl.u32 v8, $0x13;
	[tilespmem:v14+s13+$0x0] =	vst.idx.add.s32.msk $0xffff, v2  }
0x59b: {  	v23 =	vshrl.u32 v27, $0x13;
	v14 =	vand.u32 $0x7FFFFFFF, v27;
	v22 =	vand.u32 $0xFF0, v22;
	[tilespmem:v15+s13+$0x0] =	vst.idx.add.s32.msk $0xffff, v2  }
0x59c: {  	v15 =	vand.u32 $0xFF0, v23;
	vm3 =	vgt.s32 v13, v14;
	v23 =	vld [tilespmem:s21+$0xFFFFFFD0];
	v22 =	vor.u32 v0, v22  }
0x59d: {  	v27 =	vshrl.u32 v10, $0x13;
	v14 =	vsel vm3, v13, v14;
	v13 =	vshrl.u32 v18, $0x13;
	v26 =	vld [tilespmem:s21+$0xFFFFFFE0]  }
0x59e: {  	v29 =	vand.u32 $0x7FFFFFFF, v18;
	v31 =	vor.u32 v0, v16;
	v13 =	vand.u32 $0xFF0, v13;
	v30 =	vld [tilespmem:s21+$0xFFFFFFF0]  }
0x59f: {  	v16 =	vand.u32 $0xFF0, v21;
	v32 =	vor.u32 v0, v13;
	v13 =	vshrl.u32 v25, $0x13;
	v25 =	vld [tilespmem:s21+$0x0]  }
0x5a0: {  	v24 =	vshrl.u32 v24, $0x13;
	v34 =	vor.u32 v0, v16;
	v13 =	vand.u32 $0xFF0, v13;
	v33 =	vld [tilespmem:s21+$0xFFFFFFC0]  }
0x5a1: {  	v27 =	vand.u32 $0xFF0, v27;
	v35 =	vor.u32 v0, v13;
	v16 =	vand.u32 $0x7FFFFFFF, v23;
	[tilespmem:v19+s13+$0x0] =	vst.idx.add.s32.msk $0xffff, v2  }
0x5a2: {  	v36 =	vor.u32 v0, v15;
	v18 =	vand.u32 $0x7FFFFFFF, v26;
	v15 =	vshrl.u32 v26, $0x13;
	v13 =	vld [tilespmem:s21+$0x70]  }
0x5a3: {  	v26 =	vor.u32 v0, v20;
	v15 =	vand.u32 $0xFF0, v15;
	v19 =	vand.u32 $0x7FFFFFFF, v30;
	[tilespmem:v31+s13+$0x0] =	vst.idx.add.s32.msk $0xffff, v2  }
0x5a4: {  	v27 =	vor.u32 v0, v27;
	[tilespmem:v32+s13+$0x0] =	vst.idx.add.s32.msk $0xffff, v2;
	v15 =	vor.u32 v0, v15;
	v21 =	vand.u32 $0x7FFFFFFF, v25  }
0x5a5: {  	v20 =	vand.u32 $0xFF0, v24;
	v24 =	vshrl.u32 v30, $0x13;
	v25 =	vshrl.u32 v25, $0x13;
	[tilespmem:v34+s13+$0x0] =	vst.idx.add.s32.msk $0xffff, v2  }
0x5a6: {  	v14 =	vmax.u32 v14, v29;
	v29 =	vshrl.u32 v33, $0x13;
	v25 =	vand.u32 $0xFF0, v25;
	[tilespmem:v35+s13+$0x0] =	vst.idx.add.s32.msk $0xffff, v2  }
.Ltmp65:
0x5a7: {  	v30 =	vmax.u32 v14, v17;
	v14 =	vand.u32 $0xFF0, v24;
	[tilespmem:v22+s13+$0x0] =	vst.idx.add.s32.msk $0xffff, v2;
	v22 =	vshrl.u32 v13, $0x13;
	(pc) =	sbr.rel @p0 .LBB2_111-.Ltmp65, $4  }
0x5a8: {  	v23 =	vshrl.u32 v23, $0x13;
	v20 =	vor.u32 v0, v20;
	v14 =	vor.u32 v0, v14;
	[tilespmem:v26+s13+$0x0] =	vst.idx.add.s32.msk $0xffff, v2  }
0x5a9: {  	v24 =	vand.u32 $0xFF0, v29;
	v17 =	vor.u32 v0, v25;
	v22 =	vand.u32 $0xFF0, v22;
	[tilespmem:v15+s13+$0x0] =	vst.idx.add.s32.msk $0xffff, v2  }
0x5aa: {  	v26 =	vand.u32 $0xFF0, v23;
	v15 =	vor.u32 v0, v24;
	v23 =	vor.u32 v0, v22;
	[tilespmem:v27+s13+$0x0] =	vst.idx.add.s32.msk $0xffff, v2  }
0x5ab: {  	s21 =	sadd.s32 $0x100, s21;
	v25 =	vand.u32 $0x7FFFFFFF, v33;
	v24 =	vmax.u32 v30, v28;
	v22 =	vor.u32 v0, v26;
	[tilespmem:v36+s13+$0x0] =	vst.idx.add.s32.msk $0xffff, v2  }
0x5ac: {  	v24 =	vmax.u32 v24, v25  }
0x5ad: {  	v16 =	vmax.u32 v24, v16  }
0x5ae: {  	v16 =	vmax.u32 v16, v18  }
0x5af: {  	v16 =	vmax.u32 v16, v19  }
0x5b0: {  	v12 =	vand.u32 $0x7FFFFFFF, v12;
	v16 =	vmax.u32 v16, v21  }
0x5b1: {  	v9 =	vand.u32 $0x7FFFFFFF, v9;
	v12 =	vmax.u32 v16, v12  }
0x5b2: {  	v11 =	vand.u32 $0x7FFFFFFF, v11;
	v9 =	vmax.u32 v12, v9  }
0x5b3: {  	v7 =	vand.u32 $0x7FFFFFFF, v7;
	v9 =	vmax.u32 v9, v11  }
0x5b4: {  	v8 =	vand.u32 $0x7FFFFFFF, v8;
	v7 =	vmax.u32 v9, v7  }
0x5b5: {  	v63 =	vand.u32 $0x7FFFFFFF, v10;
	v7 =	vmax.u32 v7, v8  }
0x5b6: {  	v8 =	vand.u32 $0x7FFFFFFF, v13;
	v7 =	vmax.u32 v7, v63  }
0x5b7: {  	v7 =	vmax.u32 v7, v8  }
0x5b8: {  	v7 =	vxor.u32 $0x80000000, v7  }
0x5b9: {  	(xrf0) =	vmax.scan.msk.u32 $0xffff, v7;
	_ =	sdelay $0x5  }
0x5ba: {  	v7, _, _ =	vpop (xrf0)  }
0x5bb: {  	(v2sf) =	vpush v7, $0xF;
	_ =	sdelay $0xd  }
0x5bc: {  	[tilespmem:v20+s13+$0x0] =	vst.idx.add.s32.msk $0xffff, v2  }
0x5bd: {  	[tilespmem:v23+s13+$0x0] =	vst.idx.add.s32.msk $0xffff, v2;
	s0 =	spop (v2sf)  }
0x5be: {  	[tilespmem:v17+s13+$0x0] =	vst.idx.add.s32.msk $0xffff, v2;
	s0 =	sshrl.u32 s0, $0x17  }
0x5bf: {  	[tilespmem:v22+s13+$0x0] =	vst.idx.add.s32.msk $0xffff, v2;
	s20 =	sxor.u32 $0x100, s0  }
0x5c0: {  	[tilespmem:v14+s13+$0x0] =	vst.idx.add.s32.msk $0xffff, v2;
	s23 =	simm.s32 $0x0;
	s22 =	simm.s32 $0x0;
	s0 =	sshll.u32 s20, $0x4  }
0x5c1: {  	[tilespmem:v15+s13+$0x0] =	vst.idx.add.s32.msk $0xffff, v2;
	s21 =	simm.s32 $0x0;
	s24 =	smov.u32 s20;
	s0 =	sor.u32 $0x10000, s0  }
.LBB2_113:
0x5c2: {  	v7 =	vld [tilespmem:s0+$0x0];
	_ =	sdelay $0x4  }
0x5c3: {  	(xrf0) =	vadd.scan.msk.s32 $0xffff, v7;
	_ =	sdelay $0x5  }
0x5c4: {  	v7, _, _ =	vpop (xrf0)  }
0x5c5: {  	(v2sf) =	vpush v7, $0xF;
	_ =	sdelay $0xe  }
0x5c6: {  	s1 =	spop (v2sf)  }
0x5c7: {  	s1 =	sadd.s32 s23, s1  }
0x5c8: {  	p2 =	sne.s32 s24, $0x0;
	p0 =	sgt.s32 s1, $0xCCC  }
0x5c9: {  	p0 =	por p0, !p2  }
.Ltmp66:
0x5ca: {  	_ = 	snop;
	(pc) =	sbr.rel @!p0 .LBB2_113-.Ltmp66, $4  }
0x5cb: {  	s4 =	smov.u32 s21  }
0x5cc: {  	s5 =	smov.u32 s22;
	s21 =	smov.u32 s24;
	s22 =	smov.u32 s23  }
0x5cd: {  	s24 =	sadd.s32 $0xFFFFFFFF, s24;
	s0 =	sadd.s32 $0xFFFFFFF0, s0;
	p1 =	slt.s32 s1, $0xCCD  }
0x5ce: {  	s21 =	smov.u32 @p1 s4;
	s22 =	smov.u32 @p1 s5;
	s23 =	smov.u32 @p1 s1  }
0x5cf: {  	s23 =	simm.s32 $0x8080  }
0x5d0: {  	v8 =	vld [tilespmem:s23+$0xFFFFFF80]  }
0x5d1: {  	v9 =	vld [tilespmem:s23+$0x10]  }
0x5d2: {  	v10 =	vld [tilespmem:s23+$0xFFFFFFD0]  }
0x5d3: {  	v11 =	vld [tilespmem:s23+$0xFFFFFFF0]  }
0x5d4: {  	v13 =	vld [tilespmem:s23+$0x0]  }
0x5d5: {  	v16 =	vld [tilespmem:s23+$0x30]  }
0x5d6: {  	v23 =	vld [tilespmem:s23+$0xFFFFFFA0]  }
0x5d7: {  	v7 =	vmov s21;
	v12 =	vld [tilespmem:s23+$0x20]  }
0x5d8: {  	v14 =	vshrl.u32 v8, $0x17;
	v8 =	vshrl.u32 v8, $0xC;
	v17 =	vshrl.u32 v11, $0x17  }
0x5d9: {  	v15 =	vld [tilespmem:s23+$0xFFFFFFE0];
	v21 =	vshrl.u32 v9, $0xC;
	v22 =	vshrl.u32 v9, $0x17;
	v9 =	vshrl.u32 v11, $0xC  }
0x5da: {  	v26 =	vshrl.u32 v13, $0x17;
	v27 =	vshrl.u32 v16, $0x17;
	v11 =	vshrl.u32 v10, $0x17  }
0x5db: {  	v24 =	vld [tilespmem:s23+$0xFFFFFF90];
	v28 =	vshrl.u32 v10, $0xC;
	v10 =	vshrl.u32 v23, $0x17;
	v14 =	vand.u32 $0xFF, v14  }
0x5dc: {  	v19 =	vand.u32 $0x7FF, v8;
	v8 =	vshrl.u32 v12, $0x17;
	v12 =	vshrl.u32 v12, $0xC  }
0x5dd: {  	v26 =	vand.u32 $0xFF, v26;
	vm3 =	veq.s32 v14, v7;
	v14 =	vshrl.u32 v13, $0xC  }
0x5de: {  	v25 =	vand.u32 $0xFF, v8;
	v8 =	vshrl.u32 v15, $0xC;
	v15 =	vshrl.u32 v15, $0x17  }
0x5df: {  	v20 =	vld [tilespmem:s23+$0xFFFFFFB0];
	v13 =	vshrl.u32 v16, $0xC;
	v16 =	vand.u32 $0xFF, v11;
	v29 =	vand.u32 $0x7FF, v12  }
0x5e0: {  	v12 =	vshrl.u32 v24, $0x17;
	v18 =	vand.u32 $0x7FF, v13;
	vm4 =	veq.s32 v16, v7  }
0x5e1: {  	v16 =	vand.u32 $0x7FF, v21;
	v21 =	vshrl.u32 v23, $0xC;
	v23 =	vshrl.u32 v24, $0xC;
	v13 =	vld [tilespmem:s23+$0xFFFFFFC0]  }
0x5e2: {  	vm7 =	veq.s32 v25, v7;
	v24 =	vand.u32 $0xFF, v10;
	v10 =	vand.u32 $0xFF, v27  }
0x5e3: {  	v12 =	vand.u32 $0xFF, v12;
	v25 =	vand.u32 $0xFF, v22;
	v22 =	vld [tilespmem:s23+$0x40];
	vm8 =	veq.s32 v10, v7  }
0x5e4: {  	v11 =	vshrl.u32 v20, $0xC;
	vm5 =	veq.s32 v12, v7;
	v12 =	vand.u32 $0x7FF, v23;
	v23 =	vld [tilespmem:s23+$0x50]  }
0x5e5: {  	vm10 =	veq.s32 v26, v7;
	v15 =	vand.u32 $0xFF, v15;
	v10 =	vand.u32 $0x7FF, v21;
	v21 =	vld [tilespmem:s23+$0x60]  }
0x5e6: {  	[tilespmem:v19+s14+$0x0] =	vst.idx.add.s32.msk vm3, v2;
	v19 =	vshrl.u32 v20, $0x17;
	vm3 =	veq.s32 v24, v7;
	v24 =	vshrl.u32 v13, $0x17  }
0x5e7: {  	vm9 =	veq.s32 v25, v7;
	v20 =	vld [tilespmem:s23+$0x70];
	v19 =	vand.u32 $0xFF, v19;
	v24 =	vand.u32 $0xFF, v24  }
0x5e8: {  	s24 =	simm.s32 $0x8180;
	s23 =	simm.s32 $0x0;
	[tilespmem:v29+s14+$0x0] =	vst.idx.add.s32.msk vm7, v2;
	vm6 =	veq.s32 v19, v7;
	v19 =	vand.u32 $0xFF, v17;
	v17 =	vand.u32 $0x7FF, v28  }
.LBB2_115:
0x5e9: {  	s23 =	sadd.s32 $0x10, s23;
	vm7 =	veq.s32 v24, v7;
	[tilespmem:v18+s14+$0x0] =	vst.idx.add.s32.msk vm8, v2  }
0x5ea: {  	v14 =	vand.u32 $0x7FF, v14;
	v24 =	vld [tilespmem:s24+$0xFFFFFFA0];
	p0 =	slt.u32 s23, $0x7F0;
	v18 =	vshrl.u32 v23, $0x17;
	v23 =	vshrl.u32 v23, $0xC  }
0x5eb: {  	v25 =	vld [tilespmem:s24+$0xFFFFFF80];
	v18 =	vand.u32 $0xFF, v18;
	v26 =	vshrl.u32 v21, $0x17;
	v21 =	vshrl.u32 v21, $0xC  }
0x5ec: {  	v27 =	vld [tilespmem:s24+$0xFFFFFF90];
	v28 =	vshrl.u32 v22, $0x17;
	v22 =	vshrl.u32 v22, $0xC;
	v26 =	vand.u32 $0xFF, v26  }
0x5ed: {  	vm11 =	veq.s32 v18, v7;
	[tilespmem:v16+s14+$0x0] =	vst.idx.add.s32.msk vm9, v2;
	v16 =	vand.u32 $0xFF, v28;
	vm9 =	veq.s32 v26, v7  }
0x5ee: {  	v21 =	vand.u32 $0x7FF, v21;
	v18 =	vld [tilespmem:s24+$0x10];
	vm8 =	veq.s32 v16, v7;
	v16 =	vand.u32 $0x7FF, v23  }
0x5ef: {  	v22 =	vand.u32 $0x7FF, v22;
	[tilespmem:v14+s14+$0x0] =	vst.idx.add.s32.msk vm10, v2  }
0x5f0: {  	v23 =	vld [tilespmem:s24+$0xFFFFFFB0]  }
0x5f1: {  	v14 =	vshrl.u32 v20, $0x17;
	v20 =	vshrl.u32 v20, $0xC;
	v26 =	vld [tilespmem:s24+$0xFFFFFFD0]  }
0x5f2: {  	v28 =	vshrl.u32 v25, $0x17;
	v25 =	vshrl.u32 v25, $0xC;
	v14 =	vand.u32 $0xFF, v14;
	v29 =	vld [tilespmem:s24+$0xFFFFFFE0]  }
0x5f3: {  	v13 =	vshrl.u32 v13, $0xC;
	v28 =	vand.u32 $0xFF, v28;
	vm12 =	veq.s32 v14, v7;
	v30 =	vld [tilespmem:s24+$0xFFFFFFF0]  }
0x5f4: {  	vm13 =	veq.s32 v19, v7;
	v13 =	vand.u32 $0x7FF, v13;
	v14 =	vand.u32 $0x7FF, v20;
	v31 =	vld [tilespmem:s24+$0x0]  }
0x5f5: {  	v9 =	vand.u32 $0x7FF, v9;
	v19 =	vld [tilespmem:s24+$0x20]  }
0x5f6: {  	[tilespmem:v16+s14+$0x0] =	vst.idx.add.s32.msk vm11, v2  }
0x5f7: {  	v20 =	vand.u32 $0x7FF, v8;
	v16 =	vld [tilespmem:s24+$0x30]  }
0x5f8: {  	v11 =	vand.u32 $0x7FF, v11;
	vm11 =	veq.s32 v15, v7;
	v32 =	vshrl.u32 v30, $0x17;
	[tilespmem:v17+s14+$0x0] =	vst.idx.add.s32.msk vm4, v2  }
0x5f9: {  	vm10 =	veq.s32 v28, v7;
	v15 =	vand.u32 $0x7FF, v25;
	v17 =	vshrl.u32 v18, $0xC;
	[tilespmem:v14+s14+$0x0] =	vst.idx.add.s32.msk vm12, v2  }
0x5fa: {  	v25 =	vshrl.u32 v18, $0x17;
	v8 =	vshrl.u32 v19, $0x17;
	v19 =	vshrl.u32 v19, $0xC;
	[tilespmem:v9+s14+$0x0] =	vst.idx.add.s32.msk vm13, v2  }
0x5fb: {  	v14 =	vshrl.u32 v31, $0xC;
	v9 =	vshrl.u32 v30, $0xC;
	v28 =	vand.u32 $0xFF, v8;
	[tilespmem:v12+s14+$0x0] =	vst.idx.add.s32.msk vm5, v2  }
0x5fc: {  	v30 =	vshrl.u32 v31, $0x17;
	v8 =	vshrl.u32 v29, $0xC;
	v12 =	vshrl.u32 v16, $0x17;
	[tilespmem:v21+s14+$0x0] =	vst.idx.add.s32.msk vm9, v2  }
0x5fd: {  	v18 =	vshrl.u32 v26, $0x17;
	v21 =	vshrl.u32 v29, $0x17;
	v16 =	vshrl.u32 v16, $0xC;
	[tilespmem:v22+s14+$0x0] =	vst.idx.add.s32.msk vm8, v2  }
0x5fe: {  	v26 =	vshrl.u32 v26, $0xC;
	v22 =	vand.u32 $0xFF, v18;
	v18 =	vand.u32 $0x7FF, v16;
	[tilespmem:v11+s14+$0x0] =	vst.idx.add.s32.msk vm6, v2  }
0x5ff: {  	v16 =	vand.u32 $0x7FF, v17;
	v11 =	vshrl.u32 v23, $0xC;
	vm4 =	veq.s32 v22, v7;
	[tilespmem:v20+s14+$0x0] =	vst.idx.add.s32.msk vm11, v2  }
0x600: {  	v29 =	vand.u32 $0x7FF, v19;
	v17 =	vshrl.u32 v24, $0x17;
	v22 =	vshrl.u32 v24, $0xC;
	[tilespmem:v13+s14+$0x0] =	vst.idx.add.s32.msk vm7, v2  }
0x601: {  	v19 =	vshrl.u32 v27, $0xC;
	v13 =	vshrl.u32 v27, $0x17;
	vm7 =	veq.s32 v28, v7;
	[tilespmem:v10+s14+$0x0] =	vst.idx.add.s32.msk vm3, v2  }
0x602: {  	v12 =	vand.u32 $0xFF, v12;
	v17 =	vand.u32 $0xFF, v17;
	v10 =	vand.u32 $0xFF, v13;
	v13 =	vld [tilespmem:s24+$0xFFFFFFC0]  }
0x603: {  	vm8 =	veq.s32 v12, v7;
	vm5 =	veq.s32 v10, v7;
	v10 =	vshrl.u32 v23, $0x17;
	[tilespmem:v15+s14+$0x0] =	vst.idx.add.s32.msk vm10, v2  }
.Ltmp67:
0x604: {  	v12 =	vand.u32 $0x7FF, v19;
	v24 =	vand.u32 $0xFF, v25;
	v15 =	vand.u32 $0xFF, v10;
	v20 =	vld [tilespmem:s24+$0x70];
	(pc) =	sbr.rel @p0 .LBB2_115-.Ltmp67, $4  }
0x605: {  	v19 =	vand.u32 $0xFF, v32;
	v10 =	vand.u32 $0x7FF, v22;
	vm6 =	veq.s32 v15, v7;
	v23 =	vld [tilespmem:s24+$0x50]  }
0x606: {  	v25 =	vand.u32 $0xFF, v30;
	vm3 =	veq.s32 v17, v7;
	v15 =	vand.u32 $0xFF, v21;
	v21 =	vld [tilespmem:s24+$0x60]  }
0x607: {  	vm9 =	veq.s32 v24, v7;
	v17 =	vand.u32 $0x7FF, v26;
	v27 =	vshrl.u32 v13, $0x17;
	v22 =	vld [tilespmem:s24+$0x40]  }
0x608: {  	vm10 =	veq.s32 v25, v7;
	s24 =	sadd.s32 $0x100, s24;
	v24 =	vand.u32 $0xFF, v27;
	[tilespmem:v29+s14+$0x0] =	vst.idx.add.s32.msk vm7, v2  }
0x609: {  	_ =	sdelay $0x3  }
0x60a: {  	v14 =	vand.u32 $0x7FF, v14  }
0x60b: {  	v56 =	vshrl.u32 v20, $0x17;
	v57 =	vshrl.u32 v20, $0xC;
	[tilespmem:v18+s14+$0x0] =	vst.idx.add.s32.msk vm8, v2;
	vm8 =	veq.s32 v19, v7  }
0x60c: {  	v9 =	vand.u32 $0x7FF, v9;
	v11 =	vand.u32 $0x7FF, v11;
	vm14 =	veq.s32 v15, v7  }
0x60d: {  	[tilespmem:v16+s14+$0x0] =	vst.idx.add.s32.msk vm9, v2;
	v8 =	vand.u32 $0x7FF, v8;
	v25 =	vshrl.u32 v23, $0x17;
	v55 =	vshrl.u32 v23, $0xC  }
0x60e: {  	[tilespmem:v17+s14+$0x0] =	vst.idx.add.s32.msk vm4, v2;
	v59 =	vand.u32 $0x7FF, v57;
	v25 =	vand.u32 $0xFF, v25;
	v23 =	vand.u32 $0x7FF, v55  }
0x60f: {  	[tilespmem:v12+s14+$0x0] =	vst.idx.add.s32.msk vm5, v2;
	v58 =	vshrl.u32 v21, $0x17;
	vm7 =	veq.s32 v25, v7;
	v25 =	vand.u32 $0xFF, v56  }
0x610: {  	[tilespmem:v10+s14+$0x0] =	vst.idx.add.s32.msk vm3, v2;
	v60 =	vshrl.u32 v22, $0x17;
	v18 =	vand.u32 $0xFF, v58;
	vm11 =	veq.s32 v25, v7  }
0x611: {  	v61 =	vshrl.u32 v21, $0xC;
	v16 =	vand.u32 $0xFF, v60;
	vm12 =	veq.s32 v18, v7;
	[tilespmem:v14+s14+$0x0] =	vst.idx.add.s32.msk vm10, v2  }
0x612: {  	v62 =	vshrl.u32 v22, $0xC;
	v63 =	vand.u32 $0x7FF, v61;
	vm13 =	veq.s32 v16, v7;
	[tilespmem:v11+s14+$0x0] =	vst.idx.add.s32.msk vm6, v2  }
0x613: {  	vm15 =	veq.s32 v24, v7;
	v14 =	vand.u32 $0x7FF, v62;
	v7 =	vshrl.u32 v13, $0xC;
	[tilespmem:v9+s14+$0x0] =	vst.idx.add.s32.msk vm8, v2  }
0x614: {  	v7 =	vand.u32 $0x7FF, v7;
	[tilespmem:v8+s14+$0x0] =	vst.idx.add.s32.msk vm14, v2  }
0x615: {  	[tilespmem:v23+s14+$0x0] =	vst.idx.add.s32.msk vm7, v2  }
0x616: {  	[tilespmem:v59+s14+$0x0] =	vst.idx.add.s32.msk vm11, v2  }
0x617: {  	[tilespmem:v63+s14+$0x0] =	vst.idx.add.s32.msk vm12, v2  }
0x618: {  	s23 =	ssub.s32 $0xCCD, s22;
	s26 =	simm.s32 $0x1F;
	s22 =	simm.s32 $0x0;
	[tilespmem:v14+s14+$0x0] =	vst.idx.add.s32.msk vm13, v2  }
0x619: {  	s25 =	simm.s32 $0x117F0;
	s24 =	simm.s32 $0x0;
	s0 =	simm.s32 $0x0;
	[tilespmem:v7+s14+$0x0] =	vst.idx.add.s32.msk vm15, v2  }
.LBB2_117:
0x61a: {  	v7 =	vld [tilespmem:s25+$0xFFFFFFD0]  }
0x61b: {  	v8 =	vld [tilespmem:s25+$0xFFFFFFE0]  }
0x61c: {  	v9 =	vld [tilespmem:s25+$0xFFFFFFF0]  }
0x61d: {  	v10 =	vld [tilespmem:s25+$0x0];
	_ =	sdelay $0x2  }
0x61e: {  	v7 =	vadd.s32 v7, v8  }
0x61f: {  	v7 =	vadd.s32 v9, v7  }
0x620: {  	v7 =	vadd.s32 v10, v7  }
0x621: {  	(xrf0) =	vadd.scan.msk.s32 $0xffff, v7;
	_ =	sdelay $0x5  }
0x622: {  	v7, _, _ =	vpop (xrf0)  }
0x623: {  	(v2sf) =	vpush v7, $0xF;
	_ =	sdelay $0xe  }
0x624: {  	s1 =	spop (v2sf)  }
0x625: {  	s1 =	sadd.s32 s22, s1  }
0x626: {  	p2 =	sne.s32 s26, $0x0;
	p0 =	sge.s32 s1, s23  }
0x627: {  	p0 =	por p0, !p2  }
.Ltmp68:
0x628: {  	_ = 	snop;
	(pc) =	sbr.rel @!p0 .LBB2_117-.Ltmp68, $4  }
0x629: {  	s4 =	smov.u32 s0  }
0x62a: {  	s5 =	smov.u32 s24;
	s0 =	smov.u32 s26;
	s24 =	smov.u32 s22  }
0x62b: {  	s26 =	sadd.s32 $0xFFFFFFFF, s26;
	s25 =	sadd.s32 $0xFFFFFFC0, s25;
	p1 =	slt.s32 s1, s23  }
0x62c: {  	s0 =	smov.u32 @p1 s4;
	s24 =	smov.u32 @p1 s5;
	s22 =	smov.u32 @p1 s1  }
0x62d: {  	s25 =	sshll.u32 s0, $0x2  }
0x62e: {  	p0 =	sgt.s32 s25, $0xFFFFFFFF  }
.Ltmp69:
0x62f: {  	_ = 	snop;
	(pc) =	sbr.rel @!p0 .LBB2_119-.Ltmp69, $2  }
0x630: {  	_ =	sdelay $0x2  }
0x631: {  	s22 =	ssub.s32 s23, s24  }
0x632: {  	s1 =	sshll.u32 s0, $0x8  }
0x633: {  	s28 =	ssub.s32 $0xFFFFFFFD, s25;
	s26 =	sshll.u32 s0, $0x6;
	s29 =	simm.s32 $0x0  }
0x634: {  	s30 =	simm.s32 $0x0;
	s0 =	simm.s32 $0x0;
	s1 =	sshra.s32 s1, $0x2  }
0x635: {  	v7 =	vmov s22;
	s31 =	simm.s32 $0x0;
	s25 =	sadd.s32 $0x8000003F, s26;
	s26 =	sadd.s32 $0x11030, s1  }
.LBB2_123:
0x636: {  	v8 =	vld [tilespmem:s26+$0x0];
	_ =	sdelay $0x4  }
0x637: {  	v8 =	vperm.xlane v8, v3;
	_ =	sdelay $0x1  }
0x638: {  	(xrf0) =	vadd.scan.msk.s32 $0xffff, v8;
	_ =	sdelay $0x5  }
0x639: {  	v9, _, _ =	vpop (xrf0)  }
0x63a: {  	v10 =	vadd.s32 s30, v9  }
0x63b: {  	v9 =	vxor.u32 $0x80000000, v9;
	vm3 =	vlt.s32 v10, v7  }
0x63c: {  	(xrf0) =	vmax.scan.msk.u32 $0xffff, v9;
	v59 =	vsel vm3, $0x80000010, v4  }
0x63d: {  	(xrf0) =	vmin.scan.msk.u32 $0xffff, v59;
	_ =	sdelay $0x4  }
0x63e: {  	v60, _, _ =	vpop (xrf0)  }
0x63f: {  	(v2sf) =	vpush v60, $0xF;
	v61, _, _ =	vpop (xrf0)  }
0x640: {  	(v2sf) =	vpush v61, $0xF;
	_ =	sdelay $0xd  }
0x641: {  	s1 =	spop (v2sf)  }
0x642: {  	s4 =	spop (v2sf)  }
0x643: {  	s5 =	sxor.u32 $0x80000000, s4  }
0x644: {  	v62 =	vmov s5  }
0x645: {  	vm3 =	vgt.s32 v62, v0  }
0x646: {  	v63 =	vnsel vm3, $0x0, v8;
	vm3 =	veq.s32 v62, v0  }
0x647: {  	(xrf0) =	vadd.scan.msk.s32 $0xffff, v63;
	v8 =	vnsel vm3, $0x0, v8  }
0x648: {  	(xrf0) =	vadd.scan.msk.s32 $0xffff, v8;
	_ =	sdelay $0x4  }
0x649: {  	v8, _, _ =	vpop (xrf0)  }
0x64a: {  	(v2sf) =	vpush v8, $0xF;
	v8, _, _ =	vpop (xrf0)  }
0x64b: {  	(v2sf) =	vpush v8, $0xF;
	_ =	sdelay $0x6  }
0x64c: {  	s1 =	sadd.s32 s1, s30  }
0x64d: {  	s1 =	sadd.s32 $0x80000000, s1  }
0x64e: {  	p0 =	sge.s32 s1, s22  }
0x64f: {  	p1 =	sne.s32 @!p0 s28, $0x0  }
0x650: {  	s6 =	smov.u32 s31;
	p0 =	por p0, !p1  }
.Ltmp70:
0x651: {  	s11 =	smov.u32 s0;
	s17 =	smov.u32 s29;
	(pc) =	sbr.rel @!p0 .LBB2_123-.Ltmp70, $4  }
0x652: {  	s26 =	sadd.s32 $0xFFFFFFF0, s26;
	s31 =	ssub.s32 s25, s4;
	s25 =	sadd.s32 $0xFFFFFFF0, s25  }
0x653: {  	s28 =	sadd.s32 $0x1, s28;
	p1 =	slt.s32 s1, s22;
	s5 =	spop (v2sf)  }
0x654: {  	s31 =	smov.u32 @p1 s6;
	s29 =	spop (v2sf);
	s0 =	sadd.s32 s30, s5  }
0x655: {  	s30 =	smov.u32 @p1 s1;
	s0 =	smov.u32 @p1 s11;
	s29 =	smov.u32 @p1 s17  }
0x656: {  	s0 =	sadd.s32 s0, s24  }
0x657: {  	p0 =	sne.s32 s29, $0x1;
	s22 =	ssub.s32 s23, s0  }
0x658: {  	p1 =	seq.s32 @!p0 s22, $0x1  }
0x659: {  	p1 =	por p0, !p1  }
.Ltmp71:
0x65a: {  	_ = 	snop;
	(pc) =	sbr.rel @p1 .LBB2_126-.Ltmp71, $3  }
0x65b: {  	_ =	sdelay $0x1  }
0x65c: {  	s30 =	sshll.u32 s21, $0xB  }
0x65d: {  	s21 =	sor.u32 s30, s31  }
.Ltmp72:
0x65e: {  	(pc) =	sbr.rel .LBB2_132-.Ltmp72, $2  }
0x65f: {  	_ =	sdelay $0x2  }
0x660: {  	s0 =	simm.s32 $0xFFF;
	p0 =	por $0x0, $0x0  }
.LBB2_119:
.Ltmp73:
0x661: {  	(pc) =	sbr.rel .LBB2_127-.Ltmp73, $2  }
0x662: {  	_ =	sdelay $0x2  }
0x663: {  	s21 =	sshll.u32 s21, $0xB  }
.LBB2_126:
0x664: {  	s21 =	smov.u32 @p0 s21;
	s22 =	smov.u32 @p0 s22  }
.LBB2_127:
0x665: {  	s0 =	simm.s32 $0x8040  }
0x666: {  	v9 =	vld [tilespmem:s0+$0x30]  }
0x667: {  	v8 =	vld [tilespmem:s0+$0xFFFFFFD0]  }
0x668: {  	v10 =	vld [tilespmem:s0+$0xFFFFFFE0]  }
0x669: {  	v12 =	vld [tilespmem:s0+$0xFFFFFFF0]  }
0x66a: {  	v14 =	vld [tilespmem:s0+$0x0]  }
0x66b: {  	v15 =	vld [tilespmem:s0+$0x10]  }
0x66c: {  	v17 =	vld [tilespmem:s0+$0xFFFFFFC0]  }
0x66d: {  	v7 =	vmov s21;
	v11 =	vshrl.u32 v9, $0xC  }
0x66e: {  	v13 =	vshrl.u32 v8, $0xC;
	v16 =	vand.u32 $0xFFF, v8;
	v18 =	vshrl.u32 v10, $0xC  }
0x66f: {  	v8 =	vld [tilespmem:s0+$0x20];
	v59 =	vshrl.u32 v12, $0xC;
	v9 =	vand.u32 $0xFFF, v9;
	v11 =	vand.u32 $0x7FFFF, v11  }
0x670: {  	v60 =	vshrl.u32 v14, $0xC;
	v13 =	vand.u32 $0x7FFFF, v13;
	vm7 =	veq.s32 v11, v7  }
0x671: {  	v61 =	vshrl.u32 v15, $0xC;
	v19 =	vshrl.u32 v17, $0xC;
	vm10 =	veq.s32 v13, v7  }
0x672: {  	v12 =	vand.u32 $0xFFF, v12;
	v63 =	vand.u32 $0x7FFFF, v19;
	v11 =	vand.u32 $0x7FFFF, v18  }
0x673: {  	v13 =	vand.u32 $0x7FFFF, v59;
	vm8 =	veq.s32 v63, v7;
	vm3 =	veq.s32 v11, v7  }
0x674: {  	v11 =	vand.u32 $0x7FFFF, v60;
	vm4 =	veq.s32 v13, v7;
	v62 =	vshrl.u32 v8, $0xC  }
0x675: {  	v13 =	vand.u32 $0x7FFFF, v61;
	vm5 =	veq.s32 v11, v7;
	v11 =	vand.u32 $0x7FFFF, v62  }
0x676: {  	vm6 =	veq.s32 v13, v7;
	v13 =	vand.u32 $0xFFF, v17;
	vm9 =	veq.s32 v11, v7;
	[tilespmem:v9+s15+$0x0] =	vst.idx.add.s32.msk vm7, v2  }
0x677: {  	s23 =	simm.s32 $0x0;
	s24 =	simm.s32 $0x80C0;
	v11 =	vand.u32 $0xFFF, v10;
	v10 =	vand.u32 $0xFFF, v14;
	[tilespmem:v16+s15+$0x0] =	vst.idx.add.s32.msk vm10, v2;
	v9 =	vand.u32 $0xFFF, v15  }
.LBB2_128:
0x678: {  	v14 =	vld [tilespmem:s24+$0x30];
	s23 =	sadd.s32 $0x8, s23;
	v15 =	vand.u32 $0xFFF, v8;
	vm7 =	vmmov vm9  }
0x679: {  	v8 =	vld [tilespmem:s24+$0xFFFFFFD0];
	p0 =	slt.u32 s23, $0x7F8  }
0x67a: {  	v16 =	vld [tilespmem:s24+$0xFFFFFFE0]  }
0x67b: {  	v17 =	vld [tilespmem:s24+$0xFFFFFFF0]  }
0x67c: {  	v18 =	vld [tilespmem:s24+$0x0]  }
0x67d: {  	v19 =	vld [tilespmem:s24+$0x10];
	v20 =	vshrl.u32 v14, $0xC  }
0x67e: {  	v21 =	vshrl.u32 v8, $0xC;
	v22 =	vand.u32 $0xFFF, v8;
	v8 =	vld [tilespmem:s24+$0x20];
	v20 =	vand.u32 $0x7FFFF, v20  }
0x67f: {  	v23 =	vld [tilespmem:s24+$0xFFFFFFC0];
	v21 =	vand.u32 $0x7FFFF, v21;
	v24 =	vshrl.u32 v16, $0xC;
	vm10 =	veq.s32 v20, v7  }
0x680: {  	v14 =	vand.u32 $0xFFF, v14;
	v20 =	vand.u32 $0x7FFFF, v24;
	v24 =	vshrl.u32 v17, $0xC;
	[tilespmem:v13+s15+$0x0] =	vst.idx.add.s32.msk vm8, v2  }
0x681: {  	vm11 =	veq.s32 v21, v7;
	v13 =	vand.u32 $0x7FFFF, v24;
	v21 =	vshrl.u32 v18, $0xC;
	[tilespmem:v11+s15+$0x0] =	vst.idx.add.s32.msk vm3, v2  }
0x682: {  	vm3 =	veq.s32 v20, v7;
	v11 =	vand.u32 $0x7FFFF, v21;
	v20 =	vshrl.u32 v19, $0xC;
	[tilespmem:v12+s15+$0x0] =	vst.idx.add.s32.msk vm4, v2  }
.Ltmp74:
0x683: {  	vm4 =	veq.s32 v13, v7;
	v12 =	vand.u32 $0x7FFFF, v20;
	v13 =	vshrl.u32 v8, $0xC;
	[tilespmem:v10+s15+$0x0] =	vst.idx.add.s32.msk vm5, v2;
	(pc) =	sbr.rel @p0 .LBB2_128-.Ltmp74, $4  }
0x684: {  	vm5 =	veq.s32 v11, v7;
	v10 =	vshrl.u32 v23, $0xC;
	v11 =	vand.u32 $0x7FFFF, v13;
	[tilespmem:v9+s15+$0x0] =	vst.idx.add.s32.msk vm6, v2  }
0x685: {  	vm6 =	veq.s32 v12, v7;
	v9 =	vand.u32 $0x7FFFF, v10;
	vm9 =	veq.s32 v11, v7;
	[tilespmem:v14+s15+$0x0] =	vst.idx.add.s32.msk vm10, v2  }
0x686: {  	v13 =	vand.u32 $0xFFF, v23;
	v11 =	vand.u32 $0xFFF, v16;
	vm8 =	veq.s32 v9, v7;
	[tilespmem:v15+s15+$0x0] =	vst.idx.add.s32.msk vm7, v2  }
0x687: {  	s24 =	sadd.s32 $0x80, s24;
	v12 =	vand.u32 $0xFFF, v17;
	v10 =	vand.u32 $0xFFF, v18;
	v9 =	vand.u32 $0xFFF, v19;
	[tilespmem:v22+s15+$0x0] =	vst.idx.add.s32.msk vm11, v2  }
0x688: {  	_ =	sdelay $0x4  }
0x689: {  	v7 =	vand.u32 $0xFFF, v8;
	[tilespmem:v13+s15+$0x0] =	vst.idx.add.s32.msk vm8, v2  }
0x68a: {  	[tilespmem:v11+s15+$0x0] =	vst.idx.add.s32.msk vm3, v2  }
0x68b: {  	[tilespmem:v12+s15+$0x0] =	vst.idx.add.s32.msk vm4, v2  }
0x68c: {  	[tilespmem:v10+s15+$0x0] =	vst.idx.add.s32.msk vm5, v2  }
0x68d: {  	[tilespmem:v9+s15+$0x0] =	vst.idx.add.s32.msk vm6, v2;
	s0 =	simm.s32 $0x0  }
0x68e: {  	vm7 =	vmmov vm9;
	s25 =	simm.s32 $0x1000;
	s23 =	simm.s32 $0x127F0;
	s24 =	simm.s32 $0x0;
	[tilespmem:v7+s15+$0x0] =	vst.idx.add.s32.msk vm9, v2;
	v7 =	vmov s22  }
.LBB2_130:
0x68f: {  	v8 =	vld [tilespmem:s23+$0x0];
	_ =	sdelay $0x4  }
0x690: {  	v8 =	vperm.xlane v8, v3;
	_ =	sdelay $0x1  }
0x691: {  	(xrf0) =	vadd.scan.msk.s32 $0xffff, v8;
	_ =	sdelay $0x5  }
0x692: {  	v8, _, _ =	vpop (xrf0)  }
0x693: {  	v9 =	vxor.u32 $0x80000000, v8  }
0x694: {  	(xrf0) =	vmax.scan.msk.u32 $0xffff, v9  }
0x695: {  	v8 =	vadd.s32 s24, v8  }
0x696: {  	vm3 =	vlt.s32 v8, v7  }
0x697: {  	v8 =	vsel vm3, $0x80000010, v4;
	_ =	sdelay $0x2  }
0x698: {  	(xrf0) =	vmin.scan.msk.u32 $0xffff, v8;
	v8, _, _ =	vpop (xrf0)  }
0x699: {  	(v2sf) =	vpush v8, $0xF;
	_ =	sdelay $0x5  }
0x69a: {  	v8, _, _ =	vpop (xrf0)  }
0x69b: {  	(v2sf) =	vpush v8, $0xF;
	_ =	sdelay $0x7  }
0x69c: {  	s1 =	spop (v2sf)  }
0x69d: {  	s1 =	sadd.s32 s1, s24  }
0x69e: {  	s1 =	sadd.s32 $0x80000000, s1  }
0x69f: {  	p1 =	sge.s32 s1, s22  }
0x6a0: {  	p2 =	sne.s32 @!p1 s25, $0x10  }
0x6a1: {  	p2 =	por p1, !p2  }
.Ltmp75:
0x6a2: {  	_ = 	snop;
	(pc) =	sbr.rel @!p2 .LBB2_130-.Ltmp75, $4  }
0x6a3: {  	s4 =	spop (v2sf)  }
0x6a4: {  	s5 =	smov.u32 s0;
	s31 =	sxor.u32 $0x7FFFFFFF, s4  }
0x6a5: {  	s23 =	sadd.s32 $0xFFFFFFF0, s23;
	p0 =	slt.s32 s1, s22;
	s0 =	sadd.s32 s31, s25  }
0x6a6: {  	s25 =	sadd.s32 $0xFFFFFFF0, s25;
	s24 =	smov.u32 @p0 s1;
	s0 =	smov.u32 @p0 s5  }
0x6a7: {  	p0 =	por $0x1, $0x1  }
0x6a8: {  	s21 =	smov.u32 @p1 s21;
	s0 =	smov.u32 @p1 s0;
	p0 =	por @!p1 p0, p0  }
.LBB2_132:
0x6a9: {  	s22 =	simm.s32 $0x8080  }
0x6aa: {  	v8 =	vld [tilespmem:s22+$0xFFFFFF80];
	_ =	sdelay $0x1  }
0x6ab: {  	v9 =	vld [tilespmem:s22+$0xFFFFFF90]  }
0x6ac: {  	s1 =	sshll.u32 s21, $0xC  }
0x6ad: {  	s0 =	sor.u32 s1, s0;
	v10 =	vld [tilespmem:s22+$0xFFFFFFA0]  }
0x6ae: {  	v7 =	vmov s0;
	v8 =	vand.u32 $0x7FFFFFFF, v8  }
0x6af: {  	v11 =	vld [tilespmem:s22+$0xFFFFFFB0];
	vm3 =	vgt.s32 v8, v7  }
0x6b0: {  	v12 =	vimm.f32 $0.0e+00;
	v9 =	vand.u32 $0x7FFFFFFF, v9;
	v8 =	vnsel vm3, $0x0, v8  }
0x6b1: {  	v61 =	vld [tilespmem:s22+$0xFFFFFFC0];
	vm3 =	vgt.s32 v9, v7;
	v8 =	vadd.f32 v8, v12  }
0x6b2: {  	v10 =	vand.u32 $0x7FFFFFFF, v10;
	v9 =	vnsel vm3, $0x0, v9  }
0x6b3: {  	vm3 =	vgt.s32 v10, v7;
	v8 =	vadd.f32 v9, v8;
	v9 =	vld [tilespmem:s22+$0xFFFFFFD0]  }
0x6b4: {  	v11 =	vand.u32 $0x7FFFFFFF, v11;
	v10 =	vnsel vm3, $0x0, v10  }
0x6b5: {  	vm3 =	vgt.s32 v11, v7;
	v8 =	vadd.f32 v10, v8;
	v10 =	vld [tilespmem:s22+$0xFFFFFFE0]  }
0x6b6: {  	v12 =	vand.u32 $0x7FFFFFFF, v61;
	v11 =	vnsel vm3, $0x0, v11  }
0x6b7: {  	vm3 =	vgt.s32 v12, v7;
	v8 =	vadd.f32 v11, v8;
	v11 =	vld [tilespmem:s22+$0xFFFFFFF0]  }
0x6b8: {  	v12 =	vnsel vm3, $0x0, v12;
	v9 =	vand.u32 $0x7FFFFFFF, v9  }
0x6b9: {  	v62 =	vld [tilespmem:s22+$0x0];
	v8 =	vadd.f32 v12, v8;
	vm3 =	vgt.s32 v9, v7  }
0x6ba: {  	v9 =	vnsel vm3, $0x0, v9;
	v10 =	vand.u32 $0x7FFFFFFF, v10  }
0x6bb: {  	v8 =	vadd.f32 v9, v8;
	vm3 =	vgt.s32 v10, v7;
	v9 =	vld [tilespmem:s22+$0x10]  }
0x6bc: {  	v10 =	vnsel vm3, $0x0, v10;
	v11 =	vand.u32 $0x7FFFFFFF, v11  }
0x6bd: {  	v8 =	vadd.f32 v10, v8;
	vm3 =	vgt.s32 v11, v7;
	v10 =	vld [tilespmem:s22+$0x20]  }
0x6be: {  	v12 =	vand.u32 $0x7FFFFFFF, v62;
	v11 =	vnsel vm3, $0x0, v11  }
0x6bf: {  	vm3 =	vgt.s32 v12, v7;
	v8 =	vadd.f32 v11, v8;
	v11 =	vld [tilespmem:s22+$0x30]  }
0x6c0: {  	v12 =	vnsel vm3, $0x0, v12;
	v9 =	vand.u32 $0x7FFFFFFF, v9  }
0x6c1: {  	v13 =	vld [tilespmem:s22+$0x40];
	v8 =	vadd.f32 v12, v8;
	vm3 =	vgt.s32 v9, v7  }
0x6c2: {  	v9 =	vnsel vm3, $0x0, v9;
	v10 =	vand.u32 $0x7FFFFFFF, v10  }
0x6c3: {  	v6 =	vbroadcast v6, $0xF;
	v63 =	vld [tilespmem:s22+$0x50];
	v8 =	vadd.f32 v9, v8;
	vm3 =	vgt.s32 v10, v7  }
0x6c4: {  	v9 =	vnsel vm3, $0x0, v10;
	v10 =	vand.u32 $0x7FFFFFFF, v11  }
0x6c5: {  	v5 =	vsel vm1, v6, v5;
	v6 =	vld [tilespmem:s22+$0x60];
	v8 =	vadd.f32 v9, v8;
	vm3 =	vgt.s32 v10, v7  }
0x6c6: {  	v11 =	vand.u32 $0x7FFFFFFF, v13;
	v9 =	vnsel vm3, $0x0, v10  }
0x6c7: {  	vm3 =	vgt.s32 v11, v7;
	v9 =	vadd.f32 v9, v8;
	v8 =	vld [tilespmem:s22+$0x70]  }
0x6c8: {  	s21 =	simm.s32 $0x0;
	v10 =	vand.u32 $0x7FFFFFFF, v63;
	v11 =	vnsel vm3, $0x0, v11;
	s22 =	simm.s32 $0x8180  }
.LBB2_133:
0x6c9: {  	v12 =	vld [tilespmem:s22+$0xFFFFFF80];
	s21 =	sadd.s32 $0x10, s21;
	v9 =	vadd.f32 v11, v9;
	vm3 =	vgt.s32 v10, v7  }
0x6ca: {  	p1 =	slt.u32 s21, $0x7F0;
	v10 =	vnsel vm3, $0x0, v10;
	v6 =	vand.u32 $0x7FFFFFFF, v6  }
0x6cb: {  	v11 =	vld [tilespmem:s22+$0xFFFFFF90];
	v9 =	vadd.f32 v10, v9;
	vm3 =	vgt.s32 v6, v7  }
0x6cc: {  	v6 =	vnsel vm3, $0x0, v6;
	v8 =	vand.u32 $0x7FFFFFFF, v8  }
0x6cd: {  	v10 =	vld [tilespmem:s22+$0xFFFFFFA0];
	v6 =	vadd.f32 v6, v9;
	vm3 =	vgt.s32 v8, v7  }
0x6ce: {  	v9 =	vand.u32 $0x7FFFFFFF, v12;
	v8 =	vnsel vm3, $0x0, v8  }
0x6cf: {  	vm3 =	vgt.s32 v9, v7;
	v12 =	vld [tilespmem:s22+$0xFFFFFFB0];
	v6 =	vadd.f32 v8, v6  }
0x6d0: {  	v8 =	vnsel vm3, $0x0, v9;
	v9 =	vand.u32 $0x7FFFFFFF, v11  }
0x6d1: {  	v6 =	vadd.f32 v8, v6;
	vm3 =	vgt.s32 v9, v7;
	v8 =	vld [tilespmem:s22+$0xFFFFFFC0]  }
0x6d2: {  	v9 =	vnsel vm3, $0x0, v9;
	v10 =	vand.u32 $0x7FFFFFFF, v10  }
0x6d3: {  	v6 =	vadd.f32 v9, v6;
	vm3 =	vgt.s32 v10, v7;
	v9 =	vld [tilespmem:s22+$0xFFFFFFD0]  }
0x6d4: {  	v10 =	vnsel vm3, $0x0, v10;
	v11 =	vand.u32 $0x7FFFFFFF, v12  }
0x6d5: {  	v6 =	vadd.f32 v10, v6;
	vm3 =	vgt.s32 v11, v7;
	v10 =	vld [tilespmem:s22+$0xFFFFFFE0]  }
0x6d6: {  	v11 =	vnsel vm3, $0x0, v11;
	v8 =	vand.u32 $0x7FFFFFFF, v8  }
0x6d7: {  	v6 =	vadd.f32 v11, v6;
	vm3 =	vgt.s32 v8, v7;
	v11 =	vld [tilespmem:s22+$0xFFFFFFF0]  }
0x6d8: {  	v8 =	vnsel vm3, $0x0, v8;
	v9 =	vand.u32 $0x7FFFFFFF, v9  }
0x6d9: {  	v6 =	vadd.f32 v8, v6;
	vm3 =	vgt.s32 v9, v7;
	v8 =	vld [tilespmem:s22+$0x0]  }
0x6da: {  	v9 =	vnsel vm3, $0x0, v9;
	v10 =	vand.u32 $0x7FFFFFFF, v10  }
0x6db: {  	v6 =	vadd.f32 v9, v6;
	vm3 =	vgt.s32 v10, v7;
	v9 =	vld [tilespmem:s22+$0x10]  }
0x6dc: {  	v10 =	vnsel vm3, $0x0, v10;
	v11 =	vand.u32 $0x7FFFFFFF, v11  }
0x6dd: {  	v6 =	vadd.f32 v10, v6;
	vm3 =	vgt.s32 v11, v7;
	v10 =	vld [tilespmem:s22+$0x20]  }
0x6de: {  	v11 =	vnsel vm3, $0x0, v11;
	v8 =	vand.u32 $0x7FFFFFFF, v8  }
0x6df: {  	v6 =	vadd.f32 v11, v6;
	vm3 =	vgt.s32 v8, v7;
	v11 =	vld [tilespmem:s22+$0x30]  }
0x6e0: {  	v8 =	vnsel vm3, $0x0, v8;
	v9 =	vand.u32 $0x7FFFFFFF, v9  }
0x6e1: {  	v6 =	vadd.f32 v8, v6;
	vm3 =	vgt.s32 v9, v7;
	v8 =	vld [tilespmem:s22+$0x40]  }
0x6e2: {  	v9 =	vnsel vm3, $0x0, v9;
	v10 =	vand.u32 $0x7FFFFFFF, v10  }
0x6e3: {  	v6 =	vadd.f32 v9, v6;
	vm3 =	vgt.s32 v10, v7;
	v12 =	vld [tilespmem:s22+$0x50]  }
.Ltmp76:
0x6e4: {  	v9 =	vnsel vm3, $0x0, v10;
	v10 =	vand.u32 $0x7FFFFFFF, v11;
	(pc) =	sbr.rel @p1 .LBB2_133-.Ltmp76, $4  }
0x6e5: {  	v9 =	vadd.f32 v9, v6;
	vm3 =	vgt.s32 v10, v7;
	v6 =	vld [tilespmem:s22+$0x60]  }
0x6e6: {  	v10 =	vnsel vm3, $0x0, v10;
	v11 =	vand.u32 $0x7FFFFFFF, v8  }
0x6e7: {  	v9 =	vadd.f32 v10, v9;
	vm3 =	vgt.s32 v11, v7;
	v8 =	vld [tilespmem:s22+$0x70]  }
0x6e8: {  	s22 =	sadd.s32 $0x100, s22;
	v11 =	vnsel vm3, $0x0, v11;
	v10 =	vand.u32 $0x7FFFFFFF, v12  }
0x6e9: {  	v9 =	vadd.f32 v11, v9;
	vm3 =	vgt.s32 v10, v7  }
0x6ea: {  	v10 =	vnsel vm3, $0x0, v10;
	v6 =	vand.u32 $0x7FFFFFFF, v6  }
0x6eb: {  	v9 =	vadd.f32 v10, v9;
	vm3 =	vgt.s32 v6, v7  }
0x6ec: {  	v6 =	vnsel vm3, $0x0, v6;
	v8 =	vand.u32 $0x7FFFFFFF, v8  }
0x6ed: {  	v6 =	vadd.f32 v6, v9;
	vm3 =	vgt.s32 v8, v7  }
0x6ee: {  	v7 =	vnsel vm3, $0x0, v8  }
0x6ef: {  	v6 =	vadd.f32 v7, v6;
	_ =	sdelay $0x1  }
0x6f0: {  	(xrf2) =	vadd.scan.msk.f32 $0xffff, v6;
	_ =	sdelay $0x2  }
0x6f1: {  	s0 =	sadd.s32 $0x1, s20  }
0x6f2: {  	s21 =	sand.u32 $0x3FC, s0  }
0x6f3: {  	p1 =	seq.s32 s21, $0x0  }
.Ltmp77:
0x6f4: {  	_ = 	snop;
	(pc) =	sbr.rel @p1 .LBB2_138-.Ltmp77, $2  }
0x6f5: {  	_ =	sdelay $0x2  }
0x6f6: {  	v6, _, _ =	vpop (xrf2)  }
0x6f7: {  	p1 =	sgt.u32 s21, $0x4  }
.Ltmp78:
0x6f8: {  	_ = 	snop;
	(pc) =	sbr.rel @!p1 .LBB2_137-.Ltmp78, $4  }
0x6f9: {  	s22 =	simm.s32 $0x10020  }
0x6fa: {  	[tilespmem:s22+$0xFFFFFFE0] =	vst v1  }
0x6fb: {  	[tilespmem:s22+$0x10] =	vst v1  }
0x6fc: {  	s23 =	simm.s32 $0x4;
	[tilespmem:s22+$0x0] =	vst v1  }
.LBB2_136:
0x6fd: {  	s23 =	sadd.s32 $0x4, s23  }
0x6fe: {  	[tilespmem:s22+$0xFFFFFFF0] =	vst v1;
	s22 =	sadd.s32 $0x40, s22;
	p1 =	slt.u32 s23, s21  }
.Ltmp79:
0x6ff: {  	[tilespmem:s22+$0xFFFFFFE0] =	vst v1;
	(pc) =	sbr.rel @p1 .LBB2_136-.Ltmp79, $3  }
0x700: {  	_ =	sdelay $0x1  }
0x701: {  	[tilespmem:s22+$0x10] =	vst v1  }
0x702: {  	[tilespmem:s22+$0x0] =	vst v1  }
.LBB2_137:
0x703: {  	[tilespmem:s22+$0xFFFFFFF0] =	vst v1  }
.LBB2_138:
0x704: {  	p1 =	sle.u32 s21, s20  }
.Ltmp80:
0x705: {  	_ = 	snop;
	(pc) =	sbr.rel @!p1 .LBB2_139-.Ltmp80, $1  }
0x706: {  	_ =	sdelay $0x3  }
0x707: {  	s0 =	sshll.u32 s0, $0x4  }
0x708: {  	s1 =	ssub.s32 s20, s21;
	s4 =	sand.u32 $0x3FC0, s0  }
0x709: {  	s0 =	sadd.s32 $0x1, s1;
	s20 =	sor.u32 $0x10000, s4  }
.LBB2_148:
0x70a: {  	p1 =	seq.s32 s0, $0x1  }
.Ltmp81:
0x70b: {  	_ = 	snop;
	(pc) =	sbr.rel @!p1 .LBB2_148-.Ltmp81, $2  }
0x70c: {  	_ =	sdelay $0x2  }
0x70d: {  	[tilespmem:s20+$0x0] =	vst v1;
	s20 =	sadd.s32 $0x10, s20;
	s0 =	sadd.s32 $0xFFFFFFFF, s0  }
.LBB2_139:
0x70e: {  	s0 =	simm.s32 $0x11020  }
0x70f: {  	[tilespmem:s0+$0xFFFFFFE0] =	vst v1  }
0x710: {  	[tilespmem:s0+$0x10] =	vst v1  }
0x711: {  	s20 =	simm.s32 $0x0;
	[tilespmem:s0+$0x0] =	vst v1  }
.LBB2_140:
0x712: {  	s20 =	sadd.s32 $0x4, s20  }
0x713: {  	[tilespmem:s0+$0xFFFFFFF0] =	vst v1;
	s0 =	sadd.s32 $0x40, s0;
	p1 =	slt.u32 s20, $0x7C  }
.Ltmp82:
0x714: {  	[tilespmem:s0+$0xFFFFFFE0] =	vst v1;
	(pc) =	sbr.rel @p1 .LBB2_140-.Ltmp82, $3  }
0x715: {  	_ =	sdelay $0x1  }
0x716: {  	[tilespmem:s0+$0x10] =	vst v1  }
0x717: {  	[tilespmem:s0+$0x0] =	vst v1  }
.Ltmp83:
0x718: {  	(pc) =	sbr.rel @!p0 .LBB2_145-.Ltmp83, $2  }
0x719: {  	_ =	sdelay $0x2  }
0x71a: {  	[tilespmem:s0+$0xFFFFFFF0] =	vst v1  }
0x71b: {  	s0 =	simm.s32 $0x11820  }
0x71c: {  	[tilespmem:s0+$0xFFFFFFE0] =	vst v1  }
0x71d: {  	[tilespmem:s0+$0x10] =	vst v1  }
0x71e: {  	s20 =	simm.s32 $0x0;
	[tilespmem:s0+$0x0] =	vst v1  }
.LBB2_143:
0x71f: {  	s20 =	sadd.s32 $0x4, s20  }
0x720: {  	[tilespmem:s0+$0xFFFFFFF0] =	vst v1;
	s0 =	sadd.s32 $0x40, s0;
	p0 =	slt.u32 s20, $0xFC  }
.Ltmp84:
0x721: {  	[tilespmem:s0+$0xFFFFFFE0] =	vst v1;
	(pc) =	sbr.rel @p0 .LBB2_143-.Ltmp84, $3  }
0x722: {  	_ =	sdelay $0x1  }
0x723: {  	[tilespmem:s0+$0x10] =	vst v1  }
0x724: {  	[tilespmem:s0+$0x0] =	vst v1  }
.Ltmp85:
0x725: {  	_ = 	snop;
	(pc) =	sbr.rel .LBB2_144-.Ltmp85, $1  }
0x726: {  	_ =	sdelay $0x3  }
.LBB2_146:
0x727: {  	_ =	sfence.sel $0x180000  }
0x728: {  	[bflag:$0x0] =	sbarrier.arrive $0xFFFF  }
0x729: {  	_ =	strace $0x90000047  }
0x72a: {  	s0 =	stileid.u32;
	[bflag:$0x2] =	sbarrier.arrive $0xFFFF  }
0x72b: {  	p0 =	sne.s32 s0, $0x0;
	s0 =	rddreg [dreg:$0x2]  }
0x72c: {  	s0 =	sadd.s32 @!p0 $0x100000, s0  }
0x72d: {  	[sflag:s0] =	ssyncadd.tile.s32 @!p0 $0x1;
	_ =	shalt  }
.Lfunc_end2:
_tile_overlayer_lowered:
.L_overlay_start_2:
0x72e: {  	(tag) =	ssettag $0x2  }
0x72f: {  	s0 =	rddreg [dreg:$0x0];
	s2 =	stileid.u32  }
0x730: {  	s1 =	rddreg [dreg:$0x1];
	p0 =	sne.s32 s2, $0x0  }
0x731: {  	s3 =	rddreg [dreg:$0x2];
	[bflag:$0x3] =	sbarrier.arrive $0xFFFF;
	s2 =	simm.s32 @!p0 $0x1C03  }
0x732: {  	[timem:s3], [sflag:s2] =	dma.local @!p0 [hbm:s0], s1  }
0x733: {  	s0 =	simm.s32 @!p0 $0x3  }
0x734: {  	_ =	swait.ge @!p0 [sflag:s0], s1  }
0x735: {  	s1 =	ssub.s32 @!p0 $0x0, s1;
	[sflag:s0] =	ssyncset.done @!p0 $0x0  }
0x736: {  	[sflag:s0] =	ssyncadd.s32 @!p0 s1  }
0x737: {  	[bflag:$0x3] =	sbarrier.arrive $0xFFFF  }
0x738: {  	_ =	shalt  }

</sc_bundles>
